<compile_context>
chip_gen: v7x
topology: tpu7x:2x2x1
jax: 0.10.2.dev20260603
libtpu: 0.0.44.dev20260713+nightly
codegen_flags: <defaults>
</compile_context>

<pallas_src>
import functools

import jax
import jax.numpy as jnp
from jax import lax
from jax.experimental import pallas as pl
from jax.experimental.pallas import tpu as pltpu
from jax.experimental.pallas import tpu_sc as plsc

D_MODEL = 128
SEQ = 200
BATCH = 4096
G = 128
NUM_WORKERS = 32
LANES = 16
PE_ROWS = 16
NB = 5
K = 3
TBL_PAD = 1024


def _build_kernel(n_tokens):
    per_w = n_tokens // NUM_WORKERS
    nchunks = per_w // G
    assert nchunks % NB == 0 and nchunks >= 2 * NB

    mesh = plsc.VectorSubcoreMesh(core_axis_name="c", subcore_axis_name="s")

    @functools.partial(
        pl.kernel,
        out_type=jax.ShapeDtypeStruct((n_tokens, D_MODEL), jnp.float32),
        mesh=mesh,
        scratch_types=[
            pltpu.VMEM((per_w,), jnp.int32),
            pltpu.VMEM((PE_ROWS, D_MODEL), jnp.float32),
            pltpu.VMEM_SHARED((TBL_PAD, D_MODEL), jnp.float32),
        ]
        + [pltpu.VMEM((G, D_MODEL), jnp.float32)] * NB
        + [pltpu.VMEM((G,), jnp.int32)] * NB
        + [pltpu.SemaphoreType.DMA] * (2 * NB),
    )
    def embed(tok_hbm, table_hbm, pe_hbm, out_hbm, tok_v, pe_v, table_s, *bufs):
        bs = bufs[:NB]
        ixs = bufs[NB:2 * NB]
        sgs = bufs[2 * NB:3 * NB]
        sws = bufs[3 * NB:]

        sub = lax.axis_index("s")
        wid = sub * 2 + lax.axis_index("c")
        base = wid * per_w
        l0 = pl.multiple_of((base >> 12) & ~7, 8)

        rows_per_sub = TBL_PAD // 16
        pltpu.sync_copy(table_hbm.at[pl.ds(sub * rows_per_sub, rows_per_sub)],
                        table_s.at[pl.ds(sub * rows_per_sub, rows_per_sub)])
        pltpu.sync_copy(tok_hbm.at[pl.ds(base, per_w)], tok_v)
        pltpu.sync_copy(pe_hbm.at[pl.ds(l0, PE_ROWS)], pe_v)
        plsc.subcore_barrier()

        slices = [pl.ds(j * LANES, LANES) for j in range(D_MODEL // LANES)]

        def start_gather(c, b):
            pltpu.async_copy(
                table_s.at[tok_v.at[pl.ds(c * G, G)]], bs[b], sgs[b])

        def wait_gather(b):
            pltpu.make_async_copy(
                table_s.at[tok_v.at[pl.ds(0, G)]], bs[b], sgs[b]).wait()

        def start_write(b):
            pltpu.async_copy(bs[b], out_hbm.at[ixs[b]], sws[b])

        def wait_write(b):
            pltpu.make_async_copy(bs[b], out_hbm.at[ixs[b]], sws[b]).wait()

        def prelude(c, b):
            p0 = base + c * G
            l = p0 >> 12
            b0 = p0 & (BATCH - 1)
            iv = ixs[b]
            pvals = [pe_v[l - l0, sl] for sl in slices]
            lane = lax.iota(jnp.int32, LANES) * SEQ
            row0 = b0 * SEQ + l
            for j in range(G // LANES):
                iv[pl.ds(j * LANES, LANES)] = lane + (row0 + j * LANES * SEQ)
            return pvals

        def compute(b, pvals):
            bv = bs[b]

            @plsc.parallel_loop(0, G, unroll=4)
            def _row(t):
                for sl, pval in zip(slices, pvals):
                    plsc.addupdate(bv.at[t, sl], pval)

        for c in range(K):
            start_gather(c, c % NB)
        for c in range(NB):
            pvals = prelude(c, c % NB)
            wait_gather(c % NB)
            compute(c % NB, pvals)
            start_write(c % NB)
            if c >= 2:
                wait_write((c - 2) % NB)
            start_gather(c + K, (c + K) % NB)

        @pl.loop(NB, nchunks - NB, step=NB)
        def _steady(c0):
            for j in range(NB):
                c = c0 + j
                pvals = prelude(c, j)
                wait_gather(j)
                compute(j, pvals)
                start_write(j)
                wait_write((j - 2) % NB)
                start_gather(c + K, (j + K) % NB)

        for j in range(NB):
            c = nchunks - NB + j
            pvals = prelude(c, j)
            wait_gather(j)
            compute(j, pvals)
            start_write(j)
            if j < NB - K:
                wait_write((j - 2) % NB)
                start_gather(c + K, (j + K) % NB)
        for b in range(NB):
            wait_write(b)

    return embed


def kernel(tokens, table, PE):
    batch, seq = tokens.shape
    n_tokens = batch * seq
    vocab = table.shape[0]
    table_p = jnp.concatenate(
        [table, jnp.zeros((TBL_PAD - vocab, table.shape[1]), table.dtype)])
    tok_t = tokens.T.reshape(n_tokens)
    out = _build_kernel(n_tokens)(tok_t, table_p, PE)
    return out.reshape(batch, seq, D_MODEL)

# --- scband reference (transcript-rebuilt; emitter-appended) ---
"""Pipeline reference for scband-input-embeddings-76768245449085 (READ-ONLY COPY).

The authoritative reference and input builder live on the scoring server;
editing this copy changes nothing except your own understanding.
"""

import jax, jax.numpy as jnp
import numpy as np

D_MODEL = 128
VOCAB = 1000
BATCH = 4096
SEQ = 200


def _positional_encoding(d_model, vocab_size):
    n = 10000.0
    k = jnp.arange(vocab_size, dtype=jnp.float32)[:, None]  # [V,1]
    i = jnp.arange(d_model // 2, dtype=jnp.float32)[None, :]  # [1,D/2]
    val = k / jnp.power(n, 2.0 * i / d_model)  # [V, D/2]
    PE = jnp.zeros((vocab_size, d_model), dtype=jnp.float32)
    PE = PE.at[:, 0::2].set(jnp.sin(val))
    PE = PE.at[:, 1::2].set(jnp.cos(val))
    return PE


def setup_inputs(seed: int = 0) -> dict:
    key = jax.random.key(seed)
    k1, k2 = jax.random.split(key)
    tokens = jax.random.randint(k1, (BATCH, SEQ), 0, VOCAB, dtype=jnp.int64 if jax.config.read('jax_enable_x64') else jnp.int32).astype(jnp.int32)
    table = jax.random.normal(k2, (VOCAB, D_MODEL), dtype=jnp.float32)
    PE = _positional_encoding(D_MODEL, VOCAB)
    return {"tokens": tokens, "table": table, "PE": PE}


def reference(tokens, table, PE):
    # tokens: [B, L] int; table: [V, D]; PE: [V, D]
    if tokens.ndim != 2:
        tokens = tokens[None, :]
    emb = jnp.take(table, tokens, axis=0)          # [B, L, D] gather
    out = emb + PE[: tokens.shape[1]]              # broadcast add of positional encoding
    return out

if __name__ == "__main__":
    import jax
    _d = setup_inputs()
    print(jax.jit(kernel)(*tuple(_d.values())))

</pallas_src>

<mosaic_0001>
#map = affine_map<(d0, d1) -> (0)>
#map1 = affine_map<(d0, d1) -> (0, 0)>
module attributes {stable_mosaic.version = 14 : i64} {
  func.func @embed(%arg0: i32, %arg1: i32, %arg2: memref<819200xi32, #tpu.memory_space<hbm>>, %arg3: memref<1024x128xf32, #tpu.memory_space<hbm>>, %arg4: memref<1000x128xf32, #tpu.memory_space<hbm>>, %arg5: memref<819200x128xf32, #tpu.memory_space<hbm>>, %arg6: memref<25600xi32, #tpu.memory_space<vmem>>, %arg7: memref<16x128xf32, #tpu.memory_space<vmem>>, %arg8: memref<1024x128xf32, #tpu.memory_space<vmem_shared>>, %arg9: memref<128x128xf32, #tpu.memory_space<vmem>>, %arg10: memref<128x128xf32, #tpu.memory_space<vmem>>, %arg11: memref<128x128xf32, #tpu.memory_space<vmem>>, %arg12: memref<128x128xf32, #tpu.memory_space<vmem>>, %arg13: memref<128x128xf32, #tpu.memory_space<vmem>>, %arg14: memref<128xi32, #tpu.memory_space<vmem>>, %arg15: memref<128xi32, #tpu.memory_space<vmem>>, %arg16: memref<128xi32, #tpu.memory_space<vmem>>, %arg17: memref<128xi32, #tpu.memory_space<vmem>>, %arg18: memref<128xi32, #tpu.memory_space<vmem>>, %arg19: memref<!tpu.dma_semaphore, #tpu.memory_space<semaphore_mem>>, %arg20: memref<!tpu.dma_semaphore, #tpu.memory_space<semaphore_mem>>, %arg21: memref<!tpu.dma_semaphore, #tpu.memory_space<semaphore_mem>>, %arg22: memref<!tpu.dma_semaphore, #tpu.memory_space<semaphore_mem>>, %arg23: memref<!tpu.dma_semaphore, #tpu.memory_space<semaphore_mem>>, %arg24: memref<!tpu.dma_semaphore, #tpu.memory_space<semaphore_mem>>, %arg25: memref<!tpu.dma_semaphore, #tpu.memory_space<semaphore_mem>>, %arg26: memref<!tpu.dma_semaphore, #tpu.memory_space<semaphore_mem>>, %arg27: memref<!tpu.dma_semaphore, #tpu.memory_space<semaphore_mem>>, %arg28: memref<!tpu.dma_semaphore, #tpu.memory_space<semaphore_mem>>) attributes {dimension_semantics = [#tpu.dimension_semantics<core_parallel>, #tpu.dimension_semantics<subcore_parallel>], iteration_bounds = array<i64: 2, 16>, scalar_prefetch = 0 : i64, scratch_operands = 23 : i64, tpu.core_type = #tpu.core_type<sc_vector_subcore>, window_params = [{transform_indices = #map}, {transform_indices = #map1}, {transform_indices = #map1}, {transform_indices = #map1}]} {
    %mul3A = arith.constant 2 : i32
    %mul3A_0 = arith.muli %arg1, %mul3A : i32
    %add3A = arith.addi %mul3A_0, %arg0 : i32
    %mul3A_1 = arith.constant 25600 : i32
    %mul3A_2 = arith.muli %add3A, %mul3A_1 : i32
    %shift_right_arithmetic3A = arith.constant 12 : i32
    %shift_right_arithmetic3A_3 = arith.shrsi %mul3A_2, %shift_right_arithmetic3A : i32
    %and3A = arith.constant -8 : i32
    %and3A_4 = arith.andi %shift_right_arithmetic3A_3, %and3A : i32
    %multiple_of3A = tpu.assume_multiple %and3A_4, 8 : i32
    %mul3A_5 = arith.constant 64 : i32
    %mul3A_6 = arith.muli %arg1, %mul3A_5 : i32
    %mul3A_7 = arith.constant 64 : i32
    %mul3A_8 = arith.muli %arg1, %mul3A_7 : i32
    "tpu.region"() ({
      %run_scoped3A = tpu.sem_alloc : memref<!tpu.dma_semaphore, #tpu.memory_space<semaphore_mem>>
      %dma_start3A_1366 = arith.constant 0 : i32
      %dma_start3A_1367 = tpu.memref_slice %arg8[%mul3A_8, %dma_start3A_1366] : memref<1024x128xf32, #tpu.memory_space<vmem_shared>> -> memref<64x128xf32, #tpu.memory_space<vmem_shared>>
      %dma_start3A_1368 = arith.constant 0 : i32
      %dma_start3A_1369 = tpu.memref_slice %arg3[%mul3A_6, %dma_start3A_1368] : memref<1024x128xf32, #tpu.memory_space<hbm>> -> memref<64x128xf32, #tpu.memory_space<hbm>>
      tpu.enqueue_dma source(%dma_start3A_1369 : memref<64x128xf32, #tpu.memory_space<hbm>>) target(%dma_start3A_1367 : memref<64x128xf32, #tpu.memory_space<vmem_shared>>) target_semaphore(%run_scoped3A : memref<!tpu.dma_semaphore, #tpu.memory_space<semaphore_mem>>)
      %dma_wait3A_1370 = arith.constant 0 : i32
      %dma_wait3A_1371 = tpu.memref_slice %arg8[%mul3A_8, %dma_wait3A_1370] : memref<1024x128xf32, #tpu.memory_space<vmem_shared>> -> memref<64x128xf32, #tpu.memory_space<vmem_shared>>
      %dma_wait3A_1372 = arith.constant 0 : i32
      %dma_wait3A_1373 = tpu.memref_slice %arg3[%mul3A_6, %dma_wait3A_1372] : memref<1024x128xf32, #tpu.memory_space<hbm>> -> memref<64x128xf32, #tpu.memory_space<hbm>>
      tpu.wait_dma2 semaphore(%run_scoped3A : memref<!tpu.dma_semaphore, #tpu.memory_space<semaphore_mem>>) src(%dma_wait3A_1373 : memref<64x128xf32, #tpu.memory_space<hbm>>) dst(%dma_wait3A_1371 : memref<64x128xf32, #tpu.memory_space<vmem_shared>>)
      tpu.yield
    }) : () -> ()
    "tpu.region"() ({
      %run_scoped3A = tpu.sem_alloc : memref<!tpu.dma_semaphore, #tpu.memory_space<semaphore_mem>>
      %dma_start3A_1366 = tpu.memref_slice %arg2[%mul3A_2] : memref<819200xi32, #tpu.memory_space<hbm>> -> memref<25600xi32, #tpu.memory_space<hbm>>
      %dma_start3A_1367 = tpu.memref_slice %arg2[%mul3A_2] : memref<819200xi32, #tpu.memory_space<hbm>> -> memref<25600xi32, #tpu.memory_space<hbm>>
      tpu.enqueue_dma source(%dma_start3A_1367 : memref<25600xi32, #tpu.memory_space<hbm>>) target(%arg6 : memref<25600xi32, #tpu.memory_space<vmem>>) target_semaphore(%run_scoped3A : memref<!tpu.dma_semaphore, #tpu.memory_space<semaphore_mem>>)
      %dma_wait3A_1368 = tpu.memref_slice %arg2[%mul3A_2] : memref<819200xi32, #tpu.memory_space<hbm>> -> memref<25600xi32, #tpu.memory_space<hbm>>
      %dma_wait3A_1369 = tpu.memref_slice %arg2[%mul3A_2] : memref<819200xi32, #tpu.memory_space<hbm>> -> memref<25600xi32, #tpu.memory_space<hbm>>
      tpu.wait_dma2 semaphore(%run_scoped3A : memref<!tpu.dma_semaphore, #tpu.memory_space<semaphore_mem>>) src(%dma_wait3A_1369 : memref<25600xi32, #tpu.memory_space<hbm>>) dst(%arg6 : memref<25600xi32, #tpu.memory_space<vmem>>)
      tpu.yield
    }) : () -> ()
    "tpu.region"() ({
      %run_scoped3A = tpu.sem_alloc : memref<!tpu.dma_semaphore, #tpu.memory_space<semaphore_mem>>
      %dma_start3A_1366 = arith.constant 0 : i32
      %dma_start3A_1367 = tpu.memref_slice %arg4[%multiple_of3A, %dma_start3A_1366] : memref<1000x128xf32, #tpu.memory_space<hbm>> -> memref<16x128xf32, #tpu.memory_space<hbm>>
      %dma_start3A_1368 = arith.constant 0 : i32
      %dma_start3A_1369 = tpu.memref_slice %arg4[%multiple_of3A, %dma_start3A_1368] : memref<1000x128xf32, #tpu.memory_space<hbm>> -> memref<16x128xf32, #tpu.memory_space<hbm>>
      tpu.enqueue_dma source(%dma_start3A_1369 : memref<16x128xf32, #tpu.memory_space<hbm>>) target(%arg7 : memref<16x128xf32, #tpu.memory_space<vmem>>) target_semaphore(%run_scoped3A : memref<!tpu.dma_semaphore, #tpu.memory_space<semaphore_mem>>)
      %dma_wait3A_1370 = arith.constant 0 : i32
      %dma_wait3A_1371 = tpu.memref_slice %arg4[%multiple_of3A, %dma_wait3A_1370] : memref<1000x128xf32, #tpu.memory_space<hbm>> -> memref<16x128xf32, #tpu.memory_space<hbm>>
      %dma_wait3A_1372 = arith.constant 0 : i32
      %dma_wait3A_1373 = tpu.memref_slice %arg4[%multiple_of3A, %dma_wait3A_1372] : memref<1000x128xf32, #tpu.memory_space<hbm>> -> memref<16x128xf32, #tpu.memory_space<hbm>>
      tpu.wait_dma2 semaphore(%run_scoped3A : memref<!tpu.dma_semaphore, #tpu.memory_space<semaphore_mem>>) src(%dma_wait3A_1373 : memref<16x128xf32, #tpu.memory_space<hbm>>) dst(%arg7 : memref<16x128xf32, #tpu.memory_space<vmem>>)
      tpu.yield
    }) : () -> ()
    %barrier3A = arith.constant 0 : index
    tpu.barrier barrier_id(%barrier3A)
    %dma_start3A = arith.constant 0 : i32
    %dma_start3A_9 = tpu.memref_slice %arg6[%dma_start3A] : memref<25600xi32, #tpu.memory_space<vmem>> -> memref<128xi32, #tpu.memory_space<vmem>>
    %dma_start3A_10 = arith.constant 0 : i32
    %dma_start3A_11 = arith.constant 0 : i32
    %dma_start3A_12 = tpu.memref_slice %arg8[%dma_start3A_10, %dma_start3A_11] : memref<1024x128xf32, #tpu.memory_space<vmem_shared>> -> memref<1024x128xf32, #tpu.memory_space<vmem_shared>>
    tpu.enqueue_indirect_dma source(%dma_start3A_12 : memref<1024x128xf32, #tpu.memory_space<vmem_shared>>) target(%arg9 : memref<128x128xf32, #tpu.memory_space<vmem>>) offsets(%dma_start3A_9 : memref<128xi32, #tpu.memory_space<vmem>>) semaphore(%arg19 : memref<!tpu.dma_semaphore, #tpu.memory_space<semaphore_mem>>)
    %dma_start3A_13 = arith.constant 128 : i32
    %dma_start3A_14 = tpu.memref_slice %arg6[%dma_start3A_13] : memref<25600xi32, #tpu.memory_space<vmem>> -> memref<128xi32, #tpu.memory_space<vmem>>
    %dma_start3A_15 = arith.constant 0 : i32
    %dma_start3A_16 = arith.constant 0 : i32
    %dma_start3A_17 = tpu.memref_slice %arg8[%dma_start3A_15, %dma_start3A_16] : memref<1024x128xf32, #tpu.memory_space<vmem_shared>> -> memref<1024x128xf32, #tpu.memory_space<vmem_shared>>
    tpu.enqueue_indirect_dma source(%dma_start3A_17 : memref<1024x128xf32, #tpu.memory_space<vmem_shared>>) target(%arg10 : memref<128x128xf32, #tpu.memory_space<vmem>>) offsets(%dma_start3A_14 : memref<128xi32, #tpu.memory_space<vmem>>) semaphore(%arg20 : memref<!tpu.dma_semaphore, #tpu.memory_space<semaphore_mem>>)
    %dma_start3A_18 = arith.constant 256 : i32
    %dma_start3A_19 = tpu.memref_slice %arg6[%dma_start3A_18] : memref<25600xi32, #tpu.memory_space<vmem>> -> memref<128xi32, #tpu.memory_space<vmem>>
    %dma_start3A_20 = arith.constant 0 : i32
    %dma_start3A_21 = arith.constant 0 : i32
    %dma_start3A_22 = tpu.memref_slice %arg8[%dma_start3A_20, %dma_start3A_21] : memref<1024x128xf32, #tpu.memory_space<vmem_shared>> -> memref<1024x128xf32, #tpu.memory_space<vmem_shared>>
    tpu.enqueue_indirect_dma source(%dma_start3A_22 : memref<1024x128xf32, #tpu.memory_space<vmem_shared>>) target(%arg11 : memref<128x128xf32, #tpu.memory_space<vmem>>) offsets(%dma_start3A_19 : memref<128xi32, #tpu.memory_space<vmem>>) semaphore(%arg21 : memref<!tpu.dma_semaphore, #tpu.memory_space<semaphore_mem>>)
    %add3A_23 = arith.constant 0 : i32
    %add3A_24 = arith.addi %mul3A_2, %add3A_23 : i32
    %shift_right_arithmetic3A_25 = arith.constant 12 : i32
    %shift_right_arithmetic3A_26 = arith.shrsi %add3A_24, %shift_right_arithmetic3A_25 : i32
    %and3A_27 = arith.constant 4095 : i32
    %and3A_28 = arith.andi %add3A_24, %and3A_27 : i32
    %sub3A = arith.subi %shift_right_arithmetic3A_26, %multiple_of3A : i32
    %get3A = arith.index_cast %sub3A : i32 to index
    %get3A_29 = arith.constant 0 : index
    %get3A_30 = tpu.vector_load %arg7[%get3A, %get3A_29] {strides = array<i32>} : memref<16x128xf32, #tpu.memory_space<vmem>>, vector<1x16xf32>,
    %get3A_31 = vector.shape_cast %get3A_30 : vector<1x16xf32> to vector<16xf32>
    %sub3A_32 = arith.subi %shift_right_arithmetic3A_26, %multiple_of3A : i32
    %get3A_33 = arith.index_cast %sub3A_32 : i32 to index
    %get3A_34 = arith.constant 16 : index
    %get3A_35 = tpu.vector_load %arg7[%get3A_33, %get3A_34] {strides = array<i32>} : memref<16x128xf32, #tpu.memory_space<vmem>>, vector<1x16xf32>,
    %get3A_36 = vector.shape_cast %get3A_35 : vector<1x16xf32> to vector<16xf32>
    %sub3A_37 = arith.subi %shift_right_arithmetic3A_26, %multiple_of3A : i32
    %get3A_38 = arith.index_cast %sub3A_37 : i32 to index
    %get3A_39 = arith.constant 32 : index
    %get3A_40 = tpu.vector_load %arg7[%get3A_38, %get3A_39] {strides = array<i32>} : memref<16x128xf32, #tpu.memory_space<vmem>>, vector<1x16xf32>,
    %get3A_41 = vector.shape_cast %get3A_40 : vector<1x16xf32> to vector<16xf32>
    %sub3A_42 = arith.subi %shift_right_arithmetic3A_26, %multiple_of3A : i32
    %get3A_43 = arith.index_cast %sub3A_42 : i32 to index
    %get3A_44 = arith.constant 48 : index
    %get3A_45 = tpu.vector_load %arg7[%get3A_43, %get3A_44] {strides = array<i32>} : memref<16x128xf32, #tpu.memory_space<vmem>>, vector<1x16xf32>,
    %get3A_46 = vector.shape_cast %get3A_45 : vector<1x16xf32> to vector<16xf32>
    %sub3A_47 = arith.subi %shift_right_arithmetic3A_26, %multiple_of3A : i32
    %get3A_48 = arith.index_cast %sub3A_47 : i32 to index
    %get3A_49 = arith.constant 64 : index
    %get3A_50 = tpu.vector_load %arg7[%get3A_48, %get3A_49] {strides = array<i32>} : memref<16x128xf32, #tpu.memory_space<vmem>>, vector<1x16xf32>,
    %get3A_51 = vector.shape_cast %get3A_50 : vector<1x16xf32> to vector<16xf32>
    %sub3A_52 = arith.subi %shift_right_arithmetic3A_26, %multiple_of3A : i32
    %get3A_53 = arith.index_cast %sub3A_52 : i32 to index
    %get3A_54 = arith.constant 80 : index
    %get3A_55 = tpu.vector_load %arg7[%get3A_53, %get3A_54] {strides = array<i32>} : memref<16x128xf32, #tpu.memory_space<vmem>>, vector<1x16xf32>,
    %get3A_56 = vector.shape_cast %get3A_55 : vector<1x16xf32> to vector<16xf32>
    %sub3A_57 = arith.subi %shift_right_arithmetic3A_26, %multiple_of3A : i32
    %get3A_58 = arith.index_cast %sub3A_57 : i32 to index
    %get3A_59 = arith.constant 96 : index
    %get3A_60 = tpu.vector_load %arg7[%get3A_58, %get3A_59] {strides = array<i32>} : memref<16x128xf32, #tpu.memory_space<vmem>>, vector<1x16xf32>,
    %get3A_61 = vector.shape_cast %get3A_60 : vector<1x16xf32> to vector<16xf32>
    %sub3A_62 = arith.subi %shift_right_arithmetic3A_26, %multiple_of3A : i32
    %get3A_63 = arith.index_cast %sub3A_62 : i32 to index
    %get3A_64 = arith.constant 112 : index
    %get3A_65 = tpu.vector_load %arg7[%get3A_63, %get3A_64] {strides = array<i32>} : memref<16x128xf32, #tpu.memory_space<vmem>>, vector<1x16xf32>,
    %get3A_66 = vector.shape_cast %get3A_65 : vector<1x16xf32> to vector<16xf32>
    %iota3A = tpu.iota {dimensions = array<i32: 0>} : vector<16xi32>
    %mul3A_67 = arith.constant 200 : i32
    %mul3A_68 = vector.broadcast %mul3A_67 : i32 to vector<16xi32>
    %mul3A_69 = arith.muli %iota3A, %mul3A_68 : vector<16xi32>
    %mul3A_70 = arith.constant 200 : i32
    %mul3A_71 = arith.muli %and3A_28, %mul3A_70 : i32
    %add3A_72 = arith.addi %mul3A_71, %shift_right_arithmetic3A_26 : i32
    %add3A_73 = arith.constant 0 : i32
    %add3A_74 = arith.addi %add3A_72, %add3A_73 : i32
    %add3A_75 = vector.broadcast %add3A_74 : i32 to vector<16xi32>
    %add3A_76 = arith.addi %mul3A_69, %add3A_75 : vector<16xi32>
    %swap3A = arith.constant 0 : index
    %swap3A_77 = tpu.vector_load %arg14[%swap3A] {strides = array<i32>} : memref<128xi32, #tpu.memory_space<vmem>>, vector<16xi32>,
    %swap3A_78 = vector.shape_cast %swap3A_77 : vector<16xi32> to vector<16xi32>
    %swap3A_79 = vector.shape_cast %add3A_76 : vector<16xi32> to vector<16xi32>
    tpu.vector_store %arg14[%swap3A], %swap3A_79 {strides = array<i32>} : memref<128xi32, #tpu.memory_space<vmem>>, vector<16xi32>,
    %add3A_80 = arith.constant 3200 : i32
    %add3A_81 = arith.addi %add3A_72, %add3A_80 : i32
    %add3A_82 = vector.broadcast %add3A_81 : i32 to vector<16xi32>
    %add3A_83 = arith.addi %mul3A_69, %add3A_82 : vector<16xi32>
    %swap3A_84 = arith.constant 16 : index
    %swap3A_85 = tpu.vector_load %arg14[%swap3A_84] {strides = array<i32>} : memref<128xi32, #tpu.memory_space<vmem>>, vector<16xi32>,
    %swap3A_86 = vector.shape_cast %swap3A_85 : vector<16xi32> to vector<16xi32>
    %swap3A_87 = vector.shape_cast %add3A_83 : vector<16xi32> to vector<16xi32>
    tpu.vector_store %arg14[%swap3A_84], %swap3A_87 {strides = array<i32>} : memref<128xi32, #tpu.memory_space<vmem>>, vector<16xi32>,
    %add3A_88 = arith.constant 6400 : i32
    %add3A_89 = arith.addi %add3A_72, %add3A_88 : i32
    %add3A_90 = vector.broadcast %add3A_89 : i32 to vector<16xi32>
    %add3A_91 = arith.addi %mul3A_69, %add3A_90 : vector<16xi32>
    %swap3A_92 = arith.constant 32 : index
    %swap3A_93 = tpu.vector_load %arg14[%swap3A_92] {strides = array<i32>} : memref<128xi32, #tpu.memory_space<vmem>>, vector<16xi32>,
    %swap3A_94 = vector.shape_cast %swap3A_93 : vector<16xi32> to vector<16xi32>
    %swap3A_95 = vector.shape_cast %add3A_91 : vector<16xi32> to vector<16xi32>
    tpu.vector_store %arg14[%swap3A_92], %swap3A_95 {strides = array<i32>} : memref<128xi32, #tpu.memory_space<vmem>>, vector<16xi32>,
    %add3A_96 = arith.constant 9600 : i32
    %add3A_97 = arith.addi %add3A_72, %add3A_96 : i32
    %add3A_98 = vector.broadcast %add3A_97 : i32 to vector<16xi32>
    %add3A_99 = arith.addi %mul3A_69, %add3A_98 : vector<16xi32>
    %swap3A_100 = arith.constant 48 : index
    %swap3A_101 = tpu.vector_load %arg14[%swap3A_100] {strides = array<i32>} : memref<128xi32, #tpu.memory_space<vmem>>, vector<16xi32>,
    %swap3A_102 = vector.shape_cast %swap3A_101 : vector<16xi32> to vector<16xi32>
    %swap3A_103 = vector.shape_cast %add3A_99 : vector<16xi32> to vector<16xi32>
    tpu.vector_store %arg14[%swap3A_100], %swap3A_103 {strides = array<i32>} : memref<128xi32, #tpu.memory_space<vmem>>, vector<16xi32>,
    %add3A_104 = arith.constant 12800 : i32
    %add3A_105 = arith.addi %add3A_72, %add3A_104 : i32
    %add3A_106 = vector.broadcast %add3A_105 : i32 to vector<16xi32>
    %add3A_107 = arith.addi %mul3A_69, %add3A_106 : vector<16xi32>
    %swap3A_108 = arith.constant 64 : index
    %swap3A_109 = tpu.vector_load %arg14[%swap3A_108] {strides = array<i32>} : memref<128xi32, #tpu.memory_space<vmem>>, vector<16xi32>,
    %swap3A_110 = vector.shape_cast %swap3A_109 : vector<16xi32> to vector<16xi32>
    %swap3A_111 = vector.shape_cast %add3A_107 : vector<16xi32> to vector<16xi32>
    tpu.vector_store %arg14[%swap3A_108], %swap3A_111 {strides = array<i32>} : memref<128xi32, #tpu.memory_space<vmem>>, vector<16xi32>,
    %add3A_112 = arith.constant 16000 : i32
    %add3A_113 = arith.addi %add3A_72, %add3A_112 : i32
    %add3A_114 = vector.broadcast %add3A_113 : i32 to vector<16xi32>
    %add3A_115 = arith.addi %mul3A_69, %add3A_114 : vector<16xi32>
    %swap3A_116 = arith.constant 80 : index
    %swap3A_117 = tpu.vector_load %arg14[%swap3A_116] {strides = array<i32>} : memref<128xi32, #tpu.memory_space<vmem>>, vector<16xi32>,
    %swap3A_118 = vector.shape_cast %swap3A_117 : vector<16xi32> to vector<16xi32>
    %swap3A_119 = vector.shape_cast %add3A_115 : vector<16xi32> to vector<16xi32>
    tpu.vector_store %arg14[%swap3A_116], %swap3A_119 {strides = array<i32>} : memref<128xi32, #tpu.memory_space<vmem>>, vector<16xi32>,
    %add3A_120 = arith.constant 19200 : i32
    %add3A_121 = arith.addi %add3A_72, %add3A_120 : i32
    %add3A_122 = vector.broadcast %add3A_121 : i32 to vector<16xi32>
    %add3A_123 = arith.addi %mul3A_69, %add3A_122 : vector<16xi32>
    %swap3A_124 = arith.constant 96 : index
    %swap3A_125 = tpu.vector_load %arg14[%swap3A_124] {strides = array<i32>} : memref<128xi32, #tpu.memory_space<vmem>>, vector<16xi32>,
    %swap3A_126 = vector.shape_cast %swap3A_125 : vector<16xi32> to vector<16xi32>
    %swap3A_127 = vector.shape_cast %add3A_123 : vector<16xi32> to vector<16xi32>
    tpu.vector_store %arg14[%swap3A_124], %swap3A_127 {strides = array<i32>} : memref<128xi32, #tpu.memory_space<vmem>>, vector<16xi32>,
    %add3A_128 = arith.constant 22400 : i32
    %add3A_129 = arith.addi %add3A_72, %add3A_128 : i32
    %add3A_130 = vector.broadcast %add3A_129 : i32 to vector<16xi32>
    %add3A_131 = arith.addi %mul3A_69, %add3A_130 : vector<16xi32>
    %swap3A_132 = arith.constant 112 : index
    %swap3A_133 = tpu.vector_load %arg14[%swap3A_132] {strides = array<i32>} : memref<128xi32, #tpu.memory_space<vmem>>, vector<16xi32>,
    %swap3A_134 = vector.shape_cast %swap3A_133 : vector<16xi32> to vector<16xi32>
    %swap3A_135 = vector.shape_cast %add3A_131 : vector<16xi32> to vector<16xi32>
    tpu.vector_store %arg14[%swap3A_132], %swap3A_135 {strides = array<i32>} : memref<128xi32, #tpu.memory_space<vmem>>, vector<16xi32>,
    %dma_wait3A = arith.constant 0 : i32
    %dma_wait3A_136 = tpu.memref_slice %arg6[%dma_wait3A] : memref<25600xi32, #tpu.memory_space<vmem>> -> memref<128xi32, #tpu.memory_space<vmem>>
    %dma_wait3A_137 = arith.constant 0 : i32
    %dma_wait3A_138 = arith.constant 0 : i32
    %dma_wait3A_139 = tpu.memref_slice %arg8[%dma_wait3A_137, %dma_wait3A_138] : memref<1024x128xf32, #tpu.memory_space<vmem_shared>> -> memref<1024x128xf32, #tpu.memory_space<vmem_shared>>
    tpu.wait_indirect_dma semaphore(%arg19 : memref<!tpu.dma_semaphore, #tpu.memory_space<semaphore_mem>>) src(%dma_wait3A_139 : memref<1024x128xf32, #tpu.memory_space<vmem_shared>>) dst(%arg9 : memref<128x128xf32, #tpu.memory_space<vmem>>)
    %parallel_loop3A = arith.constant 0 : i32
    %parallel_loop3A_140 = arith.constant 128 : i32
    %parallel_loop3A_141 = arith.constant 1 : i32
    scf.for %parallel_loop3A_1366 = %parallel_loop3A to %parallel_loop3A_140 step %parallel_loop3A_141  : i32 {
      %parallel_loop3A_1367 = arith.index_cast %parallel_loop3A_1366 : i32 to index
      %parallel_loop3A_1368 = arith.constant 0 : index
      %parallel_loop3A_1369 = tpu.vector_load %arg9[%parallel_loop3A_1367, %parallel_loop3A_1368] {strides = array<i32>} : memref<128x128xf32, #tpu.memory_space<vmem>>, vector<1x16xf32>,
      %parallel_loop3A_1370 = vector.shape_cast %parallel_loop3A_1369 : vector<1x16xf32> to vector<16xf32>
      %parallel_loop3A_1371 = vector.shape_cast %get3A_31 : vector<16xf32> to vector<1x16xf32>
      tpu.vector_store %arg9[%parallel_loop3A_1367, %parallel_loop3A_1368], %parallel_loop3A_1371 {add = true, strides = array<i32>} : memref<128x128xf32, #tpu.memory_space<vmem>>, vector<1x16xf32>,
      %parallel_loop3A_1372 = arith.index_cast %parallel_loop3A_1366 : i32 to index
      %parallel_loop3A_1373 = arith.constant 16 : index
      %parallel_loop3A_1374 = tpu.vector_load %arg9[%parallel_loop3A_1372, %parallel_loop3A_1373] {strides = array<i32>} : memref<128x128xf32, #tpu.memory_space<vmem>>, vector<1x16xf32>,
      %parallel_loop3A_1375 = vector.shape_cast %parallel_loop3A_1374 : vector<1x16xf32> to vector<16xf32>
      %parallel_loop3A_1376 = vector.shape_cast %get3A_36 : vector<16xf32> to vector<1x16xf32>
      tpu.vector_store %arg9[%parallel_loop3A_1372, %parallel_loop3A_1373], %parallel_loop3A_1376 {add = true, strides = array<i32>} : memref<128x128xf32, #tpu.memory_space<vmem>>, vector<1x16xf32>,
      %parallel_loop3A_1377 = arith.index_cast %parallel_loop3A_1366 : i32 to index
      %parallel_loop3A_1378 = arith.constant 32 : index
      %parallel_loop3A_1379 = tpu.vector_load %arg9[%parallel_loop3A_1377, %parallel_loop3A_1378] {strides = array<i32>} : memref<128x128xf32, #tpu.memory_space<vmem>>, vector<1x16xf32>,
      %parallel_loop3A_1380 = vector.shape_cast %parallel_loop3A_1379 : vector<1x16xf32> to vector<16xf32>
      %parallel_loop3A_1381 = vector.shape_cast %get3A_41 : vector<16xf32> to vector<1x16xf32>
      tpu.vector_store %arg9[%parallel_loop3A_1377, %parallel_loop3A_1378], %parallel_loop3A_1381 {add = true, strides = array<i32>} : memref<128x128xf32, #tpu.memory_space<vmem>>, vector<1x16xf32>,
      %parallel_loop3A_1382 = arith.index_cast %parallel_loop3A_1366 : i32 to index
      %parallel_loop3A_1383 = arith.constant 48 : index
      %parallel_loop3A_1384 = tpu.vector_load %arg9[%parallel_loop3A_1382, %parallel_loop3A_1383] {strides = array<i32>} : memref<128x128xf32, #tpu.memory_space<vmem>>, vector<1x16xf32>,
      %parallel_loop3A_1385 = vector.shape_cast %parallel_loop3A_1384 : vector<1x16xf32> to vector<16xf32>
      %parallel_loop3A_1386 = vector.shape_cast %get3A_46 : vector<16xf32> to vector<1x16xf32>
      tpu.vector_store %arg9[%parallel_loop3A_1382, %parallel_loop3A_1383], %parallel_loop3A_1386 {add = true, strides = array<i32>} : memref<128x128xf32, #tpu.memory_space<vmem>>, vector<1x16xf32>,
      %parallel_loop3A_1387 = arith.index_cast %parallel_loop3A_1366 : i32 to index
      %parallel_loop3A_1388 = arith.constant 64 : index
      %parallel_loop3A_1389 = tpu.vector_load %arg9[%parallel_loop3A_1387, %parallel_loop3A_1388] {strides = array<i32>} : memref<128x128xf32, #tpu.memory_space<vmem>>, vector<1x16xf32>,
      %parallel_loop3A_1390 = vector.shape_cast %parallel_loop3A_1389 : vector<1x16xf32> to vector<16xf32>
      %parallel_loop3A_1391 = vector.shape_cast %get3A_51 : vector<16xf32> to vector<1x16xf32>
      tpu.vector_store %arg9[%parallel_loop3A_1387, %parallel_loop3A_1388], %parallel_loop3A_1391 {add = true, strides = array<i32>} : memref<128x128xf32, #tpu.memory_space<vmem>>, vector<1x16xf32>,
      %parallel_loop3A_1392 = arith.index_cast %parallel_loop3A_1366 : i32 to index
      %parallel_loop3A_1393 = arith.constant 80 : index
      %parallel_loop3A_1394 = tpu.vector_load %arg9[%parallel_loop3A_1392, %parallel_loop3A_1393] {strides = array<i32>} : memref<128x128xf32, #tpu.memory_space<vmem>>, vector<1x16xf32>,
      %parallel_loop3A_1395 = vector.shape_cast %parallel_loop3A_1394 : vector<1x16xf32> to vector<16xf32>
      %parallel_loop3A_1396 = vector.shape_cast %get3A_56 : vector<16xf32> to vector<1x16xf32>
      tpu.vector_store %arg9[%parallel_loop3A_1392, %parallel_loop3A_1393], %parallel_loop3A_1396 {add = true, strides = array<i32>} : memref<128x128xf32, #tpu.memory_space<vmem>>, vector<1x16xf32>,
      %parallel_loop3A_1397 = arith.index_cast %parallel_loop3A_1366 : i32 to index
      %parallel_loop3A_1398 = arith.constant 96 : index
      %parallel_loop3A_1399 = tpu.vector_load %arg9[%parallel_loop3A_1397, %parallel_loop3A_1398] {strides = array<i32>} : memref<128x128xf32, #tpu.memory_space<vmem>>, vector<1x16xf32>,
      %parallel_loop3A_1400 = vector.shape_cast %parallel_loop3A_1399 : vector<1x16xf32> to vector<16xf32>
      %parallel_loop3A_1401 = vector.shape_cast %get3A_61 : vector<16xf32> to vector<1x16xf32>
      tpu.vector_store %arg9[%parallel_loop3A_1397, %parallel_loop3A_1398], %parallel_loop3A_1401 {add = true, strides = array<i32>} : memref<128x128xf32, #tpu.memory_space<vmem>>, vector<1x16xf32>,
      %parallel_loop3A_1402 = arith.index_cast %parallel_loop3A_1366 : i32 to index
      %parallel_loop3A_1403 = arith.constant 112 : index
      %parallel_loop3A_1404 = tpu.vector_load %arg9[%parallel_loop3A_1402, %parallel_loop3A_1403] {strides = array<i32>} : memref<128x128xf32, #tpu.memory_space<vmem>>, vector<1x16xf32>,
      %parallel_loop3A_1405 = vector.shape_cast %parallel_loop3A_1404 : vector<1x16xf32> to vector<16xf32>
      %parallel_loop3A_1406 = vector.shape_cast %get3A_66 : vector<16xf32> to vector<1x16xf32>
      tpu.vector_store %arg9[%parallel_loop3A_1402, %parallel_loop3A_1403], %parallel_loop3A_1406 {add = true, strides = array<i32>} : memref<128x128xf32, #tpu.memory_space<vmem>>, vector<1x16xf32>,
    } {sc.loop_unroll_factor = 4 : i64, sc.parallel_access}
    %dma_start3A_142 = arith.constant 0 : i32
    %dma_start3A_143 = arith.constant 0 : i32
    %dma_start3A_144 = tpu.memref_slice %arg5[%dma_start3A_142, %dma_start3A_143] : memref<819200x128xf32, #tpu.memory_space<hbm>> -> memref<819200x128xf32, #tpu.memory_space<hbm>>
    tpu.enqueue_indirect_dma source(%arg9 : memref<128x128xf32, #tpu.memory_space<vmem>>) target(%dma_start3A_144 : memref<819200x128xf32, #tpu.memory_space<hbm>>) offsets(%arg14 : memref<128xi32, #tpu.memory_space<vmem>>) semaphore(%arg24 : memref<!tpu.dma_semaphore, #tpu.memory_space<semaphore_mem>>)
    %dma_start3A_145 = arith.constant 384 : i32
    %dma_start3A_146 = tpu.memref_slice %arg6[%dma_start3A_145] : memref<25600xi32, #tpu.memory_space<vmem>> -> memref<128xi32, #tpu.memory_space<vmem>>
    %dma_start3A_147 = arith.constant 0 : i32
    %dma_start3A_148 = arith.constant 0 : i32
    %dma_start3A_149 = tpu.memref_slice %arg8[%dma_start3A_147, %dma_start3A_148] : memref<1024x128xf32, #tpu.memory_space<vmem_shared>> -> memref<1024x128xf32, #tpu.memory_space<vmem_shared>>
    tpu.enqueue_indirect_dma source(%dma_start3A_149 : memref<1024x128xf32, #tpu.memory_space<vmem_shared>>) target(%arg12 : memref<128x128xf32, #tpu.memory_space<vmem>>) offsets(%dma_start3A_146 : memref<128xi32, #tpu.memory_space<vmem>>) semaphore(%arg22 : memref<!tpu.dma_semaphore, #tpu.memory_space<semaphore_mem>>)
    %add3A_150 = arith.constant 128 : i32
    %add3A_151 = arith.addi %mul3A_2, %add3A_150 : i32
    %shift_right_arithmetic3A_152 = arith.constant 12 : i32
    %shift_right_arithmetic3A_153 = arith.shrsi %add3A_151, %shift_right_arithmetic3A_152 : i32
    %and3A_154 = arith.constant 4095 : i32
    %and3A_155 = arith.andi %add3A_151, %and3A_154 : i32
    %sub3A_156 = arith.subi %shift_right_arithmetic3A_153, %multiple_of3A : i32
    %get3A_157 = arith.index_cast %sub3A_156 : i32 to index
    %get3A_158 = arith.constant 0 : index
    %get3A_159 = tpu.vector_load %arg7[%get3A_157, %get3A_158] {strides = array<i32>} : memref<16x128xf32, #tpu.memory_space<vmem>>, vector<1x16xf32>,
    %get3A_160 = vector.shape_cast %get3A_159 : vector<1x16xf32> to vector<16xf32>
    %sub3A_161 = arith.subi %shift_right_arithmetic3A_153, %multiple_of3A : i32
    %get3A_162 = arith.index_cast %sub3A_161 : i32 to index
    %get3A_163 = arith.constant 16 : index
    %get3A_164 = tpu.vector_load %arg7[%get3A_162, %get3A_163] {strides = array<i32>} : memref<16x128xf32, #tpu.memory_space<vmem>>, vector<1x16xf32>,
    %get3A_165 = vector.shape_cast %get3A_164 : vector<1x16xf32> to vector<16xf32>
    %sub3A_166 = arith.subi %shift_right_arithmetic3A_153, %multiple_of3A : i32
    %get3A_167 = arith.index_cast %sub3A_166 : i32 to index
    %get3A_168 = arith.constant 32 : index
    %get3A_169 = tpu.vector_load %arg7[%get3A_167, %get3A_168] {strides = array<i32>} : memref<16x128xf32, #tpu.memory_space<vmem>>, vector<1x16xf32>,
    %get3A_170 = vector.shape_cast %get3A_169 : vector<1x16xf32> to vector<16xf32>
    %sub3A_171 = arith.subi %shift_right_arithmetic3A_153, %multiple_of3A : i32
    %get3A_172 = arith.index_cast %sub3A_171 : i32 to index
    %get3A_173 = arith.constant 48 : index
    %get3A_174 = tpu.vector_load %arg7[%get3A_172, %get3A_173] {strides = array<i32>} : memref<16x128xf32, #tpu.memory_space<vmem>>, vector<1x16xf32>,
    %get3A_175 = vector.shape_cast %get3A_174 : vector<1x16xf32> to vector<16xf32>
    %sub3A_176 = arith.subi %shift_right_arithmetic3A_153, %multiple_of3A : i32
    %get3A_177 = arith.index_cast %sub3A_176 : i32 to index
    %get3A_178 = arith.constant 64 : index
    %get3A_179 = tpu.vector_load %arg7[%get3A_177, %get3A_178] {strides = array<i32>} : memref<16x128xf32, #tpu.memory_space<vmem>>, vector<1x16xf32>,
    %get3A_180 = vector.shape_cast %get3A_179 : vector<1x16xf32> to vector<16xf32>
    %sub3A_181 = arith.subi %shift_right_arithmetic3A_153, %multiple_of3A : i32
    %get3A_182 = arith.index_cast %sub3A_181 : i32 to index
    %get3A_183 = arith.constant 80 : index
    %get3A_184 = tpu.vector_load %arg7[%get3A_182, %get3A_183] {strides = array<i32>} : memref<16x128xf32, #tpu.memory_space<vmem>>, vector<1x16xf32>,
    %get3A_185 = vector.shape_cast %get3A_184 : vector<1x16xf32> to vector<16xf32>
    %sub3A_186 = arith.subi %shift_right_arithmetic3A_153, %multiple_of3A : i32
    %get3A_187 = arith.index_cast %sub3A_186 : i32 to index
    %get3A_188 = arith.constant 96 : index
    %get3A_189 = tpu.vector_load %arg7[%get3A_187, %get3A_188] {strides = array<i32>} : memref<16x128xf32, #tpu.memory_space<vmem>>, vector<1x16xf32>,
    %get3A_190 = vector.shape_cast %get3A_189 : vector<1x16xf32> to vector<16xf32>
    %sub3A_191 = arith.subi %shift_right_arithmetic3A_153, %multiple_of3A : i32
    %get3A_192 = arith.index_cast %sub3A_191 : i32 to index
    %get3A_193 = arith.constant 112 : index
    %get3A_194 = tpu.vector_load %arg7[%get3A_192, %get3A_193] {strides = array<i32>} : memref<16x128xf32, #tpu.memory_space<vmem>>, vector<1x16xf32>,
    %get3A_195 = vector.shape_cast %get3A_194 : vector<1x16xf32> to vector<16xf32>
    %iota3A_196 = tpu.iota {dimensions = array<i32: 0>} : vector<16xi32>
    %mul3A_197 = arith.constant 200 : i32
    %mul3A_198 = vector.broadcast %mul3A_197 : i32 to vector<16xi32>
    %mul3A_199 = arith.muli %iota3A_196, %mul3A_198 : vector<16xi32>
    %mul3A_200 = arith.constant 200 : i32
    %mul3A_201 = arith.muli %and3A_155, %mul3A_200 : i32
    %add3A_202 = arith.addi %mul3A_201, %shift_right_arithmetic3A_153 : i32
    %add3A_203 = arith.constant 0 : i32
    %add3A_204 = arith.addi %add3A_202, %add3A_203 : i32
    %add3A_205 = vector.broadcast %add3A_204 : i32 to vector<16xi32>
    %add3A_206 = arith.addi %mul3A_199, %add3A_205 : vector<16xi32>
    %swap3A_207 = arith.constant 0 : index
    %swap3A_208 = tpu.vector_load %arg15[%swap3A_207] {strides = array<i32>} : memref<128xi32, #tpu.memory_space<vmem>>, vector<16xi32>,
    %swap3A_209 = vector.shape_cast %swap3A_208 : vector<16xi32> to vector<16xi32>
    %swap3A_210 = vector.shape_cast %add3A_206 : vector<16xi32> to vector<16xi32>
    tpu.vector_store %arg15[%swap3A_207], %swap3A_210 {strides = array<i32>} : memref<128xi32, #tpu.memory_space<vmem>>, vector<16xi32>,
    %add3A_211 = arith.constant 3200 : i32
    %add3A_212 = arith.addi %add3A_202, %add3A_211 : i32
    %add3A_213 = vector.broadcast %add3A_212 : i32 to vector<16xi32>
    %add3A_214 = arith.addi %mul3A_199, %add3A_213 : vector<16xi32>
    %swap3A_215 = arith.constant 16 : index
    %swap3A_216 = tpu.vector_load %arg15[%swap3A_215] {strides = array<i32>} : memref<128xi32, #tpu.memory_space<vmem>>, vector<16xi32>,
    %swap3A_217 = vector.shape_cast %swap3A_216 : vector<16xi32> to vector<16xi32>
    %swap3A_218 = vector.shape_cast %add3A_214 : vector<16xi32> to vector<16xi32>
    tpu.vector_store %arg15[%swap3A_215], %swap3A_218 {strides = array<i32>} : memref<128xi32, #tpu.memory_space<vmem>>, vector<16xi32>,
    %add3A_219 = arith.constant 6400 : i32
    %add3A_220 = arith.addi %add3A_202, %add3A_219 : i32
    %add3A_221 = vector.broadcast %add3A_220 : i32 to vector<16xi32>
    %add3A_222 = arith.addi %mul3A_199, %add3A_221 : vector<16xi32>
    %swap3A_223 = arith.constant 32 : index
    %swap3A_224 = tpu.vector_load %arg15[%swap3A_223] {strides = array<i32>} : memref<128xi32, #tpu.memory_space<vmem>>, vector<16xi32>,
    %swap3A_225 = vector.shape_cast %swap3A_224 : vector<16xi32> to vector<16xi32>
    %swap3A_226 = vector.shape_cast %add3A_222 : vector<16xi32> to vector<16xi32>
    tpu.vector_store %arg15[%swap3A_223], %swap3A_226 {strides = array<i32>} : memref<128xi32, #tpu.memory_space<vmem>>, vector<16xi32>,
    %add3A_227 = arith.constant 9600 : i32
    %add3A_228 = arith.addi %add3A_202, %add3A_227 : i32
    %add3A_229 = vector.broadcast %add3A_228 : i32 to vector<16xi32>
    %add3A_230 = arith.addi %mul3A_199, %add3A_229 : vector<16xi32>
    %swap3A_231 = arith.constant 48 : index
    %swap3A_232 = tpu.vector_load %arg15[%swap3A_231] {strides = array<i32>} : memref<128xi32, #tpu.memory_space<vmem>>, vector<16xi32>,
    %swap3A_233 = vector.shape_cast %swap3A_232 : vector<16xi32> to vector<16xi32>
    %swap3A_234 = vector.shape_cast %add3A_230 : vector<16xi32> to vector<16xi32>
    tpu.vector_store %arg15[%swap3A_231], %swap3A_234 {strides = array<i32>} : memref<128xi32, #tpu.memory_space<vmem>>, vector<16xi32>,
    %add3A_235 = arith.constant 12800 : i32
    %add3A_236 = arith.addi %add3A_202, %add3A_235 : i32
    %add3A_237 = vector.broadcast %add3A_236 : i32 to vector<16xi32>
    %add3A_238 = arith.addi %mul3A_199, %add3A_237 : vector<16xi32>
    %swap3A_239 = arith.constant 64 : index
    %swap3A_240 = tpu.vector_load %arg15[%swap3A_239] {strides = array<i32>} : memref<128xi32, #tpu.memory_space<vmem>>, vector<16xi32>,
    %swap3A_241 = vector.shape_cast %swap3A_240 : vector<16xi32> to vector<16xi32>
    %swap3A_242 = vector.shape_cast %add3A_238 : vector<16xi32> to vector<16xi32>
    tpu.vector_store %arg15[%swap3A_239], %swap3A_242 {strides = array<i32>} : memref<128xi32, #tpu.memory_space<vmem>>, vector<16xi32>,
    %add3A_243 = arith.constant 16000 : i32
    %add3A_244 = arith.addi %add3A_202, %add3A_243 : i32
    %add3A_245 = vector.broadcast %add3A_244 : i32 to vector<16xi32>
    %add3A_246 = arith.addi %mul3A_199, %add3A_245 : vector<16xi32>
    %swap3A_247 = arith.constant 80 : index
    %swap3A_248 = tpu.vector_load %arg15[%swap3A_247] {strides = array<i32>} : memref<128xi32, #tpu.memory_space<vmem>>, vector<16xi32>,
    %swap3A_249 = vector.shape_cast %swap3A_248 : vector<16xi32> to vector<16xi32>
    %swap3A_250 = vector.shape_cast %add3A_246 : vector<16xi32> to vector<16xi32>
    tpu.vector_store %arg15[%swap3A_247], %swap3A_250 {strides = array<i32>} : memref<128xi32, #tpu.memory_space<vmem>>, vector<16xi32>,
    %add3A_251 = arith.constant 19200 : i32
    %add3A_252 = arith.addi %add3A_202, %add3A_251 : i32
    %add3A_253 = vector.broadcast %add3A_252 : i32 to vector<16xi32>
    %add3A_254 = arith.addi %mul3A_199, %add3A_253 : vector<16xi32>
    %swap3A_255 = arith.constant 96 : index
    %swap3A_256 = tpu.vector_load %arg15[%swap3A_255] {strides = array<i32>} : memref<128xi32, #tpu.memory_space<vmem>>, vector<16xi32>,
    %swap3A_257 = vector.shape_cast %swap3A_256 : vector<16xi32> to vector<16xi32>
    %swap3A_258 = vector.shape_cast %add3A_254 : vector<16xi32> to vector<16xi32>
    tpu.vector_store %arg15[%swap3A_255], %swap3A_258 {strides = array<i32>} : memref<128xi32, #tpu.memory_space<vmem>>, vector<16xi32>,
    %add3A_259 = arith.constant 22400 : i32
    %add3A_260 = arith.addi %add3A_202, %add3A_259 : i32
    %add3A_261 = vector.broadcast %add3A_260 : i32 to vector<16xi32>
    %add3A_262 = arith.addi %mul3A_199, %add3A_261 : vector<16xi32>
    %swap3A_263 = arith.constant 112 : index
    %swap3A_264 = tpu.vector_load %arg15[%swap3A_263] {strides = array<i32>} : memref<128xi32, #tpu.memory_space<vmem>>, vector<16xi32>,
    %swap3A_265 = vector.shape_cast %swap3A_264 : vector<16xi32> to vector<16xi32>
    %swap3A_266 = vector.shape_cast %add3A_262 : vector<16xi32> to vector<16xi32>
    tpu.vector_store %arg15[%swap3A_263], %swap3A_266 {strides = array<i32>} : memref<128xi32, #tpu.memory_space<vmem>>, vector<16xi32>,
    %dma_wait3A_267 = arith.constant 0 : i32
    %dma_wait3A_268 = tpu.memref_slice %arg6[%dma_wait3A_267] : memref<25600xi32, #tpu.memory_space<vmem>> -> memref<128xi32, #tpu.memory_space<vmem>>
    %dma_wait3A_269 = arith.constant 0 : i32
    %dma_wait3A_270 = arith.constant 0 : i32
    %dma_wait3A_271 = tpu.memref_slice %arg8[%dma_wait3A_269, %dma_wait3A_270] : memref<1024x128xf32, #tpu.memory_space<vmem_shared>> -> memref<1024x128xf32, #tpu.memory_space<vmem_shared>>
    tpu.wait_indirect_dma semaphore(%arg20 : memref<!tpu.dma_semaphore, #tpu.memory_space<semaphore_mem>>) src(%dma_wait3A_271 : memref<1024x128xf32, #tpu.memory_space<vmem_shared>>) dst(%arg10 : memref<128x128xf32, #tpu.memory_space<vmem>>)
    %parallel_loop3A_272 = arith.constant 0 : i32
    %parallel_loop3A_273 = arith.constant 128 : i32
    %parallel_loop3A_274 = arith.constant 1 : i32
    scf.for %parallel_loop3A_1366 = %parallel_loop3A_272 to %parallel_loop3A_273 step %parallel_loop3A_274  : i32 {
      %parallel_loop3A_1367 = arith.index_cast %parallel_loop3A_1366 : i32 to index
      %parallel_loop3A_1368 = arith.constant 0 : index
      %parallel_loop3A_1369 = tpu.vector_load %arg10[%parallel_loop3A_1367, %parallel_loop3A_1368] {strides = array<i32>} : memref<128x128xf32, #tpu.memory_space<vmem>>, vector<1x16xf32>,
      %parallel_loop3A_1370 = vector.shape_cast %parallel_loop3A_1369 : vector<1x16xf32> to vector<16xf32>
      %parallel_loop3A_1371 = vector.shape_cast %get3A_160 : vector<16xf32> to vector<1x16xf32>
      tpu.vector_store %arg10[%parallel_loop3A_1367, %parallel_loop3A_1368], %parallel_loop3A_1371 {add = true, strides = array<i32>} : memref<128x128xf32, #tpu.memory_space<vmem>>, vector<1x16xf32>,
      %parallel_loop3A_1372 = arith.index_cast %parallel_loop3A_1366 : i32 to index
      %parallel_loop3A_1373 = arith.constant 16 : index
      %parallel_loop3A_1374 = tpu.vector_load %arg10[%parallel_loop3A_1372, %parallel_loop3A_1373] {strides = array<i32>} : memref<128x128xf32, #tpu.memory_space<vmem>>, vector<1x16xf32>,
      %parallel_loop3A_1375 = vector.shape_cast %parallel_loop3A_1374 : vector<1x16xf32> to vector<16xf32>
      %parallel_loop3A_1376 = vector.shape_cast %get3A_165 : vector<16xf32> to vector<1x16xf32>
      tpu.vector_store %arg10[%parallel_loop3A_1372, %parallel_loop3A_1373], %parallel_loop3A_1376 {add = true, strides = array<i32>} : memref<128x128xf32, #tpu.memory_space<vmem>>, vector<1x16xf32>,
      %parallel_loop3A_1377 = arith.index_cast %parallel_loop3A_1366 : i32 to index
      %parallel_loop3A_1378 = arith.constant 32 : index
      %parallel_loop3A_1379 = tpu.vector_load %arg10[%parallel_loop3A_1377, %parallel_loop3A_1378] {strides = array<i32>} : memref<128x128xf32, #tpu.memory_space<vmem>>, vector<1x16xf32>,
      %parallel_loop3A_1380 = vector.shape_cast %parallel_loop3A_1379 : vector<1x16xf32> to vector<16xf32>
      %parallel_loop3A_1381 = vector.shape_cast %get3A_170 : vector<16xf32> to vector<1x16xf32>
      tpu.vector_store %arg10[%parallel_loop3A_1377, %parallel_loop3A_1378], %parallel_loop3A_1381 {add = true, strides = array<i32>} : memref<128x128xf32, #tpu.memory_space<vmem>>, vector<1x16xf32>,
      %parallel_loop3A_1382 = arith.index_cast %parallel_loop3A_1366 : i32 to index
      %parallel_loop3A_1383 = arith.constant 48 : index
      %parallel_loop3A_1384 = tpu.vector_load %arg10[%parallel_loop3A_1382, %parallel_loop3A_1383] {strides = array<i32>} : memref<128x128xf32, #tpu.memory_space<vmem>>, vector<1x16xf32>,
      %parallel_loop3A_1385 = vector.shape_cast %parallel_loop3A_1384 : vector<1x16xf32> to vector<16xf32>
      %parallel_loop3A_1386 = vector.shape_cast %get3A_175 : vector<16xf32> to vector<1x16xf32>
      tpu.vector_store %arg10[%parallel_loop3A_1382, %parallel_loop3A_1383], %parallel_loop3A_1386 {add = true, strides = array<i32>} : memref<128x128xf32, #tpu.memory_space<vmem>>, vector<1x16xf32>,
      %parallel_loop3A_1387 = arith.index_cast %parallel_loop3A_1366 : i32 to index
      %parallel_loop3A_1388 = arith.constant 64 : index
      %parallel_loop3A_1389 = tpu.vector_load %arg10[%parallel_loop3A_1387, %parallel_loop3A_1388] {strides = array<i32>} : memref<128x128xf32, #tpu.memory_space<vmem>>, vector<1x16xf32>,
      %parallel_loop3A_1390 = vector.shape_cast %parallel_loop3A_1389 : vector<1x16xf32> to vector<16xf32>
      %parallel_loop3A_1391 = vector.shape_cast %get3A_180 : vector<16xf32> to vector<1x16xf32>
      tpu.vector_store %arg10[%parallel_loop3A_1387, %parallel_loop3A_1388], %parallel_loop3A_1391 {add = true, strides = array<i32>} : memref<128x128xf32, #tpu.memory_space<vmem>>, vector<1x16xf32>,
      %parallel_loop3A_1392 = arith.index_cast %parallel_loop3A_1366 : i32 to index
      %parallel_loop3A_1393 = arith.constant 80 : index
      %parallel_loop3A_1394 = tpu.vector_load %arg10[%parallel_loop3A_1392, %parallel_loop3A_1393] {strides = array<i32>} : memref<128x128xf32, #tpu.memory_space<vmem>>, vector<1x16xf32>,
      %parallel_loop3A_1395 = vector.shape_cast %parallel_loop3A_1394 : vector<1x16xf32> to vector<16xf32>
      %parallel_loop3A_1396 = vector.shape_cast %get3A_185 : vector<16xf32> to vector<1x16xf32>
      tpu.vector_store %arg10[%parallel_loop3A_1392, %parallel_loop3A_1393], %parallel_loop3A_1396 {add = true, strides = array<i32>} : memref<128x128xf32, #tpu.memory_space<vmem>>, vector<1x16xf32>,
      %parallel_loop3A_1397 = arith.index_cast %parallel_loop3A_1366 : i32 to index
      %parallel_loop3A_1398 = arith.constant 96 : index
      %parallel_loop3A_1399 = tpu.vector_load %arg10[%parallel_loop3A_1397, %parallel_loop3A_1398] {strides = array<i32>} : memref<128x128xf32, #tpu.memory_space<vmem>>, vector<1x16xf32>,
      %parallel_loop3A_1400 = vector.shape_cast %parallel_loop3A_1399 : vector<1x16xf32> to vector<16xf32>
      %parallel_loop3A_1401 = vector.shape_cast %get3A_190 : vector<16xf32> to vector<1x16xf32>
      tpu.vector_store %arg10[%parallel_loop3A_1397, %parallel_loop3A_1398], %parallel_loop3A_1401 {add = true, strides = array<i32>} : memref<128x128xf32, #tpu.memory_space<vmem>>, vector<1x16xf32>,
      %parallel_loop3A_1402 = arith.index_cast %parallel_loop3A_1366 : i32 to index
      %parallel_loop3A_1403 = arith.constant 112 : index
      %parallel_loop3A_1404 = tpu.vector_load %arg10[%parallel_loop3A_1402, %parallel_loop3A_1403] {strides = array<i32>} : memref<128x128xf32, #tpu.memory_space<vmem>>, vector<1x16xf32>,
      %parallel_loop3A_1405 = vector.shape_cast %parallel_loop3A_1404 : vector<1x16xf32> to vector<16xf32>
      %parallel_loop3A_1406 = vector.shape_cast %get3A_195 : vector<16xf32> to vector<1x16xf32>
      tpu.vector_store %arg10[%parallel_loop3A_1402, %parallel_loop3A_1403], %parallel_loop3A_1406 {add = true, strides = array<i32>} : memref<128x128xf32, #tpu.memory_space<vmem>>, vector<1x16xf32>,
    } {sc.loop_unroll_factor = 4 : i64, sc.parallel_access}
    %dma_start3A_275 = arith.constant 0 : i32
    %dma_start3A_276 = arith.constant 0 : i32
    %dma_start3A_277 = tpu.memref_slice %arg5[%dma_start3A_275, %dma_start3A_276] : memref<819200x128xf32, #tpu.memory_space<hbm>> -> memref<819200x128xf32, #tpu.memory_space<hbm>>
    tpu.enqueue_indirect_dma source(%arg10 : memref<128x128xf32, #tpu.memory_space<vmem>>) target(%dma_start3A_277 : memref<819200x128xf32, #tpu.memory_space<hbm>>) offsets(%arg15 : memref<128xi32, #tpu.memory_space<vmem>>) semaphore(%arg25 : memref<!tpu.dma_semaphore, #tpu.memory_space<semaphore_mem>>)
    %dma_start3A_278 = arith.constant 512 : i32
    %dma_start3A_279 = tpu.memref_slice %arg6[%dma_start3A_278] : memref<25600xi32, #tpu.memory_space<vmem>> -> memref<128xi32, #tpu.memory_space<vmem>>
    %dma_start3A_280 = arith.constant 0 : i32
    %dma_start3A_281 = arith.constant 0 : i32
    %dma_start3A_282 = tpu.memref_slice %arg8[%dma_start3A_280, %dma_start3A_281] : memref<1024x128xf32, #tpu.memory_space<vmem_shared>> -> memref<1024x128xf32, #tpu.memory_space<vmem_shared>>
    tpu.enqueue_indirect_dma source(%dma_start3A_282 : memref<1024x128xf32, #tpu.memory_space<vmem_shared>>) target(%arg13 : memref<128x128xf32, #tpu.memory_space<vmem>>) offsets(%dma_start3A_279 : memref<128xi32, #tpu.memory_space<vmem>>) semaphore(%arg23 : memref<!tpu.dma_semaphore, #tpu.memory_space<semaphore_mem>>)
    %add3A_283 = arith.constant 256 : i32
    %add3A_284 = arith.addi %mul3A_2, %add3A_283 : i32
    %shift_right_arithmetic3A_285 = arith.constant 12 : i32
    %shift_right_arithmetic3A_286 = arith.shrsi %add3A_284, %shift_right_arithmetic3A_285 : i32
    %and3A_287 = arith.constant 4095 : i32
    %and3A_288 = arith.andi %add3A_284, %and3A_287 : i32
    %sub3A_289 = arith.subi %shift_right_arithmetic3A_286, %multiple_of3A : i32
    %get3A_290 = arith.index_cast %sub3A_289 : i32 to index
    %get3A_291 = arith.constant 0 : index
    %get3A_292 = tpu.vector_load %arg7[%get3A_290, %get3A_291] {strides = array<i32>} : memref<16x128xf32, #tpu.memory_space<vmem>>, vector<1x16xf32>,
    %get3A_293 = vector.shape_cast %get3A_292 : vector<1x16xf32> to vector<16xf32>
    %sub3A_294 = arith.subi %shift_right_arithmetic3A_286, %multiple_of3A : i32
    %get3A_295 = arith.index_cast %sub3A_294 : i32 to index
    %get3A_296 = arith.constant 16 : index
    %get3A_297 = tpu.vector_load %arg7[%get3A_295, %get3A_296] {strides = array<i32>} : memref<16x128xf32, #tpu.memory_space<vmem>>, vector<1x16xf32>,
    %get3A_298 = vector.shape_cast %get3A_297 : vector<1x16xf32> to vector<16xf32>
    %sub3A_299 = arith.subi %shift_right_arithmetic3A_286, %multiple_of3A : i32
    %get3A_300 = arith.index_cast %sub3A_299 : i32 to index
    %get3A_301 = arith.constant 32 : index
    %get3A_302 = tpu.vector_load %arg7[%get3A_300, %get3A_301] {strides = array<i32>} : memref<16x128xf32, #tpu.memory_space<vmem>>, vector<1x16xf32>,
    %get3A_303 = vector.shape_cast %get3A_302 : vector<1x16xf32> to vector<16xf32>
    %sub3A_304 = arith.subi %shift_right_arithmetic3A_286, %multiple_of3A : i32
    %get3A_305 = arith.index_cast %sub3A_304 : i32 to index
    %get3A_306 = arith.constant 48 : index
    %get3A_307 = tpu.vector_load %arg7[%get3A_305, %get3A_306] {strides = array<i32>} : memref<16x128xf32, #tpu.memory_space<vmem>>, vector<1x16xf32>,
    %get3A_308 = vector.shape_cast %get3A_307 : vector<1x16xf32> to vector<16xf32>
    %sub3A_309 = arith.subi %shift_right_arithmetic3A_286, %multiple_of3A : i32
    %get3A_310 = arith.index_cast %sub3A_309 : i32 to index
    %get3A_311 = arith.constant 64 : index
    %get3A_312 = tpu.vector_load %arg7[%get3A_310, %get3A_311] {strides = array<i32>} : memref<16x128xf32, #tpu.memory_space<vmem>>, vector<1x16xf32>,
    %get3A_313 = vector.shape_cast %get3A_312 : vector<1x16xf32> to vector<16xf32>
    %sub3A_314 = arith.subi %shift_right_arithmetic3A_286, %multiple_of3A : i32
    %get3A_315 = arith.index_cast %sub3A_314 : i32 to index
    %get3A_316 = arith.constant 80 : index
    %get3A_317 = tpu.vector_load %arg7[%get3A_315, %get3A_316] {strides = array<i32>} : memref<16x128xf32, #tpu.memory_space<vmem>>, vector<1x16xf32>,
    %get3A_318 = vector.shape_cast %get3A_317 : vector<1x16xf32> to vector<16xf32>
    %sub3A_319 = arith.subi %shift_right_arithmetic3A_286, %multiple_of3A : i32
    %get3A_320 = arith.index_cast %sub3A_319 : i32 to index
    %get3A_321 = arith.constant 96 : index
    %get3A_322 = tpu.vector_load %arg7[%get3A_320, %get3A_321] {strides = array<i32>} : memref<16x128xf32, #tpu.memory_space<vmem>>, vector<1x16xf32>,
    %get3A_323 = vector.shape_cast %get3A_322 : vector<1x16xf32> to vector<16xf32>
    %sub3A_324 = arith.subi %shift_right_arithmetic3A_286, %multiple_of3A : i32
    %get3A_325 = arith.index_cast %sub3A_324 : i32 to index
    %get3A_326 = arith.constant 112 : index
    %get3A_327 = tpu.vector_load %arg7[%get3A_325, %get3A_326] {strides = array<i32>} : memref<16x128xf32, #tpu.memory_space<vmem>>, vector<1x16xf32>,
    %get3A_328 = vector.shape_cast %get3A_327 : vector<1x16xf32> to vector<16xf32>
    %iota3A_329 = tpu.iota {dimensions = array<i32: 0>} : vector<16xi32>
    %mul3A_330 = arith.constant 200 : i32
    %mul3A_331 = vector.broadcast %mul3A_330 : i32 to vector<16xi32>
    %mul3A_332 = arith.muli %iota3A_329, %mul3A_331 : vector<16xi32>
    %mul3A_333 = arith.constant 200 : i32
    %mul3A_334 = arith.muli %and3A_288, %mul3A_333 : i32
    %add3A_335 = arith.addi %mul3A_334, %shift_right_arithmetic3A_286 : i32
    %add3A_336 = arith.constant 0 : i32
    %add3A_337 = arith.addi %add3A_335, %add3A_336 : i32
    %add3A_338 = vector.broadcast %add3A_337 : i32 to vector<16xi32>
    %add3A_339 = arith.addi %mul3A_332, %add3A_338 : vector<16xi32>
    %swap3A_340 = arith.constant 0 : index
    %swap3A_341 = tpu.vector_load %arg16[%swap3A_340] {strides = array<i32>} : memref<128xi32, #tpu.memory_space<vmem>>, vector<16xi32>,
    %swap3A_342 = vector.shape_cast %swap3A_341 : vector<16xi32> to vector<16xi32>
    %swap3A_343 = vector.shape_cast %add3A_339 : vector<16xi32> to vector<16xi32>
    tpu.vector_store %arg16[%swap3A_340], %swap3A_343 {strides = array<i32>} : memref<128xi32, #tpu.memory_space<vmem>>, vector<16xi32>,
    %add3A_344 = arith.constant 3200 : i32
    %add3A_345 = arith.addi %add3A_335, %add3A_344 : i32
    %add3A_346 = vector.broadcast %add3A_345 : i32 to vector<16xi32>
    %add3A_347 = arith.addi %mul3A_332, %add3A_346 : vector<16xi32>
    %swap3A_348 = arith.constant 16 : index
    %swap3A_349 = tpu.vector_load %arg16[%swap3A_348] {strides = array<i32>} : memref<128xi32, #tpu.memory_space<vmem>>, vector<16xi32>,
    %swap3A_350 = vector.shape_cast %swap3A_349 : vector<16xi32> to vector<16xi32>
    %swap3A_351 = vector.shape_cast %add3A_347 : vector<16xi32> to vector<16xi32>
    tpu.vector_store %arg16[%swap3A_348], %swap3A_351 {strides = array<i32>} : memref<128xi32, #tpu.memory_space<vmem>>, vector<16xi32>,
    %add3A_352 = arith.constant 6400 : i32
    %add3A_353 = arith.addi %add3A_335, %add3A_352 : i32
    %add3A_354 = vector.broadcast %add3A_353 : i32 to vector<16xi32>
    %add3A_355 = arith.addi %mul3A_332, %add3A_354 : vector<16xi32>
    %swap3A_356 = arith.constant 32 : index
    %swap3A_357 = tpu.vector_load %arg16[%swap3A_356] {strides = array<i32>} : memref<128xi32, #tpu.memory_space<vmem>>, vector<16xi32>,
    %swap3A_358 = vector.shape_cast %swap3A_357 : vector<16xi32> to vector<16xi32>
    %swap3A_359 = vector.shape_cast %add3A_355 : vector<16xi32> to vector<16xi32>
    tpu.vector_store %arg16[%swap3A_356], %swap3A_359 {strides = array<i32>} : memref<128xi32, #tpu.memory_space<vmem>>, vector<16xi32>,
    %add3A_360 = arith.constant 9600 : i32
    %add3A_361 = arith.addi %add3A_335, %add3A_360 : i32
    %add3A_362 = vector.broadcast %add3A_361 : i32 to vector<16xi32>
    %add3A_363 = arith.addi %mul3A_332, %add3A_362 : vector<16xi32>
    %swap3A_364 = arith.constant 48 : index
    %swap3A_365 = tpu.vector_load %arg16[%swap3A_364] {strides = array<i32>} : memref<128xi32, #tpu.memory_space<vmem>>, vector<16xi32>,
    %swap3A_366 = vector.shape_cast %swap3A_365 : vector<16xi32> to vector<16xi32>
    %swap3A_367 = vector.shape_cast %add3A_363 : vector<16xi32> to vector<16xi32>
    tpu.vector_store %arg16[%swap3A_364], %swap3A_367 {strides = array<i32>} : memref<128xi32, #tpu.memory_space<vmem>>, vector<16xi32>,
    %add3A_368 = arith.constant 12800 : i32
    %add3A_369 = arith.addi %add3A_335, %add3A_368 : i32
    %add3A_370 = vector.broadcast %add3A_369 : i32 to vector<16xi32>
    %add3A_371 = arith.addi %mul3A_332, %add3A_370 : vector<16xi32>
    %swap3A_372 = arith.constant 64 : index
    %swap3A_373 = tpu.vector_load %arg16[%swap3A_372] {strides = array<i32>} : memref<128xi32, #tpu.memory_space<vmem>>, vector<16xi32>,
    %swap3A_374 = vector.shape_cast %swap3A_373 : vector<16xi32> to vector<16xi32>
    %swap3A_375 = vector.shape_cast %add3A_371 : vector<16xi32> to vector<16xi32>
    tpu.vector_store %arg16[%swap3A_372], %swap3A_375 {strides = array<i32>} : memref<128xi32, #tpu.memory_space<vmem>>, vector<16xi32>,
    %add3A_376 = arith.constant 16000 : i32
    %add3A_377 = arith.addi %add3A_335, %add3A_376 : i32
    %add3A_378 = vector.broadcast %add3A_377 : i32 to vector<16xi32>
    %add3A_379 = arith.addi %mul3A_332, %add3A_378 : vector<16xi32>
    %swap3A_380 = arith.constant 80 : index
    %swap3A_381 = tpu.vector_load %arg16[%swap3A_380] {strides = array<i32>} : memref<128xi32, #tpu.memory_space<vmem>>, vector<16xi32>,
    %swap3A_382 = vector.shape_cast %swap3A_381 : vector<16xi32> to vector<16xi32>
    %swap3A_383 = vector.shape_cast %add3A_379 : vector<16xi32> to vector<16xi32>
    tpu.vector_store %arg16[%swap3A_380], %swap3A_383 {strides = array<i32>} : memref<128xi32, #tpu.memory_space<vmem>>, vector<16xi32>,
    %add3A_384 = arith.constant 19200 : i32
    %add3A_385 = arith.addi %add3A_335, %add3A_384 : i32
    %add3A_386 = vector.broadcast %add3A_385 : i32 to vector<16xi32>
    %add3A_387 = arith.addi %mul3A_332, %add3A_386 : vector<16xi32>
    %swap3A_388 = arith.constant 96 : index
    %swap3A_389 = tpu.vector_load %arg16[%swap3A_388] {strides = array<i32>} : memref<128xi32, #tpu.memory_space<vmem>>, vector<16xi32>,
    %swap3A_390 = vector.shape_cast %swap3A_389 : vector<16xi32> to vector<16xi32>
    %swap3A_391 = vector.shape_cast %add3A_387 : vector<16xi32> to vector<16xi32>
    tpu.vector_store %arg16[%swap3A_388], %swap3A_391 {strides = array<i32>} : memref<128xi32, #tpu.memory_space<vmem>>, vector<16xi32>,
    %add3A_392 = arith.constant 22400 : i32
    %add3A_393 = arith.addi %add3A_335, %add3A_392 : i32
    %add3A_394 = vector.broadcast %add3A_393 : i32 to vector<16xi32>
    %add3A_395 = arith.addi %mul3A_332, %add3A_394 : vector<16xi32>
    %swap3A_396 = arith.constant 112 : index
    %swap3A_397 = tpu.vector_load %arg16[%swap3A_396] {strides = array<i32>} : memref<128xi32, #tpu.memory_space<vmem>>, vector<16xi32>,
    %swap3A_398 = vector.shape_cast %swap3A_397 : vector<16xi32> to vector<16xi32>
    %swap3A_399 = vector.shape_cast %add3A_395 : vector<16xi32> to vector<16xi32>
    tpu.vector_store %arg16[%swap3A_396], %swap3A_399 {strides = array<i32>} : memref<128xi32, #tpu.memory_space<vmem>>, vector<16xi32>,
    %dma_wait3A_400 = arith.constant 0 : i32
    %dma_wait3A_401 = tpu.memref_slice %arg6[%dma_wait3A_400] : memref<25600xi32, #tpu.memory_space<vmem>> -> memref<128xi32, #tpu.memory_space<vmem>>
    %dma_wait3A_402 = arith.constant 0 : i32
    %dma_wait3A_403 = arith.constant 0 : i32
    %dma_wait3A_404 = tpu.memref_slice %arg8[%dma_wait3A_402, %dma_wait3A_403] : memref<1024x128xf32, #tpu.memory_space<vmem_shared>> -> memref<1024x128xf32, #tpu.memory_space<vmem_shared>>
    tpu.wait_indirect_dma semaphore(%arg21 : memref<!tpu.dma_semaphore, #tpu.memory_space<semaphore_mem>>) src(%dma_wait3A_404 : memref<1024x128xf32, #tpu.memory_space<vmem_shared>>) dst(%arg11 : memref<128x128xf32, #tpu.memory_space<vmem>>)
    %parallel_loop3A_405 = arith.constant 0 : i32
    %parallel_loop3A_406 = arith.constant 128 : i32
    %parallel_loop3A_407 = arith.constant 1 : i32
    scf.for %parallel_loop3A_1366 = %parallel_loop3A_405 to %parallel_loop3A_406 step %parallel_loop3A_407  : i32 {
      %parallel_loop3A_1367 = arith.index_cast %parallel_loop3A_1366 : i32 to index
      %parallel_loop3A_1368 = arith.constant 0 : index
      %parallel_loop3A_1369 = tpu.vector_load %arg11[%parallel_loop3A_1367, %parallel_loop3A_1368] {strides = array<i32>} : memref<128x128xf32, #tpu.memory_space<vmem>>, vector<1x16xf32>,
      %parallel_loop3A_1370 = vector.shape_cast %parallel_loop3A_1369 : vector<1x16xf32> to vector<16xf32>
      %parallel_loop3A_1371 = vector.shape_cast %get3A_293 : vector<16xf32> to vector<1x16xf32>
      tpu.vector_store %arg11[%parallel_loop3A_1367, %parallel_loop3A_1368], %parallel_loop3A_1371 {add = true, strides = array<i32>} : memref<128x128xf32, #tpu.memory_space<vmem>>, vector<1x16xf32>,
      %parallel_loop3A_1372 = arith.index_cast %parallel_loop3A_1366 : i32 to index
      %parallel_loop3A_1373 = arith.constant 16 : index
      %parallel_loop3A_1374 = tpu.vector_load %arg11[%parallel_loop3A_1372, %parallel_loop3A_1373] {strides = array<i32>} : memref<128x128xf32, #tpu.memory_space<vmem>>, vector<1x16xf32>,
      %parallel_loop3A_1375 = vector.shape_cast %parallel_loop3A_1374 : vector<1x16xf32> to vector<16xf32>
      %parallel_loop3A_1376 = vector.shape_cast %get3A_298 : vector<16xf32> to vector<1x16xf32>
      tpu.vector_store %arg11[%parallel_loop3A_1372, %parallel_loop3A_1373], %parallel_loop3A_1376 {add = true, strides = array<i32>} : memref<128x128xf32, #tpu.memory_space<vmem>>, vector<1x16xf32>,
      %parallel_loop3A_1377 = arith.index_cast %parallel_loop3A_1366 : i32 to index
      %parallel_loop3A_1378 = arith.constant 32 : index
      %parallel_loop3A_1379 = tpu.vector_load %arg11[%parallel_loop3A_1377, %parallel_loop3A_1378] {strides = array<i32>} : memref<128x128xf32, #tpu.memory_space<vmem>>, vector<1x16xf32>,
      %parallel_loop3A_1380 = vector.shape_cast %parallel_loop3A_1379 : vector<1x16xf32> to vector<16xf32>
      %parallel_loop3A_1381 = vector.shape_cast %get3A_303 : vector<16xf32> to vector<1x16xf32>
      tpu.vector_store %arg11[%parallel_loop3A_1377, %parallel_loop3A_1378], %parallel_loop3A_1381 {add = true, strides = array<i32>} : memref<128x128xf32, #tpu.memory_space<vmem>>, vector<1x16xf32>,
      %parallel_loop3A_1382 = arith.index_cast %parallel_loop3A_1366 : i32 to index
      %parallel_loop3A_1383 = arith.constant 48 : index
      %parallel_loop3A_1384 = tpu.vector_load %arg11[%parallel_loop3A_1382, %parallel_loop3A_1383] {strides = array<i32>} : memref<128x128xf32, #tpu.memory_space<vmem>>, vector<1x16xf32>,
      %parallel_loop3A_1385 = vector.shape_cast %parallel_loop3A_1384 : vector<1x16xf32> to vector<16xf32>
      %parallel_loop3A_1386 = vector.shape_cast %get3A_308 : vector<16xf32> to vector<1x16xf32>
      tpu.vector_store %arg11[%parallel_loop3A_1382, %parallel_loop3A_1383], %parallel_loop3A_1386 {add = true, strides = array<i32>} : memref<128x128xf32, #tpu.memory_space<vmem>>, vector<1x16xf32>,
      %parallel_loop3A_1387 = arith.index_cast %parallel_loop3A_1366 : i32 to index
      %parallel_loop3A_1388 = arith.constant 64 : index
      %parallel_loop3A_1389 = tpu.vector_load %arg11[%parallel_loop3A_1387, %parallel_loop3A_1388] {strides = array<i32>} : memref<128x128xf32, #tpu.memory_space<vmem>>, vector<1x16xf32>,
      %parallel_loop3A_1390 = vector.shape_cast %parallel_loop3A_1389 : vector<1x16xf32> to vector<16xf32>
      %parallel_loop3A_1391 = vector.shape_cast %get3A_313 : vector<16xf32> to vector<1x16xf32>
      tpu.vector_store %arg11[%parallel_loop3A_1387, %parallel_loop3A_1388], %parallel_loop3A_1391 {add = true, strides = array<i32>} : memref<128x128xf32, #tpu.memory_space<vmem>>, vector<1x16xf32>,
      %parallel_loop3A_1392 = arith.index_cast %parallel_loop3A_1366 : i32 to index
      %parallel_loop3A_1393 = arith.constant 80 : index
      %parallel_loop3A_1394 = tpu.vector_load %arg11[%parallel_loop3A_1392, %parallel_loop3A_1393] {strides = array<i32>} : memref<128x128xf32, #tpu.memory_space<vmem>>, vector<1x16xf32>,
      %parallel_loop3A_1395 = vector.shape_cast %parallel_loop3A_1394 : vector<1x16xf32> to vector<16xf32>
      %parallel_loop3A_1396 = vector.shape_cast %get3A_318 : vector<16xf32> to vector<1x16xf32>
      tpu.vector_store %arg11[%parallel_loop3A_1392, %parallel_loop3A_1393], %parallel_loop3A_1396 {add = true, strides = array<i32>} : memref<128x128xf32, #tpu.memory_space<vmem>>, vector<1x16xf32>,
      %parallel_loop3A_1397 = arith.index_cast %parallel_loop3A_1366 : i32 to index
      %parallel_loop3A_1398 = arith.constant 96 : index
      %parallel_loop3A_1399 = tpu.vector_load %arg11[%parallel_loop3A_1397, %parallel_loop3A_1398] {strides = array<i32>} : memref<128x128xf32, #tpu.memory_space<vmem>>, vector<1x16xf32>,
      %parallel_loop3A_1400 = vector.shape_cast %parallel_loop3A_1399 : vector<1x16xf32> to vector<16xf32>
      %parallel_loop3A_1401 = vector.shape_cast %get3A_323 : vector<16xf32> to vector<1x16xf32>
      tpu.vector_store %arg11[%parallel_loop3A_1397, %parallel_loop3A_1398], %parallel_loop3A_1401 {add = true, strides = array<i32>} : memref<128x128xf32, #tpu.memory_space<vmem>>, vector<1x16xf32>,
      %parallel_loop3A_1402 = arith.index_cast %parallel_loop3A_1366 : i32 to index
      %parallel_loop3A_1403 = arith.constant 112 : index
      %parallel_loop3A_1404 = tpu.vector_load %arg11[%parallel_loop3A_1402, %parallel_loop3A_1403] {strides = array<i32>} : memref<128x128xf32, #tpu.memory_space<vmem>>, vector<1x16xf32>,
      %parallel_loop3A_1405 = vector.shape_cast %parallel_loop3A_1404 : vector<1x16xf32> to vector<16xf32>
      %parallel_loop3A_1406 = vector.shape_cast %get3A_328 : vector<16xf32> to vector<1x16xf32>
      tpu.vector_store %arg11[%parallel_loop3A_1402, %parallel_loop3A_1403], %parallel_loop3A_1406 {add = true, strides = array<i32>} : memref<128x128xf32, #tpu.memory_space<vmem>>, vector<1x16xf32>,
    } {sc.loop_unroll_factor = 4 : i64, sc.parallel_access}
    %dma_start3A_408 = arith.constant 0 : i32
    %dma_start3A_409 = arith.constant 0 : i32
    %dma_start3A_410 = tpu.memref_slice %arg5[%dma_start3A_408, %dma_start3A_409] : memref<819200x128xf32, #tpu.memory_space<hbm>> -> memref<819200x128xf32, #tpu.memory_space<hbm>>
    tpu.enqueue_indirect_dma source(%arg11 : memref<128x128xf32, #tpu.memory_space<vmem>>) target(%dma_start3A_410 : memref<819200x128xf32, #tpu.memory_space<hbm>>) offsets(%arg16 : memref<128xi32, #tpu.memory_space<vmem>>) semaphore(%arg26 : memref<!tpu.dma_semaphore, #tpu.memory_space<semaphore_mem>>)
    %dma_wait3A_411 = arith.constant 0 : i32
    %dma_wait3A_412 = arith.constant 0 : i32
    %dma_wait3A_413 = tpu.memref_slice %arg5[%dma_wait3A_411, %dma_wait3A_412] : memref<819200x128xf32, #tpu.memory_space<hbm>> -> memref<819200x128xf32, #tpu.memory_space<hbm>>
    tpu.wait_indirect_dma semaphore(%arg24 : memref<!tpu.dma_semaphore, #tpu.memory_space<semaphore_mem>>) src(%arg9 : memref<128x128xf32, #tpu.memory_space<vmem>>) dst(%dma_wait3A_413 : memref<819200x128xf32, #tpu.memory_space<hbm>>)
    %dma_start3A_414 = arith.constant 640 : i32
    %dma_start3A_415 = tpu.memref_slice %arg6[%dma_start3A_414] : memref<25600xi32, #tpu.memory_space<vmem>> -> memref<128xi32, #tpu.memory_space<vmem>>
    %dma_start3A_416 = arith.constant 0 : i32
    %dma_start3A_417 = arith.constant 0 : i32
    %dma_start3A_418 = tpu.memref_slice %arg8[%dma_start3A_416, %dma_start3A_417] : memref<1024x128xf32, #tpu.memory_space<vmem_shared>> -> memref<1024x128xf32, #tpu.memory_space<vmem_shared>>
    tpu.enqueue_indirect_dma source(%dma_start3A_418 : memref<1024x128xf32, #tpu.memory_space<vmem_shared>>) target(%arg9 : memref<128x128xf32, #tpu.memory_space<vmem>>) offsets(%dma_start3A_415 : memref<128xi32, #tpu.memory_space<vmem>>) semaphore(%arg19 : memref<!tpu.dma_semaphore, #tpu.memory_space<semaphore_mem>>)
    %add3A_419 = arith.constant 384 : i32
    %add3A_420 = arith.addi %mul3A_2, %add3A_419 : i32
    %shift_right_arithmetic3A_421 = arith.constant 12 : i32
    %shift_right_arithmetic3A_422 = arith.shrsi %add3A_420, %shift_right_arithmetic3A_421 : i32
    %and3A_423 = arith.constant 4095 : i32
    %and3A_424 = arith.andi %add3A_420, %and3A_423 : i32
    %sub3A_425 = arith.subi %shift_right_arithmetic3A_422, %multiple_of3A : i32
    %get3A_426 = arith.index_cast %sub3A_425 : i32 to index
    %get3A_427 = arith.constant 0 : index
    %get3A_428 = tpu.vector_load %arg7[%get3A_426, %get3A_427] {strides = array<i32>} : memref<16x128xf32, #tpu.memory_space<vmem>>, vector<1x16xf32>,
    %get3A_429 = vector.shape_cast %get3A_428 : vector<1x16xf32> to vector<16xf32>
    %sub3A_430 = arith.subi %shift_right_arithmetic3A_422, %multiple_of3A : i32
    %get3A_431 = arith.index_cast %sub3A_430 : i32 to index
    %get3A_432 = arith.constant 16 : index
    %get3A_433 = tpu.vector_load %arg7[%get3A_431, %get3A_432] {strides = array<i32>} : memref<16x128xf32, #tpu.memory_space<vmem>>, vector<1x16xf32>,
    %get3A_434 = vector.shape_cast %get3A_433 : vector<1x16xf32> to vector<16xf32>
    %sub3A_435 = arith.subi %shift_right_arithmetic3A_422, %multiple_of3A : i32
    %get3A_436 = arith.index_cast %sub3A_435 : i32 to index
    %get3A_437 = arith.constant 32 : index
    %get3A_438 = tpu.vector_load %arg7[%get3A_436, %get3A_437] {strides = array<i32>} : memref<16x128xf32, #tpu.memory_space<vmem>>, vector<1x16xf32>,
    %get3A_439 = vector.shape_cast %get3A_438 : vector<1x16xf32> to vector<16xf32>
    %sub3A_440 = arith.subi %shift_right_arithmetic3A_422, %multiple_of3A : i32
    %get3A_441 = arith.index_cast %sub3A_440 : i32 to index
    %get3A_442 = arith.constant 48 : index
    %get3A_443 = tpu.vector_load %arg7[%get3A_441, %get3A_442] {strides = array<i32>} : memref<16x128xf32, #tpu.memory_space<vmem>>, vector<1x16xf32>,
    %get3A_444 = vector.shape_cast %get3A_443 : vector<1x16xf32> to vector<16xf32>
    %sub3A_445 = arith.subi %shift_right_arithmetic3A_422, %multiple_of3A : i32
    %get3A_446 = arith.index_cast %sub3A_445 : i32 to index
    %get3A_447 = arith.constant 64 : index
    %get3A_448 = tpu.vector_load %arg7[%get3A_446, %get3A_447] {strides = array<i32>} : memref<16x128xf32, #tpu.memory_space<vmem>>, vector<1x16xf32>,
    %get3A_449 = vector.shape_cast %get3A_448 : vector<1x16xf32> to vector<16xf32>
    %sub3A_450 = arith.subi %shift_right_arithmetic3A_422, %multiple_of3A : i32
    %get3A_451 = arith.index_cast %sub3A_450 : i32 to index
    %get3A_452 = arith.constant 80 : index
    %get3A_453 = tpu.vector_load %arg7[%get3A_451, %get3A_452] {strides = array<i32>} : memref<16x128xf32, #tpu.memory_space<vmem>>, vector<1x16xf32>,
    %get3A_454 = vector.shape_cast %get3A_453 : vector<1x16xf32> to vector<16xf32>
    %sub3A_455 = arith.subi %shift_right_arithmetic3A_422, %multiple_of3A : i32
    %get3A_456 = arith.index_cast %sub3A_455 : i32 to index
    %get3A_457 = arith.constant 96 : index
    %get3A_458 = tpu.vector_load %arg7[%get3A_456, %get3A_457] {strides = array<i32>} : memref<16x128xf32, #tpu.memory_space<vmem>>, vector<1x16xf32>,
    %get3A_459 = vector.shape_cast %get3A_458 : vector<1x16xf32> to vector<16xf32>
    %sub3A_460 = arith.subi %shift_right_arithmetic3A_422, %multiple_of3A : i32
    %get3A_461 = arith.index_cast %sub3A_460 : i32 to index
    %get3A_462 = arith.constant 112 : index
    %get3A_463 = tpu.vector_load %arg7[%get3A_461, %get3A_462] {strides = array<i32>} : memref<16x128xf32, #tpu.memory_space<vmem>>, vector<1x16xf32>,
    %get3A_464 = vector.shape_cast %get3A_463 : vector<1x16xf32> to vector<16xf32>
    %iota3A_465 = tpu.iota {dimensions = array<i32: 0>} : vector<16xi32>
    %mul3A_466 = arith.constant 200 : i32
    %mul3A_467 = vector.broadcast %mul3A_466 : i32 to vector<16xi32>
    %mul3A_468 = arith.muli %iota3A_465, %mul3A_467 : vector<16xi32>
    %mul3A_469 = arith.constant 200 : i32
    %mul3A_470 = arith.muli %and3A_424, %mul3A_469 : i32
    %add3A_471 = arith.addi %mul3A_470, %shift_right_arithmetic3A_422 : i32
    %add3A_472 = arith.constant 0 : i32
    %add3A_473 = arith.addi %add3A_471, %add3A_472 : i32
    %add3A_474 = vector.broadcast %add3A_473 : i32 to vector<16xi32>
    %add3A_475 = arith.addi %mul3A_468, %add3A_474 : vector<16xi32>
    %swap3A_476 = arith.constant 0 : index
    %swap3A_477 = tpu.vector_load %arg17[%swap3A_476] {strides = array<i32>} : memref<128xi32, #tpu.memory_space<vmem>>, vector<16xi32>,
    %swap3A_478 = vector.shape_cast %swap3A_477 : vector<16xi32> to vector<16xi32>
    %swap3A_479 = vector.shape_cast %add3A_475 : vector<16xi32> to vector<16xi32>
    tpu.vector_store %arg17[%swap3A_476], %swap3A_479 {strides = array<i32>} : memref<128xi32, #tpu.memory_space<vmem>>, vector<16xi32>,
    %add3A_480 = arith.constant 3200 : i32
    %add3A_481 = arith.addi %add3A_471, %add3A_480 : i32
    %add3A_482 = vector.broadcast %add3A_481 : i32 to vector<16xi32>
    %add3A_483 = arith.addi %mul3A_468, %add3A_482 : vector<16xi32>
    %swap3A_484 = arith.constant 16 : index
    %swap3A_485 = tpu.vector_load %arg17[%swap3A_484] {strides = array<i32>} : memref<128xi32, #tpu.memory_space<vmem>>, vector<16xi32>,
    %swap3A_486 = vector.shape_cast %swap3A_485 : vector<16xi32> to vector<16xi32>
    %swap3A_487 = vector.shape_cast %add3A_483 : vector<16xi32> to vector<16xi32>
    tpu.vector_store %arg17[%swap3A_484], %swap3A_487 {strides = array<i32>} : memref<128xi32, #tpu.memory_space<vmem>>, vector<16xi32>,
    %add3A_488 = arith.constant 6400 : i32
    %add3A_489 = arith.addi %add3A_471, %add3A_488 : i32
    %add3A_490 = vector.broadcast %add3A_489 : i32 to vector<16xi32>
    %add3A_491 = arith.addi %mul3A_468, %add3A_490 : vector<16xi32>
    %swap3A_492 = arith.constant 32 : index
    %swap3A_493 = tpu.vector_load %arg17[%swap3A_492] {strides = array<i32>} : memref<128xi32, #tpu.memory_space<vmem>>, vector<16xi32>,
    %swap3A_494 = vector.shape_cast %swap3A_493 : vector<16xi32> to vector<16xi32>
    %swap3A_495 = vector.shape_cast %add3A_491 : vector<16xi32> to vector<16xi32>
    tpu.vector_store %arg17[%swap3A_492], %swap3A_495 {strides = array<i32>} : memref<128xi32, #tpu.memory_space<vmem>>, vector<16xi32>,
    %add3A_496 = arith.constant 9600 : i32
    %add3A_497 = arith.addi %add3A_471, %add3A_496 : i32
    %add3A_498 = vector.broadcast %add3A_497 : i32 to vector<16xi32>
    %add3A_499 = arith.addi %mul3A_468, %add3A_498 : vector<16xi32>
    %swap3A_500 = arith.constant 48 : index
    %swap3A_501 = tpu.vector_load %arg17[%swap3A_500] {strides = array<i32>} : memref<128xi32, #tpu.memory_space<vmem>>, vector<16xi32>,
    %swap3A_502 = vector.shape_cast %swap3A_501 : vector<16xi32> to vector<16xi32>
    %swap3A_503 = vector.shape_cast %add3A_499 : vector<16xi32> to vector<16xi32>
    tpu.vector_store %arg17[%swap3A_500], %swap3A_503 {strides = array<i32>} : memref<128xi32, #tpu.memory_space<vmem>>, vector<16xi32>,
    %add3A_504 = arith.constant 12800 : i32
    %add3A_505 = arith.addi %add3A_471, %add3A_504 : i32
    %add3A_506 = vector.broadcast %add3A_505 : i32 to vector<16xi32>
    %add3A_507 = arith.addi %mul3A_468, %add3A_506 : vector<16xi32>
    %swap3A_508 = arith.constant 64 : index
    %swap3A_509 = tpu.vector_load %arg17[%swap3A_508] {strides = array<i32>} : memref<128xi32, #tpu.memory_space<vmem>>, vector<16xi32>,
    %swap3A_510 = vector.shape_cast %swap3A_509 : vector<16xi32> to vector<16xi32>
    %swap3A_511 = vector.shape_cast %add3A_507 : vector<16xi32> to vector<16xi32>
    tpu.vector_store %arg17[%swap3A_508], %swap3A_511 {strides = array<i32>} : memref<128xi32, #tpu.memory_space<vmem>>, vector<16xi32>,
    %add3A_512 = arith.constant 16000 : i32
    %add3A_513 = arith.addi %add3A_471, %add3A_512 : i32
    %add3A_514 = vector.broadcast %add3A_513 : i32 to vector<16xi32>
    %add3A_515 = arith.addi %mul3A_468, %add3A_514 : vector<16xi32>
    %swap3A_516 = arith.constant 80 : index
    %swap3A_517 = tpu.vector_load %arg17[%swap3A_516] {strides = array<i32>} : memref<128xi32, #tpu.memory_space<vmem>>, vector<16xi32>,
    %swap3A_518 = vector.shape_cast %swap3A_517 : vector<16xi32> to vector<16xi32>
    %swap3A_519 = vector.shape_cast %add3A_515 : vector<16xi32> to vector<16xi32>
    tpu.vector_store %arg17[%swap3A_516], %swap3A_519 {strides = array<i32>} : memref<128xi32, #tpu.memory_space<vmem>>, vector<16xi32>,
    %add3A_520 = arith.constant 19200 : i32
    %add3A_521 = arith.addi %add3A_471, %add3A_520 : i32
    %add3A_522 = vector.broadcast %add3A_521 : i32 to vector<16xi32>
    %add3A_523 = arith.addi %mul3A_468, %add3A_522 : vector<16xi32>
    %swap3A_524 = arith.constant 96 : index
    %swap3A_525 = tpu.vector_load %arg17[%swap3A_524] {strides = array<i32>} : memref<128xi32, #tpu.memory_space<vmem>>, vector<16xi32>,
    %swap3A_526 = vector.shape_cast %swap3A_525 : vector<16xi32> to vector<16xi32>
    %swap3A_527 = vector.shape_cast %add3A_523 : vector<16xi32> to vector<16xi32>
    tpu.vector_store %arg17[%swap3A_524], %swap3A_527 {strides = array<i32>} : memref<128xi32, #tpu.memory_space<vmem>>, vector<16xi32>,
    %add3A_528 = arith.constant 22400 : i32
    %add3A_529 = arith.addi %add3A_471, %add3A_528 : i32
    %add3A_530 = vector.broadcast %add3A_529 : i32 to vector<16xi32>
    %add3A_531 = arith.addi %mul3A_468, %add3A_530 : vector<16xi32>
    %swap3A_532 = arith.constant 112 : index
    %swap3A_533 = tpu.vector_load %arg17[%swap3A_532] {strides = array<i32>} : memref<128xi32, #tpu.memory_space<vmem>>, vector<16xi32>,
    %swap3A_534 = vector.shape_cast %swap3A_533 : vector<16xi32> to vector<16xi32>
    %swap3A_535 = vector.shape_cast %add3A_531 : vector<16xi32> to vector<16xi32>
    tpu.vector_store %arg17[%swap3A_532], %swap3A_535 {strides = array<i32>} : memref<128xi32, #tpu.memory_space<vmem>>, vector<16xi32>,
    %dma_wait3A_536 = arith.constant 0 : i32
    %dma_wait3A_537 = tpu.memref_slice %arg6[%dma_wait3A_536] : memref<25600xi32, #tpu.memory_space<vmem>> -> memref<128xi32, #tpu.memory_space<vmem>>
    %dma_wait3A_538 = arith.constant 0 : i32
    %dma_wait3A_539 = arith.constant 0 : i32
    %dma_wait3A_540 = tpu.memref_slice %arg8[%dma_wait3A_538, %dma_wait3A_539] : memref<1024x128xf32, #tpu.memory_space<vmem_shared>> -> memref<1024x128xf32, #tpu.memory_space<vmem_shared>>
    tpu.wait_indirect_dma semaphore(%arg22 : memref<!tpu.dma_semaphore, #tpu.memory_space<semaphore_mem>>) src(%dma_wait3A_540 : memref<1024x128xf32, #tpu.memory_space<vmem_shared>>) dst(%arg12 : memref<128x128xf32, #tpu.memory_space<vmem>>)
    %parallel_loop3A_541 = arith.constant 0 : i32
    %parallel_loop3A_542 = arith.constant 128 : i32
    %parallel_loop3A_543 = arith.constant 1 : i32
    scf.for %parallel_loop3A_1366 = %parallel_loop3A_541 to %parallel_loop3A_542 step %parallel_loop3A_543  : i32 {
      %parallel_loop3A_1367 = arith.index_cast %parallel_loop3A_1366 : i32 to index
      %parallel_loop3A_1368 = arith.constant 0 : index
      %parallel_loop3A_1369 = tpu.vector_load %arg12[%parallel_loop3A_1367, %parallel_loop3A_1368] {strides = array<i32>} : memref<128x128xf32, #tpu.memory_space<vmem>>, vector<1x16xf32>,
      %parallel_loop3A_1370 = vector.shape_cast %parallel_loop3A_1369 : vector<1x16xf32> to vector<16xf32>
      %parallel_loop3A_1371 = vector.shape_cast %get3A_429 : vector<16xf32> to vector<1x16xf32>
      tpu.vector_store %arg12[%parallel_loop3A_1367, %parallel_loop3A_1368], %parallel_loop3A_1371 {add = true, strides = array<i32>} : memref<128x128xf32, #tpu.memory_space<vmem>>, vector<1x16xf32>,
      %parallel_loop3A_1372 = arith.index_cast %parallel_loop3A_1366 : i32 to index
      %parallel_loop3A_1373 = arith.constant 16 : index
      %parallel_loop3A_1374 = tpu.vector_load %arg12[%parallel_loop3A_1372, %parallel_loop3A_1373] {strides = array<i32>} : memref<128x128xf32, #tpu.memory_space<vmem>>, vector<1x16xf32>,
      %parallel_loop3A_1375 = vector.shape_cast %parallel_loop3A_1374 : vector<1x16xf32> to vector<16xf32>
      %parallel_loop3A_1376 = vector.shape_cast %get3A_434 : vector<16xf32> to vector<1x16xf32>
      tpu.vector_store %arg12[%parallel_loop3A_1372, %parallel_loop3A_1373], %parallel_loop3A_1376 {add = true, strides = array<i32>} : memref<128x128xf32, #tpu.memory_space<vmem>>, vector<1x16xf32>,
      %parallel_loop3A_1377 = arith.index_cast %parallel_loop3A_1366 : i32 to index
      %parallel_loop3A_1378 = arith.constant 32 : index
      %parallel_loop3A_1379 = tpu.vector_load %arg12[%parallel_loop3A_1377, %parallel_loop3A_1378] {strides = array<i32>} : memref<128x128xf32, #tpu.memory_space<vmem>>, vector<1x16xf32>,
      %parallel_loop3A_1380 = vector.shape_cast %parallel_loop3A_1379 : vector<1x16xf32> to vector<16xf32>
      %parallel_loop3A_1381 = vector.shape_cast %get3A_439 : vector<16xf32> to vector<1x16xf32>
      tpu.vector_store %arg12[%parallel_loop3A_1377, %parallel_loop3A_1378], %parallel_loop3A_1381 {add = true, strides = array<i32>} : memref<128x128xf32, #tpu.memory_space<vmem>>, vector<1x16xf32>,
      %parallel_loop3A_1382 = arith.index_cast %parallel_loop3A_1366 : i32 to index
      %parallel_loop3A_1383 = arith.constant 48 : index
      %parallel_loop3A_1384 = tpu.vector_load %arg12[%parallel_loop3A_1382, %parallel_loop3A_1383] {strides = array<i32>} : memref<128x128xf32, #tpu.memory_space<vmem>>, vector<1x16xf32>,
      %parallel_loop3A_1385 = vector.shape_cast %parallel_loop3A_1384 : vector<1x16xf32> to vector<16xf32>
      %parallel_loop3A_1386 = vector.shape_cast %get3A_444 : vector<16xf32> to vector<1x16xf32>
      tpu.vector_store %arg12[%parallel_loop3A_1382, %parallel_loop3A_1383], %parallel_loop3A_1386 {add = true, strides = array<i32>} : memref<128x128xf32, #tpu.memory_space<vmem>>, vector<1x16xf32>,
      %parallel_loop3A_1387 = arith.index_cast %parallel_loop3A_1366 : i32 to index
      %parallel_loop3A_1388 = arith.constant 64 : index
      %parallel_loop3A_1389 = tpu.vector_load %arg12[%parallel_loop3A_1387, %parallel_loop3A_1388] {strides = array<i32>} : memref<128x128xf32, #tpu.memory_space<vmem>>, vector<1x16xf32>,
      %parallel_loop3A_1390 = vector.shape_cast %parallel_loop3A_1389 : vector<1x16xf32> to vector<16xf32>
      %parallel_loop3A_1391 = vector.shape_cast %get3A_449 : vector<16xf32> to vector<1x16xf32>
      tpu.vector_store %arg12[%parallel_loop3A_1387, %parallel_loop3A_1388], %parallel_loop3A_1391 {add = true, strides = array<i32>} : memref<128x128xf32, #tpu.memory_space<vmem>>, vector<1x16xf32>,
      %parallel_loop3A_1392 = arith.index_cast %parallel_loop3A_1366 : i32 to index
      %parallel_loop3A_1393 = arith.constant 80 : index
      %parallel_loop3A_1394 = tpu.vector_load %arg12[%parallel_loop3A_1392, %parallel_loop3A_1393] {strides = array<i32>} : memref<128x128xf32, #tpu.memory_space<vmem>>, vector<1x16xf32>,
      %parallel_loop3A_1395 = vector.shape_cast %parallel_loop3A_1394 : vector<1x16xf32> to vector<16xf32>
      %parallel_loop3A_1396 = vector.shape_cast %get3A_454 : vector<16xf32> to vector<1x16xf32>
      tpu.vector_store %arg12[%parallel_loop3A_1392, %parallel_loop3A_1393], %parallel_loop3A_1396 {add = true, strides = array<i32>} : memref<128x128xf32, #tpu.memory_space<vmem>>, vector<1x16xf32>,
      %parallel_loop3A_1397 = arith.index_cast %parallel_loop3A_1366 : i32 to index
      %parallel_loop3A_1398 = arith.constant 96 : index
      %parallel_loop3A_1399 = tpu.vector_load %arg12[%parallel_loop3A_1397, %parallel_loop3A_1398] {strides = array<i32>} : memref<128x128xf32, #tpu.memory_space<vmem>>, vector<1x16xf32>,
      %parallel_loop3A_1400 = vector.shape_cast %parallel_loop3A_1399 : vector<1x16xf32> to vector<16xf32>
      %parallel_loop3A_1401 = vector.shape_cast %get3A_459 : vector<16xf32> to vector<1x16xf32>
      tpu.vector_store %arg12[%parallel_loop3A_1397, %parallel_loop3A_1398], %parallel_loop3A_1401 {add = true, strides = array<i32>} : memref<128x128xf32, #tpu.memory_space<vmem>>, vector<1x16xf32>,
      %parallel_loop3A_1402 = arith.index_cast %parallel_loop3A_1366 : i32 to index
      %parallel_loop3A_1403 = arith.constant 112 : index
      %parallel_loop3A_1404 = tpu.vector_load %arg12[%parallel_loop3A_1402, %parallel_loop3A_1403] {strides = array<i32>} : memref<128x128xf32, #tpu.memory_space<vmem>>, vector<1x16xf32>,
      %parallel_loop3A_1405 = vector.shape_cast %parallel_loop3A_1404 : vector<1x16xf32> to vector<16xf32>
      %parallel_loop3A_1406 = vector.shape_cast %get3A_464 : vector<16xf32> to vector<1x16xf32>
      tpu.vector_store %arg12[%parallel_loop3A_1402, %parallel_loop3A_1403], %parallel_loop3A_1406 {add = true, strides = array<i32>} : memref<128x128xf32, #tpu.memory_space<vmem>>, vector<1x16xf32>,
    } {sc.loop_unroll_factor = 4 : i64, sc.parallel_access}
    %dma_start3A_544 = arith.constant 0 : i32
    %dma_start3A_545 = arith.constant 0 : i32
    %dma_start3A_546 = tpu.memref_slice %arg5[%dma_start3A_544, %dma_start3A_545] : memref<819200x128xf32, #tpu.memory_space<hbm>> -> memref<819200x128xf32, #tpu.memory_space<hbm>>
    tpu.enqueue_indirect_dma source(%arg12 : memref<128x128xf32, #tpu.memory_space<vmem>>) target(%dma_start3A_546 : memref<819200x128xf32, #tpu.memory_space<hbm>>) offsets(%arg17 : memref<128xi32, #tpu.memory_space<vmem>>) semaphore(%arg27 : memref<!tpu.dma_semaphore, #tpu.memory_space<semaphore_mem>>)
    %dma_wait3A_547 = arith.constant 0 : i32
    %dma_wait3A_548 = arith.constant 0 : i32
    %dma_wait3A_549 = tpu.memref_slice %arg5[%dma_wait3A_547, %dma_wait3A_548] : memref<819200x128xf32, #tpu.memory_space<hbm>> -> memref<819200x128xf32, #tpu.memory_space<hbm>>
    tpu.wait_indirect_dma semaphore(%arg25 : memref<!tpu.dma_semaphore, #tpu.memory_space<semaphore_mem>>) src(%arg10 : memref<128x128xf32, #tpu.memory_space<vmem>>) dst(%dma_wait3A_549 : memref<819200x128xf32, #tpu.memory_space<hbm>>)
    %dma_start3A_550 = arith.constant 768 : i32
    %dma_start3A_551 = tpu.memref_slice %arg6[%dma_start3A_550] : memref<25600xi32, #tpu.memory_space<vmem>> -> memref<128xi32, #tpu.memory_space<vmem>>
    %dma_start3A_552 = arith.constant 0 : i32
    %dma_start3A_553 = arith.constant 0 : i32
    %dma_start3A_554 = tpu.memref_slice %arg8[%dma_start3A_552, %dma_start3A_553] : memref<1024x128xf32, #tpu.memory_space<vmem_shared>> -> memref<1024x128xf32, #tpu.memory_space<vmem_shared>>
    tpu.enqueue_indirect_dma source(%dma_start3A_554 : memref<1024x128xf32, #tpu.memory_space<vmem_shared>>) target(%arg10 : memref<128x128xf32, #tpu.memory_space<vmem>>) offsets(%dma_start3A_551 : memref<128xi32, #tpu.memory_space<vmem>>) semaphore(%arg20 : memref<!tpu.dma_semaphore, #tpu.memory_space<semaphore_mem>>)
    %add3A_555 = arith.constant 512 : i32
    %add3A_556 = arith.addi %mul3A_2, %add3A_555 : i32
    %shift_right_arithmetic3A_557 = arith.constant 12 : i32
    %shift_right_arithmetic3A_558 = arith.shrsi %add3A_556, %shift_right_arithmetic3A_557 : i32
    %and3A_559 = arith.constant 4095 : i32
    %and3A_560 = arith.andi %add3A_556, %and3A_559 : i32
    %sub3A_561 = arith.subi %shift_right_arithmetic3A_558, %multiple_of3A : i32
    %get3A_562 = arith.index_cast %sub3A_561 : i32 to index
    %get3A_563 = arith.constant 0 : index
    %get3A_564 = tpu.vector_load %arg7[%get3A_562, %get3A_563] {strides = array<i32>} : memref<16x128xf32, #tpu.memory_space<vmem>>, vector<1x16xf32>,
    %get3A_565 = vector.shape_cast %get3A_564 : vector<1x16xf32> to vector<16xf32>
    %sub3A_566 = arith.subi %shift_right_arithmetic3A_558, %multiple_of3A : i32
    %get3A_567 = arith.index_cast %sub3A_566 : i32 to index
    %get3A_568 = arith.constant 16 : index
    %get3A_569 = tpu.vector_load %arg7[%get3A_567, %get3A_568] {strides = array<i32>} : memref<16x128xf32, #tpu.memory_space<vmem>>, vector<1x16xf32>,
    %get3A_570 = vector.shape_cast %get3A_569 : vector<1x16xf32> to vector<16xf32>
    %sub3A_571 = arith.subi %shift_right_arithmetic3A_558, %multiple_of3A : i32
    %get3A_572 = arith.index_cast %sub3A_571 : i32 to index
    %get3A_573 = arith.constant 32 : index
    %get3A_574 = tpu.vector_load %arg7[%get3A_572, %get3A_573] {strides = array<i32>} : memref<16x128xf32, #tpu.memory_space<vmem>>, vector<1x16xf32>,
    %get3A_575 = vector.shape_cast %get3A_574 : vector<1x16xf32> to vector<16xf32>
    %sub3A_576 = arith.subi %shift_right_arithmetic3A_558, %multiple_of3A : i32
    %get3A_577 = arith.index_cast %sub3A_576 : i32 to index
    %get3A_578 = arith.constant 48 : index
    %get3A_579 = tpu.vector_load %arg7[%get3A_577, %get3A_578] {strides = array<i32>} : memref<16x128xf32, #tpu.memory_space<vmem>>, vector<1x16xf32>,
    %get3A_580 = vector.shape_cast %get3A_579 : vector<1x16xf32> to vector<16xf32>
    %sub3A_581 = arith.subi %shift_right_arithmetic3A_558, %multiple_of3A : i32
    %get3A_582 = arith.index_cast %sub3A_581 : i32 to index
    %get3A_583 = arith.constant 64 : index
    %get3A_584 = tpu.vector_load %arg7[%get3A_582, %get3A_583] {strides = array<i32>} : memref<16x128xf32, #tpu.memory_space<vmem>>, vector<1x16xf32>,
    %get3A_585 = vector.shape_cast %get3A_584 : vector<1x16xf32> to vector<16xf32>
    %sub3A_586 = arith.subi %shift_right_arithmetic3A_558, %multiple_of3A : i32
    %get3A_587 = arith.index_cast %sub3A_586 : i32 to index
    %get3A_588 = arith.constant 80 : index
    %get3A_589 = tpu.vector_load %arg7[%get3A_587, %get3A_588] {strides = array<i32>} : memref<16x128xf32, #tpu.memory_space<vmem>>, vector<1x16xf32>,
    %get3A_590 = vector.shape_cast %get3A_589 : vector<1x16xf32> to vector<16xf32>
    %sub3A_591 = arith.subi %shift_right_arithmetic3A_558, %multiple_of3A : i32
    %get3A_592 = arith.index_cast %sub3A_591 : i32 to index
    %get3A_593 = arith.constant 96 : index
    %get3A_594 = tpu.vector_load %arg7[%get3A_592, %get3A_593] {strides = array<i32>} : memref<16x128xf32, #tpu.memory_space<vmem>>, vector<1x16xf32>,
    %get3A_595 = vector.shape_cast %get3A_594 : vector<1x16xf32> to vector<16xf32>
    %sub3A_596 = arith.subi %shift_right_arithmetic3A_558, %multiple_of3A : i32
    %get3A_597 = arith.index_cast %sub3A_596 : i32 to index
    %get3A_598 = arith.constant 112 : index
    %get3A_599 = tpu.vector_load %arg7[%get3A_597, %get3A_598] {strides = array<i32>} : memref<16x128xf32, #tpu.memory_space<vmem>>, vector<1x16xf32>,
    %get3A_600 = vector.shape_cast %get3A_599 : vector<1x16xf32> to vector<16xf32>
    %iota3A_601 = tpu.iota {dimensions = array<i32: 0>} : vector<16xi32>
    %mul3A_602 = arith.constant 200 : i32
    %mul3A_603 = vector.broadcast %mul3A_602 : i32 to vector<16xi32>
    %mul3A_604 = arith.muli %iota3A_601, %mul3A_603 : vector<16xi32>
    %mul3A_605 = arith.constant 200 : i32
    %mul3A_606 = arith.muli %and3A_560, %mul3A_605 : i32
    %add3A_607 = arith.addi %mul3A_606, %shift_right_arithmetic3A_558 : i32
    %add3A_608 = arith.constant 0 : i32
    %add3A_609 = arith.addi %add3A_607, %add3A_608 : i32
    %add3A_610 = vector.broadcast %add3A_609 : i32 to vector<16xi32>
    %add3A_611 = arith.addi %mul3A_604, %add3A_610 : vector<16xi32>
    %swap3A_612 = arith.constant 0 : index
    %swap3A_613 = tpu.vector_load %arg18[%swap3A_612] {strides = array<i32>} : memref<128xi32, #tpu.memory_space<vmem>>, vector<16xi32>,
    %swap3A_614 = vector.shape_cast %swap3A_613 : vector<16xi32> to vector<16xi32>
    %swap3A_615 = vector.shape_cast %add3A_611 : vector<16xi32> to vector<16xi32>
    tpu.vector_store %arg18[%swap3A_612], %swap3A_615 {strides = array<i32>} : memref<128xi32, #tpu.memory_space<vmem>>, vector<16xi32>,
    %add3A_616 = arith.constant 3200 : i32
    %add3A_617 = arith.addi %add3A_607, %add3A_616 : i32
    %add3A_618 = vector.broadcast %add3A_617 : i32 to vector<16xi32>
    %add3A_619 = arith.addi %mul3A_604, %add3A_618 : vector<16xi32>
    %swap3A_620 = arith.constant 16 : index
    %swap3A_621 = tpu.vector_load %arg18[%swap3A_620] {strides = array<i32>} : memref<128xi32, #tpu.memory_space<vmem>>, vector<16xi32>,
    %swap3A_622 = vector.shape_cast %swap3A_621 : vector<16xi32> to vector<16xi32>
    %swap3A_623 = vector.shape_cast %add3A_619 : vector<16xi32> to vector<16xi32>
    tpu.vector_store %arg18[%swap3A_620], %swap3A_623 {strides = array<i32>} : memref<128xi32, #tpu.memory_space<vmem>>, vector<16xi32>,
    %add3A_624 = arith.constant 6400 : i32
    %add3A_625 = arith.addi %add3A_607, %add3A_624 : i32
    %add3A_626 = vector.broadcast %add3A_625 : i32 to vector<16xi32>
    %add3A_627 = arith.addi %mul3A_604, %add3A_626 : vector<16xi32>
    %swap3A_628 = arith.constant 32 : index
    %swap3A_629 = tpu.vector_load %arg18[%swap3A_628] {strides = array<i32>} : memref<128xi32, #tpu.memory_space<vmem>>, vector<16xi32>,
    %swap3A_630 = vector.shape_cast %swap3A_629 : vector<16xi32> to vector<16xi32>
    %swap3A_631 = vector.shape_cast %add3A_627 : vector<16xi32> to vector<16xi32>
    tpu.vector_store %arg18[%swap3A_628], %swap3A_631 {strides = array<i32>} : memref<128xi32, #tpu.memory_space<vmem>>, vector<16xi32>,
    %add3A_632 = arith.constant 9600 : i32
    %add3A_633 = arith.addi %add3A_607, %add3A_632 : i32
    %add3A_634 = vector.broadcast %add3A_633 : i32 to vector<16xi32>
    %add3A_635 = arith.addi %mul3A_604, %add3A_634 : vector<16xi32>
    %swap3A_636 = arith.constant 48 : index
    %swap3A_637 = tpu.vector_load %arg18[%swap3A_636] {strides = array<i32>} : memref<128xi32, #tpu.memory_space<vmem>>, vector<16xi32>,
    %swap3A_638 = vector.shape_cast %swap3A_637 : vector<16xi32> to vector<16xi32>
    %swap3A_639 = vector.shape_cast %add3A_635 : vector<16xi32> to vector<16xi32>
    tpu.vector_store %arg18[%swap3A_636], %swap3A_639 {strides = array<i32>} : memref<128xi32, #tpu.memory_space<vmem>>, vector<16xi32>,
    %add3A_640 = arith.constant 12800 : i32
    %add3A_641 = arith.addi %add3A_607, %add3A_640 : i32
    %add3A_642 = vector.broadcast %add3A_641 : i32 to vector<16xi32>
    %add3A_643 = arith.addi %mul3A_604, %add3A_642 : vector<16xi32>
    %swap3A_644 = arith.constant 64 : index
    %swap3A_645 = tpu.vector_load %arg18[%swap3A_644] {strides = array<i32>} : memref<128xi32, #tpu.memory_space<vmem>>, vector<16xi32>,
    %swap3A_646 = vector.shape_cast %swap3A_645 : vector<16xi32> to vector<16xi32>
    %swap3A_647 = vector.shape_cast %add3A_643 : vector<16xi32> to vector<16xi32>
    tpu.vector_store %arg18[%swap3A_644], %swap3A_647 {strides = array<i32>} : memref<128xi32, #tpu.memory_space<vmem>>, vector<16xi32>,
    %add3A_648 = arith.constant 16000 : i32
    %add3A_649 = arith.addi %add3A_607, %add3A_648 : i32
    %add3A_650 = vector.broadcast %add3A_649 : i32 to vector<16xi32>
    %add3A_651 = arith.addi %mul3A_604, %add3A_650 : vector<16xi32>
    %swap3A_652 = arith.constant 80 : index
    %swap3A_653 = tpu.vector_load %arg18[%swap3A_652] {strides = array<i32>} : memref<128xi32, #tpu.memory_space<vmem>>, vector<16xi32>,
    %swap3A_654 = vector.shape_cast %swap3A_653 : vector<16xi32> to vector<16xi32>
    %swap3A_655 = vector.shape_cast %add3A_651 : vector<16xi32> to vector<16xi32>
    tpu.vector_store %arg18[%swap3A_652], %swap3A_655 {strides = array<i32>} : memref<128xi32, #tpu.memory_space<vmem>>, vector<16xi32>,
    %add3A_656 = arith.constant 19200 : i32
    %add3A_657 = arith.addi %add3A_607, %add3A_656 : i32
    %add3A_658 = vector.broadcast %add3A_657 : i32 to vector<16xi32>
    %add3A_659 = arith.addi %mul3A_604, %add3A_658 : vector<16xi32>
    %swap3A_660 = arith.constant 96 : index
    %swap3A_661 = tpu.vector_load %arg18[%swap3A_660] {strides = array<i32>} : memref<128xi32, #tpu.memory_space<vmem>>, vector<16xi32>,
    %swap3A_662 = vector.shape_cast %swap3A_661 : vector<16xi32> to vector<16xi32>
    %swap3A_663 = vector.shape_cast %add3A_659 : vector<16xi32> to vector<16xi32>
    tpu.vector_store %arg18[%swap3A_660], %swap3A_663 {strides = array<i32>} : memref<128xi32, #tpu.memory_space<vmem>>, vector<16xi32>,
    %add3A_664 = arith.constant 22400 : i32
    %add3A_665 = arith.addi %add3A_607, %add3A_664 : i32
    %add3A_666 = vector.broadcast %add3A_665 : i32 to vector<16xi32>
    %add3A_667 = arith.addi %mul3A_604, %add3A_666 : vector<16xi32>
    %swap3A_668 = arith.constant 112 : index
    %swap3A_669 = tpu.vector_load %arg18[%swap3A_668] {strides = array<i32>} : memref<128xi32, #tpu.memory_space<vmem>>, vector<16xi32>,
    %swap3A_670 = vector.shape_cast %swap3A_669 : vector<16xi32> to vector<16xi32>
    %swap3A_671 = vector.shape_cast %add3A_667 : vector<16xi32> to vector<16xi32>
    tpu.vector_store %arg18[%swap3A_668], %swap3A_671 {strides = array<i32>} : memref<128xi32, #tpu.memory_space<vmem>>, vector<16xi32>,
    %dma_wait3A_672 = arith.constant 0 : i32
    %dma_wait3A_673 = tpu.memref_slice %arg6[%dma_wait3A_672] : memref<25600xi32, #tpu.memory_space<vmem>> -> memref<128xi32, #tpu.memory_space<vmem>>
    %dma_wait3A_674 = arith.constant 0 : i32
    %dma_wait3A_675 = arith.constant 0 : i32
    %dma_wait3A_676 = tpu.memref_slice %arg8[%dma_wait3A_674, %dma_wait3A_675] : memref<1024x128xf32, #tpu.memory_space<vmem_shared>> -> memref<1024x128xf32, #tpu.memory_space<vmem_shared>>
    tpu.wait_indirect_dma semaphore(%arg23 : memref<!tpu.dma_semaphore, #tpu.memory_space<semaphore_mem>>) src(%dma_wait3A_676 : memref<1024x128xf32, #tpu.memory_space<vmem_shared>>) dst(%arg13 : memref<128x128xf32, #tpu.memory_space<vmem>>)
    %parallel_loop3A_677 = arith.constant 0 : i32
    %parallel_loop3A_678 = arith.constant 128 : i32
    %parallel_loop3A_679 = arith.constant 1 : i32
    scf.for %parallel_loop3A_1366 = %parallel_loop3A_677 to %parallel_loop3A_678 step %parallel_loop3A_679  : i32 {
      %parallel_loop3A_1367 = arith.index_cast %parallel_loop3A_1366 : i32 to index
      %parallel_loop3A_1368 = arith.constant 0 : index
      %parallel_loop3A_1369 = tpu.vector_load %arg13[%parallel_loop3A_1367, %parallel_loop3A_1368] {strides = array<i32>} : memref<128x128xf32, #tpu.memory_space<vmem>>, vector<1x16xf32>,
      %parallel_loop3A_1370 = vector.shape_cast %parallel_loop3A_1369 : vector<1x16xf32> to vector<16xf32>
      %parallel_loop3A_1371 = vector.shape_cast %get3A_565 : vector<16xf32> to vector<1x16xf32>
      tpu.vector_store %arg13[%parallel_loop3A_1367, %parallel_loop3A_1368], %parallel_loop3A_1371 {add = true, strides = array<i32>} : memref<128x128xf32, #tpu.memory_space<vmem>>, vector<1x16xf32>,
      %parallel_loop3A_1372 = arith.index_cast %parallel_loop3A_1366 : i32 to index
      %parallel_loop3A_1373 = arith.constant 16 : index
      %parallel_loop3A_1374 = tpu.vector_load %arg13[%parallel_loop3A_1372, %parallel_loop3A_1373] {strides = array<i32>} : memref<128x128xf32, #tpu.memory_space<vmem>>, vector<1x16xf32>,
      %parallel_loop3A_1375 = vector.shape_cast %parallel_loop3A_1374 : vector<1x16xf32> to vector<16xf32>
      %parallel_loop3A_1376 = vector.shape_cast %get3A_570 : vector<16xf32> to vector<1x16xf32>
      tpu.vector_store %arg13[%parallel_loop3A_1372, %parallel_loop3A_1373], %parallel_loop3A_1376 {add = true, strides = array<i32>} : memref<128x128xf32, #tpu.memory_space<vmem>>, vector<1x16xf32>,
      %parallel_loop3A_1377 = arith.index_cast %parallel_loop3A_1366 : i32 to index
      %parallel_loop3A_1378 = arith.constant 32 : index
      %parallel_loop3A_1379 = tpu.vector_load %arg13[%parallel_loop3A_1377, %parallel_loop3A_1378] {strides = array<i32>} : memref<128x128xf32, #tpu.memory_space<vmem>>, vector<1x16xf32>,
      %parallel_loop3A_1380 = vector.shape_cast %parallel_loop3A_1379 : vector<1x16xf32> to vector<16xf32>
      %parallel_loop3A_1381 = vector.shape_cast %get3A_575 : vector<16xf32> to vector<1x16xf32>
      tpu.vector_store %arg13[%parallel_loop3A_1377, %parallel_loop3A_1378], %parallel_loop3A_1381 {add = true, strides = array<i32>} : memref<128x128xf32, #tpu.memory_space<vmem>>, vector<1x16xf32>,
      %parallel_loop3A_1382 = arith.index_cast %parallel_loop3A_1366 : i32 to index
      %parallel_loop3A_1383 = arith.constant 48 : index
      %parallel_loop3A_1384 = tpu.vector_load %arg13[%parallel_loop3A_1382, %parallel_loop3A_1383] {strides = array<i32>} : memref<128x128xf32, #tpu.memory_space<vmem>>, vector<1x16xf32>,
      %parallel_loop3A_1385 = vector.shape_cast %parallel_loop3A_1384 : vector<1x16xf32> to vector<16xf32>
      %parallel_loop3A_1386 = vector.shape_cast %get3A_580 : vector<16xf32> to vector<1x16xf32>
      tpu.vector_store %arg13[%parallel_loop3A_1382, %parallel_loop3A_1383], %parallel_loop3A_1386 {add = true, strides = array<i32>} : memref<128x128xf32, #tpu.memory_space<vmem>>, vector<1x16xf32>,
      %parallel_loop3A_1387 = arith.index_cast %parallel_loop3A_1366 : i32 to index
      %parallel_loop3A_1388 = arith.constant 64 : index
      %parallel_loop3A_1389 = tpu.vector_load %arg13[%parallel_loop3A_1387, %parallel_loop3A_1388] {strides = array<i32>} : memref<128x128xf32, #tpu.memory_space<vmem>>, vector<1x16xf32>,
      %parallel_loop3A_1390 = vector.shape_cast %parallel_loop3A_1389 : vector<1x16xf32> to vector<16xf32>
      %parallel_loop3A_1391 = vector.shape_cast %get3A_585 : vector<16xf32> to vector<1x16xf32>
      tpu.vector_store %arg13[%parallel_loop3A_1387, %parallel_loop3A_1388], %parallel_loop3A_1391 {add = true, strides = array<i32>} : memref<128x128xf32, #tpu.memory_space<vmem>>, vector<1x16xf32>,
      %parallel_loop3A_1392 = arith.index_cast %parallel_loop3A_1366 : i32 to index
      %parallel_loop3A_1393 = arith.constant 80 : index
      %parallel_loop3A_1394 = tpu.vector_load %arg13[%parallel_loop3A_1392, %parallel_loop3A_1393] {strides = array<i32>} : memref<128x128xf32, #tpu.memory_space<vmem>>, vector<1x16xf32>,
      %parallel_loop3A_1395 = vector.shape_cast %parallel_loop3A_1394 : vector<1x16xf32> to vector<16xf32>
      %parallel_loop3A_1396 = vector.shape_cast %get3A_590 : vector<16xf32> to vector<1x16xf32>
      tpu.vector_store %arg13[%parallel_loop3A_1392, %parallel_loop3A_1393], %parallel_loop3A_1396 {add = true, strides = array<i32>} : memref<128x128xf32, #tpu.memory_space<vmem>>, vector<1x16xf32>,
      %parallel_loop3A_1397 = arith.index_cast %parallel_loop3A_1366 : i32 to index
      %parallel_loop3A_1398 = arith.constant 96 : index
      %parallel_loop3A_1399 = tpu.vector_load %arg13[%parallel_loop3A_1397, %parallel_loop3A_1398] {strides = array<i32>} : memref<128x128xf32, #tpu.memory_space<vmem>>, vector<1x16xf32>,
      %parallel_loop3A_1400 = vector.shape_cast %parallel_loop3A_1399 : vector<1x16xf32> to vector<16xf32>
      %parallel_loop3A_1401 = vector.shape_cast %get3A_595 : vector<16xf32> to vector<1x16xf32>
      tpu.vector_store %arg13[%parallel_loop3A_1397, %parallel_loop3A_1398], %parallel_loop3A_1401 {add = true, strides = array<i32>} : memref<128x128xf32, #tpu.memory_space<vmem>>, vector<1x16xf32>,
      %parallel_loop3A_1402 = arith.index_cast %parallel_loop3A_1366 : i32 to index
      %parallel_loop3A_1403 = arith.constant 112 : index
      %parallel_loop3A_1404 = tpu.vector_load %arg13[%parallel_loop3A_1402, %parallel_loop3A_1403] {strides = array<i32>} : memref<128x128xf32, #tpu.memory_space<vmem>>, vector<1x16xf32>,
      %parallel_loop3A_1405 = vector.shape_cast %parallel_loop3A_1404 : vector<1x16xf32> to vector<16xf32>
      %parallel_loop3A_1406 = vector.shape_cast %get3A_600 : vector<16xf32> to vector<1x16xf32>
      tpu.vector_store %arg13[%parallel_loop3A_1402, %parallel_loop3A_1403], %parallel_loop3A_1406 {add = true, strides = array<i32>} : memref<128x128xf32, #tpu.memory_space<vmem>>, vector<1x16xf32>,
    } {sc.loop_unroll_factor = 4 : i64, sc.parallel_access}
    %dma_start3A_680 = arith.constant 0 : i32
    %dma_start3A_681 = arith.constant 0 : i32
    %dma_start3A_682 = tpu.memref_slice %arg5[%dma_start3A_680, %dma_start3A_681] : memref<819200x128xf32, #tpu.memory_space<hbm>> -> memref<819200x128xf32, #tpu.memory_space<hbm>>
    tpu.enqueue_indirect_dma source(%arg13 : memref<128x128xf32, #tpu.memory_space<vmem>>) target(%dma_start3A_682 : memref<819200x128xf32, #tpu.memory_space<hbm>>) offsets(%arg18 : memref<128xi32, #tpu.memory_space<vmem>>) semaphore(%arg28 : memref<!tpu.dma_semaphore, #tpu.memory_space<semaphore_mem>>)
    %dma_wait3A_683 = arith.constant 0 : i32
    %dma_wait3A_684 = arith.constant 0 : i32
    %dma_wait3A_685 = tpu.memref_slice %arg5[%dma_wait3A_683, %dma_wait3A_684] : memref<819200x128xf32, #tpu.memory_space<hbm>> -> memref<819200x128xf32, #tpu.memory_space<hbm>>
    tpu.wait_indirect_dma semaphore(%arg26 : memref<!tpu.dma_semaphore, #tpu.memory_space<semaphore_mem>>) src(%arg11 : memref<128x128xf32, #tpu.memory_space<vmem>>) dst(%dma_wait3A_685 : memref<819200x128xf32, #tpu.memory_space<hbm>>)
    %dma_start3A_686 = arith.constant 896 : i32
    %dma_start3A_687 = tpu.memref_slice %arg6[%dma_start3A_686] : memref<25600xi32, #tpu.memory_space<vmem>> -> memref<128xi32, #tpu.memory_space<vmem>>
    %dma_start3A_688 = arith.constant 0 : i32
    %dma_start3A_689 = arith.constant 0 : i32
    %dma_start3A_690 = tpu.memref_slice %arg8[%dma_start3A_688, %dma_start3A_689] : memref<1024x128xf32, #tpu.memory_space<vmem_shared>> -> memref<1024x128xf32, #tpu.memory_space<vmem_shared>>
    tpu.enqueue_indirect_dma source(%dma_start3A_690 : memref<1024x128xf32, #tpu.memory_space<vmem_shared>>) target(%arg11 : memref<128x128xf32, #tpu.memory_space<vmem>>) offsets(%dma_start3A_687 : memref<128xi32, #tpu.memory_space<vmem>>) semaphore(%arg21 : memref<!tpu.dma_semaphore, #tpu.memory_space<semaphore_mem>>)
    %scan3A = arith.constant 0 : i32
    %scan3A_691 = arith.constant 38 : i32
    %scan3A_692 = arith.addi %scan3A, %scan3A_691 : i32
    %scan3A_693 = arith.constant 1 : i32
    scf.for %scan3A_1366 = %scan3A to %scan3A_692 step %scan3A_693  : i32 {
      %mul3A_1367 = arith.constant 5 : i32
      %mul3A_1368 = arith.muli %scan3A_1366, %mul3A_1367 : i32
      %add3A_1369 = arith.constant 5 : i32
      %add3A_1370 = arith.addi %add3A_1369, %mul3A_1368 : i32
      %add3A_1371 = arith.constant 0 : i32
      %add3A_1372 = arith.addi %add3A_1370, %add3A_1371 : i32
      %mul3A_1373 = arith.constant 128 : i32
      %mul3A_1374 = arith.muli %add3A_1372, %mul3A_1373 : i32
      %add3A_1375 = arith.addi %mul3A_2, %mul3A_1374 : i32
      %shift_right_arithmetic3A_1376 = arith.constant 12 : i32
      %shift_right_arithmetic3A_1377 = arith.shrsi %add3A_1375, %shift_right_arithmetic3A_1376 : i32
      %and3A_1378 = arith.constant 4095 : i32
      %and3A_1379 = arith.andi %add3A_1375, %and3A_1378 : i32
      %sub3A_1380 = arith.subi %shift_right_arithmetic3A_1377, %multiple_of3A : i32
      %get3A_1381 = arith.index_cast %sub3A_1380 : i32 to index
      %get3A_1382 = arith.constant 0 : index
      %get3A_1383 = tpu.vector_load %arg7[%get3A_1381, %get3A_1382] {strides = array<i32>} : memref<16x128xf32, #tpu.memory_space<vmem>>, vector<1x16xf32>,
      %get3A_1384 = vector.shape_cast %get3A_1383 : vector<1x16xf32> to vector<16xf32>
      %sub3A_1385 = arith.subi %shift_right_arithmetic3A_1377, %multiple_of3A : i32
      %get3A_1386 = arith.index_cast %sub3A_1385 : i32 to index
      %get3A_1387 = arith.constant 16 : index
      %get3A_1388 = tpu.vector_load %arg7[%get3A_1386, %get3A_1387] {strides = array<i32>} : memref<16x128xf32, #tpu.memory_space<vmem>>, vector<1x16xf32>,
      %get3A_1389 = vector.shape_cast %get3A_1388 : vector<1x16xf32> to vector<16xf32>
      %sub3A_1390 = arith.subi %shift_right_arithmetic3A_1377, %multiple_of3A : i32
      %get3A_1391 = arith.index_cast %sub3A_1390 : i32 to index
      %get3A_1392 = arith.constant 32 : index
      %get3A_1393 = tpu.vector_load %arg7[%get3A_1391, %get3A_1392] {strides = array<i32>} : memref<16x128xf32, #tpu.memory_space<vmem>>, vector<1x16xf32>,
      %get3A_1394 = vector.shape_cast %get3A_1393 : vector<1x16xf32> to vector<16xf32>
      %sub3A_1395 = arith.subi %shift_right_arithmetic3A_1377, %multiple_of3A : i32
      %get3A_1396 = arith.index_cast %sub3A_1395 : i32 to index
      %get3A_1397 = arith.constant 48 : index
      %get3A_1398 = tpu.vector_load %arg7[%get3A_1396, %get3A_1397] {strides = array<i32>} : memref<16x128xf32, #tpu.memory_space<vmem>>, vector<1x16xf32>,
      %get3A_1399 = vector.shape_cast %get3A_1398 : vector<1x16xf32> to vector<16xf32>
      %sub3A_1400 = arith.subi %shift_right_arithmetic3A_1377, %multiple_of3A : i32
      %get3A_1401 = arith.index_cast %sub3A_1400 : i32 to index
      %get3A_1402 = arith.constant 64 : index
      %get3A_1403 = tpu.vector_load %arg7[%get3A_1401, %get3A_1402] {strides = array<i32>} : memref<16x128xf32, #tpu.memory_space<vmem>>, vector<1x16xf32>,
      %get3A_1404 = vector.shape_cast %get3A_1403 : vector<1x16xf32> to vector<16xf32>
      %sub3A_1405 = arith.subi %shift_right_arithmetic3A_1377, %multiple_of3A : i32
      %get3A_1406 = arith.index_cast %sub3A_1405 : i32 to index
      %get3A_1407 = arith.constant 80 : index
      %get3A_1408 = tpu.vector_load %arg7[%get3A_1406, %get3A_1407] {strides = array<i32>} : memref<16x128xf32, #tpu.memory_space<vmem>>, vector<1x16xf32>,
      %get3A_1409 = vector.shape_cast %get3A_1408 : vector<1x16xf32> to vector<16xf32>
      %sub3A_1410 = arith.subi %shift_right_arithmetic3A_1377, %multiple_of3A : i32
      %get3A_1411 = arith.index_cast %sub3A_1410 : i32 to index
      %get3A_1412 = arith.constant 96 : index
      %get3A_1413 = tpu.vector_load %arg7[%get3A_1411, %get3A_1412] {strides = array<i32>} : memref<16x128xf32, #tpu.memory_space<vmem>>, vector<1x16xf32>,
      %get3A_1414 = vector.shape_cast %get3A_1413 : vector<1x16xf32> to vector<16xf32>
      %sub3A_1415 = arith.subi %shift_right_arithmetic3A_1377, %multiple_of3A : i32
      %get3A_1416 = arith.index_cast %sub3A_1415 : i32 to index
      %get3A_1417 = arith.constant 112 : index
      %get3A_1418 = tpu.vector_load %arg7[%get3A_1416, %get3A_1417] {strides = array<i32>} : memref<16x128xf32, #tpu.memory_space<vmem>>, vector<1x16xf32>,
      %get3A_1419 = vector.shape_cast %get3A_1418 : vector<1x16xf32> to vector<16xf32>
      %iota3A_1420 = tpu.iota {dimensions = array<i32: 0>} : vector<16xi32>
      %mul3A_1421 = arith.constant 200 : i32
      %mul3A_1422 = vector.broadcast %mul3A_1421 : i32 to vector<16xi32>
      %mul3A_1423 = arith.muli %iota3A_1420, %mul3A_1422 : vector<16xi32>
      %mul3A_1424 = arith.constant 200 : i32
      %mul3A_1425 = arith.muli %and3A_1379, %mul3A_1424 : i32
      %add3A_1426 = arith.addi %mul3A_1425, %shift_right_arithmetic3A_1377 : i32
      %add3A_1427 = arith.constant 0 : i32
      %add3A_1428 = arith.addi %add3A_1426, %add3A_1427 : i32
      %add3A_1429 = vector.broadcast %add3A_1428 : i32 to vector<16xi32>
      %add3A_1430 = arith.addi %mul3A_1423, %add3A_1429 : vector<16xi32>
      %swap3A_1431 = arith.constant 0 : index
      %swap3A_1432 = tpu.vector_load %arg14[%swap3A_1431] {strides = array<i32>} : memref<128xi32, #tpu.memory_space<vmem>>, vector<16xi32>,
      %swap3A_1433 = vector.shape_cast %swap3A_1432 : vector<16xi32> to vector<16xi32>
      %swap3A_1434 = vector.shape_cast %add3A_1430 : vector<16xi32> to vector<16xi32>
      tpu.vector_store %arg14[%swap3A_1431], %swap3A_1434 {strides = array<i32>} : memref<128xi32, #tpu.memory_space<vmem>>, vector<16xi32>,
      %add3A_1435 = arith.constant 3200 : i32
      %add3A_1436 = arith.addi %add3A_1426, %add3A_1435 : i32
      %add3A_1437 = vector.broadcast %add3A_1436 : i32 to vector<16xi32>
      %add3A_1438 = arith.addi %mul3A_1423, %add3A_1437 : vector<16xi32>
      %swap3A_1439 = arith.constant 16 : index
      %swap3A_1440 = tpu.vector_load %arg14[%swap3A_1439] {strides = array<i32>} : memref<128xi32, #tpu.memory_space<vmem>>, vector<16xi32>,
      %swap3A_1441 = vector.shape_cast %swap3A_1440 : vector<16xi32> to vector<16xi32>
      %swap3A_1442 = vector.shape_cast %add3A_1438 : vector<16xi32> to vector<16xi32>
      tpu.vector_store %arg14[%swap3A_1439], %swap3A_1442 {strides = array<i32>} : memref<128xi32, #tpu.memory_space<vmem>>, vector<16xi32>,
      %add3A_1443 = arith.constant 6400 : i32
      %add3A_1444 = arith.addi %add3A_1426, %add3A_1443 : i32
      %add3A_1445 = vector.broadcast %add3A_1444 : i32 to vector<16xi32>
      %add3A_1446 = arith.addi %mul3A_1423, %add3A_1445 : vector<16xi32>
      %swap3A_1447 = arith.constant 32 : index
      %swap3A_1448 = tpu.vector_load %arg14[%swap3A_1447] {strides = array<i32>} : memref<128xi32, #tpu.memory_space<vmem>>, vector<16xi32>,
      %swap3A_1449 = vector.shape_cast %swap3A_1448 : vector<16xi32> to vector<16xi32>
      %swap3A_1450 = vector.shape_cast %add3A_1446 : vector<16xi32> to vector<16xi32>
      tpu.vector_store %arg14[%swap3A_1447], %swap3A_1450 {strides = array<i32>} : memref<128xi32, #tpu.memory_space<vmem>>, vector<16xi32>,
      %add3A_1451 = arith.constant 9600 : i32
      %add3A_1452 = arith.addi %add3A_1426, %add3A_1451 : i32
      %add3A_1453 = vector.broadcast %add3A_1452 : i32 to vector<16xi32>
      %add3A_1454 = arith.addi %mul3A_1423, %add3A_1453 : vector<16xi32>
      %swap3A_1455 = arith.constant 48 : index
      %swap3A_1456 = tpu.vector_load %arg14[%swap3A_1455] {strides = array<i32>} : memref<128xi32, #tpu.memory_space<vmem>>, vector<16xi32>,
      %swap3A_1457 = vector.shape_cast %swap3A_1456 : vector<16xi32> to vector<16xi32>
      %swap3A_1458 = vector.shape_cast %add3A_1454 : vector<16xi32> to vector<16xi32>
      tpu.vector_store %arg14[%swap3A_1455], %swap3A_1458 {strides = array<i32>} : memref<128xi32, #tpu.memory_space<vmem>>, vector<16xi32>,
      %add3A_1459 = arith.constant 12800 : i32
      %add3A_1460 = arith.addi %add3A_1426, %add3A_1459 : i32
      %add3A_1461 = vector.broadcast %add3A_1460 : i32 to vector<16xi32>
      %add3A_1462 = arith.addi %mul3A_1423, %add3A_1461 : vector<16xi32>
      %swap3A_1463 = arith.constant 64 : index
      %swap3A_1464 = tpu.vector_load %arg14[%swap3A_1463] {strides = array<i32>} : memref<128xi32, #tpu.memory_space<vmem>>, vector<16xi32>,
      %swap3A_1465 = vector.shape_cast %swap3A_1464 : vector<16xi32> to vector<16xi32>
      %swap3A_1466 = vector.shape_cast %add3A_1462 : vector<16xi32> to vector<16xi32>
      tpu.vector_store %arg14[%swap3A_1463], %swap3A_1466 {strides = array<i32>} : memref<128xi32, #tpu.memory_space<vmem>>, vector<16xi32>,
      %add3A_1467 = arith.constant 16000 : i32
      %add3A_1468 = arith.addi %add3A_1426, %add3A_1467 : i32
      %add3A_1469 = vector.broadcast %add3A_1468 : i32 to vector<16xi32>
      %add3A_1470 = arith.addi %mul3A_1423, %add3A_1469 : vector<16xi32>
      %swap3A_1471 = arith.constant 80 : index
      %swap3A_1472 = tpu.vector_load %arg14[%swap3A_1471] {strides = array<i32>} : memref<128xi32, #tpu.memory_space<vmem>>, vector<16xi32>,
      %swap3A_1473 = vector.shape_cast %swap3A_1472 : vector<16xi32> to vector<16xi32>
      %swap3A_1474 = vector.shape_cast %add3A_1470 : vector<16xi32> to vector<16xi32>
      tpu.vector_store %arg14[%swap3A_1471], %swap3A_1474 {strides = array<i32>} : memref<128xi32, #tpu.memory_space<vmem>>, vector<16xi32>,
      %add3A_1475 = arith.constant 19200 : i32
      %add3A_1476 = arith.addi %add3A_1426, %add3A_1475 : i32
      %add3A_1477 = vector.broadcast %add3A_1476 : i32 to vector<16xi32>
      %add3A_1478 = arith.addi %mul3A_1423, %add3A_1477 : vector<16xi32>
      %swap3A_1479 = arith.constant 96 : index
      %swap3A_1480 = tpu.vector_load %arg14[%swap3A_1479] {strides = array<i32>} : memref<128xi32, #tpu.memory_space<vmem>>, vector<16xi32>,
      %swap3A_1481 = vector.shape_cast %swap3A_1480 : vector<16xi32> to vector<16xi32>
      %swap3A_1482 = vector.shape_cast %add3A_1478 : vector<16xi32> to vector<16xi32>
      tpu.vector_store %arg14[%swap3A_1479], %swap3A_1482 {strides = array<i32>} : memref<128xi32, #tpu.memory_space<vmem>>, vector<16xi32>,
      %add3A_1483 = arith.constant 22400 : i32
      %add3A_1484 = arith.addi %add3A_1426, %add3A_1483 : i32
      %add3A_1485 = vector.broadcast %add3A_1484 : i32 to vector<16xi32>
      %add3A_1486 = arith.addi %mul3A_1423, %add3A_1485 : vector<16xi32>
      %swap3A_1487 = arith.constant 112 : index
      %swap3A_1488 = tpu.vector_load %arg14[%swap3A_1487] {strides = array<i32>} : memref<128xi32, #tpu.memory_space<vmem>>, vector<16xi32>,
      %swap3A_1489 = vector.shape_cast %swap3A_1488 : vector<16xi32> to vector<16xi32>
      %swap3A_1490 = vector.shape_cast %add3A_1486 : vector<16xi32> to vector<16xi32>
      tpu.vector_store %arg14[%swap3A_1487], %swap3A_1490 {strides = array<i32>} : memref<128xi32, #tpu.memory_space<vmem>>, vector<16xi32>,
      %dma_wait3A_1491 = arith.constant 0 : i32
      %dma_wait3A_1492 = tpu.memref_slice %arg6[%dma_wait3A_1491] : memref<25600xi32, #tpu.memory_space<vmem>> -> memref<128xi32, #tpu.memory_space<vmem>>
      %dma_wait3A_1493 = arith.constant 0 : i32
      %dma_wait3A_1494 = arith.constant 0 : i32
      %dma_wait3A_1495 = tpu.memref_slice %arg8[%dma_wait3A_1493, %dma_wait3A_1494] : memref<1024x128xf32, #tpu.memory_space<vmem_shared>> -> memref<1024x128xf32, #tpu.memory_space<vmem_shared>>
      tpu.wait_indirect_dma semaphore(%arg19 : memref<!tpu.dma_semaphore, #tpu.memory_space<semaphore_mem>>) src(%dma_wait3A_1495 : memref<1024x128xf32, #tpu.memory_space<vmem_shared>>) dst(%arg9 : memref<128x128xf32, #tpu.memory_space<vmem>>)
      %parallel_loop3A_1496 = arith.constant 0 : i32
      %parallel_loop3A_1497 = arith.constant 128 : i32
      %parallel_loop3A_1498 = arith.constant 1 : i32
      scf.for %parallel_loop3A_2081 = %parallel_loop3A_1496 to %parallel_loop3A_1497 step %parallel_loop3A_1498  : i32 {
        %parallel_loop3A_2082 = arith.index_cast %parallel_loop3A_2081 : i32 to index
        %parallel_loop3A_2083 = arith.constant 0 : index
        %parallel_loop3A_2084 = tpu.vector_load %arg9[%parallel_loop3A_2082, %parallel_loop3A_2083] {strides = array<i32>} : memref<128x128xf32, #tpu.memory_space<vmem>>, vector<1x16xf32>,
        %parallel_loop3A_2085 = vector.shape_cast %parallel_loop3A_2084 : vector<1x16xf32> to vector<16xf32>
        %parallel_loop3A_2086 = vector.shape_cast %get3A_1384 : vector<16xf32> to vector<1x16xf32>
        tpu.vector_store %arg9[%parallel_loop3A_2082, %parallel_loop3A_2083], %parallel_loop3A_2086 {add = true, strides = array<i32>} : memref<128x128xf32, #tpu.memory_space<vmem>>, vector<1x16xf32>,
        %parallel_loop3A_2087 = arith.index_cast %parallel_loop3A_2081 : i32 to index
        %parallel_loop3A_2088 = arith.constant 16 : index
        %parallel_loop3A_2089 = tpu.vector_load %arg9[%parallel_loop3A_2087, %parallel_loop3A_2088] {strides = array<i32>} : memref<128x128xf32, #tpu.memory_space<vmem>>, vector<1x16xf32>,
        %parallel_loop3A_2090 = vector.shape_cast %parallel_loop3A_2089 : vector<1x16xf32> to vector<16xf32>
        %parallel_loop3A_2091 = vector.shape_cast %get3A_1389 : vector<16xf32> to vector<1x16xf32>
        tpu.vector_store %arg9[%parallel_loop3A_2087, %parallel_loop3A_2088], %parallel_loop3A_2091 {add = true, strides = array<i32>} : memref<128x128xf32, #tpu.memory_space<vmem>>, vector<1x16xf32>,
        %parallel_loop3A_2092 = arith.index_cast %parallel_loop3A_2081 : i32 to index
        %parallel_loop3A_2093 = arith.constant 32 : index
        %parallel_loop3A_2094 = tpu.vector_load %arg9[%parallel_loop3A_2092, %parallel_loop3A_2093] {strides = array<i32>} : memref<128x128xf32, #tpu.memory_space<vmem>>, vector<1x16xf32>,
        %parallel_loop3A_2095 = vector.shape_cast %parallel_loop3A_2094 : vector<1x16xf32> to vector<16xf32>
        %parallel_loop3A_2096 = vector.shape_cast %get3A_1394 : vector<16xf32> to vector<1x16xf32>
        tpu.vector_store %arg9[%parallel_loop3A_2092, %parallel_loop3A_2093], %parallel_loop3A_2096 {add = true, strides = array<i32>} : memref<128x128xf32, #tpu.memory_space<vmem>>, vector<1x16xf32>,
        %parallel_loop3A_2097 = arith.index_cast %parallel_loop3A_2081 : i32 to index
        %parallel_loop3A_2098 = arith.constant 48 : index
        %parallel_loop3A_2099 = tpu.vector_load %arg9[%parallel_loop3A_2097, %parallel_loop3A_2098] {strides = array<i32>} : memref<128x128xf32, #tpu.memory_space<vmem>>, vector<1x16xf32>,
        %parallel_loop3A_2100 = vector.shape_cast %parallel_loop3A_2099 : vector<1x16xf32> to vector<16xf32>
        %parallel_loop3A_2101 = vector.shape_cast %get3A_1399 : vector<16xf32> to vector<1x16xf32>
        tpu.vector_store %arg9[%parallel_loop3A_2097, %parallel_loop3A_2098], %parallel_loop3A_2101 {add = true, strides = array<i32>} : memref<128x128xf32, #tpu.memory_space<vmem>>, vector<1x16xf32>,
        %parallel_loop3A_2102 = arith.index_cast %parallel_loop3A_2081 : i32 to index
        %parallel_loop3A_2103 = arith.constant 64 : index
        %parallel_loop3A_2104 = tpu.vector_load %arg9[%parallel_loop3A_2102, %parallel_loop3A_2103] {strides = array<i32>} : memref<128x128xf32, #tpu.memory_space<vmem>>, vector<1x16xf32>,
        %parallel_loop3A_2105 = vector.shape_cast %parallel_loop3A_2104 : vector<1x16xf32> to vector<16xf32>
        %parallel_loop3A_2106 = vector.shape_cast %get3A_1404 : vector<16xf32> to vector<1x16xf32>
        tpu.vector_store %arg9[%parallel_loop3A_2102, %parallel_loop3A_2103], %parallel_loop3A_2106 {add = true, strides = array<i32>} : memref<128x128xf32, #tpu.memory_space<vmem>>, vector<1x16xf32>,
        %parallel_loop3A_2107 = arith.index_cast %parallel_loop3A_2081 : i32 to index
        %parallel_loop3A_2108 = arith.constant 80 : index
        %parallel_loop3A_2109 = tpu.vector_load %arg9[%parallel_loop3A_2107, %parallel_loop3A_2108] {strides = array<i32>} : memref<128x128xf32, #tpu.memory_space<vmem>>, vector<1x16xf32>,
        %parallel_loop3A_2110 = vector.shape_cast %parallel_loop3A_2109 : vector<1x16xf32> to vector<16xf32>
        %parallel_loop3A_2111 = vector.shape_cast %get3A_1409 : vector<16xf32> to vector<1x16xf32>
        tpu.vector_store %arg9[%parallel_loop3A_2107, %parallel_loop3A_2108], %parallel_loop3A_2111 {add = true, strides = array<i32>} : memref<128x128xf32, #tpu.memory_space<vmem>>, vector<1x16xf32>,
        %parallel_loop3A_2112 = arith.index_cast %parallel_loop3A_2081 : i32 to index
        %parallel_loop3A_2113 = arith.constant 96 : index
        %parallel_loop3A_2114 = tpu.vector_load %arg9[%parallel_loop3A_2112, %parallel_loop3A_2113] {strides = array<i32>} : memref<128x128xf32, #tpu.memory_space<vmem>>, vector<1x16xf32>,
        %parallel_loop3A_2115 = vector.shape_cast %parallel_loop3A_2114 : vector<1x16xf32> to vector<16xf32>
        %parallel_loop3A_2116 = vector.shape_cast %get3A_1414 : vector<16xf32> to vector<1x16xf32>
        tpu.vector_store %arg9[%parallel_loop3A_2112, %parallel_loop3A_2113], %parallel_loop3A_2116 {add = true, strides = array<i32>} : memref<128x128xf32, #tpu.memory_space<vmem>>, vector<1x16xf32>,
        %parallel_loop3A_2117 = arith.index_cast %parallel_loop3A_2081 : i32 to index
        %parallel_loop3A_2118 = arith.constant 112 : index
        %parallel_loop3A_2119 = tpu.vector_load %arg9[%parallel_loop3A_2117, %parallel_loop3A_2118] {strides = array<i32>} : memref<128x128xf32, #tpu.memory_space<vmem>>, vector<1x16xf32>,
        %parallel_loop3A_2120 = vector.shape_cast %parallel_loop3A_2119 : vector<1x16xf32> to vector<16xf32>
        %parallel_loop3A_2121 = vector.shape_cast %get3A_1419 : vector<16xf32> to vector<1x16xf32>
        tpu.vector_store %arg9[%parallel_loop3A_2117, %parallel_loop3A_2118], %parallel_loop3A_2121 {add = true, strides = array<i32>} : memref<128x128xf32, #tpu.memory_space<vmem>>, vector<1x16xf32>,
      } {sc.loop_unroll_factor = 4 : i64, sc.parallel_access}
      %dma_start3A_1499 = arith.constant 0 : i32
      %dma_start3A_1500 = arith.constant 0 : i32
      %dma_start3A_1501 = tpu.memref_slice %arg5[%dma_start3A_1499, %dma_start3A_1500] : memref<819200x128xf32, #tpu.memory_space<hbm>> -> memref<819200x128xf32, #tpu.memory_space<hbm>>
      tpu.enqueue_indirect_dma source(%arg9 : memref<128x128xf32, #tpu.memory_space<vmem>>) target(%dma_start3A_1501 : memref<819200x128xf32, #tpu.memory_space<hbm>>) offsets(%arg14 : memref<128xi32, #tpu.memory_space<vmem>>) semaphore(%arg24 : memref<!tpu.dma_semaphore, #tpu.memory_space<semaphore_mem>>)
      %dma_wait3A_1502 = arith.constant 0 : i32
      %dma_wait3A_1503 = arith.constant 0 : i32
      %dma_wait3A_1504 = tpu.memref_slice %arg5[%dma_wait3A_1502, %dma_wait3A_1503] : memref<819200x128xf32, #tpu.memory_space<hbm>> -> memref<819200x128xf32, #tpu.memory_space<hbm>>
      tpu.wait_indirect_dma semaphore(%arg27 : memref<!tpu.dma_semaphore, #tpu.memory_space<semaphore_mem>>) src(%arg12 : memref<128x128xf32, #tpu.memory_space<vmem>>) dst(%dma_wait3A_1504 : memref<819200x128xf32, #tpu.memory_space<hbm>>)
      %add3A_1505 = arith.constant 3 : i32
      %add3A_1506 = arith.addi %add3A_1372, %add3A_1505 : i32
      %mul3A_1507 = arith.constant 128 : i32
      %mul3A_1508 = arith.muli %add3A_1506, %mul3A_1507 : i32
      %dma_start3A_1509 = tpu.memref_slice %arg6[%mul3A_1508] : memref<25600xi32, #tpu.memory_space<vmem>> -> memref<128xi32, #tpu.memory_space<vmem>>
      %dma_start3A_1510 = arith.constant 0 : i32
      %dma_start3A_1511 = arith.constant 0 : i32
      %dma_start3A_1512 = tpu.memref_slice %arg8[%dma_start3A_1510, %dma_start3A_1511] : memref<1024x128xf32, #tpu.memory_space<vmem_shared>> -> memref<1024x128xf32, #tpu.memory_space<vmem_shared>>
      tpu.enqueue_indirect_dma source(%dma_start3A_1512 : memref<1024x128xf32, #tpu.memory_space<vmem_shared>>) target(%arg12 : memref<128x128xf32, #tpu.memory_space<vmem>>) offsets(%dma_start3A_1509 : memref<128xi32, #tpu.memory_space<vmem>>) semaphore(%arg22 : memref<!tpu.dma_semaphore, #tpu.memory_space<semaphore_mem>>)
      %add3A_1513 = arith.constant 1 : i32
      %add3A_1514 = arith.addi %add3A_1370, %add3A_1513 : i32
      %mul3A_1515 = arith.constant 128 : i32
      %mul3A_1516 = arith.muli %add3A_1514, %mul3A_1515 : i32
      %add3A_1517 = arith.addi %mul3A_2, %mul3A_1516 : i32
      %shift_right_arithmetic3A_1518 = arith.constant 12 : i32
      %shift_right_arithmetic3A_1519 = arith.shrsi %add3A_1517, %shift_right_arithmetic3A_1518 : i32
      %and3A_1520 = arith.constant 4095 : i32
      %and3A_1521 = arith.andi %add3A_1517, %and3A_1520 : i32
      %sub3A_1522 = arith.subi %shift_right_arithmetic3A_1519, %multiple_of3A : i32
      %get3A_1523 = arith.index_cast %sub3A_1522 : i32 to index
      %get3A_1524 = arith.constant 0 : index
      %get3A_1525 = tpu.vector_load %arg7[%get3A_1523, %get3A_1524] {strides = array<i32>} : memref<16x128xf32, #tpu.memory_space<vmem>>, vector<1x16xf32>,
      %get3A_1526 = vector.shape_cast %get3A_1525 : vector<1x16xf32> to vector<16xf32>
      %sub3A_1527 = arith.subi %shift_right_arithmetic3A_1519, %multiple_of3A : i32
      %get3A_1528 = arith.index_cast %sub3A_1527 : i32 to index
      %get3A_1529 = arith.constant 16 : index
      %get3A_1530 = tpu.vector_load %arg7[%get3A_1528, %get3A_1529] {strides = array<i32>} : memref<16x128xf32, #tpu.memory_space<vmem>>, vector<1x16xf32>,
      %get3A_1531 = vector.shape_cast %get3A_1530 : vector<1x16xf32> to vector<16xf32>
      %sub3A_1532 = arith.subi %shift_right_arithmetic3A_1519, %multiple_of3A : i32
      %get3A_1533 = arith.index_cast %sub3A_1532 : i32 to index
      %get3A_1534 = arith.constant 32 : index
      %get3A_1535 = tpu.vector_load %arg7[%get3A_1533, %get3A_1534] {strides = array<i32>} : memref<16x128xf32, #tpu.memory_space<vmem>>, vector<1x16xf32>,
      %get3A_1536 = vector.shape_cast %get3A_1535 : vector<1x16xf32> to vector<16xf32>
      %sub3A_1537 = arith.subi %shift_right_arithmetic3A_1519, %multiple_of3A : i32
      %get3A_1538 = arith.index_cast %sub3A_1537 : i32 to index
      %get3A_1539 = arith.constant 48 : index
      %get3A_1540 = tpu.vector_load %arg7[%get3A_1538, %get3A_1539] {strides = array<i32>} : memref<16x128xf32, #tpu.memory_space<vmem>>, vector<1x16xf32>,
      %get3A_1541 = vector.shape_cast %get3A_1540 : vector<1x16xf32> to vector<16xf32>
      %sub3A_1542 = arith.subi %shift_right_arithmetic3A_1519, %multiple_of3A : i32
      %get3A_1543 = arith.index_cast %sub3A_1542 : i32 to index
      %get3A_1544 = arith.constant 64 : index
      %get3A_1545 = tpu.vector_load %arg7[%get3A_1543, %get3A_1544] {strides = array<i32>} : memref<16x128xf32, #tpu.memory_space<vmem>>, vector<1x16xf32>,
      %get3A_1546 = vector.shape_cast %get3A_1545 : vector<1x16xf32> to vector<16xf32>
      %sub3A_1547 = arith.subi %shift_right_arithmetic3A_1519, %multiple_of3A : i32
      %get3A_1548 = arith.index_cast %sub3A_1547 : i32 to index
      %get3A_1549 = arith.constant 80 : index
      %get3A_1550 = tpu.vector_load %arg7[%get3A_1548, %get3A_1549] {strides = array<i32>} : memref<16x128xf32, #tpu.memory_space<vmem>>, vector<1x16xf32>,
      %get3A_1551 = vector.shape_cast %get3A_1550 : vector<1x16xf32> to vector<16xf32>
      %sub3A_1552 = arith.subi %shift_right_arithmetic3A_1519, %multiple_of3A : i32
      %get3A_1553 = arith.index_cast %sub3A_1552 : i32 to index
      %get3A_1554 = arith.constant 96 : index
      %get3A_1555 = tpu.vector_load %arg7[%get3A_1553, %get3A_1554] {strides = array<i32>} : memref<16x128xf32, #tpu.memory_space<vmem>>, vector<1x16xf32>,
      %get3A_1556 = vector.shape_cast %get3A_1555 : vector<1x16xf32> to vector<16xf32>
      %sub3A_1557 = arith.subi %shift_right_arithmetic3A_1519, %multiple_of3A : i32
      %get3A_1558 = arith.index_cast %sub3A_1557 : i32 to index
      %get3A_1559 = arith.constant 112 : index
      %get3A_1560 = tpu.vector_load %arg7[%get3A_1558, %get3A_1559] {strides = array<i32>} : memref<16x128xf32, #tpu.memory_space<vmem>>, vector<1x16xf32>,
      %get3A_1561 = vector.shape_cast %get3A_1560 : vector<1x16xf32> to vector<16xf32>
      %iota3A_1562 = tpu.iota {dimensions = array<i32: 0>} : vector<16xi32>
      %mul3A_1563 = arith.constant 200 : i32
      %mul3A_1564 = vector.broadcast %mul3A_1563 : i32 to vector<16xi32>
      %mul3A_1565 = arith.muli %iota3A_1562, %mul3A_1564 : vector<16xi32>
      %mul3A_1566 = arith.constant 200 : i32
      %mul3A_1567 = arith.muli %and3A_1521, %mul3A_1566 : i32
      %add3A_1568 = arith.addi %mul3A_1567, %shift_right_arithmetic3A_1519 : i32
      %add3A_1569 = arith.constant 0 : i32
      %add3A_1570 = arith.addi %add3A_1568, %add3A_1569 : i32
      %add3A_1571 = vector.broadcast %add3A_1570 : i32 to vector<16xi32>
      %add3A_1572 = arith.addi %mul3A_1565, %add3A_1571 : vector<16xi32>
      %swap3A_1573 = arith.constant 0 : index
      %swap3A_1574 = tpu.vector_load %arg15[%swap3A_1573] {strides = array<i32>} : memref<128xi32, #tpu.memory_space<vmem>>, vector<16xi32>,
      %swap3A_1575 = vector.shape_cast %swap3A_1574 : vector<16xi32> to vector<16xi32>
      %swap3A_1576 = vector.shape_cast %add3A_1572 : vector<16xi32> to vector<16xi32>
      tpu.vector_store %arg15[%swap3A_1573], %swap3A_1576 {strides = array<i32>} : memref<128xi32, #tpu.memory_space<vmem>>, vector<16xi32>,
      %add3A_1577 = arith.constant 3200 : i32
      %add3A_1578 = arith.addi %add3A_1568, %add3A_1577 : i32
      %add3A_1579 = vector.broadcast %add3A_1578 : i32 to vector<16xi32>
      %add3A_1580 = arith.addi %mul3A_1565, %add3A_1579 : vector<16xi32>
      %swap3A_1581 = arith.constant 16 : index
      %swap3A_1582 = tpu.vector_load %arg15[%swap3A_1581] {strides = array<i32>} : memref<128xi32, #tpu.memory_space<vmem>>, vector<16xi32>,
      %swap3A_1583 = vector.shape_cast %swap3A_1582 : vector<16xi32> to vector<16xi32>
      %swap3A_1584 = vector.shape_cast %add3A_1580 : vector<16xi32> to vector<16xi32>
      tpu.vector_store %arg15[%swap3A_1581], %swap3A_1584 {strides = array<i32>} : memref<128xi32, #tpu.memory_space<vmem>>, vector<16xi32>,
      %add3A_1585 = arith.constant 6400 : i32
      %add3A_1586 = arith.addi %add3A_1568, %add3A_1585 : i32
      %add3A_1587 = vector.broadcast %add3A_1586 : i32 to vector<16xi32>
      %add3A_1588 = arith.addi %mul3A_1565, %add3A_1587 : vector<16xi32>
      %swap3A_1589 = arith.constant 32 : index
      %swap3A_1590 = tpu.vector_load %arg15[%swap3A_1589] {strides = array<i32>} : memref<128xi32, #tpu.memory_space<vmem>>, vector<16xi32>,
      %swap3A_1591 = vector.shape_cast %swap3A_1590 : vector<16xi32> to vector<16xi32>
      %swap3A_1592 = vector.shape_cast %add3A_1588 : vector<16xi32> to vector<16xi32>
      tpu.vector_store %arg15[%swap3A_1589], %swap3A_1592 {strides = array<i32>} : memref<128xi32, #tpu.memory_space<vmem>>, vector<16xi32>,
      %add3A_1593 = arith.constant 9600 : i32
      %add3A_1594 = arith.addi %add3A_1568, %add3A_1593 : i32
      %add3A_1595 = vector.broadcast %add3A_1594 : i32 to vector<16xi32>
      %add3A_1596 = arith.addi %mul3A_1565, %add3A_1595 : vector<16xi32>
      %swap3A_1597 = arith.constant 48 : index
      %swap3A_1598 = tpu.vector_load %arg15[%swap3A_1597] {strides = array<i32>} : memref<128xi32, #tpu.memory_space<vmem>>, vector<16xi32>,
      %swap3A_1599 = vector.shape_cast %swap3A_1598 : vector<16xi32> to vector<16xi32>
      %swap3A_1600 = vector.shape_cast %add3A_1596 : vector<16xi32> to vector<16xi32>
      tpu.vector_store %arg15[%swap3A_1597], %swap3A_1600 {strides = array<i32>} : memref<128xi32, #tpu.memory_space<vmem>>, vector<16xi32>,
      %add3A_1601 = arith.constant 12800 : i32
      %add3A_1602 = arith.addi %add3A_1568, %add3A_1601 : i32
      %add3A_1603 = vector.broadcast %add3A_1602 : i32 to vector<16xi32>
      %add3A_1604 = arith.addi %mul3A_1565, %add3A_1603 : vector<16xi32>
      %swap3A_1605 = arith.constant 64 : index
      %swap3A_1606 = tpu.vector_load %arg15[%swap3A_1605] {strides = array<i32>} : memref<128xi32, #tpu.memory_space<vmem>>, vector<16xi32>,
      %swap3A_1607 = vector.shape_cast %swap3A_1606 : vector<16xi32> to vector<16xi32>
      %swap3A_1608 = vector.shape_cast %add3A_1604 : vector<16xi32> to vector<16xi32>
      tpu.vector_store %arg15[%swap3A_1605], %swap3A_1608 {strides = array<i32>} : memref<128xi32, #tpu.memory_space<vmem>>, vector<16xi32>,
      %add3A_1609 = arith.constant 16000 : i32
      %add3A_1610 = arith.addi %add3A_1568, %add3A_1609 : i32
      %add3A_1611 = vector.broadcast %add3A_1610 : i32 to vector<16xi32>
      %add3A_1612 = arith.addi %mul3A_1565, %add3A_1611 : vector<16xi32>
      %swap3A_1613 = arith.constant 80 : index
      %swap3A_1614 = tpu.vector_load %arg15[%swap3A_1613] {strides = array<i32>} : memref<128xi32, #tpu.memory_space<vmem>>, vector<16xi32>,
      %swap3A_1615 = vector.shape_cast %swap3A_1614 : vector<16xi32> to vector<16xi32>
      %swap3A_1616 = vector.shape_cast %add3A_1612 : vector<16xi32> to vector<16xi32>
      tpu.vector_store %arg15[%swap3A_1613], %swap3A_1616 {strides = array<i32>} : memref<128xi32, #tpu.memory_space<vmem>>, vector<16xi32>,
      %add3A_1617 = arith.constant 19200 : i32
      %add3A_1618 = arith.addi %add3A_1568, %add3A_1617 : i32
      %add3A_1619 = vector.broadcast %add3A_1618 : i32 to vector<16xi32>
      %add3A_1620 = arith.addi %mul3A_1565, %add3A_1619 : vector<16xi32>
      %swap3A_1621 = arith.constant 96 : index
      %swap3A_1622 = tpu.vector_load %arg15[%swap3A_1621] {strides = array<i32>} : memref<128xi32, #tpu.memory_space<vmem>>, vector<16xi32>,
      %swap3A_1623 = vector.shape_cast %swap3A_1622 : vector<16xi32> to vector<16xi32>
      %swap3A_1624 = vector.shape_cast %add3A_1620 : vector<16xi32> to vector<16xi32>
      tpu.vector_store %arg15[%swap3A_1621], %swap3A_1624 {strides = array<i32>} : memref<128xi32, #tpu.memory_space<vmem>>, vector<16xi32>,
      %add3A_1625 = arith.constant 22400 : i32
      %add3A_1626 = arith.addi %add3A_1568, %add3A_1625 : i32
      %add3A_1627 = vector.broadcast %add3A_1626 : i32 to vector<16xi32>
      %add3A_1628 = arith.addi %mul3A_1565, %add3A_1627 : vector<16xi32>
      %swap3A_1629 = arith.constant 112 : index
      %swap3A_1630 = tpu.vector_load %arg15[%swap3A_1629] {strides = array<i32>} : memref<128xi32, #tpu.memory_space<vmem>>, vector<16xi32>,
      %swap3A_1631 = vector.shape_cast %swap3A_1630 : vector<16xi32> to vector<16xi32>
      %swap3A_1632 = vector.shape_cast %add3A_1628 : vector<16xi32> to vector<16xi32>
      tpu.vector_store %arg15[%swap3A_1629], %swap3A_1632 {strides = array<i32>} : memref<128xi32, #tpu.memory_space<vmem>>, vector<16xi32>,
      %dma_wait3A_1633 = arith.constant 0 : i32
      %dma_wait3A_1634 = tpu.memref_slice %arg6[%dma_wait3A_1633] : memref<25600xi32, #tpu.memory_space<vmem>> -> memref<128xi32, #tpu.memory_space<vmem>>
      %dma_wait3A_1635 = arith.constant 0 : i32
      %dma_wait3A_1636 = arith.constant 0 : i32
      %dma_wait3A_1637 = tpu.memref_slice %arg8[%dma_wait3A_1635, %dma_wait3A_1636] : memref<1024x128xf32, #tpu.memory_space<vmem_shared>> -> memref<1024x128xf32, #tpu.memory_space<vmem_shared>>
      tpu.wait_indirect_dma semaphore(%arg20 : memref<!tpu.dma_semaphore, #tpu.memory_space<semaphore_mem>>) src(%dma_wait3A_1637 : memref<1024x128xf32, #tpu.memory_space<vmem_shared>>) dst(%arg10 : memref<128x128xf32, #tpu.memory_space<vmem>>)
      %parallel_loop3A_1638 = arith.constant 0 : i32
      %parallel_loop3A_1639 = arith.constant 128 : i32
      %parallel_loop3A_1640 = arith.constant 1 : i32
      scf.for %parallel_loop3A_2081 = %parallel_loop3A_1638 to %parallel_loop3A_1639 step %parallel_loop3A_1640  : i32 {
        %parallel_loop3A_2082 = arith.index_cast %parallel_loop3A_2081 : i32 to index
        %parallel_loop3A_2083 = arith.constant 0 : index
        %parallel_loop3A_2084 = tpu.vector_load %arg10[%parallel_loop3A_2082, %parallel_loop3A_2083] {strides = array<i32>} : memref<128x128xf32, #tpu.memory_space<vmem>>, vector<1x16xf32>,
        %parallel_loop3A_2085 = vector.shape_cast %parallel_loop3A_2084 : vector<1x16xf32> to vector<16xf32>
        %parallel_loop3A_2086 = vector.shape_cast %get3A_1526 : vector<16xf32> to vector<1x16xf32>
        tpu.vector_store %arg10[%parallel_loop3A_2082, %parallel_loop3A_2083], %parallel_loop3A_2086 {add = true, strides = array<i32>} : memref<128x128xf32, #tpu.memory_space<vmem>>, vector<1x16xf32>,
        %parallel_loop3A_2087 = arith.index_cast %parallel_loop3A_2081 : i32 to index
        %parallel_loop3A_2088 = arith.constant 16 : index
        %parallel_loop3A_2089 = tpu.vector_load %arg10[%parallel_loop3A_2087, %parallel_loop3A_2088] {strides = array<i32>} : memref<128x128xf32, #tpu.memory_space<vmem>>, vector<1x16xf32>,
        %parallel_loop3A_2090 = vector.shape_cast %parallel_loop3A_2089 : vector<1x16xf32> to vector<16xf32>
        %parallel_loop3A_2091 = vector.shape_cast %get3A_1531 : vector<16xf32> to vector<1x16xf32>
        tpu.vector_store %arg10[%parallel_loop3A_2087, %parallel_loop3A_2088], %parallel_loop3A_2091 {add = true, strides = array<i32>} : memref<128x128xf32, #tpu.memory_space<vmem>>, vector<1x16xf32>,
        %parallel_loop3A_2092 = arith.index_cast %parallel_loop3A_2081 : i32 to index
        %parallel_loop3A_2093 = arith.constant 32 : index
        %parallel_loop3A_2094 = tpu.vector_load %arg10[%parallel_loop3A_2092, %parallel_loop3A_2093] {strides = array<i32>} : memref<128x128xf32, #tpu.memory_space<vmem>>, vector<1x16xf32>,
        %parallel_loop3A_2095 = vector.shape_cast %parallel_loop3A_2094 : vector<1x16xf32> to vector<16xf32>
        %parallel_loop3A_2096 = vector.shape_cast %get3A_1536 : vector<16xf32> to vector<1x16xf32>
        tpu.vector_store %arg10[%parallel_loop3A_2092, %parallel_loop3A_2093], %parallel_loop3A_2096 {add = true, strides = array<i32>} : memref<128x128xf32, #tpu.memory_space<vmem>>, vector<1x16xf32>,
        %parallel_loop3A_2097 = arith.index_cast %parallel_loop3A_2081 : i32 to index
        %parallel_loop3A_2098 = arith.constant 48 : index
        %parallel_loop3A_2099 = tpu.vector_load %arg10[%parallel_loop3A_2097, %parallel_loop3A_2098] {strides = array<i32>} : memref<128x128xf32, #tpu.memory_space<vmem>>, vector<1x16xf32>,
        %parallel_loop3A_2100 = vector.shape_cast %parallel_loop3A_2099 : vector<1x16xf32> to vector<16xf32>
        %parallel_loop3A_2101 = vector.shape_cast %get3A_1541 : vector<16xf32> to vector<1x16xf32>
        tpu.vector_store %arg10[%parallel_loop3A_2097, %parallel_loop3A_2098], %parallel_loop3A_2101 {add = true, strides = array<i32>} : memref<128x128xf32, #tpu.memory_space<vmem>>, vector<1x16xf32>,
        %parallel_loop3A_2102 = arith.index_cast %parallel_loop3A_2081 : i32 to index
        %parallel_loop3A_2103 = arith.constant 64 : index
        %parallel_loop3A_2104 = tpu.vector_load %arg10[%parallel_loop3A_2102, %parallel_loop3A_2103] {strides = array<i32>} : memref<128x128xf32, #tpu.memory_space<vmem>>, vector<1x16xf32>,
        %parallel_loop3A_2105 = vector.shape_cast %parallel_loop3A_2104 : vector<1x16xf32> to vector<16xf32>
        %parallel_loop3A_2106 = vector.shape_cast %get3A_1546 : vector<16xf32> to vector<1x16xf32>
        tpu.vector_store %arg10[%parallel_loop3A_2102, %parallel_loop3A_2103], %parallel_loop3A_2106 {add = true, strides = array<i32>} : memref<128x128xf32, #tpu.memory_space<vmem>>, vector<1x16xf32>,
        %parallel_loop3A_2107 = arith.index_cast %parallel_loop3A_2081 : i32 to index
        %parallel_loop3A_2108 = arith.constant 80 : index
        %parallel_loop3A_2109 = tpu.vector_load %arg10[%parallel_loop3A_2107, %parallel_loop3A_2108] {strides = array<i32>} : memref<128x128xf32, #tpu.memory_space<vmem>>, vector<1x16xf32>,
        %parallel_loop3A_2110 = vector.shape_cast %parallel_loop3A_2109 : vector<1x16xf32> to vector<16xf32>
        %parallel_loop3A_2111 = vector.shape_cast %get3A_1551 : vector<16xf32> to vector<1x16xf32>
        tpu.vector_store %arg10[%parallel_loop3A_2107, %parallel_loop3A_2108], %parallel_loop3A_2111 {add = true, strides = array<i32>} : memref<128x128xf32, #tpu.memory_space<vmem>>, vector<1x16xf32>,
        %parallel_loop3A_2112 = arith.index_cast %parallel_loop3A_2081 : i32 to index
        %parallel_loop3A_2113 = arith.constant 96 : index
        %parallel_loop3A_2114 = tpu.vector_load %arg10[%parallel_loop3A_2112, %parallel_loop3A_2113] {strides = array<i32>} : memref<128x128xf32, #tpu.memory_space<vmem>>, vector<1x16xf32>,
        %parallel_loop3A_2115 = vector.shape_cast %parallel_loop3A_2114 : vector<1x16xf32> to vector<16xf32>
        %parallel_loop3A_2116 = vector.shape_cast %get3A_1556 : vector<16xf32> to vector<1x16xf32>
        tpu.vector_store %arg10[%parallel_loop3A_2112, %parallel_loop3A_2113], %parallel_loop3A_2116 {add = true, strides = array<i32>} : memref<128x128xf32, #tpu.memory_space<vmem>>, vector<1x16xf32>,
        %parallel_loop3A_2117 = arith.index_cast %parallel_loop3A_2081 : i32 to index
        %parallel_loop3A_2118 = arith.constant 112 : index
        %parallel_loop3A_2119 = tpu.vector_load %arg10[%parallel_loop3A_2117, %parallel_loop3A_2118] {strides = array<i32>} : memref<128x128xf32, #tpu.memory_space<vmem>>, vector<1x16xf32>,
        %parallel_loop3A_2120 = vector.shape_cast %parallel_loop3A_2119 : vector<1x16xf32> to vector<16xf32>
        %parallel_loop3A_2121 = vector.shape_cast %get3A_1561 : vector<16xf32> to vector<1x16xf32>
        tpu.vector_store %arg10[%parallel_loop3A_2117, %parallel_loop3A_2118], %parallel_loop3A_2121 {add = true, strides = array<i32>} : memref<128x128xf32, #tpu.memory_space<vmem>>, vector<1x16xf32>,
      } {sc.loop_unroll_factor = 4 : i64, sc.parallel_access}
      %dma_start3A_1641 = arith.constant 0 : i32
      %dma_start3A_1642 = arith.constant 0 : i32
      %dma_start3A_1643 = tpu.memref_slice %arg5[%dma_start3A_1641, %dma_start3A_1642] : memref<819200x128xf32, #tpu.memory_space<hbm>> -> memref<819200x128xf32, #tpu.memory_space<hbm>>
      tpu.enqueue_indirect_dma source(%arg10 : memref<128x128xf32, #tpu.memory_space<vmem>>) target(%dma_start3A_1643 : memref<819200x128xf32, #tpu.memory_space<hbm>>) offsets(%arg15 : memref<128xi32, #tpu.memory_space<vmem>>) semaphore(%arg25 : memref<!tpu.dma_semaphore, #tpu.memory_space<semaphore_mem>>)
      %dma_wait3A_1644 = arith.constant 0 : i32
      %dma_wait3A_1645 = arith.constant 0 : i32
      %dma_wait3A_1646 = tpu.memref_slice %arg5[%dma_wait3A_1644, %dma_wait3A_1645] : memref<819200x128xf32, #tpu.memory_space<hbm>> -> memref<819200x128xf32, #tpu.memory_space<hbm>>
      tpu.wait_indirect_dma semaphore(%arg28 : memref<!tpu.dma_semaphore, #tpu.memory_space<semaphore_mem>>) src(%arg13 : memref<128x128xf32, #tpu.memory_space<vmem>>) dst(%dma_wait3A_1646 : memref<819200x128xf32, #tpu.memory_space<hbm>>)
      %add3A_1647 = arith.constant 3 : i32
      %add3A_1648 = arith.addi %add3A_1514, %add3A_1647 : i32
      %mul3A_1649 = arith.constant 128 : i32
      %mul3A_1650 = arith.muli %add3A_1648, %mul3A_1649 : i32
      %dma_start3A_1651 = tpu.memref_slice %arg6[%mul3A_1650] : memref<25600xi32, #tpu.memory_space<vmem>> -> memref<128xi32, #tpu.memory_space<vmem>>
      %dma_start3A_1652 = arith.constant 0 : i32
      %dma_start3A_1653 = arith.constant 0 : i32
      %dma_start3A_1654 = tpu.memref_slice %arg8[%dma_start3A_1652, %dma_start3A_1653] : memref<1024x128xf32, #tpu.memory_space<vmem_shared>> -> memref<1024x128xf32, #tpu.memory_space<vmem_shared>>
      tpu.enqueue_indirect_dma source(%dma_start3A_1654 : memref<1024x128xf32, #tpu.memory_space<vmem_shared>>) target(%arg13 : memref<128x128xf32, #tpu.memory_space<vmem>>) offsets(%dma_start3A_1651 : memref<128xi32, #tpu.memory_space<vmem>>) semaphore(%arg23 : memref<!tpu.dma_semaphore, #tpu.memory_space<semaphore_mem>>)
      %add3A_1655 = arith.constant 2 : i32
      %add3A_1656 = arith.addi %add3A_1370, %add3A_1655 : i32
      %mul3A_1657 = arith.constant 128 : i32
      %mul3A_1658 = arith.muli %add3A_1656, %mul3A_1657 : i32
      %add3A_1659 = arith.addi %mul3A_2, %mul3A_1658 : i32
      %shift_right_arithmetic3A_1660 = arith.constant 12 : i32
      %shift_right_arithmetic3A_1661 = arith.shrsi %add3A_1659, %shift_right_arithmetic3A_1660 : i32
      %and3A_1662 = arith.constant 4095 : i32
      %and3A_1663 = arith.andi %add3A_1659, %and3A_1662 : i32
      %sub3A_1664 = arith.subi %shift_right_arithmetic3A_1661, %multiple_of3A : i32
      %get3A_1665 = arith.index_cast %sub3A_1664 : i32 to index
      %get3A_1666 = arith.constant 0 : index
      %get3A_1667 = tpu.vector_load %arg7[%get3A_1665, %get3A_1666] {strides = array<i32>} : memref<16x128xf32, #tpu.memory_space<vmem>>, vector<1x16xf32>,
      %get3A_1668 = vector.shape_cast %get3A_1667 : vector<1x16xf32> to vector<16xf32>
      %sub3A_1669 = arith.subi %shift_right_arithmetic3A_1661, %multiple_of3A : i32
      %get3A_1670 = arith.index_cast %sub3A_1669 : i32 to index
      %get3A_1671 = arith.constant 16 : index
      %get3A_1672 = tpu.vector_load %arg7[%get3A_1670, %get3A_1671] {strides = array<i32>} : memref<16x128xf32, #tpu.memory_space<vmem>>, vector<1x16xf32>,
      %get3A_1673 = vector.shape_cast %get3A_1672 : vector<1x16xf32> to vector<16xf32>
      %sub3A_1674 = arith.subi %shift_right_arithmetic3A_1661, %multiple_of3A : i32
      %get3A_1675 = arith.index_cast %sub3A_1674 : i32 to index
      %get3A_1676 = arith.constant 32 : index
      %get3A_1677 = tpu.vector_load %arg7[%get3A_1675, %get3A_1676] {strides = array<i32>} : memref<16x128xf32, #tpu.memory_space<vmem>>, vector<1x16xf32>,
      %get3A_1678 = vector.shape_cast %get3A_1677 : vector<1x16xf32> to vector<16xf32>
      %sub3A_1679 = arith.subi %shift_right_arithmetic3A_1661, %multiple_of3A : i32
      %get3A_1680 = arith.index_cast %sub3A_1679 : i32 to index
      %get3A_1681 = arith.constant 48 : index
      %get3A_1682 = tpu.vector_load %arg7[%get3A_1680, %get3A_1681] {strides = array<i32>} : memref<16x128xf32, #tpu.memory_space<vmem>>, vector<1x16xf32>,
      %get3A_1683 = vector.shape_cast %get3A_1682 : vector<1x16xf32> to vector<16xf32>
      %sub3A_1684 = arith.subi %shift_right_arithmetic3A_1661, %multiple_of3A : i32
      %get3A_1685 = arith.index_cast %sub3A_1684 : i32 to index
      %get3A_1686 = arith.constant 64 : index
      %get3A_1687 = tpu.vector_load %arg7[%get3A_1685, %get3A_1686] {strides = array<i32>} : memref<16x128xf32, #tpu.memory_space<vmem>>, vector<1x16xf32>,
      %get3A_1688 = vector.shape_cast %get3A_1687 : vector<1x16xf32> to vector<16xf32>
      %sub3A_1689 = arith.subi %shift_right_arithmetic3A_1661, %multiple_of3A : i32
      %get3A_1690 = arith.index_cast %sub3A_1689 : i32 to index
      %get3A_1691 = arith.constant 80 : index
      %get3A_1692 = tpu.vector_load %arg7[%get3A_1690, %get3A_1691] {strides = array<i32>} : memref<16x128xf32, #tpu.memory_space<vmem>>, vector<1x16xf32>,
      %get3A_1693 = vector.shape_cast %get3A_1692 : vector<1x16xf32> to vector<16xf32>
      %sub3A_1694 = arith.subi %shift_right_arithmetic3A_1661, %multiple_of3A : i32
      %get3A_1695 = arith.index_cast %sub3A_1694 : i32 to index
      %get3A_1696 = arith.constant 96 : index
      %get3A_1697 = tpu.vector_load %arg7[%get3A_1695, %get3A_1696] {strides = array<i32>} : memref<16x128xf32, #tpu.memory_space<vmem>>, vector<1x16xf32>,
      %get3A_1698 = vector.shape_cast %get3A_1697 : vector<1x16xf32> to vector<16xf32>
      %sub3A_1699 = arith.subi %shift_right_arithmetic3A_1661, %multiple_of3A : i32
      %get3A_1700 = arith.index_cast %sub3A_1699 : i32 to index
      %get3A_1701 = arith.constant 112 : index
      %get3A_1702 = tpu.vector_load %arg7[%get3A_1700, %get3A_1701] {strides = array<i32>} : memref<16x128xf32, #tpu.memory_space<vmem>>, vector<1x16xf32>,
      %get3A_1703 = vector.shape_cast %get3A_1702 : vector<1x16xf32> to vector<16xf32>
      %iota3A_1704 = tpu.iota {dimensions = array<i32: 0>} : vector<16xi32>
      %mul3A_1705 = arith.constant 200 : i32
      %mul3A_1706 = vector.broadcast %mul3A_1705 : i32 to vector<16xi32>
      %mul3A_1707 = arith.muli %iota3A_1704, %mul3A_1706 : vector<16xi32>
      %mul3A_1708 = arith.constant 200 : i32
      %mul3A_1709 = arith.muli %and3A_1663, %mul3A_1708 : i32
      %add3A_1710 = arith.addi %mul3A_1709, %shift_right_arithmetic3A_1661 : i32
      %add3A_1711 = arith.constant 0 : i32
      %add3A_1712 = arith.addi %add3A_1710, %add3A_1711 : i32
      %add3A_1713 = vector.broadcast %add3A_1712 : i32 to vector<16xi32>
      %add3A_1714 = arith.addi %mul3A_1707, %add3A_1713 : vector<16xi32>
      %swap3A_1715 = arith.constant 0 : index
      %swap3A_1716 = tpu.vector_load %arg16[%swap3A_1715] {strides = array<i32>} : memref<128xi32, #tpu.memory_space<vmem>>, vector<16xi32>,
      %swap3A_1717 = vector.shape_cast %swap3A_1716 : vector<16xi32> to vector<16xi32>
      %swap3A_1718 = vector.shape_cast %add3A_1714 : vector<16xi32> to vector<16xi32>
      tpu.vector_store %arg16[%swap3A_1715], %swap3A_1718 {strides = array<i32>} : memref<128xi32, #tpu.memory_space<vmem>>, vector<16xi32>,
      %add3A_1719 = arith.constant 3200 : i32
      %add3A_1720 = arith.addi %add3A_1710, %add3A_1719 : i32
      %add3A_1721 = vector.broadcast %add3A_1720 : i32 to vector<16xi32>
      %add3A_1722 = arith.addi %mul3A_1707, %add3A_1721 : vector<16xi32>
      %swap3A_1723 = arith.constant 16 : index
      %swap3A_1724 = tpu.vector_load %arg16[%swap3A_1723] {strides = array<i32>} : memref<128xi32, #tpu.memory_space<vmem>>, vector<16xi32>,
      %swap3A_1725 = vector.shape_cast %swap3A_1724 : vector<16xi32> to vector<16xi32>
      %swap3A_1726 = vector.shape_cast %add3A_1722 : vector<16xi32> to vector<16xi32>
      tpu.vector_store %arg16[%swap3A_1723], %swap3A_1726 {strides = array<i32>} : memref<128xi32, #tpu.memory_space<vmem>>, vector<16xi32>,
      %add3A_1727 = arith.constant 6400 : i32
      %add3A_1728 = arith.addi %add3A_1710, %add3A_1727 : i32
      %add3A_1729 = vector.broadcast %add3A_1728 : i32 to vector<16xi32>
      %add3A_1730 = arith.addi %mul3A_1707, %add3A_1729 : vector<16xi32>
      %swap3A_1731 = arith.constant 32 : index
      %swap3A_1732 = tpu.vector_load %arg16[%swap3A_1731] {strides = array<i32>} : memref<128xi32, #tpu.memory_space<vmem>>, vector<16xi32>,
      %swap3A_1733 = vector.shape_cast %swap3A_1732 : vector<16xi32> to vector<16xi32>
      %swap3A_1734 = vector.shape_cast %add3A_1730 : vector<16xi32> to vector<16xi32>
      tpu.vector_store %arg16[%swap3A_1731], %swap3A_1734 {strides = array<i32>} : memref<128xi32, #tpu.memory_space<vmem>>, vector<16xi32>,
      %add3A_1735 = arith.constant 9600 : i32
      %add3A_1736 = arith.addi %add3A_1710, %add3A_1735 : i32
      %add3A_1737 = vector.broadcast %add3A_1736 : i32 to vector<16xi32>
      %add3A_1738 = arith.addi %mul3A_1707, %add3A_1737 : vector<16xi32>
      %swap3A_1739 = arith.constant 48 : index
      %swap3A_1740 = tpu.vector_load %arg16[%swap3A_1739] {strides = array<i32>} : memref<128xi32, #tpu.memory_space<vmem>>, vector<16xi32>,
      %swap3A_1741 = vector.shape_cast %swap3A_1740 : vector<16xi32> to vector<16xi32>
      %swap3A_1742 = vector.shape_cast %add3A_1738 : vector<16xi32> to vector<16xi32>
      tpu.vector_store %arg16[%swap3A_1739], %swap3A_1742 {strides = array<i32>} : memref<128xi32, #tpu.memory_space<vmem>>, vector<16xi32>,
      %add3A_1743 = arith.constant 12800 : i32
      %add3A_1744 = arith.addi %add3A_1710, %add3A_1743 : i32
      %add3A_1745 = vector.broadcast %add3A_1744 : i32 to vector<16xi32>
      %add3A_1746 = arith.addi %mul3A_1707, %add3A_1745 : vector<16xi32>
      %swap3A_1747 = arith.constant 64 : index
      %swap3A_1748 = tpu.vector_load %arg16[%swap3A_1747] {strides = array<i32>} : memref<128xi32, #tpu.memory_space<vmem>>, vector<16xi32>,
      %swap3A_1749 = vector.shape_cast %swap3A_1748 : vector<16xi32> to vector<16xi32>
      %swap3A_1750 = vector.shape_cast %add3A_1746 : vector<16xi32> to vector<16xi32>
      tpu.vector_store %arg16[%swap3A_1747], %swap3A_1750 {strides = array<i32>} : memref<128xi32, #tpu.memory_space<vmem>>, vector<16xi32>,
      %add3A_1751 = arith.constant 16000 : i32
      %add3A_1752 = arith.addi %add3A_1710, %add3A_1751 : i32
      %add3A_1753 = vector.broadcast %add3A_1752 : i32 to vector<16xi32>
      %add3A_1754 = arith.addi %mul3A_1707, %add3A_1753 : vector<16xi32>
      %swap3A_1755 = arith.constant 80 : index
      %swap3A_1756 = tpu.vector_load %arg16[%swap3A_1755] {strides = array<i32>} : memref<128xi32, #tpu.memory_space<vmem>>, vector<16xi32>,
      %swap3A_1757 = vector.shape_cast %swap3A_1756 : vector<16xi32> to vector<16xi32>
      %swap3A_1758 = vector.shape_cast %add3A_1754 : vector<16xi32> to vector<16xi32>
      tpu.vector_store %arg16[%swap3A_1755], %swap3A_1758 {strides = array<i32>} : memref<128xi32, #tpu.memory_space<vmem>>, vector<16xi32>,
      %add3A_1759 = arith.constant 19200 : i32
      %add3A_1760 = arith.addi %add3A_1710, %add3A_1759 : i32
      %add3A_1761 = vector.broadcast %add3A_1760 : i32 to vector<16xi32>
      %add3A_1762 = arith.addi %mul3A_1707, %add3A_1761 : vector<16xi32>
      %swap3A_1763 = arith.constant 96 : index
      %swap3A_1764 = tpu.vector_load %arg16[%swap3A_1763] {strides = array<i32>} : memref<128xi32, #tpu.memory_space<vmem>>, vector<16xi32>,
      %swap3A_1765 = vector.shape_cast %swap3A_1764 : vector<16xi32> to vector<16xi32>
      %swap3A_1766 = vector.shape_cast %add3A_1762 : vector<16xi32> to vector<16xi32>
      tpu.vector_store %arg16[%swap3A_1763], %swap3A_1766 {strides = array<i32>} : memref<128xi32, #tpu.memory_space<vmem>>, vector<16xi32>,
      %add3A_1767 = arith.constant 22400 : i32
      %add3A_1768 = arith.addi %add3A_1710, %add3A_1767 : i32
      %add3A_1769 = vector.broadcast %add3A_1768 : i32 to vector<16xi32>
      %add3A_1770 = arith.addi %mul3A_1707, %add3A_1769 : vector<16xi32>
      %swap3A_1771 = arith.constant 112 : index
      %swap3A_1772 = tpu.vector_load %arg16[%swap3A_1771] {strides = array<i32>} : memref<128xi32, #tpu.memory_space<vmem>>, vector<16xi32>,
      %swap3A_1773 = vector.shape_cast %swap3A_1772 : vector<16xi32> to vector<16xi32>
      %swap3A_1774 = vector.shape_cast %add3A_1770 : vector<16xi32> to vector<16xi32>
      tpu.vector_store %arg16[%swap3A_1771], %swap3A_1774 {strides = array<i32>} : memref<128xi32, #tpu.memory_space<vmem>>, vector<16xi32>,
      %dma_wait3A_1775 = arith.constant 0 : i32
      %dma_wait3A_1776 = tpu.memref_slice %arg6[%dma_wait3A_1775] : memref<25600xi32, #tpu.memory_space<vmem>> -> memref<128xi32, #tpu.memory_space<vmem>>
      %dma_wait3A_1777 = arith.constant 0 : i32
      %dma_wait3A_1778 = arith.constant 0 : i32
      %dma_wait3A_1779 = tpu.memref_slice %arg8[%dma_wait3A_1777, %dma_wait3A_1778] : memref<1024x128xf32, #tpu.memory_space<vmem_shared>> -> memref<1024x128xf32, #tpu.memory_space<vmem_shared>>
      tpu.wait_indirect_dma semaphore(%arg21 : memref<!tpu.dma_semaphore, #tpu.memory_space<semaphore_mem>>) src(%dma_wait3A_1779 : memref<1024x128xf32, #tpu.memory_space<vmem_shared>>) dst(%arg11 : memref<128x128xf32, #tpu.memory_space<vmem>>)
      %parallel_loop3A_1780 = arith.constant 0 : i32
      %parallel_loop3A_1781 = arith.constant 128 : i32
      %parallel_loop3A_1782 = arith.constant 1 : i32
      scf.for %parallel_loop3A_2081 = %parallel_loop3A_1780 to %parallel_loop3A_1781 step %parallel_loop3A_1782  : i32 {
        %parallel_loop3A_2082 = arith.index_cast %parallel_loop3A_2081 : i32 to index
        %parallel_loop3A_2083 = arith.constant 0 : index
        %parallel_loop3A_2084 = tpu.vector_load %arg11[%parallel_loop3A_2082, %parallel_loop3A_2083] {strides = array<i32>} : memref<128x128xf32, #tpu.memory_space<vmem>>, vector<1x16xf32>,
        %parallel_loop3A_2085 = vector.shape_cast %parallel_loop3A_2084 : vector<1x16xf32> to vector<16xf32>
        %parallel_loop3A_2086 = vector.shape_cast %get3A_1668 : vector<16xf32> to vector<1x16xf32>
        tpu.vector_store %arg11[%parallel_loop3A_2082, %parallel_loop3A_2083], %parallel_loop3A_2086 {add = true, strides = array<i32>} : memref<128x128xf32, #tpu.memory_space<vmem>>, vector<1x16xf32>,
        %parallel_loop3A_2087 = arith.index_cast %parallel_loop3A_2081 : i32 to index
        %parallel_loop3A_2088 = arith.constant 16 : index
        %parallel_loop3A_2089 = tpu.vector_load %arg11[%parallel_loop3A_2087, %parallel_loop3A_2088] {strides = array<i32>} : memref<128x128xf32, #tpu.memory_space<vmem>>, vector<1x16xf32>,
        %parallel_loop3A_2090 = vector.shape_cast %parallel_loop3A_2089 : vector<1x16xf32> to vector<16xf32>
        %parallel_loop3A_2091 = vector.shape_cast %get3A_1673 : vector<16xf32> to vector<1x16xf32>
        tpu.vector_store %arg11[%parallel_loop3A_2087, %parallel_loop3A_2088], %parallel_loop3A_2091 {add = true, strides = array<i32>} : memref<128x128xf32, #tpu.memory_space<vmem>>, vector<1x16xf32>,
        %parallel_loop3A_2092 = arith.index_cast %parallel_loop3A_2081 : i32 to index
        %parallel_loop3A_2093 = arith.constant 32 : index
        %parallel_loop3A_2094 = tpu.vector_load %arg11[%parallel_loop3A_2092, %parallel_loop3A_2093] {strides = array<i32>} : memref<128x128xf32, #tpu.memory_space<vmem>>, vector<1x16xf32>,
        %parallel_loop3A_2095 = vector.shape_cast %parallel_loop3A_2094 : vector<1x16xf32> to vector<16xf32>
        %parallel_loop3A_2096 = vector.shape_cast %get3A_1678 : vector<16xf32> to vector<1x16xf32>
        tpu.vector_store %arg11[%parallel_loop3A_2092, %parallel_loop3A_2093], %parallel_loop3A_2096 {add = true, strides = array<i32>} : memref<128x128xf32, #tpu.memory_space<vmem>>, vector<1x16xf32>,
        %parallel_loop3A_2097 = arith.index_cast %parallel_loop3A_2081 : i32 to index
        %parallel_loop3A_2098 = arith.constant 48 : index
        %parallel_loop3A_2099 = tpu.vector_load %arg11[%parallel_loop3A_2097, %parallel_loop3A_2098] {strides = array<i32>} : memref<128x128xf32, #tpu.memory_space<vmem>>, vector<1x16xf32>,
        %parallel_loop3A_2100 = vector.shape_cast %parallel_loop3A_2099 : vector<1x16xf32> to vector<16xf32>
        %parallel_loop3A_2101 = vector.shape_cast %get3A_1683 : vector<16xf32> to vector<1x16xf32>
        tpu.vector_store %arg11[%parallel_loop3A_2097, %parallel_loop3A_2098], %parallel_loop3A_2101 {add = true, strides = array<i32>} : memref<128x128xf32, #tpu.memory_space<vmem>>, vector<1x16xf32>,
        %parallel_loop3A_2102 = arith.index_cast %parallel_loop3A_2081 : i32 to index
        %parallel_loop3A_2103 = arith.constant 64 : index
        %parallel_loop3A_2104 = tpu.vector_load %arg11[%parallel_loop3A_2102, %parallel_loop3A_2103] {strides = array<i32>} : memref<128x128xf32, #tpu.memory_space<vmem>>, vector<1x16xf32>,
        %parallel_loop3A_2105 = vector.shape_cast %parallel_loop3A_2104 : vector<1x16xf32> to vector<16xf32>
        %parallel_loop3A_2106 = vector.shape_cast %get3A_1688 : vector<16xf32> to vector<1x16xf32>
        tpu.vector_store %arg11[%parallel_loop3A_2102, %parallel_loop3A_2103], %parallel_loop3A_2106 {add = true, strides = array<i32>} : memref<128x128xf32, #tpu.memory_space<vmem>>, vector<1x16xf32>,
        %parallel_loop3A_2107 = arith.index_cast %parallel_loop3A_2081 : i32 to index
        %parallel_loop3A_2108 = arith.constant 80 : index
        %parallel_loop3A_2109 = tpu.vector_load %arg11[%parallel_loop3A_2107, %parallel_loop3A_2108] {strides = array<i32>} : memref<128x128xf32, #tpu.memory_space<vmem>>, vector<1x16xf32>,
        %parallel_loop3A_2110 = vector.shape_cast %parallel_loop3A_2109 : vector<1x16xf32> to vector<16xf32>
        %parallel_loop3A_2111 = vector.shape_cast %get3A_1693 : vector<16xf32> to vector<1x16xf32>
        tpu.vector_store %arg11[%parallel_loop3A_2107, %parallel_loop3A_2108], %parallel_loop3A_2111 {add = true, strides = array<i32>} : memref<128x128xf32, #tpu.memory_space<vmem>>, vector<1x16xf32>,
        %parallel_loop3A_2112 = arith.index_cast %parallel_loop3A_2081 : i32 to index
        %parallel_loop3A_2113 = arith.constant 96 : index
        %parallel_loop3A_2114 = tpu.vector_load %arg11[%parallel_loop3A_2112, %parallel_loop3A_2113] {strides = array<i32>} : memref<128x128xf32, #tpu.memory_space<vmem>>, vector<1x16xf32>,
        %parallel_loop3A_2115 = vector.shape_cast %parallel_loop3A_2114 : vector<1x16xf32> to vector<16xf32>
        %parallel_loop3A_2116 = vector.shape_cast %get3A_1698 : vector<16xf32> to vector<1x16xf32>
        tpu.vector_store %arg11[%parallel_loop3A_2112, %parallel_loop3A_2113], %parallel_loop3A_2116 {add = true, strides = array<i32>} : memref<128x128xf32, #tpu.memory_space<vmem>>, vector<1x16xf32>,
        %parallel_loop3A_2117 = arith.index_cast %parallel_loop3A_2081 : i32 to index
        %parallel_loop3A_2118 = arith.constant 112 : index
        %parallel_loop3A_2119 = tpu.vector_load %arg11[%parallel_loop3A_2117, %parallel_loop3A_2118] {strides = array<i32>} : memref<128x128xf32, #tpu.memory_space<vmem>>, vector<1x16xf32>,
        %parallel_loop3A_2120 = vector.shape_cast %parallel_loop3A_2119 : vector<1x16xf32> to vector<16xf32>
        %parallel_loop3A_2121 = vector.shape_cast %get3A_1703 : vector<16xf32> to vector<1x16xf32>
        tpu.vector_store %arg11[%parallel_loop3A_2117, %parallel_loop3A_2118], %parallel_loop3A_2121 {add = true, strides = array<i32>} : memref<128x128xf32, #tpu.memory_space<vmem>>, vector<1x16xf32>,
      } {sc.loop_unroll_factor = 4 : i64, sc.parallel_access}
      %dma_start3A_1783 = arith.constant 0 : i32
      %dma_start3A_1784 = arith.constant 0 : i32
      %dma_start3A_1785 = tpu.memref_slice %arg5[%dma_start3A_1783, %dma_start3A_1784] : memref<819200x128xf32, #tpu.memory_space<hbm>> -> memref<819200x128xf32, #tpu.memory_space<hbm>>
      tpu.enqueue_indirect_dma source(%arg11 : memref<128x128xf32, #tpu.memory_space<vmem>>) target(%dma_start3A_1785 : memref<819200x128xf32, #tpu.memory_space<hbm>>) offsets(%arg16 : memref<128xi32, #tpu.memory_space<vmem>>) semaphore(%arg26 : memref<!tpu.dma_semaphore, #tpu.memory_space<semaphore_mem>>)
      %dma_wait3A_1786 = arith.constant 0 : i32
      %dma_wait3A_1787 = arith.constant 0 : i32
      %dma_wait3A_1788 = tpu.memref_slice %arg5[%dma_wait3A_1786, %dma_wait3A_1787] : memref<819200x128xf32, #tpu.memory_space<hbm>> -> memref<819200x128xf32, #tpu.memory_space<hbm>>
      tpu.wait_indirect_dma semaphore(%arg24 : memref<!tpu.dma_semaphore, #tpu.memory_space<semaphore_mem>>) src(%arg9 : memref<128x128xf32, #tpu.memory_space<vmem>>) dst(%dma_wait3A_1788 : memref<819200x128xf32, #tpu.memory_space<hbm>>)
      %add3A_1789 = arith.constant 3 : i32
      %add3A_1790 = arith.addi %add3A_1656, %add3A_1789 : i32
      %mul3A_1791 = arith.constant 128 : i32
      %mul3A_1792 = arith.muli %add3A_1790, %mul3A_1791 : i32
      %dma_start3A_1793 = tpu.memref_slice %arg6[%mul3A_1792] : memref<25600xi32, #tpu.memory_space<vmem>> -> memref<128xi32, #tpu.memory_space<vmem>>
      %dma_start3A_1794 = arith.constant 0 : i32
      %dma_start3A_1795 = arith.constant 0 : i32
      %dma_start3A_1796 = tpu.memref_slice %arg8[%dma_start3A_1794, %dma_start3A_1795] : memref<1024x128xf32, #tpu.memory_space<vmem_shared>> -> memref<1024x128xf32, #tpu.memory_space<vmem_shared>>
      tpu.enqueue_indirect_dma source(%dma_start3A_1796 : memref<1024x128xf32, #tpu.memory_space<vmem_shared>>) target(%arg9 : memref<128x128xf32, #tpu.memory_space<vmem>>) offsets(%dma_start3A_1793 : memref<128xi32, #tpu.memory_space<vmem>>) semaphore(%arg19 : memref<!tpu.dma_semaphore, #tpu.memory_space<semaphore_mem>>)
      %add3A_1797 = arith.constant 3 : i32
      %add3A_1798 = arith.addi %add3A_1370, %add3A_1797 : i32
      %mul3A_1799 = arith.constant 128 : i32
      %mul3A_1800 = arith.muli %add3A_1798, %mul3A_1799 : i32
      %add3A_1801 = arith.addi %mul3A_2, %mul3A_1800 : i32
      %shift_right_arithmetic3A_1802 = arith.constant 12 : i32
      %shift_right_arithmetic3A_1803 = arith.shrsi %add3A_1801, %shift_right_arithmetic3A_1802 : i32
      %and3A_1804 = arith.constant 4095 : i32
      %and3A_1805 = arith.andi %add3A_1801, %and3A_1804 : i32
      %sub3A_1806 = arith.subi %shift_right_arithmetic3A_1803, %multiple_of3A : i32
      %get3A_1807 = arith.index_cast %sub3A_1806 : i32 to index
      %get3A_1808 = arith.constant 0 : index
      %get3A_1809 = tpu.vector_load %arg7[%get3A_1807, %get3A_1808] {strides = array<i32>} : memref<16x128xf32, #tpu.memory_space<vmem>>, vector<1x16xf32>,
      %get3A_1810 = vector.shape_cast %get3A_1809 : vector<1x16xf32> to vector<16xf32>
      %sub3A_1811 = arith.subi %shift_right_arithmetic3A_1803, %multiple_of3A : i32
      %get3A_1812 = arith.index_cast %sub3A_1811 : i32 to index
      %get3A_1813 = arith.constant 16 : index
      %get3A_1814 = tpu.vector_load %arg7[%get3A_1812, %get3A_1813] {strides = array<i32>} : memref<16x128xf32, #tpu.memory_space<vmem>>, vector<1x16xf32>,
      %get3A_1815 = vector.shape_cast %get3A_1814 : vector<1x16xf32> to vector<16xf32>
      %sub3A_1816 = arith.subi %shift_right_arithmetic3A_1803, %multiple_of3A : i32
      %get3A_1817 = arith.index_cast %sub3A_1816 : i32 to index
      %get3A_1818 = arith.constant 32 : index
      %get3A_1819 = tpu.vector_load %arg7[%get3A_1817, %get3A_1818] {strides = array<i32>} : memref<16x128xf32, #tpu.memory_space<vmem>>, vector<1x16xf32>,
      %get3A_1820 = vector.shape_cast %get3A_1819 : vector<1x16xf32> to vector<16xf32>
      %sub3A_1821 = arith.subi %shift_right_arithmetic3A_1803, %multiple_of3A : i32
      %get3A_1822 = arith.index_cast %sub3A_1821 : i32 to index
      %get3A_1823 = arith.constant 48 : index
      %get3A_1824 = tpu.vector_load %arg7[%get3A_1822, %get3A_1823] {strides = array<i32>} : memref<16x128xf32, #tpu.memory_space<vmem>>, vector<1x16xf32>,
      %get3A_1825 = vector.shape_cast %get3A_1824 : vector<1x16xf32> to vector<16xf32>
      %sub3A_1826 = arith.subi %shift_right_arithmetic3A_1803, %multiple_of3A : i32
      %get3A_1827 = arith.index_cast %sub3A_1826 : i32 to index
      %get3A_1828 = arith.constant 64 : index
      %get3A_1829 = tpu.vector_load %arg7[%get3A_1827, %get3A_1828] {strides = array<i32>} : memref<16x128xf32, #tpu.memory_space<vmem>>, vector<1x16xf32>,
      %get3A_1830 = vector.shape_cast %get3A_1829 : vector<1x16xf32> to vector<16xf32>
      %sub3A_1831 = arith.subi %shift_right_arithmetic3A_1803, %multiple_of3A : i32
      %get3A_1832 = arith.index_cast %sub3A_1831 : i32 to index
      %get3A_1833 = arith.constant 80 : index
      %get3A_1834 = tpu.vector_load %arg7[%get3A_1832, %get3A_1833] {strides = array<i32>} : memref<16x128xf32, #tpu.memory_space<vmem>>, vector<1x16xf32>,
      %get3A_1835 = vector.shape_cast %get3A_1834 : vector<1x16xf32> to vector<16xf32>
      %sub3A_1836 = arith.subi %shift_right_arithmetic3A_1803, %multiple_of3A : i32
      %get3A_1837 = arith.index_cast %sub3A_1836 : i32 to index
      %get3A_1838 = arith.constant 96 : index
      %get3A_1839 = tpu.vector_load %arg7[%get3A_1837, %get3A_1838] {strides = array<i32>} : memref<16x128xf32, #tpu.memory_space<vmem>>, vector<1x16xf32>,
      %get3A_1840 = vector.shape_cast %get3A_1839 : vector<1x16xf32> to vector<16xf32>
      %sub3A_1841 = arith.subi %shift_right_arithmetic3A_1803, %multiple_of3A : i32
      %get3A_1842 = arith.index_cast %sub3A_1841 : i32 to index
      %get3A_1843 = arith.constant 112 : index
      %get3A_1844 = tpu.vector_load %arg7[%get3A_1842, %get3A_1843] {strides = array<i32>} : memref<16x128xf32, #tpu.memory_space<vmem>>, vector<1x16xf32>,
      %get3A_1845 = vector.shape_cast %get3A_1844 : vector<1x16xf32> to vector<16xf32>
      %iota3A_1846 = tpu.iota {dimensions = array<i32: 0>} : vector<16xi32>
      %mul3A_1847 = arith.constant 200 : i32
      %mul3A_1848 = vector.broadcast %mul3A_1847 : i32 to vector<16xi32>
      %mul3A_1849 = arith.muli %iota3A_1846, %mul3A_1848 : vector<16xi32>
      %mul3A_1850 = arith.constant 200 : i32
      %mul3A_1851 = arith.muli %and3A_1805, %mul3A_1850 : i32
      %add3A_1852 = arith.addi %mul3A_1851, %shift_right_arithmetic3A_1803 : i32
      %add3A_1853 = arith.constant 0 : i32
      %add3A_1854 = arith.addi %add3A_1852, %add3A_1853 : i32
      %add3A_1855 = vector.broadcast %add3A_1854 : i32 to vector<16xi32>
      %add3A_1856 = arith.addi %mul3A_1849, %add3A_1855 : vector<16xi32>
      %swap3A_1857 = arith.constant 0 : index
      %swap3A_1858 = tpu.vector_load %arg17[%swap3A_1857] {strides = array<i32>} : memref<128xi32, #tpu.memory_space<vmem>>, vector<16xi32>,
      %swap3A_1859 = vector.shape_cast %swap3A_1858 : vector<16xi32> to vector<16xi32>
      %swap3A_1860 = vector.shape_cast %add3A_1856 : vector<16xi32> to vector<16xi32>
      tpu.vector_store %arg17[%swap3A_1857], %swap3A_1860 {strides = array<i32>} : memref<128xi32, #tpu.memory_space<vmem>>, vector<16xi32>,
      %add3A_1861 = arith.constant 3200 : i32
      %add3A_1862 = arith.addi %add3A_1852, %add3A_1861 : i32
      %add3A_1863 = vector.broadcast %add3A_1862 : i32 to vector<16xi32>
      %add3A_1864 = arith.addi %mul3A_1849, %add3A_1863 : vector<16xi32>
      %swap3A_1865 = arith.constant 16 : index
      %swap3A_1866 = tpu.vector_load %arg17[%swap3A_1865] {strides = array<i32>} : memref<128xi32, #tpu.memory_space<vmem>>, vector<16xi32>,
      %swap3A_1867 = vector.shape_cast %swap3A_1866 : vector<16xi32> to vector<16xi32>
      %swap3A_1868 = vector.shape_cast %add3A_1864 : vector<16xi32> to vector<16xi32>
      tpu.vector_store %arg17[%swap3A_1865], %swap3A_1868 {strides = array<i32>} : memref<128xi32, #tpu.memory_space<vmem>>, vector<16xi32>,
      %add3A_1869 = arith.constant 6400 : i32
      %add3A_1870 = arith.addi %add3A_1852, %add3A_1869 : i32
      %add3A_1871 = vector.broadcast %add3A_1870 : i32 to vector<16xi32>
      %add3A_1872 = arith.addi %mul3A_1849, %add3A_1871 : vector<16xi32>
      %swap3A_1873 = arith.constant 32 : index
      %swap3A_1874 = tpu.vector_load %arg17[%swap3A_1873] {strides = array<i32>} : memref<128xi32, #tpu.memory_space<vmem>>, vector<16xi32>,
      %swap3A_1875 = vector.shape_cast %swap3A_1874 : vector<16xi32> to vector<16xi32>
      %swap3A_1876 = vector.shape_cast %add3A_1872 : vector<16xi32> to vector<16xi32>
      tpu.vector_store %arg17[%swap3A_1873], %swap3A_1876 {strides = array<i32>} : memref<128xi32, #tpu.memory_space<vmem>>, vector<16xi32>,
      %add3A_1877 = arith.constant 9600 : i32
      %add3A_1878 = arith.addi %add3A_1852, %add3A_1877 : i32
      %add3A_1879 = vector.broadcast %add3A_1878 : i32 to vector<16xi32>
      %add3A_1880 = arith.addi %mul3A_1849, %add3A_1879 : vector<16xi32>
      %swap3A_1881 = arith.constant 48 : index
      %swap3A_1882 = tpu.vector_load %arg17[%swap3A_1881] {strides = array<i32>} : memref<128xi32, #tpu.memory_space<vmem>>, vector<16xi32>,
      %swap3A_1883 = vector.shape_cast %swap3A_1882 : vector<16xi32> to vector<16xi32>
      %swap3A_1884 = vector.shape_cast %add3A_1880 : vector<16xi32> to vector<16xi32>
      tpu.vector_store %arg17[%swap3A_1881], %swap3A_1884 {strides = array<i32>} : memref<128xi32, #tpu.memory_space<vmem>>, vector<16xi32>,
      %add3A_1885 = arith.constant 12800 : i32
      %add3A_1886 = arith.addi %add3A_1852, %add3A_1885 : i32
      %add3A_1887 = vector.broadcast %add3A_1886 : i32 to vector<16xi32>
      %add3A_1888 = arith.addi %mul3A_1849, %add3A_1887 : vector<16xi32>
      %swap3A_1889 = arith.constant 64 : index
      %swap3A_1890 = tpu.vector_load %arg17[%swap3A_1889] {strides = array<i32>} : memref<128xi32, #tpu.memory_space<vmem>>, vector<16xi32>,
      %swap3A_1891 = vector.shape_cast %swap3A_1890 : vector<16xi32> to vector<16xi32>
      %swap3A_1892 = vector.shape_cast %add3A_1888 : vector<16xi32> to vector<16xi32>
      tpu.vector_store %arg17[%swap3A_1889], %swap3A_1892 {strides = array<i32>} : memref<128xi32, #tpu.memory_space<vmem>>, vector<16xi32>,
      %add3A_1893 = arith.constant 16000 : i32
      %add3A_1894 = arith.addi %add3A_1852, %add3A_1893 : i32
      %add3A_1895 = vector.broadcast %add3A_1894 : i32 to vector<16xi32>
      %add3A_1896 = arith.addi %mul3A_1849, %add3A_1895 : vector<16xi32>
      %swap3A_1897 = arith.constant 80 : index
      %swap3A_1898 = tpu.vector_load %arg17[%swap3A_1897] {strides = array<i32>} : memref<128xi32, #tpu.memory_space<vmem>>, vector<16xi32>,
      %swap3A_1899 = vector.shape_cast %swap3A_1898 : vector<16xi32> to vector<16xi32>
      %swap3A_1900 = vector.shape_cast %add3A_1896 : vector<16xi32> to vector<16xi32>
      tpu.vector_store %arg17[%swap3A_1897], %swap3A_1900 {strides = array<i32>} : memref<128xi32, #tpu.memory_space<vmem>>, vector<16xi32>,
      %add3A_1901 = arith.constant 19200 : i32
      %add3A_1902 = arith.addi %add3A_1852, %add3A_1901 : i32
      %add3A_1903 = vector.broadcast %add3A_1902 : i32 to vector<16xi32>
      %add3A_1904 = arith.addi %mul3A_1849, %add3A_1903 : vector<16xi32>
      %swap3A_1905 = arith.constant 96 : index
      %swap3A_1906 = tpu.vector_load %arg17[%swap3A_1905] {strides = array<i32>} : memref<128xi32, #tpu.memory_space<vmem>>, vector<16xi32>,
      %swap3A_1907 = vector.shape_cast %swap3A_1906 : vector<16xi32> to vector<16xi32>
      %swap3A_1908 = vector.shape_cast %add3A_1904 : vector<16xi32> to vector<16xi32>
      tpu.vector_store %arg17[%swap3A_1905], %swap3A_1908 {strides = array<i32>} : memref<128xi32, #tpu.memory_space<vmem>>, vector<16xi32>,
      %add3A_1909 = arith.constant 22400 : i32
      %add3A_1910 = arith.addi %add3A_1852, %add3A_1909 : i32
      %add3A_1911 = vector.broadcast %add3A_1910 : i32 to vector<16xi32>
      %add3A_1912 = arith.addi %mul3A_1849, %add3A_1911 : vector<16xi32>
      %swap3A_1913 = arith.constant 112 : index
      %swap3A_1914 = tpu.vector_load %arg17[%swap3A_1913] {strides = array<i32>} : memref<128xi32, #tpu.memory_space<vmem>>, vector<16xi32>,
      %swap3A_1915 = vector.shape_cast %swap3A_1914 : vector<16xi32> to vector<16xi32>
      %swap3A_1916 = vector.shape_cast %add3A_1912 : vector<16xi32> to vector<16xi32>
      tpu.vector_store %arg17[%swap3A_1913], %swap3A_1916 {strides = array<i32>} : memref<128xi32, #tpu.memory_space<vmem>>, vector<16xi32>,
      %dma_wait3A_1917 = arith.constant 0 : i32
      %dma_wait3A_1918 = tpu.memref_slice %arg6[%dma_wait3A_1917] : memref<25600xi32, #tpu.memory_space<vmem>> -> memref<128xi32, #tpu.memory_space<vmem>>
      %dma_wait3A_1919 = arith.constant 0 : i32
      %dma_wait3A_1920 = arith.constant 0 : i32
      %dma_wait3A_1921 = tpu.memref_slice %arg8[%dma_wait3A_1919, %dma_wait3A_1920] : memref<1024x128xf32, #tpu.memory_space<vmem_shared>> -> memref<1024x128xf32, #tpu.memory_space<vmem_shared>>
      tpu.wait_indirect_dma semaphore(%arg22 : memref<!tpu.dma_semaphore, #tpu.memory_space<semaphore_mem>>) src(%dma_wait3A_1921 : memref<1024x128xf32, #tpu.memory_space<vmem_shared>>) dst(%arg12 : memref<128x128xf32, #tpu.memory_space<vmem>>)
      %parallel_loop3A_1922 = arith.constant 0 : i32
      %parallel_loop3A_1923 = arith.constant 128 : i32
      %parallel_loop3A_1924 = arith.constant 1 : i32
      scf.for %parallel_loop3A_2081 = %parallel_loop3A_1922 to %parallel_loop3A_1923 step %parallel_loop3A_1924  : i32 {
        %parallel_loop3A_2082 = arith.index_cast %parallel_loop3A_2081 : i32 to index
        %parallel_loop3A_2083 = arith.constant 0 : index
        %parallel_loop3A_2084 = tpu.vector_load %arg12[%parallel_loop3A_2082, %parallel_loop3A_2083] {strides = array<i32>} : memref<128x128xf32, #tpu.memory_space<vmem>>, vector<1x16xf32>,
        %parallel_loop3A_2085 = vector.shape_cast %parallel_loop3A_2084 : vector<1x16xf32> to vector<16xf32>
        %parallel_loop3A_2086 = vector.shape_cast %get3A_1810 : vector<16xf32> to vector<1x16xf32>
        tpu.vector_store %arg12[%parallel_loop3A_2082, %parallel_loop3A_2083], %parallel_loop3A_2086 {add = true, strides = array<i32>} : memref<128x128xf32, #tpu.memory_space<vmem>>, vector<1x16xf32>,
        %parallel_loop3A_2087 = arith.index_cast %parallel_loop3A_2081 : i32 to index
        %parallel_loop3A_2088 = arith.constant 16 : index
        %parallel_loop3A_2089 = tpu.vector_load %arg12[%parallel_loop3A_2087, %parallel_loop3A_2088] {strides = array<i32>} : memref<128x128xf32, #tpu.memory_space<vmem>>, vector<1x16xf32>,
        %parallel_loop3A_2090 = vector.shape_cast %parallel_loop3A_2089 : vector<1x16xf32> to vector<16xf32>
        %parallel_loop3A_2091 = vector.shape_cast %get3A_1815 : vector<16xf32> to vector<1x16xf32>
        tpu.vector_store %arg12[%parallel_loop3A_2087, %parallel_loop3A_2088], %parallel_loop3A_2091 {add = true, strides = array<i32>} : memref<128x128xf32, #tpu.memory_space<vmem>>, vector<1x16xf32>,
        %parallel_loop3A_2092 = arith.index_cast %parallel_loop3A_2081 : i32 to index
        %parallel_loop3A_2093 = arith.constant 32 : index
        %parallel_loop3A_2094 = tpu.vector_load %arg12[%parallel_loop3A_2092, %parallel_loop3A_2093] {strides = array<i32>} : memref<128x128xf32, #tpu.memory_space<vmem>>, vector<1x16xf32>,
        %parallel_loop3A_2095 = vector.shape_cast %parallel_loop3A_2094 : vector<1x16xf32> to vector<16xf32>
        %parallel_loop3A_2096 = vector.shape_cast %get3A_1820 : vector<16xf32> to vector<1x16xf32>
        tpu.vector_store %arg12[%parallel_loop3A_2092, %parallel_loop3A_2093], %parallel_loop3A_2096 {add = true, strides = array<i32>} : memref<128x128xf32, #tpu.memory_space<vmem>>, vector<1x16xf32>,
        %parallel_loop3A_2097 = arith.index_cast %parallel_loop3A_2081 : i32 to index
        %parallel_loop3A_2098 = arith.constant 48 : index
        %parallel_loop3A_2099 = tpu.vector_load %arg12[%parallel_loop3A_2097, %parallel_loop3A_2098] {strides = array<i32>} : memref<128x128xf32, #tpu.memory_space<vmem>>, vector<1x16xf32>,
        %parallel_loop3A_2100 = vector.shape_cast %parallel_loop3A_2099 : vector<1x16xf32> to vector<16xf32>
        %parallel_loop3A_2101 = vector.shape_cast %get3A_1825 : vector<16xf32> to vector<1x16xf32>
        tpu.vector_store %arg12[%parallel_loop3A_2097, %parallel_loop3A_2098], %parallel_loop3A_2101 {add = true, strides = array<i32>} : memref<128x128xf32, #tpu.memory_space<vmem>>, vector<1x16xf32>,
        %parallel_loop3A_2102 = arith.index_cast %parallel_loop3A_2081 : i32 to index
        %parallel_loop3A_2103 = arith.constant 64 : index
        %parallel_loop3A_2104 = tpu.vector_load %arg12[%parallel_loop3A_2102, %parallel_loop3A_2103] {strides = array<i32>} : memref<128x128xf32, #tpu.memory_space<vmem>>, vector<1x16xf32>,
        %parallel_loop3A_2105 = vector.shape_cast %parallel_loop3A_2104 : vector<1x16xf32> to vector<16xf32>
        %parallel_loop3A_2106 = vector.shape_cast %get3A_1830 : vector<16xf32> to vector<1x16xf32>
        tpu.vector_store %arg12[%parallel_loop3A_2102, %parallel_loop3A_2103], %parallel_loop3A_2106 {add = true, strides = array<i32>} : memref<128x128xf32, #tpu.memory_space<vmem>>, vector<1x16xf32>,
        %parallel_loop3A_2107 = arith.index_cast %parallel_loop3A_2081 : i32 to index
        %parallel_loop3A_2108 = arith.constant 80 : index
        %parallel_loop3A_2109 = tpu.vector_load %arg12[%parallel_loop3A_2107, %parallel_loop3A_2108] {strides = array<i32>} : memref<128x128xf32, #tpu.memory_space<vmem>>, vector<1x16xf32>,
        %parallel_loop3A_2110 = vector.shape_cast %parallel_loop3A_2109 : vector<1x16xf32> to vector<16xf32>
        %parallel_loop3A_2111 = vector.shape_cast %get3A_1835 : vector<16xf32> to vector<1x16xf32>
        tpu.vector_store %arg12[%parallel_loop3A_2107, %parallel_loop3A_2108], %parallel_loop3A_2111 {add = true, strides = array<i32>} : memref<128x128xf32, #tpu.memory_space<vmem>>, vector<1x16xf32>,
        %parallel_loop3A_2112 = arith.index_cast %parallel_loop3A_2081 : i32 to index
        %parallel_loop3A_2113 = arith.constant 96 : index
        %parallel_loop3A_2114 = tpu.vector_load %arg12[%parallel_loop3A_2112, %parallel_loop3A_2113] {strides = array<i32>} : memref<128x128xf32, #tpu.memory_space<vmem>>, vector<1x16xf32>,
        %parallel_loop3A_2115 = vector.shape_cast %parallel_loop3A_2114 : vector<1x16xf32> to vector<16xf32>
        %parallel_loop3A_2116 = vector.shape_cast %get3A_1840 : vector<16xf32> to vector<1x16xf32>
        tpu.vector_store %arg12[%parallel_loop3A_2112, %parallel_loop3A_2113], %parallel_loop3A_2116 {add = true, strides = array<i32>} : memref<128x128xf32, #tpu.memory_space<vmem>>, vector<1x16xf32>,
        %parallel_loop3A_2117 = arith.index_cast %parallel_loop3A_2081 : i32 to index
        %parallel_loop3A_2118 = arith.constant 112 : index
        %parallel_loop3A_2119 = tpu.vector_load %arg12[%parallel_loop3A_2117, %parallel_loop3A_2118] {strides = array<i32>} : memref<128x128xf32, #tpu.memory_space<vmem>>, vector<1x16xf32>,
        %parallel_loop3A_2120 = vector.shape_cast %parallel_loop3A_2119 : vector<1x16xf32> to vector<16xf32>
        %parallel_loop3A_2121 = vector.shape_cast %get3A_1845 : vector<16xf32> to vector<1x16xf32>
        tpu.vector_store %arg12[%parallel_loop3A_2117, %parallel_loop3A_2118], %parallel_loop3A_2121 {add = true, strides = array<i32>} : memref<128x128xf32, #tpu.memory_space<vmem>>, vector<1x16xf32>,
      } {sc.loop_unroll_factor = 4 : i64, sc.parallel_access}
      %dma_start3A_1925 = arith.constant 0 : i32
      %dma_start3A_1926 = arith.constant 0 : i32
      %dma_start3A_1927 = tpu.memref_slice %arg5[%dma_start3A_1925, %dma_start3A_1926] : memref<819200x128xf32, #tpu.memory_space<hbm>> -> memref<819200x128xf32, #tpu.memory_space<hbm>>
      tpu.enqueue_indirect_dma source(%arg12 : memref<128x128xf32, #tpu.memory_space<vmem>>) target(%dma_start3A_1927 : memref<819200x128xf32, #tpu.memory_space<hbm>>) offsets(%arg17 : memref<128xi32, #tpu.memory_space<vmem>>) semaphore(%arg27 : memref<!tpu.dma_semaphore, #tpu.memory_space<semaphore_mem>>)
      %dma_wait3A_1928 = arith.constant 0 : i32
      %dma_wait3A_1929 = arith.constant 0 : i32
      %dma_wait3A_1930 = tpu.memref_slice %arg5[%dma_wait3A_1928, %dma_wait3A_1929] : memref<819200x128xf32, #tpu.memory_space<hbm>> -> memref<819200x128xf32, #tpu.memory_space<hbm>>
      tpu.wait_indirect_dma semaphore(%arg25 : memref<!tpu.dma_semaphore, #tpu.memory_space<semaphore_mem>>) src(%arg10 : memref<128x128xf32, #tpu.memory_space<vmem>>) dst(%dma_wait3A_1930 : memref<819200x128xf32, #tpu.memory_space<hbm>>)
      %add3A_1931 = arith.constant 3 : i32
      %add3A_1932 = arith.addi %add3A_1798, %add3A_1931 : i32
      %mul3A_1933 = arith.constant 128 : i32
      %mul3A_1934 = arith.muli %add3A_1932, %mul3A_1933 : i32
      %dma_start3A_1935 = tpu.memref_slice %arg6[%mul3A_1934] : memref<25600xi32, #tpu.memory_space<vmem>> -> memref<128xi32, #tpu.memory_space<vmem>>
      %dma_start3A_1936 = arith.constant 0 : i32
      %dma_start3A_1937 = arith.constant 0 : i32
      %dma_start3A_1938 = tpu.memref_slice %arg8[%dma_start3A_1936, %dma_start3A_1937] : memref<1024x128xf32, #tpu.memory_space<vmem_shared>> -> memref<1024x128xf32, #tpu.memory_space<vmem_shared>>
      tpu.enqueue_indirect_dma source(%dma_start3A_1938 : memref<1024x128xf32, #tpu.memory_space<vmem_shared>>) target(%arg10 : memref<128x128xf32, #tpu.memory_space<vmem>>) offsets(%dma_start3A_1935 : memref<128xi32, #tpu.memory_space<vmem>>) semaphore(%arg20 : memref<!tpu.dma_semaphore, #tpu.memory_space<semaphore_mem>>)
      %add3A_1939 = arith.constant 4 : i32
      %add3A_1940 = arith.addi %add3A_1370, %add3A_1939 : i32
      %mul3A_1941 = arith.constant 128 : i32
      %mul3A_1942 = arith.muli %add3A_1940, %mul3A_1941 : i32
      %add3A_1943 = arith.addi %mul3A_2, %mul3A_1942 : i32
      %shift_right_arithmetic3A_1944 = arith.constant 12 : i32
      %shift_right_arithmetic3A_1945 = arith.shrsi %add3A_1943, %shift_right_arithmetic3A_1944 : i32
      %and3A_1946 = arith.constant 4095 : i32
      %and3A_1947 = arith.andi %add3A_1943, %and3A_1946 : i32
      %sub3A_1948 = arith.subi %shift_right_arithmetic3A_1945, %multiple_of3A : i32
      %get3A_1949 = arith.index_cast %sub3A_1948 : i32 to index
      %get3A_1950 = arith.constant 0 : index
      %get3A_1951 = tpu.vector_load %arg7[%get3A_1949, %get3A_1950] {strides = array<i32>} : memref<16x128xf32, #tpu.memory_space<vmem>>, vector<1x16xf32>,
      %get3A_1952 = vector.shape_cast %get3A_1951 : vector<1x16xf32> to vector<16xf32>
      %sub3A_1953 = arith.subi %shift_right_arithmetic3A_1945, %multiple_of3A : i32
      %get3A_1954 = arith.index_cast %sub3A_1953 : i32 to index
      %get3A_1955 = arith.constant 16 : index
      %get3A_1956 = tpu.vector_load %arg7[%get3A_1954, %get3A_1955] {strides = array<i32>} : memref<16x128xf32, #tpu.memory_space<vmem>>, vector<1x16xf32>,
      %get3A_1957 = vector.shape_cast %get3A_1956 : vector<1x16xf32> to vector<16xf32>
      %sub3A_1958 = arith.subi %shift_right_arithmetic3A_1945, %multiple_of3A : i32
      %get3A_1959 = arith.index_cast %sub3A_1958 : i32 to index
      %get3A_1960 = arith.constant 32 : index
      %get3A_1961 = tpu.vector_load %arg7[%get3A_1959, %get3A_1960] {strides = array<i32>} : memref<16x128xf32, #tpu.memory_space<vmem>>, vector<1x16xf32>,
      %get3A_1962 = vector.shape_cast %get3A_1961 : vector<1x16xf32> to vector<16xf32>
      %sub3A_1963 = arith.subi %shift_right_arithmetic3A_1945, %multiple_of3A : i32
      %get3A_1964 = arith.index_cast %sub3A_1963 : i32 to index
      %get3A_1965 = arith.constant 48 : index
      %get3A_1966 = tpu.vector_load %arg7[%get3A_1964, %get3A_1965] {strides = array<i32>} : memref<16x128xf32, #tpu.memory_space<vmem>>, vector<1x16xf32>,
      %get3A_1967 = vector.shape_cast %get3A_1966 : vector<1x16xf32> to vector<16xf32>
      %sub3A_1968 = arith.subi %shift_right_arithmetic3A_1945, %multiple_of3A : i32
      %get3A_1969 = arith.index_cast %sub3A_1968 : i32 to index
      %get3A_1970 = arith.constant 64 : index
      %get3A_1971 = tpu.vector_load %arg7[%get3A_1969, %get3A_1970] {strides = array<i32>} : memref<16x128xf32, #tpu.memory_space<vmem>>, vector<1x16xf32>,
      %get3A_1972 = vector.shape_cast %get3A_1971 : vector<1x16xf32> to vector<16xf32>
      %sub3A_1973 = arith.subi %shift_right_arithmetic3A_1945, %multiple_of3A : i32
      %get3A_1974 = arith.index_cast %sub3A_1973 : i32 to index
      %get3A_1975 = arith.constant 80 : index
      %get3A_1976 = tpu.vector_load %arg7[%get3A_1974, %get3A_1975] {strides = array<i32>} : memref<16x128xf32, #tpu.memory_space<vmem>>, vector<1x16xf32>,
      %get3A_1977 = vector.shape_cast %get3A_1976 : vector<1x16xf32> to vector<16xf32>
      %sub3A_1978 = arith.subi %shift_right_arithmetic3A_1945, %multiple_of3A : i32
      %get3A_1979 = arith.index_cast %sub3A_1978 : i32 to index
      %get3A_1980 = arith.constant 96 : index
      %get3A_1981 = tpu.vector_load %arg7[%get3A_1979, %get3A_1980] {strides = array<i32>} : memref<16x128xf32, #tpu.memory_space<vmem>>, vector<1x16xf32>,
      %get3A_1982 = vector.shape_cast %get3A_1981 : vector<1x16xf32> to vector<16xf32>
      %sub3A_1983 = arith.subi %shift_right_arithmetic3A_1945, %multiple_of3A : i32
      %get3A_1984 = arith.index_cast %sub3A_1983 : i32 to index
      %get3A_1985 = arith.constant 112 : index
      %get3A_1986 = tpu.vector_load %arg7[%get3A_1984, %get3A_1985] {strides = array<i32>} : memref<16x128xf32, #tpu.memory_space<vmem>>, vector<1x16xf32>,
      %get3A_1987 = vector.shape_cast %get3A_1986 : vector<1x16xf32> to vector<16xf32>
      %iota3A_1988 = tpu.iota {dimensions = array<i32: 0>} : vector<16xi32>
      %mul3A_1989 = arith.constant 200 : i32
      %mul3A_1990 = vector.broadcast %mul3A_1989 : i32 to vector<16xi32>
      %mul3A_1991 = arith.muli %iota3A_1988, %mul3A_1990 : vector<16xi32>
      %mul3A_1992 = arith.constant 200 : i32
      %mul3A_1993 = arith.muli %and3A_1947, %mul3A_1992 : i32
      %add3A_1994 = arith.addi %mul3A_1993, %shift_right_arithmetic3A_1945 : i32
      %add3A_1995 = arith.constant 0 : i32
      %add3A_1996 = arith.addi %add3A_1994, %add3A_1995 : i32
      %add3A_1997 = vector.broadcast %add3A_1996 : i32 to vector<16xi32>
      %add3A_1998 = arith.addi %mul3A_1991, %add3A_1997 : vector<16xi32>
      %swap3A_1999 = arith.constant 0 : index
      %swap3A_2000 = tpu.vector_load %arg18[%swap3A_1999] {strides = array<i32>} : memref<128xi32, #tpu.memory_space<vmem>>, vector<16xi32>,
      %swap3A_2001 = vector.shape_cast %swap3A_2000 : vector<16xi32> to vector<16xi32>
      %swap3A_2002 = vector.shape_cast %add3A_1998 : vector<16xi32> to vector<16xi32>
      tpu.vector_store %arg18[%swap3A_1999], %swap3A_2002 {strides = array<i32>} : memref<128xi32, #tpu.memory_space<vmem>>, vector<16xi32>,
      %add3A_2003 = arith.constant 3200 : i32
      %add3A_2004 = arith.addi %add3A_1994, %add3A_2003 : i32
      %add3A_2005 = vector.broadcast %add3A_2004 : i32 to vector<16xi32>
      %add3A_2006 = arith.addi %mul3A_1991, %add3A_2005 : vector<16xi32>
      %swap3A_2007 = arith.constant 16 : index
      %swap3A_2008 = tpu.vector_load %arg18[%swap3A_2007] {strides = array<i32>} : memref<128xi32, #tpu.memory_space<vmem>>, vector<16xi32>,
      %swap3A_2009 = vector.shape_cast %swap3A_2008 : vector<16xi32> to vector<16xi32>
      %swap3A_2010 = vector.shape_cast %add3A_2006 : vector<16xi32> to vector<16xi32>
      tpu.vector_store %arg18[%swap3A_2007], %swap3A_2010 {strides = array<i32>} : memref<128xi32, #tpu.memory_space<vmem>>, vector<16xi32>,
      %add3A_2011 = arith.constant 6400 : i32
      %add3A_2012 = arith.addi %add3A_1994, %add3A_2011 : i32
      %add3A_2013 = vector.broadcast %add3A_2012 : i32 to vector<16xi32>
      %add3A_2014 = arith.addi %mul3A_1991, %add3A_2013 : vector<16xi32>
      %swap3A_2015 = arith.constant 32 : index
      %swap3A_2016 = tpu.vector_load %arg18[%swap3A_2015] {strides = array<i32>} : memref<128xi32, #tpu.memory_space<vmem>>, vector<16xi32>,
      %swap3A_2017 = vector.shape_cast %swap3A_2016 : vector<16xi32> to vector<16xi32>
      %swap3A_2018 = vector.shape_cast %add3A_2014 : vector<16xi32> to vector<16xi32>
      tpu.vector_store %arg18[%swap3A_2015], %swap3A_2018 {strides = array<i32>} : memref<128xi32, #tpu.memory_space<vmem>>, vector<16xi32>,
      %add3A_2019 = arith.constant 9600 : i32
      %add3A_2020 = arith.addi %add3A_1994, %add3A_2019 : i32
      %add3A_2021 = vector.broadcast %add3A_2020 : i32 to vector<16xi32>
      %add3A_2022 = arith.addi %mul3A_1991, %add3A_2021 : vector<16xi32>
      %swap3A_2023 = arith.constant 48 : index
      %swap3A_2024 = tpu.vector_load %arg18[%swap3A_2023] {strides = array<i32>} : memref<128xi32, #tpu.memory_space<vmem>>, vector<16xi32>,
      %swap3A_2025 = vector.shape_cast %swap3A_2024 : vector<16xi32> to vector<16xi32>
      %swap3A_2026 = vector.shape_cast %add3A_2022 : vector<16xi32> to vector<16xi32>
      tpu.vector_store %arg18[%swap3A_2023], %swap3A_2026 {strides = array<i32>} : memref<128xi32, #tpu.memory_space<vmem>>, vector<16xi32>,
      %add3A_2027 = arith.constant 12800 : i32
      %add3A_2028 = arith.addi %add3A_1994, %add3A_2027 : i32
      %add3A_2029 = vector.broadcast %add3A_2028 : i32 to vector<16xi32>
      %add3A_2030 = arith.addi %mul3A_1991, %add3A_2029 : vector<16xi32>
      %swap3A_2031 = arith.constant 64 : index
      %swap3A_2032 = tpu.vector_load %arg18[%swap3A_2031] {strides = array<i32>} : memref<128xi32, #tpu.memory_space<vmem>>, vector<16xi32>,
      %swap3A_2033 = vector.shape_cast %swap3A_2032 : vector<16xi32> to vector<16xi32>
      %swap3A_2034 = vector.shape_cast %add3A_2030 : vector<16xi32> to vector<16xi32>
      tpu.vector_store %arg18[%swap3A_2031], %swap3A_2034 {strides = array<i32>} : memref<128xi32, #tpu.memory_space<vmem>>, vector<16xi32>,
      %add3A_2035 = arith.constant 16000 : i32
      %add3A_2036 = arith.addi %add3A_1994, %add3A_2035 : i32
      %add3A_2037 = vector.broadcast %add3A_2036 : i32 to vector<16xi32>
      %add3A_2038 = arith.addi %mul3A_1991, %add3A_2037 : vector<16xi32>
      %swap3A_2039 = arith.constant 80 : index
      %swap3A_2040 = tpu.vector_load %arg18[%swap3A_2039] {strides = array<i32>} : memref<128xi32, #tpu.memory_space<vmem>>, vector<16xi32>,
      %swap3A_2041 = vector.shape_cast %swap3A_2040 : vector<16xi32> to vector<16xi32>
      %swap3A_2042 = vector.shape_cast %add3A_2038 : vector<16xi32> to vector<16xi32>
      tpu.vector_store %arg18[%swap3A_2039], %swap3A_2042 {strides = array<i32>} : memref<128xi32, #tpu.memory_space<vmem>>, vector<16xi32>,
      %add3A_2043 = arith.constant 19200 : i32
      %add3A_2044 = arith.addi %add3A_1994, %add3A_2043 : i32
      %add3A_2045 = vector.broadcast %add3A_2044 : i32 to vector<16xi32>
      %add3A_2046 = arith.addi %mul3A_1991, %add3A_2045 : vector<16xi32>
      %swap3A_2047 = arith.constant 96 : index
      %swap3A_2048 = tpu.vector_load %arg18[%swap3A_2047] {strides = array<i32>} : memref<128xi32, #tpu.memory_space<vmem>>, vector<16xi32>,
      %swap3A_2049 = vector.shape_cast %swap3A_2048 : vector<16xi32> to vector<16xi32>
      %swap3A_2050 = vector.shape_cast %add3A_2046 : vector<16xi32> to vector<16xi32>
      tpu.vector_store %arg18[%swap3A_2047], %swap3A_2050 {strides = array<i32>} : memref<128xi32, #tpu.memory_space<vmem>>, vector<16xi32>,
      %add3A_2051 = arith.constant 22400 : i32
      %add3A_2052 = arith.addi %add3A_1994, %add3A_2051 : i32
      %add3A_2053 = vector.broadcast %add3A_2052 : i32 to vector<16xi32>
      %add3A_2054 = arith.addi %mul3A_1991, %add3A_2053 : vector<16xi32>
      %swap3A_2055 = arith.constant 112 : index
      %swap3A_2056 = tpu.vector_load %arg18[%swap3A_2055] {strides = array<i32>} : memref<128xi32, #tpu.memory_space<vmem>>, vector<16xi32>,
      %swap3A_2057 = vector.shape_cast %swap3A_2056 : vector<16xi32> to vector<16xi32>
      %swap3A_2058 = vector.shape_cast %add3A_2054 : vector<16xi32> to vector<16xi32>
      tpu.vector_store %arg18[%swap3A_2055], %swap3A_2058 {strides = array<i32>} : memref<128xi32, #tpu.memory_space<vmem>>, vector<16xi32>,
      %dma_wait3A_2059 = arith.constant 0 : i32
      %dma_wait3A_2060 = tpu.memref_slice %arg6[%dma_wait3A_2059] : memref<25600xi32, #tpu.memory_space<vmem>> -> memref<128xi32, #tpu.memory_space<vmem>>
      %dma_wait3A_2061 = arith.constant 0 : i32
      %dma_wait3A_2062 = arith.constant 0 : i32
      %dma_wait3A_2063 = tpu.memref_slice %arg8[%dma_wait3A_2061, %dma_wait3A_2062] : memref<1024x128xf32, #tpu.memory_space<vmem_shared>> -> memref<1024x128xf32, #tpu.memory_space<vmem_shared>>
      tpu.wait_indirect_dma semaphore(%arg23 : memref<!tpu.dma_semaphore, #tpu.memory_space<semaphore_mem>>) src(%dma_wait3A_2063 : memref<1024x128xf32, #tpu.memory_space<vmem_shared>>) dst(%arg13 : memref<128x128xf32, #tpu.memory_space<vmem>>)
      %parallel_loop3A_2064 = arith.constant 0 : i32
      %parallel_loop3A_2065 = arith.constant 128 : i32
      %parallel_loop3A_2066 = arith.constant 1 : i32
      scf.for %parallel_loop3A_2081 = %parallel_loop3A_2064 to %parallel_loop3A_2065 step %parallel_loop3A_2066  : i32 {
        %parallel_loop3A_2082 = arith.index_cast %parallel_loop3A_2081 : i32 to index
        %parallel_loop3A_2083 = arith.constant 0 : index
        %parallel_loop3A_2084 = tpu.vector_load %arg13[%parallel_loop3A_2082, %parallel_loop3A_2083] {strides = array<i32>} : memref<128x128xf32, #tpu.memory_space<vmem>>, vector<1x16xf32>,
        %parallel_loop3A_2085 = vector.shape_cast %parallel_loop3A_2084 : vector<1x16xf32> to vector<16xf32>
        %parallel_loop3A_2086 = vector.shape_cast %get3A_1952 : vector<16xf32> to vector<1x16xf32>
        tpu.vector_store %arg13[%parallel_loop3A_2082, %parallel_loop3A_2083], %parallel_loop3A_2086 {add = true, strides = array<i32>} : memref<128x128xf32, #tpu.memory_space<vmem>>, vector<1x16xf32>,
        %parallel_loop3A_2087 = arith.index_cast %parallel_loop3A_2081 : i32 to index
        %parallel_loop3A_2088 = arith.constant 16 : index
        %parallel_loop3A_2089 = tpu.vector_load %arg13[%parallel_loop3A_2087, %parallel_loop3A_2088] {strides = array<i32>} : memref<128x128xf32, #tpu.memory_space<vmem>>, vector<1x16xf32>,
        %parallel_loop3A_2090 = vector.shape_cast %parallel_loop3A_2089 : vector<1x16xf32> to vector<16xf32>
        %parallel_loop3A_2091 = vector.shape_cast %get3A_1957 : vector<16xf32> to vector<1x16xf32>
        tpu.vector_store %arg13[%parallel_loop3A_2087, %parallel_loop3A_2088], %parallel_loop3A_2091 {add = true, strides = array<i32>} : memref<128x128xf32, #tpu.memory_space<vmem>>, vector<1x16xf32>,
        %parallel_loop3A_2092 = arith.index_cast %parallel_loop3A_2081 : i32 to index
        %parallel_loop3A_2093 = arith.constant 32 : index
        %parallel_loop3A_2094 = tpu.vector_load %arg13[%parallel_loop3A_2092, %parallel_loop3A_2093] {strides = array<i32>} : memref<128x128xf32, #tpu.memory_space<vmem>>, vector<1x16xf32>,
        %parallel_loop3A_2095 = vector.shape_cast %parallel_loop3A_2094 : vector<1x16xf32> to vector<16xf32>
        %parallel_loop3A_2096 = vector.shape_cast %get3A_1962 : vector<16xf32> to vector<1x16xf32>
        tpu.vector_store %arg13[%parallel_loop3A_2092, %parallel_loop3A_2093], %parallel_loop3A_2096 {add = true, strides = array<i32>} : memref<128x128xf32, #tpu.memory_space<vmem>>, vector<1x16xf32>,
        %parallel_loop3A_2097 = arith.index_cast %parallel_loop3A_2081 : i32 to index
        %parallel_loop3A_2098 = arith.constant 48 : index
        %parallel_loop3A_2099 = tpu.vector_load %arg13[%parallel_loop3A_2097, %parallel_loop3A_2098] {strides = array<i32>} : memref<128x128xf32, #tpu.memory_space<vmem>>, vector<1x16xf32>,
        %parallel_loop3A_2100 = vector.shape_cast %parallel_loop3A_2099 : vector<1x16xf32> to vector<16xf32>
        %parallel_loop3A_2101 = vector.shape_cast %get3A_1967 : vector<16xf32> to vector<1x16xf32>
        tpu.vector_store %arg13[%parallel_loop3A_2097, %parallel_loop3A_2098], %parallel_loop3A_2101 {add = true, strides = array<i32>} : memref<128x128xf32, #tpu.memory_space<vmem>>, vector<1x16xf32>,
        %parallel_loop3A_2102 = arith.index_cast %parallel_loop3A_2081 : i32 to index
        %parallel_loop3A_2103 = arith.constant 64 : index
        %parallel_loop3A_2104 = tpu.vector_load %arg13[%parallel_loop3A_2102, %parallel_loop3A_2103] {strides = array<i32>} : memref<128x128xf32, #tpu.memory_space<vmem>>, vector<1x16xf32>,
        %parallel_loop3A_2105 = vector.shape_cast %parallel_loop3A_2104 : vector<1x16xf32> to vector<16xf32>
        %parallel_loop3A_2106 = vector.shape_cast %get3A_1972 : vector<16xf32> to vector<1x16xf32>
        tpu.vector_store %arg13[%parallel_loop3A_2102, %parallel_loop3A_2103], %parallel_loop3A_2106 {add = true, strides = array<i32>} : memref<128x128xf32, #tpu.memory_space<vmem>>, vector<1x16xf32>,
        %parallel_loop3A_2107 = arith.index_cast %parallel_loop3A_2081 : i32 to index
        %parallel_loop3A_2108 = arith.constant 80 : index
        %parallel_loop3A_2109 = tpu.vector_load %arg13[%parallel_loop3A_2107, %parallel_loop3A_2108] {strides = array<i32>} : memref<128x128xf32, #tpu.memory_space<vmem>>, vector<1x16xf32>,
        %parallel_loop3A_2110 = vector.shape_cast %parallel_loop3A_2109 : vector<1x16xf32> to vector<16xf32>
        %parallel_loop3A_2111 = vector.shape_cast %get3A_1977 : vector<16xf32> to vector<1x16xf32>
        tpu.vector_store %arg13[%parallel_loop3A_2107, %parallel_loop3A_2108], %parallel_loop3A_2111 {add = true, strides = array<i32>} : memref<128x128xf32, #tpu.memory_space<vmem>>, vector<1x16xf32>,
        %parallel_loop3A_2112 = arith.index_cast %parallel_loop3A_2081 : i32 to index
        %parallel_loop3A_2113 = arith.constant 96 : index
        %parallel_loop3A_2114 = tpu.vector_load %arg13[%parallel_loop3A_2112, %parallel_loop3A_2113] {strides = array<i32>} : memref<128x128xf32, #tpu.memory_space<vmem>>, vector<1x16xf32>,
        %parallel_loop3A_2115 = vector.shape_cast %parallel_loop3A_2114 : vector<1x16xf32> to vector<16xf32>
        %parallel_loop3A_2116 = vector.shape_cast %get3A_1982 : vector<16xf32> to vector<1x16xf32>
        tpu.vector_store %arg13[%parallel_loop3A_2112, %parallel_loop3A_2113], %parallel_loop3A_2116 {add = true, strides = array<i32>} : memref<128x128xf32, #tpu.memory_space<vmem>>, vector<1x16xf32>,
        %parallel_loop3A_2117 = arith.index_cast %parallel_loop3A_2081 : i32 to index
        %parallel_loop3A_2118 = arith.constant 112 : index
        %parallel_loop3A_2119 = tpu.vector_load %arg13[%parallel_loop3A_2117, %parallel_loop3A_2118] {strides = array<i32>} : memref<128x128xf32, #tpu.memory_space<vmem>>, vector<1x16xf32>,
        %parallel_loop3A_2120 = vector.shape_cast %parallel_loop3A_2119 : vector<1x16xf32> to vector<16xf32>
        %parallel_loop3A_2121 = vector.shape_cast %get3A_1987 : vector<16xf32> to vector<1x16xf32>
        tpu.vector_store %arg13[%parallel_loop3A_2117, %parallel_loop3A_2118], %parallel_loop3A_2121 {add = true, strides = array<i32>} : memref<128x128xf32, #tpu.memory_space<vmem>>, vector<1x16xf32>,
      } {sc.loop_unroll_factor = 4 : i64, sc.parallel_access}
      %dma_start3A_2067 = arith.constant 0 : i32
      %dma_start3A_2068 = arith.constant 0 : i32
      %dma_start3A_2069 = tpu.memref_slice %arg5[%dma_start3A_2067, %dma_start3A_2068] : memref<819200x128xf32, #tpu.memory_space<hbm>> -> memref<819200x128xf32, #tpu.memory_space<hbm>>
      tpu.enqueue_indirect_dma source(%arg13 : memref<128x128xf32, #tpu.memory_space<vmem>>) target(%dma_start3A_2069 : memref<819200x128xf32, #tpu.memory_space<hbm>>) offsets(%arg18 : memref<128xi32, #tpu.memory_space<vmem>>) semaphore(%arg28 : memref<!tpu.dma_semaphore, #tpu.memory_space<semaphore_mem>>)
      %dma_wait3A_2070 = arith.constant 0 : i32
      %dma_wait3A_2071 = arith.constant 0 : i32
      %dma_wait3A_2072 = tpu.memref_slice %arg5[%dma_wait3A_2070, %dma_wait3A_2071] : memref<819200x128xf32, #tpu.memory_space<hbm>> -> memref<819200x128xf32, #tpu.memory_space<hbm>>
      tpu.wait_indirect_dma semaphore(%arg26 : memref<!tpu.dma_semaphore, #tpu.memory_space<semaphore_mem>>) src(%arg11 : memref<128x128xf32, #tpu.memory_space<vmem>>) dst(%dma_wait3A_2072 : memref<819200x128xf32, #tpu.memory_space<hbm>>)
      %add3A_2073 = arith.constant 3 : i32
      %add3A_2074 = arith.addi %add3A_1940, %add3A_2073 : i32
      %mul3A_2075 = arith.constant 128 : i32
      %mul3A_2076 = arith.muli %add3A_2074, %mul3A_2075 : i32
      %dma_start3A_2077 = tpu.memref_slice %arg6[%mul3A_2076] : memref<25600xi32, #tpu.memory_space<vmem>> -> memref<128xi32, #tpu.memory_space<vmem>>
      %dma_start3A_2078 = arith.constant 0 : i32
      %dma_start3A_2079 = arith.constant 0 : i32
      %dma_start3A_2080 = tpu.memref_slice %arg8[%dma_start3A_2078, %dma_start3A_2079] : memref<1024x128xf32, #tpu.memory_space<vmem_shared>> -> memref<1024x128xf32, #tpu.memory_space<vmem_shared>>
      tpu.enqueue_indirect_dma source(%dma_start3A_2080 : memref<1024x128xf32, #tpu.memory_space<vmem_shared>>) target(%arg11 : memref<128x128xf32, #tpu.memory_space<vmem>>) offsets(%dma_start3A_2077 : memref<128xi32, #tpu.memory_space<vmem>>) semaphore(%arg21 : memref<!tpu.dma_semaphore, #tpu.memory_space<semaphore_mem>>)
    }
    %scan3A_694 = arith.constant 38 : i32
    %add3A_695 = arith.constant 24960 : i32
    %add3A_696 = arith.addi %mul3A_2, %add3A_695 : i32
    %shift_right_arithmetic3A_697 = arith.constant 12 : i32
    %shift_right_arithmetic3A_698 = arith.shrsi %add3A_696, %shift_right_arithmetic3A_697 : i32
    %and3A_699 = arith.constant 4095 : i32
    %and3A_700 = arith.andi %add3A_696, %and3A_699 : i32
    %sub3A_701 = arith.subi %shift_right_arithmetic3A_698, %multiple_of3A : i32
    %get3A_702 = arith.index_cast %sub3A_701 : i32 to index
    %get3A_703 = arith.constant 0 : index
    %get3A_704 = tpu.vector_load %arg7[%get3A_702, %get3A_703] {strides = array<i32>} : memref<16x128xf32, #tpu.memory_space<vmem>>, vector<1x16xf32>,
    %get3A_705 = vector.shape_cast %get3A_704 : vector<1x16xf32> to vector<16xf32>
    %sub3A_706 = arith.subi %shift_right_arithmetic3A_698, %multiple_of3A : i32
    %get3A_707 = arith.index_cast %sub3A_706 : i32 to index
    %get3A_708 = arith.constant 16 : index
    %get3A_709 = tpu.vector_load %arg7[%get3A_707, %get3A_708] {strides = array<i32>} : memref<16x128xf32, #tpu.memory_space<vmem>>, vector<1x16xf32>,
    %get3A_710 = vector.shape_cast %get3A_709 : vector<1x16xf32> to vector<16xf32>
    %sub3A_711 = arith.subi %shift_right_arithmetic3A_698, %multiple_of3A : i32
    %get3A_712 = arith.index_cast %sub3A_711 : i32 to index
    %get3A_713 = arith.constant 32 : index
    %get3A_714 = tpu.vector_load %arg7[%get3A_712, %get3A_713] {strides = array<i32>} : memref<16x128xf32, #tpu.memory_space<vmem>>, vector<1x16xf32>,
    %get3A_715 = vector.shape_cast %get3A_714 : vector<1x16xf32> to vector<16xf32>
    %sub3A_716 = arith.subi %shift_right_arithmetic3A_698, %multiple_of3A : i32
    %get3A_717 = arith.index_cast %sub3A_716 : i32 to index
    %get3A_718 = arith.constant 48 : index
    %get3A_719 = tpu.vector_load %arg7[%get3A_717, %get3A_718] {strides = array<i32>} : memref<16x128xf32, #tpu.memory_space<vmem>>, vector<1x16xf32>,
    %get3A_720 = vector.shape_cast %get3A_719 : vector<1x16xf32> to vector<16xf32>
    %sub3A_721 = arith.subi %shift_right_arithmetic3A_698, %multiple_of3A : i32
    %get3A_722 = arith.index_cast %sub3A_721 : i32 to index
    %get3A_723 = arith.constant 64 : index
    %get3A_724 = tpu.vector_load %arg7[%get3A_722, %get3A_723] {strides = array<i32>} : memref<16x128xf32, #tpu.memory_space<vmem>>, vector<1x16xf32>,
    %get3A_725 = vector.shape_cast %get3A_724 : vector<1x16xf32> to vector<16xf32>
    %sub3A_726 = arith.subi %shift_right_arithmetic3A_698, %multiple_of3A : i32
    %get3A_727 = arith.index_cast %sub3A_726 : i32 to index
    %get3A_728 = arith.constant 80 : index
    %get3A_729 = tpu.vector_load %arg7[%get3A_727, %get3A_728] {strides = array<i32>} : memref<16x128xf32, #tpu.memory_space<vmem>>, vector<1x16xf32>,
    %get3A_730 = vector.shape_cast %get3A_729 : vector<1x16xf32> to vector<16xf32>
    %sub3A_731 = arith.subi %shift_right_arithmetic3A_698, %multiple_of3A : i32
    %get3A_732 = arith.index_cast %sub3A_731 : i32 to index
    %get3A_733 = arith.constant 96 : index
    %get3A_734 = tpu.vector_load %arg7[%get3A_732, %get3A_733] {strides = array<i32>} : memref<16x128xf32, #tpu.memory_space<vmem>>, vector<1x16xf32>,
    %get3A_735 = vector.shape_cast %get3A_734 : vector<1x16xf32> to vector<16xf32>
    %sub3A_736 = arith.subi %shift_right_arithmetic3A_698, %multiple_of3A : i32
    %get3A_737 = arith.index_cast %sub3A_736 : i32 to index
    %get3A_738 = arith.constant 112 : index
    %get3A_739 = tpu.vector_load %arg7[%get3A_737, %get3A_738] {strides = array<i32>} : memref<16x128xf32, #tpu.memory_space<vmem>>, vector<1x16xf32>,
    %get3A_740 = vector.shape_cast %get3A_739 : vector<1x16xf32> to vector<16xf32>
    %iota3A_741 = tpu.iota {dimensions = array<i32: 0>} : vector<16xi32>
    %mul3A_742 = arith.constant 200 : i32
    %mul3A_743 = vector.broadcast %mul3A_742 : i32 to vector<16xi32>
    %mul3A_744 = arith.muli %iota3A_741, %mul3A_743 : vector<16xi32>
    %mul3A_745 = arith.constant 200 : i32
    %mul3A_746 = arith.muli %and3A_700, %mul3A_745 : i32
    %add3A_747 = arith.addi %mul3A_746, %shift_right_arithmetic3A_698 : i32
    %add3A_748 = arith.constant 0 : i32
    %add3A_749 = arith.addi %add3A_747, %add3A_748 : i32
    %add3A_750 = vector.broadcast %add3A_749 : i32 to vector<16xi32>
    %add3A_751 = arith.addi %mul3A_744, %add3A_750 : vector<16xi32>
    %swap3A_752 = arith.constant 0 : index
    %swap3A_753 = tpu.vector_load %arg14[%swap3A_752] {strides = array<i32>} : memref<128xi32, #tpu.memory_space<vmem>>, vector<16xi32>,
    %swap3A_754 = vector.shape_cast %swap3A_753 : vector<16xi32> to vector<16xi32>
    %swap3A_755 = vector.shape_cast %add3A_751 : vector<16xi32> to vector<16xi32>
    tpu.vector_store %arg14[%swap3A_752], %swap3A_755 {strides = array<i32>} : memref<128xi32, #tpu.memory_space<vmem>>, vector<16xi32>,
    %add3A_756 = arith.constant 3200 : i32
    %add3A_757 = arith.addi %add3A_747, %add3A_756 : i32
    %add3A_758 = vector.broadcast %add3A_757 : i32 to vector<16xi32>
    %add3A_759 = arith.addi %mul3A_744, %add3A_758 : vector<16xi32>
    %swap3A_760 = arith.constant 16 : index
    %swap3A_761 = tpu.vector_load %arg14[%swap3A_760] {strides = array<i32>} : memref<128xi32, #tpu.memory_space<vmem>>, vector<16xi32>,
    %swap3A_762 = vector.shape_cast %swap3A_761 : vector<16xi32> to vector<16xi32>
    %swap3A_763 = vector.shape_cast %add3A_759 : vector<16xi32> to vector<16xi32>
    tpu.vector_store %arg14[%swap3A_760], %swap3A_763 {strides = array<i32>} : memref<128xi32, #tpu.memory_space<vmem>>, vector<16xi32>,
    %add3A_764 = arith.constant 6400 : i32
    %add3A_765 = arith.addi %add3A_747, %add3A_764 : i32
    %add3A_766 = vector.broadcast %add3A_765 : i32 to vector<16xi32>
    %add3A_767 = arith.addi %mul3A_744, %add3A_766 : vector<16xi32>
    %swap3A_768 = arith.constant 32 : index
    %swap3A_769 = tpu.vector_load %arg14[%swap3A_768] {strides = array<i32>} : memref<128xi32, #tpu.memory_space<vmem>>, vector<16xi32>,
    %swap3A_770 = vector.shape_cast %swap3A_769 : vector<16xi32> to vector<16xi32>
    %swap3A_771 = vector.shape_cast %add3A_767 : vector<16xi32> to vector<16xi32>
    tpu.vector_store %arg14[%swap3A_768], %swap3A_771 {strides = array<i32>} : memref<128xi32, #tpu.memory_space<vmem>>, vector<16xi32>,
    %add3A_772 = arith.constant 9600 : i32
    %add3A_773 = arith.addi %add3A_747, %add3A_772 : i32
    %add3A_774 = vector.broadcast %add3A_773 : i32 to vector<16xi32>
    %add3A_775 = arith.addi %mul3A_744, %add3A_774 : vector<16xi32>
    %swap3A_776 = arith.constant 48 : index
    %swap3A_777 = tpu.vector_load %arg14[%swap3A_776] {strides = array<i32>} : memref<128xi32, #tpu.memory_space<vmem>>, vector<16xi32>,
    %swap3A_778 = vector.shape_cast %swap3A_777 : vector<16xi32> to vector<16xi32>
    %swap3A_779 = vector.shape_cast %add3A_775 : vector<16xi32> to vector<16xi32>
    tpu.vector_store %arg14[%swap3A_776], %swap3A_779 {strides = array<i32>} : memref<128xi32, #tpu.memory_space<vmem>>, vector<16xi32>,
    %add3A_780 = arith.constant 12800 : i32
    %add3A_781 = arith.addi %add3A_747, %add3A_780 : i32
    %add3A_782 = vector.broadcast %add3A_781 : i32 to vector<16xi32>
    %add3A_783 = arith.addi %mul3A_744, %add3A_782 : vector<16xi32>
    %swap3A_784 = arith.constant 64 : index
    %swap3A_785 = tpu.vector_load %arg14[%swap3A_784] {strides = array<i32>} : memref<128xi32, #tpu.memory_space<vmem>>, vector<16xi32>,
    %swap3A_786 = vector.shape_cast %swap3A_785 : vector<16xi32> to vector<16xi32>
    %swap3A_787 = vector.shape_cast %add3A_783 : vector<16xi32> to vector<16xi32>
    tpu.vector_store %arg14[%swap3A_784], %swap3A_787 {strides = array<i32>} : memref<128xi32, #tpu.memory_space<vmem>>, vector<16xi32>,
    %add3A_788 = arith.constant 16000 : i32
    %add3A_789 = arith.addi %add3A_747, %add3A_788 : i32
    %add3A_790 = vector.broadcast %add3A_789 : i32 to vector<16xi32>
    %add3A_791 = arith.addi %mul3A_744, %add3A_790 : vector<16xi32>
    %swap3A_792 = arith.constant 80 : index
    %swap3A_793 = tpu.vector_load %arg14[%swap3A_792] {strides = array<i32>} : memref<128xi32, #tpu.memory_space<vmem>>, vector<16xi32>,
    %swap3A_794 = vector.shape_cast %swap3A_793 : vector<16xi32> to vector<16xi32>
    %swap3A_795 = vector.shape_cast %add3A_791 : vector<16xi32> to vector<16xi32>
    tpu.vector_store %arg14[%swap3A_792], %swap3A_795 {strides = array<i32>} : memref<128xi32, #tpu.memory_space<vmem>>, vector<16xi32>,
    %add3A_796 = arith.constant 19200 : i32
    %add3A_797 = arith.addi %add3A_747, %add3A_796 : i32
    %add3A_798 = vector.broadcast %add3A_797 : i32 to vector<16xi32>
    %add3A_799 = arith.addi %mul3A_744, %add3A_798 : vector<16xi32>
    %swap3A_800 = arith.constant 96 : index
    %swap3A_801 = tpu.vector_load %arg14[%swap3A_800] {strides = array<i32>} : memref<128xi32, #tpu.memory_space<vmem>>, vector<16xi32>,
    %swap3A_802 = vector.shape_cast %swap3A_801 : vector<16xi32> to vector<16xi32>
    %swap3A_803 = vector.shape_cast %add3A_799 : vector<16xi32> to vector<16xi32>
    tpu.vector_store %arg14[%swap3A_800], %swap3A_803 {strides = array<i32>} : memref<128xi32, #tpu.memory_space<vmem>>, vector<16xi32>,
    %add3A_804 = arith.constant 22400 : i32
    %add3A_805 = arith.addi %add3A_747, %add3A_804 : i32
    %add3A_806 = vector.broadcast %add3A_805 : i32 to vector<16xi32>
    %add3A_807 = arith.addi %mul3A_744, %add3A_806 : vector<16xi32>
    %swap3A_808 = arith.constant 112 : index
    %swap3A_809 = tpu.vector_load %arg14[%swap3A_808] {strides = array<i32>} : memref<128xi32, #tpu.memory_space<vmem>>, vector<16xi32>,
    %swap3A_810 = vector.shape_cast %swap3A_809 : vector<16xi32> to vector<16xi32>
    %swap3A_811 = vector.shape_cast %add3A_807 : vector<16xi32> to vector<16xi32>
    tpu.vector_store %arg14[%swap3A_808], %swap3A_811 {strides = array<i32>} : memref<128xi32, #tpu.memory_space<vmem>>, vector<16xi32>,
    %dma_wait3A_812 = arith.constant 0 : i32
    %dma_wait3A_813 = tpu.memref_slice %arg6[%dma_wait3A_812] : memref<25600xi32, #tpu.memory_space<vmem>> -> memref<128xi32, #tpu.memory_space<vmem>>
    %dma_wait3A_814 = arith.constant 0 : i32
    %dma_wait3A_815 = arith.constant 0 : i32
    %dma_wait3A_816 = tpu.memref_slice %arg8[%dma_wait3A_814, %dma_wait3A_815] : memref<1024x128xf32, #tpu.memory_space<vmem_shared>> -> memref<1024x128xf32, #tpu.memory_space<vmem_shared>>
    tpu.wait_indirect_dma semaphore(%arg19 : memref<!tpu.dma_semaphore, #tpu.memory_space<semaphore_mem>>) src(%dma_wait3A_816 : memref<1024x128xf32, #tpu.memory_space<vmem_shared>>) dst(%arg9 : memref<128x128xf32, #tpu.memory_space<vmem>>)
    %parallel_loop3A_817 = arith.constant 0 : i32
    %parallel_loop3A_818 = arith.constant 128 : i32
    %parallel_loop3A_819 = arith.constant 1 : i32
    scf.for %parallel_loop3A_1366 = %parallel_loop3A_817 to %parallel_loop3A_818 step %parallel_loop3A_819  : i32 {
      %parallel_loop3A_1367 = arith.index_cast %parallel_loop3A_1366 : i32 to index
      %parallel_loop3A_1368 = arith.constant 0 : index
      %parallel_loop3A_1369 = tpu.vector_load %arg9[%parallel_loop3A_1367, %parallel_loop3A_1368] {strides = array<i32>} : memref<128x128xf32, #tpu.memory_space<vmem>>, vector<1x16xf32>,
      %parallel_loop3A_1370 = vector.shape_cast %parallel_loop3A_1369 : vector<1x16xf32> to vector<16xf32>
      %parallel_loop3A_1371 = vector.shape_cast %get3A_705 : vector<16xf32> to vector<1x16xf32>
      tpu.vector_store %arg9[%parallel_loop3A_1367, %parallel_loop3A_1368], %parallel_loop3A_1371 {add = true, strides = array<i32>} : memref<128x128xf32, #tpu.memory_space<vmem>>, vector<1x16xf32>,
      %parallel_loop3A_1372 = arith.index_cast %parallel_loop3A_1366 : i32 to index
      %parallel_loop3A_1373 = arith.constant 16 : index
      %parallel_loop3A_1374 = tpu.vector_load %arg9[%parallel_loop3A_1372, %parallel_loop3A_1373] {strides = array<i32>} : memref<128x128xf32, #tpu.memory_space<vmem>>, vector<1x16xf32>,
      %parallel_loop3A_1375 = vector.shape_cast %parallel_loop3A_1374 : vector<1x16xf32> to vector<16xf32>
      %parallel_loop3A_1376 = vector.shape_cast %get3A_710 : vector<16xf32> to vector<1x16xf32>
      tpu.vector_store %arg9[%parallel_loop3A_1372, %parallel_loop3A_1373], %parallel_loop3A_1376 {add = true, strides = array<i32>} : memref<128x128xf32, #tpu.memory_space<vmem>>, vector<1x16xf32>,
      %parallel_loop3A_1377 = arith.index_cast %parallel_loop3A_1366 : i32 to index
      %parallel_loop3A_1378 = arith.constant 32 : index
      %parallel_loop3A_1379 = tpu.vector_load %arg9[%parallel_loop3A_1377, %parallel_loop3A_1378] {strides = array<i32>} : memref<128x128xf32, #tpu.memory_space<vmem>>, vector<1x16xf32>,
      %parallel_loop3A_1380 = vector.shape_cast %parallel_loop3A_1379 : vector<1x16xf32> to vector<16xf32>
      %parallel_loop3A_1381 = vector.shape_cast %get3A_715 : vector<16xf32> to vector<1x16xf32>
      tpu.vector_store %arg9[%parallel_loop3A_1377, %parallel_loop3A_1378], %parallel_loop3A_1381 {add = true, strides = array<i32>} : memref<128x128xf32, #tpu.memory_space<vmem>>, vector<1x16xf32>,
      %parallel_loop3A_1382 = arith.index_cast %parallel_loop3A_1366 : i32 to index
      %parallel_loop3A_1383 = arith.constant 48 : index
      %parallel_loop3A_1384 = tpu.vector_load %arg9[%parallel_loop3A_1382, %parallel_loop3A_1383] {strides = array<i32>} : memref<128x128xf32, #tpu.memory_space<vmem>>, vector<1x16xf32>,
      %parallel_loop3A_1385 = vector.shape_cast %parallel_loop3A_1384 : vector<1x16xf32> to vector<16xf32>
      %parallel_loop3A_1386 = vector.shape_cast %get3A_720 : vector<16xf32> to vector<1x16xf32>
      tpu.vector_store %arg9[%parallel_loop3A_1382, %parallel_loop3A_1383], %parallel_loop3A_1386 {add = true, strides = array<i32>} : memref<128x128xf32, #tpu.memory_space<vmem>>, vector<1x16xf32>,
      %parallel_loop3A_1387 = arith.index_cast %parallel_loop3A_1366 : i32 to index
      %parallel_loop3A_1388 = arith.constant 64 : index
      %parallel_loop3A_1389 = tpu.vector_load %arg9[%parallel_loop3A_1387, %parallel_loop3A_1388] {strides = array<i32>} : memref<128x128xf32, #tpu.memory_space<vmem>>, vector<1x16xf32>,
      %parallel_loop3A_1390 = vector.shape_cast %parallel_loop3A_1389 : vector<1x16xf32> to vector<16xf32>
      %parallel_loop3A_1391 = vector.shape_cast %get3A_725 : vector<16xf32> to vector<1x16xf32>
      tpu.vector_store %arg9[%parallel_loop3A_1387, %parallel_loop3A_1388], %parallel_loop3A_1391 {add = true, strides = array<i32>} : memref<128x128xf32, #tpu.memory_space<vmem>>, vector<1x16xf32>,
      %parallel_loop3A_1392 = arith.index_cast %parallel_loop3A_1366 : i32 to index
      %parallel_loop3A_1393 = arith.constant 80 : index
      %parallel_loop3A_1394 = tpu.vector_load %arg9[%parallel_loop3A_1392, %parallel_loop3A_1393] {strides = array<i32>} : memref<128x128xf32, #tpu.memory_space<vmem>>, vector<1x16xf32>,
      %parallel_loop3A_1395 = vector.shape_cast %parallel_loop3A_1394 : vector<1x16xf32> to vector<16xf32>
      %parallel_loop3A_1396 = vector.shape_cast %get3A_730 : vector<16xf32> to vector<1x16xf32>
      tpu.vector_store %arg9[%parallel_loop3A_1392, %parallel_loop3A_1393], %parallel_loop3A_1396 {add = true, strides = array<i32>} : memref<128x128xf32, #tpu.memory_space<vmem>>, vector<1x16xf32>,
      %parallel_loop3A_1397 = arith.index_cast %parallel_loop3A_1366 : i32 to index
      %parallel_loop3A_1398 = arith.constant 96 : index
      %parallel_loop3A_1399 = tpu.vector_load %arg9[%parallel_loop3A_1397, %parallel_loop3A_1398] {strides = array<i32>} : memref<128x128xf32, #tpu.memory_space<vmem>>, vector<1x16xf32>,
      %parallel_loop3A_1400 = vector.shape_cast %parallel_loop3A_1399 : vector<1x16xf32> to vector<16xf32>
      %parallel_loop3A_1401 = vector.shape_cast %get3A_735 : vector<16xf32> to vector<1x16xf32>
      tpu.vector_store %arg9[%parallel_loop3A_1397, %parallel_loop3A_1398], %parallel_loop3A_1401 {add = true, strides = array<i32>} : memref<128x128xf32, #tpu.memory_space<vmem>>, vector<1x16xf32>,
      %parallel_loop3A_1402 = arith.index_cast %parallel_loop3A_1366 : i32 to index
      %parallel_loop3A_1403 = arith.constant 112 : index
      %parallel_loop3A_1404 = tpu.vector_load %arg9[%parallel_loop3A_1402, %parallel_loop3A_1403] {strides = array<i32>} : memref<128x128xf32, #tpu.memory_space<vmem>>, vector<1x16xf32>,
      %parallel_loop3A_1405 = vector.shape_cast %parallel_loop3A_1404 : vector<1x16xf32> to vector<16xf32>
      %parallel_loop3A_1406 = vector.shape_cast %get3A_740 : vector<16xf32> to vector<1x16xf32>
      tpu.vector_store %arg9[%parallel_loop3A_1402, %parallel_loop3A_1403], %parallel_loop3A_1406 {add = true, strides = array<i32>} : memref<128x128xf32, #tpu.memory_space<vmem>>, vector<1x16xf32>,
    } {sc.loop_unroll_factor = 4 : i64, sc.parallel_access}
    %dma_start3A_820 = arith.constant 0 : i32
    %dma_start3A_821 = arith.constant 0 : i32
    %dma_start3A_822 = tpu.memref_slice %arg5[%dma_start3A_820, %dma_start3A_821] : memref<819200x128xf32, #tpu.memory_space<hbm>> -> memref<819200x128xf32, #tpu.memory_space<hbm>>
    tpu.enqueue_indirect_dma source(%arg9 : memref<128x128xf32, #tpu.memory_space<vmem>>) target(%dma_start3A_822 : memref<819200x128xf32, #tpu.memory_space<hbm>>) offsets(%arg14 : memref<128xi32, #tpu.memory_space<vmem>>) semaphore(%arg24 : memref<!tpu.dma_semaphore, #tpu.memory_space<semaphore_mem>>)
    %dma_wait3A_823 = arith.constant 0 : i32
    %dma_wait3A_824 = arith.constant 0 : i32
    %dma_wait3A_825 = tpu.memref_slice %arg5[%dma_wait3A_823, %dma_wait3A_824] : memref<819200x128xf32, #tpu.memory_space<hbm>> -> memref<819200x128xf32, #tpu.memory_space<hbm>>
    tpu.wait_indirect_dma semaphore(%arg27 : memref<!tpu.dma_semaphore, #tpu.memory_space<semaphore_mem>>) src(%arg12 : memref<128x128xf32, #tpu.memory_space<vmem>>) dst(%dma_wait3A_825 : memref<819200x128xf32, #tpu.memory_space<hbm>>)
    %dma_start3A_826 = arith.constant 25344 : i32
    %dma_start3A_827 = tpu.memref_slice %arg6[%dma_start3A_826] : memref<25600xi32, #tpu.memory_space<vmem>> -> memref<128xi32, #tpu.memory_space<vmem>>
    %dma_start3A_828 = arith.constant 0 : i32
    %dma_start3A_829 = arith.constant 0 : i32
    %dma_start3A_830 = tpu.memref_slice %arg8[%dma_start3A_828, %dma_start3A_829] : memref<1024x128xf32, #tpu.memory_space<vmem_shared>> -> memref<1024x128xf32, #tpu.memory_space<vmem_shared>>
    tpu.enqueue_indirect_dma source(%dma_start3A_830 : memref<1024x128xf32, #tpu.memory_space<vmem_shared>>) target(%arg12 : memref<128x128xf32, #tpu.memory_space<vmem>>) offsets(%dma_start3A_827 : memref<128xi32, #tpu.memory_space<vmem>>) semaphore(%arg22 : memref<!tpu.dma_semaphore, #tpu.memory_space<semaphore_mem>>)
    %add3A_831 = arith.constant 25088 : i32
    %add3A_832 = arith.addi %mul3A_2, %add3A_831 : i32
    %shift_right_arithmetic3A_833 = arith.constant 12 : i32
    %shift_right_arithmetic3A_834 = arith.shrsi %add3A_832, %shift_right_arithmetic3A_833 : i32
    %and3A_835 = arith.constant 4095 : i32
    %and3A_836 = arith.andi %add3A_832, %and3A_835 : i32
    %sub3A_837 = arith.subi %shift_right_arithmetic3A_834, %multiple_of3A : i32
    %get3A_838 = arith.index_cast %sub3A_837 : i32 to index
    %get3A_839 = arith.constant 0 : index
    %get3A_840 = tpu.vector_load %arg7[%get3A_838, %get3A_839] {strides = array<i32>} : memref<16x128xf32, #tpu.memory_space<vmem>>, vector<1x16xf32>,
    %get3A_841 = vector.shape_cast %get3A_840 : vector<1x16xf32> to vector<16xf32>
    %sub3A_842 = arith.subi %shift_right_arithmetic3A_834, %multiple_of3A : i32
    %get3A_843 = arith.index_cast %sub3A_842 : i32 to index
    %get3A_844 = arith.constant 16 : index
    %get3A_845 = tpu.vector_load %arg7[%get3A_843, %get3A_844] {strides = array<i32>} : memref<16x128xf32, #tpu.memory_space<vmem>>, vector<1x16xf32>,
    %get3A_846 = vector.shape_cast %get3A_845 : vector<1x16xf32> to vector<16xf32>
    %sub3A_847 = arith.subi %shift_right_arithmetic3A_834, %multiple_of3A : i32
    %get3A_848 = arith.index_cast %sub3A_847 : i32 to index
    %get3A_849 = arith.constant 32 : index
    %get3A_850 = tpu.vector_load %arg7[%get3A_848, %get3A_849] {strides = array<i32>} : memref<16x128xf32, #tpu.memory_space<vmem>>, vector<1x16xf32>,
    %get3A_851 = vector.shape_cast %get3A_850 : vector<1x16xf32> to vector<16xf32>
    %sub3A_852 = arith.subi %shift_right_arithmetic3A_834, %multiple_of3A : i32
    %get3A_853 = arith.index_cast %sub3A_852 : i32 to index
    %get3A_854 = arith.constant 48 : index
    %get3A_855 = tpu.vector_load %arg7[%get3A_853, %get3A_854] {strides = array<i32>} : memref<16x128xf32, #tpu.memory_space<vmem>>, vector<1x16xf32>,
    %get3A_856 = vector.shape_cast %get3A_855 : vector<1x16xf32> to vector<16xf32>
    %sub3A_857 = arith.subi %shift_right_arithmetic3A_834, %multiple_of3A : i32
    %get3A_858 = arith.index_cast %sub3A_857 : i32 to index
    %get3A_859 = arith.constant 64 : index
    %get3A_860 = tpu.vector_load %arg7[%get3A_858, %get3A_859] {strides = array<i32>} : memref<16x128xf32, #tpu.memory_space<vmem>>, vector<1x16xf32>,
    %get3A_861 = vector.shape_cast %get3A_860 : vector<1x16xf32> to vector<16xf32>
    %sub3A_862 = arith.subi %shift_right_arithmetic3A_834, %multiple_of3A : i32
    %get3A_863 = arith.index_cast %sub3A_862 : i32 to index
    %get3A_864 = arith.constant 80 : index
    %get3A_865 = tpu.vector_load %arg7[%get3A_863, %get3A_864] {strides = array<i32>} : memref<16x128xf32, #tpu.memory_space<vmem>>, vector<1x16xf32>,
    %get3A_866 = vector.shape_cast %get3A_865 : vector<1x16xf32> to vector<16xf32>
    %sub3A_867 = arith.subi %shift_right_arithmetic3A_834, %multiple_of3A : i32
    %get3A_868 = arith.index_cast %sub3A_867 : i32 to index
    %get3A_869 = arith.constant 96 : index
    %get3A_870 = tpu.vector_load %arg7[%get3A_868, %get3A_869] {strides = array<i32>} : memref<16x128xf32, #tpu.memory_space<vmem>>, vector<1x16xf32>,
    %get3A_871 = vector.shape_cast %get3A_870 : vector<1x16xf32> to vector<16xf32>
    %sub3A_872 = arith.subi %shift_right_arithmetic3A_834, %multiple_of3A : i32
    %get3A_873 = arith.index_cast %sub3A_872 : i32 to index
    %get3A_874 = arith.constant 112 : index
    %get3A_875 = tpu.vector_load %arg7[%get3A_873, %get3A_874] {strides = array<i32>} : memref<16x128xf32, #tpu.memory_space<vmem>>, vector<1x16xf32>,
    %get3A_876 = vector.shape_cast %get3A_875 : vector<1x16xf32> to vector<16xf32>
    %iota3A_877 = tpu.iota {dimensions = array<i32: 0>} : vector<16xi32>
    %mul3A_878 = arith.constant 200 : i32
    %mul3A_879 = vector.broadcast %mul3A_878 : i32 to vector<16xi32>
    %mul3A_880 = arith.muli %iota3A_877, %mul3A_879 : vector<16xi32>
    %mul3A_881 = arith.constant 200 : i32
    %mul3A_882 = arith.muli %and3A_836, %mul3A_881 : i32
    %add3A_883 = arith.addi %mul3A_882, %shift_right_arithmetic3A_834 : i32
    %add3A_884 = arith.constant 0 : i32
    %add3A_885 = arith.addi %add3A_883, %add3A_884 : i32
    %add3A_886 = vector.broadcast %add3A_885 : i32 to vector<16xi32>
    %add3A_887 = arith.addi %mul3A_880, %add3A_886 : vector<16xi32>
    %swap3A_888 = arith.constant 0 : index
    %swap3A_889 = tpu.vector_load %arg15[%swap3A_888] {strides = array<i32>} : memref<128xi32, #tpu.memory_space<vmem>>, vector<16xi32>,
    %swap3A_890 = vector.shape_cast %swap3A_889 : vector<16xi32> to vector<16xi32>
    %swap3A_891 = vector.shape_cast %add3A_887 : vector<16xi32> to vector<16xi32>
    tpu.vector_store %arg15[%swap3A_888], %swap3A_891 {strides = array<i32>} : memref<128xi32, #tpu.memory_space<vmem>>, vector<16xi32>,
    %add3A_892 = arith.constant 3200 : i32
    %add3A_893 = arith.addi %add3A_883, %add3A_892 : i32
    %add3A_894 = vector.broadcast %add3A_893 : i32 to vector<16xi32>
    %add3A_895 = arith.addi %mul3A_880, %add3A_894 : vector<16xi32>
    %swap3A_896 = arith.constant 16 : index
    %swap3A_897 = tpu.vector_load %arg15[%swap3A_896] {strides = array<i32>} : memref<128xi32, #tpu.memory_space<vmem>>, vector<16xi32>,
    %swap3A_898 = vector.shape_cast %swap3A_897 : vector<16xi32> to vector<16xi32>
    %swap3A_899 = vector.shape_cast %add3A_895 : vector<16xi32> to vector<16xi32>
    tpu.vector_store %arg15[%swap3A_896], %swap3A_899 {strides = array<i32>} : memref<128xi32, #tpu.memory_space<vmem>>, vector<16xi32>,
    %add3A_900 = arith.constant 6400 : i32
    %add3A_901 = arith.addi %add3A_883, %add3A_900 : i32
    %add3A_902 = vector.broadcast %add3A_901 : i32 to vector<16xi32>
    %add3A_903 = arith.addi %mul3A_880, %add3A_902 : vector<16xi32>
    %swap3A_904 = arith.constant 32 : index
    %swap3A_905 = tpu.vector_load %arg15[%swap3A_904] {strides = array<i32>} : memref<128xi32, #tpu.memory_space<vmem>>, vector<16xi32>,
    %swap3A_906 = vector.shape_cast %swap3A_905 : vector<16xi32> to vector<16xi32>
    %swap3A_907 = vector.shape_cast %add3A_903 : vector<16xi32> to vector<16xi32>
    tpu.vector_store %arg15[%swap3A_904], %swap3A_907 {strides = array<i32>} : memref<128xi32, #tpu.memory_space<vmem>>, vector<16xi32>,
    %add3A_908 = arith.constant 9600 : i32
    %add3A_909 = arith.addi %add3A_883, %add3A_908 : i32
    %add3A_910 = vector.broadcast %add3A_909 : i32 to vector<16xi32>
    %add3A_911 = arith.addi %mul3A_880, %add3A_910 : vector<16xi32>
    %swap3A_912 = arith.constant 48 : index
    %swap3A_913 = tpu.vector_load %arg15[%swap3A_912] {strides = array<i32>} : memref<128xi32, #tpu.memory_space<vmem>>, vector<16xi32>,
    %swap3A_914 = vector.shape_cast %swap3A_913 : vector<16xi32> to vector<16xi32>
    %swap3A_915 = vector.shape_cast %add3A_911 : vector<16xi32> to vector<16xi32>
    tpu.vector_store %arg15[%swap3A_912], %swap3A_915 {strides = array<i32>} : memref<128xi32, #tpu.memory_space<vmem>>, vector<16xi32>,
    %add3A_916 = arith.constant 12800 : i32
    %add3A_917 = arith.addi %add3A_883, %add3A_916 : i32
    %add3A_918 = vector.broadcast %add3A_917 : i32 to vector<16xi32>
    %add3A_919 = arith.addi %mul3A_880, %add3A_918 : vector<16xi32>
    %swap3A_920 = arith.constant 64 : index
    %swap3A_921 = tpu.vector_load %arg15[%swap3A_920] {strides = array<i32>} : memref<128xi32, #tpu.memory_space<vmem>>, vector<16xi32>,
    %swap3A_922 = vector.shape_cast %swap3A_921 : vector<16xi32> to vector<16xi32>
    %swap3A_923 = vector.shape_cast %add3A_919 : vector<16xi32> to vector<16xi32>
    tpu.vector_store %arg15[%swap3A_920], %swap3A_923 {strides = array<i32>} : memref<128xi32, #tpu.memory_space<vmem>>, vector<16xi32>,
    %add3A_924 = arith.constant 16000 : i32
    %add3A_925 = arith.addi %add3A_883, %add3A_924 : i32
    %add3A_926 = vector.broadcast %add3A_925 : i32 to vector<16xi32>
    %add3A_927 = arith.addi %mul3A_880, %add3A_926 : vector<16xi32>
    %swap3A_928 = arith.constant 80 : index
    %swap3A_929 = tpu.vector_load %arg15[%swap3A_928] {strides = array<i32>} : memref<128xi32, #tpu.memory_space<vmem>>, vector<16xi32>,
    %swap3A_930 = vector.shape_cast %swap3A_929 : vector<16xi32> to vector<16xi32>
    %swap3A_931 = vector.shape_cast %add3A_927 : vector<16xi32> to vector<16xi32>
    tpu.vector_store %arg15[%swap3A_928], %swap3A_931 {strides = array<i32>} : memref<128xi32, #tpu.memory_space<vmem>>, vector<16xi32>,
    %add3A_932 = arith.constant 19200 : i32
    %add3A_933 = arith.addi %add3A_883, %add3A_932 : i32
    %add3A_934 = vector.broadcast %add3A_933 : i32 to vector<16xi32>
    %add3A_935 = arith.addi %mul3A_880, %add3A_934 : vector<16xi32>
    %swap3A_936 = arith.constant 96 : index
    %swap3A_937 = tpu.vector_load %arg15[%swap3A_936] {strides = array<i32>} : memref<128xi32, #tpu.memory_space<vmem>>, vector<16xi32>,
    %swap3A_938 = vector.shape_cast %swap3A_937 : vector<16xi32> to vector<16xi32>
    %swap3A_939 = vector.shape_cast %add3A_935 : vector<16xi32> to vector<16xi32>
    tpu.vector_store %arg15[%swap3A_936], %swap3A_939 {strides = array<i32>} : memref<128xi32, #tpu.memory_space<vmem>>, vector<16xi32>,
    %add3A_940 = arith.constant 22400 : i32
    %add3A_941 = arith.addi %add3A_883, %add3A_940 : i32
    %add3A_942 = vector.broadcast %add3A_941 : i32 to vector<16xi32>
    %add3A_943 = arith.addi %mul3A_880, %add3A_942 : vector<16xi32>
    %swap3A_944 = arith.constant 112 : index
    %swap3A_945 = tpu.vector_load %arg15[%swap3A_944] {strides = array<i32>} : memref<128xi32, #tpu.memory_space<vmem>>, vector<16xi32>,
    %swap3A_946 = vector.shape_cast %swap3A_945 : vector<16xi32> to vector<16xi32>
    %swap3A_947 = vector.shape_cast %add3A_943 : vector<16xi32> to vector<16xi32>
    tpu.vector_store %arg15[%swap3A_944], %swap3A_947 {strides = array<i32>} : memref<128xi32, #tpu.memory_space<vmem>>, vector<16xi32>,
    %dma_wait3A_948 = arith.constant 0 : i32
    %dma_wait3A_949 = tpu.memref_slice %arg6[%dma_wait3A_948] : memref<25600xi32, #tpu.memory_space<vmem>> -> memref<128xi32, #tpu.memory_space<vmem>>
    %dma_wait3A_950 = arith.constant 0 : i32
    %dma_wait3A_951 = arith.constant 0 : i32
    %dma_wait3A_952 = tpu.memref_slice %arg8[%dma_wait3A_950, %dma_wait3A_951] : memref<1024x128xf32, #tpu.memory_space<vmem_shared>> -> memref<1024x128xf32, #tpu.memory_space<vmem_shared>>
    tpu.wait_indirect_dma semaphore(%arg20 : memref<!tpu.dma_semaphore, #tpu.memory_space<semaphore_mem>>) src(%dma_wait3A_952 : memref<1024x128xf32, #tpu.memory_space<vmem_shared>>) dst(%arg10 : memref<128x128xf32, #tpu.memory_space<vmem>>)
    %parallel_loop3A_953 = arith.constant 0 : i32
    %parallel_loop3A_954 = arith.constant 128 : i32
    %parallel_loop3A_955 = arith.constant 1 : i32
    scf.for %parallel_loop3A_1366 = %parallel_loop3A_953 to %parallel_loop3A_954 step %parallel_loop3A_955  : i32 {
      %parallel_loop3A_1367 = arith.index_cast %parallel_loop3A_1366 : i32 to index
      %parallel_loop3A_1368 = arith.constant 0 : index
      %parallel_loop3A_1369 = tpu.vector_load %arg10[%parallel_loop3A_1367, %parallel_loop3A_1368] {strides = array<i32>} : memref<128x128xf32, #tpu.memory_space<vmem>>, vector<1x16xf32>,
      %parallel_loop3A_1370 = vector.shape_cast %parallel_loop3A_1369 : vector<1x16xf32> to vector<16xf32>
      %parallel_loop3A_1371 = vector.shape_cast %get3A_841 : vector<16xf32> to vector<1x16xf32>
      tpu.vector_store %arg10[%parallel_loop3A_1367, %parallel_loop3A_1368], %parallel_loop3A_1371 {add = true, strides = array<i32>} : memref<128x128xf32, #tpu.memory_space<vmem>>, vector<1x16xf32>,
      %parallel_loop3A_1372 = arith.index_cast %parallel_loop3A_1366 : i32 to index
      %parallel_loop3A_1373 = arith.constant 16 : index
      %parallel_loop3A_1374 = tpu.vector_load %arg10[%parallel_loop3A_1372, %parallel_loop3A_1373] {strides = array<i32>} : memref<128x128xf32, #tpu.memory_space<vmem>>, vector<1x16xf32>,
      %parallel_loop3A_1375 = vector.shape_cast %parallel_loop3A_1374 : vector<1x16xf32> to vector<16xf32>
      %parallel_loop3A_1376 = vector.shape_cast %get3A_846 : vector<16xf32> to vector<1x16xf32>
      tpu.vector_store %arg10[%parallel_loop3A_1372, %parallel_loop3A_1373], %parallel_loop3A_1376 {add = true, strides = array<i32>} : memref<128x128xf32, #tpu.memory_space<vmem>>, vector<1x16xf32>,
      %parallel_loop3A_1377 = arith.index_cast %parallel_loop3A_1366 : i32 to index
      %parallel_loop3A_1378 = arith.constant 32 : index
      %parallel_loop3A_1379 = tpu.vector_load %arg10[%parallel_loop3A_1377, %parallel_loop3A_1378] {strides = array<i32>} : memref<128x128xf32, #tpu.memory_space<vmem>>, vector<1x16xf32>,
      %parallel_loop3A_1380 = vector.shape_cast %parallel_loop3A_1379 : vector<1x16xf32> to vector<16xf32>
      %parallel_loop3A_1381 = vector.shape_cast %get3A_851 : vector<16xf32> to vector<1x16xf32>
      tpu.vector_store %arg10[%parallel_loop3A_1377, %parallel_loop3A_1378], %parallel_loop3A_1381 {add = true, strides = array<i32>} : memref<128x128xf32, #tpu.memory_space<vmem>>, vector<1x16xf32>,
      %parallel_loop3A_1382 = arith.index_cast %parallel_loop3A_1366 : i32 to index
      %parallel_loop3A_1383 = arith.constant 48 : index
      %parallel_loop3A_1384 = tpu.vector_load %arg10[%parallel_loop3A_1382, %parallel_loop3A_1383] {strides = array<i32>} : memref<128x128xf32, #tpu.memory_space<vmem>>, vector<1x16xf32>,
      %parallel_loop3A_1385 = vector.shape_cast %parallel_loop3A_1384 : vector<1x16xf32> to vector<16xf32>
      %parallel_loop3A_1386 = vector.shape_cast %get3A_856 : vector<16xf32> to vector<1x16xf32>
      tpu.vector_store %arg10[%parallel_loop3A_1382, %parallel_loop3A_1383], %parallel_loop3A_1386 {add = true, strides = array<i32>} : memref<128x128xf32, #tpu.memory_space<vmem>>, vector<1x16xf32>,
      %parallel_loop3A_1387 = arith.index_cast %parallel_loop3A_1366 : i32 to index
      %parallel_loop3A_1388 = arith.constant 64 : index
      %parallel_loop3A_1389 = tpu.vector_load %arg10[%parallel_loop3A_1387, %parallel_loop3A_1388] {strides = array<i32>} : memref<128x128xf32, #tpu.memory_space<vmem>>, vector<1x16xf32>,
      %parallel_loop3A_1390 = vector.shape_cast %parallel_loop3A_1389 : vector<1x16xf32> to vector<16xf32>
      %parallel_loop3A_1391 = vector.shape_cast %get3A_861 : vector<16xf32> to vector<1x16xf32>
      tpu.vector_store %arg10[%parallel_loop3A_1387, %parallel_loop3A_1388], %parallel_loop3A_1391 {add = true, strides = array<i32>} : memref<128x128xf32, #tpu.memory_space<vmem>>, vector<1x16xf32>,
      %parallel_loop3A_1392 = arith.index_cast %parallel_loop3A_1366 : i32 to index
      %parallel_loop3A_1393 = arith.constant 80 : index
      %parallel_loop3A_1394 = tpu.vector_load %arg10[%parallel_loop3A_1392, %parallel_loop3A_1393] {strides = array<i32>} : memref<128x128xf32, #tpu.memory_space<vmem>>, vector<1x16xf32>,
      %parallel_loop3A_1395 = vector.shape_cast %parallel_loop3A_1394 : vector<1x16xf32> to vector<16xf32>
      %parallel_loop3A_1396 = vector.shape_cast %get3A_866 : vector<16xf32> to vector<1x16xf32>
      tpu.vector_store %arg10[%parallel_loop3A_1392, %parallel_loop3A_1393], %parallel_loop3A_1396 {add = true, strides = array<i32>} : memref<128x128xf32, #tpu.memory_space<vmem>>, vector<1x16xf32>,
      %parallel_loop3A_1397 = arith.index_cast %parallel_loop3A_1366 : i32 to index
      %parallel_loop3A_1398 = arith.constant 96 : index
      %parallel_loop3A_1399 = tpu.vector_load %arg10[%parallel_loop3A_1397, %parallel_loop3A_1398] {strides = array<i32>} : memref<128x128xf32, #tpu.memory_space<vmem>>, vector<1x16xf32>,
      %parallel_loop3A_1400 = vector.shape_cast %parallel_loop3A_1399 : vector<1x16xf32> to vector<16xf32>
      %parallel_loop3A_1401 = vector.shape_cast %get3A_871 : vector<16xf32> to vector<1x16xf32>
      tpu.vector_store %arg10[%parallel_loop3A_1397, %parallel_loop3A_1398], %parallel_loop3A_1401 {add = true, strides = array<i32>} : memref<128x128xf32, #tpu.memory_space<vmem>>, vector<1x16xf32>,
      %parallel_loop3A_1402 = arith.index_cast %parallel_loop3A_1366 : i32 to index
      %parallel_loop3A_1403 = arith.constant 112 : index
      %parallel_loop3A_1404 = tpu.vector_load %arg10[%parallel_loop3A_1402, %parallel_loop3A_1403] {strides = array<i32>} : memref<128x128xf32, #tpu.memory_space<vmem>>, vector<1x16xf32>,
      %parallel_loop3A_1405 = vector.shape_cast %parallel_loop3A_1404 : vector<1x16xf32> to vector<16xf32>
      %parallel_loop3A_1406 = vector.shape_cast %get3A_876 : vector<16xf32> to vector<1x16xf32>
      tpu.vector_store %arg10[%parallel_loop3A_1402, %parallel_loop3A_1403], %parallel_loop3A_1406 {add = true, strides = array<i32>} : memref<128x128xf32, #tpu.memory_space<vmem>>, vector<1x16xf32>,
    } {sc.loop_unroll_factor = 4 : i64, sc.parallel_access}
    %dma_start3A_956 = arith.constant 0 : i32
    %dma_start3A_957 = arith.constant 0 : i32
    %dma_start3A_958 = tpu.memref_slice %arg5[%dma_start3A_956, %dma_start3A_957] : memref<819200x128xf32, #tpu.memory_space<hbm>> -> memref<819200x128xf32, #tpu.memory_space<hbm>>
    tpu.enqueue_indirect_dma source(%arg10 : memref<128x128xf32, #tpu.memory_space<vmem>>) target(%dma_start3A_958 : memref<819200x128xf32, #tpu.memory_space<hbm>>) offsets(%arg15 : memref<128xi32, #tpu.memory_space<vmem>>) semaphore(%arg25 : memref<!tpu.dma_semaphore, #tpu.memory_space<semaphore_mem>>)
    %dma_wait3A_959 = arith.constant 0 : i32
    %dma_wait3A_960 = arith.constant 0 : i32
    %dma_wait3A_961 = tpu.memref_slice %arg5[%dma_wait3A_959, %dma_wait3A_960] : memref<819200x128xf32, #tpu.memory_space<hbm>> -> memref<819200x128xf32, #tpu.memory_space<hbm>>
    tpu.wait_indirect_dma semaphore(%arg28 : memref<!tpu.dma_semaphore, #tpu.memory_space<semaphore_mem>>) src(%arg13 : memref<128x128xf32, #tpu.memory_space<vmem>>) dst(%dma_wait3A_961 : memref<819200x128xf32, #tpu.memory_space<hbm>>)
    %dma_start3A_962 = arith.constant 25472 : i32
    %dma_start3A_963 = tpu.memref_slice %arg6[%dma_start3A_962] : memref<25600xi32, #tpu.memory_space<vmem>> -> memref<128xi32, #tpu.memory_space<vmem>>
    %dma_start3A_964 = arith.constant 0 : i32
    %dma_start3A_965 = arith.constant 0 : i32
    %dma_start3A_966 = tpu.memref_slice %arg8[%dma_start3A_964, %dma_start3A_965] : memref<1024x128xf32, #tpu.memory_space<vmem_shared>> -> memref<1024x128xf32, #tpu.memory_space<vmem_shared>>
    tpu.enqueue_indirect_dma source(%dma_start3A_966 : memref<1024x128xf32, #tpu.memory_space<vmem_shared>>) target(%arg13 : memref<128x128xf32, #tpu.memory_space<vmem>>) offsets(%dma_start3A_963 : memref<128xi32, #tpu.memory_space<vmem>>) semaphore(%arg23 : memref<!tpu.dma_semaphore, #tpu.memory_space<semaphore_mem>>)
    %add3A_967 = arith.constant 25216 : i32
    %add3A_968 = arith.addi %mul3A_2, %add3A_967 : i32
    %shift_right_arithmetic3A_969 = arith.constant 12 : i32
    %shift_right_arithmetic3A_970 = arith.shrsi %add3A_968, %shift_right_arithmetic3A_969 : i32
    %and3A_971 = arith.constant 4095 : i32
    %and3A_972 = arith.andi %add3A_968, %and3A_971 : i32
    %sub3A_973 = arith.subi %shift_right_arithmetic3A_970, %multiple_of3A : i32
    %get3A_974 = arith.index_cast %sub3A_973 : i32 to index
    %get3A_975 = arith.constant 0 : index
    %get3A_976 = tpu.vector_load %arg7[%get3A_974, %get3A_975] {strides = array<i32>} : memref<16x128xf32, #tpu.memory_space<vmem>>, vector<1x16xf32>,
    %get3A_977 = vector.shape_cast %get3A_976 : vector<1x16xf32> to vector<16xf32>
    %sub3A_978 = arith.subi %shift_right_arithmetic3A_970, %multiple_of3A : i32
    %get3A_979 = arith.index_cast %sub3A_978 : i32 to index
    %get3A_980 = arith.constant 16 : index
    %get3A_981 = tpu.vector_load %arg7[%get3A_979, %get3A_980] {strides = array<i32>} : memref<16x128xf32, #tpu.memory_space<vmem>>, vector<1x16xf32>,
    %get3A_982 = vector.shape_cast %get3A_981 : vector<1x16xf32> to vector<16xf32>
    %sub3A_983 = arith.subi %shift_right_arithmetic3A_970, %multiple_of3A : i32
    %get3A_984 = arith.index_cast %sub3A_983 : i32 to index
    %get3A_985 = arith.constant 32 : index
    %get3A_986 = tpu.vector_load %arg7[%get3A_984, %get3A_985] {strides = array<i32>} : memref<16x128xf32, #tpu.memory_space<vmem>>, vector<1x16xf32>,
    %get3A_987 = vector.shape_cast %get3A_986 : vector<1x16xf32> to vector<16xf32>
    %sub3A_988 = arith.subi %shift_right_arithmetic3A_970, %multiple_of3A : i32
    %get3A_989 = arith.index_cast %sub3A_988 : i32 to index
    %get3A_990 = arith.constant 48 : index
    %get3A_991 = tpu.vector_load %arg7[%get3A_989, %get3A_990] {strides = array<i32>} : memref<16x128xf32, #tpu.memory_space<vmem>>, vector<1x16xf32>,
    %get3A_992 = vector.shape_cast %get3A_991 : vector<1x16xf32> to vector<16xf32>
    %sub3A_993 = arith.subi %shift_right_arithmetic3A_970, %multiple_of3A : i32
    %get3A_994 = arith.index_cast %sub3A_993 : i32 to index
    %get3A_995 = arith.constant 64 : index
    %get3A_996 = tpu.vector_load %arg7[%get3A_994, %get3A_995] {strides = array<i32>} : memref<16x128xf32, #tpu.memory_space<vmem>>, vector<1x16xf32>,
    %get3A_997 = vector.shape_cast %get3A_996 : vector<1x16xf32> to vector<16xf32>
    %sub3A_998 = arith.subi %shift_right_arithmetic3A_970, %multiple_of3A : i32
    %get3A_999 = arith.index_cast %sub3A_998 : i32 to index
    %get3A_1000 = arith.constant 80 : index
    %get3A_1001 = tpu.vector_load %arg7[%get3A_999, %get3A_1000] {strides = array<i32>} : memref<16x128xf32, #tpu.memory_space<vmem>>, vector<1x16xf32>,
    %get3A_1002 = vector.shape_cast %get3A_1001 : vector<1x16xf32> to vector<16xf32>
    %sub3A_1003 = arith.subi %shift_right_arithmetic3A_970, %multiple_of3A : i32
    %get3A_1004 = arith.index_cast %sub3A_1003 : i32 to index
    %get3A_1005 = arith.constant 96 : index
    %get3A_1006 = tpu.vector_load %arg7[%get3A_1004, %get3A_1005] {strides = array<i32>} : memref<16x128xf32, #tpu.memory_space<vmem>>, vector<1x16xf32>,
    %get3A_1007 = vector.shape_cast %get3A_1006 : vector<1x16xf32> to vector<16xf32>
    %sub3A_1008 = arith.subi %shift_right_arithmetic3A_970, %multiple_of3A : i32
    %get3A_1009 = arith.index_cast %sub3A_1008 : i32 to index
    %get3A_1010 = arith.constant 112 : index
    %get3A_1011 = tpu.vector_load %arg7[%get3A_1009, %get3A_1010] {strides = array<i32>} : memref<16x128xf32, #tpu.memory_space<vmem>>, vector<1x16xf32>,
    %get3A_1012 = vector.shape_cast %get3A_1011 : vector<1x16xf32> to vector<16xf32>
    %iota3A_1013 = tpu.iota {dimensions = array<i32: 0>} : vector<16xi32>
    %mul3A_1014 = arith.constant 200 : i32
    %mul3A_1015 = vector.broadcast %mul3A_1014 : i32 to vector<16xi32>
    %mul3A_1016 = arith.muli %iota3A_1013, %mul3A_1015 : vector<16xi32>
    %mul3A_1017 = arith.constant 200 : i32
    %mul3A_1018 = arith.muli %and3A_972, %mul3A_1017 : i32
    %add3A_1019 = arith.addi %mul3A_1018, %shift_right_arithmetic3A_970 : i32
    %add3A_1020 = arith.constant 0 : i32
    %add3A_1021 = arith.addi %add3A_1019, %add3A_1020 : i32
    %add3A_1022 = vector.broadcast %add3A_1021 : i32 to vector<16xi32>
    %add3A_1023 = arith.addi %mul3A_1016, %add3A_1022 : vector<16xi32>
    %swap3A_1024 = arith.constant 0 : index
    %swap3A_1025 = tpu.vector_load %arg16[%swap3A_1024] {strides = array<i32>} : memref<128xi32, #tpu.memory_space<vmem>>, vector<16xi32>,
    %swap3A_1026 = vector.shape_cast %swap3A_1025 : vector<16xi32> to vector<16xi32>
    %swap3A_1027 = vector.shape_cast %add3A_1023 : vector<16xi32> to vector<16xi32>
    tpu.vector_store %arg16[%swap3A_1024], %swap3A_1027 {strides = array<i32>} : memref<128xi32, #tpu.memory_space<vmem>>, vector<16xi32>,
    %add3A_1028 = arith.constant 3200 : i32
    %add3A_1029 = arith.addi %add3A_1019, %add3A_1028 : i32
    %add3A_1030 = vector.broadcast %add3A_1029 : i32 to vector<16xi32>
    %add3A_1031 = arith.addi %mul3A_1016, %add3A_1030 : vector<16xi32>
    %swap3A_1032 = arith.constant 16 : index
    %swap3A_1033 = tpu.vector_load %arg16[%swap3A_1032] {strides = array<i32>} : memref<128xi32, #tpu.memory_space<vmem>>, vector<16xi32>,
    %swap3A_1034 = vector.shape_cast %swap3A_1033 : vector<16xi32> to vector<16xi32>
    %swap3A_1035 = vector.shape_cast %add3A_1031 : vector<16xi32> to vector<16xi32>
    tpu.vector_store %arg16[%swap3A_1032], %swap3A_1035 {strides = array<i32>} : memref<128xi32, #tpu.memory_space<vmem>>, vector<16xi32>,
    %add3A_1036 = arith.constant 6400 : i32
    %add3A_1037 = arith.addi %add3A_1019, %add3A_1036 : i32
    %add3A_1038 = vector.broadcast %add3A_1037 : i32 to vector<16xi32>
    %add3A_1039 = arith.addi %mul3A_1016, %add3A_1038 : vector<16xi32>
    %swap3A_1040 = arith.constant 32 : index
    %swap3A_1041 = tpu.vector_load %arg16[%swap3A_1040] {strides = array<i32>} : memref<128xi32, #tpu.memory_space<vmem>>, vector<16xi32>,
    %swap3A_1042 = vector.shape_cast %swap3A_1041 : vector<16xi32> to vector<16xi32>
    %swap3A_1043 = vector.shape_cast %add3A_1039 : vector<16xi32> to vector<16xi32>
    tpu.vector_store %arg16[%swap3A_1040], %swap3A_1043 {strides = array<i32>} : memref<128xi32, #tpu.memory_space<vmem>>, vector<16xi32>,
    %add3A_1044 = arith.constant 9600 : i32
    %add3A_1045 = arith.addi %add3A_1019, %add3A_1044 : i32
    %add3A_1046 = vector.broadcast %add3A_1045 : i32 to vector<16xi32>
    %add3A_1047 = arith.addi %mul3A_1016, %add3A_1046 : vector<16xi32>
    %swap3A_1048 = arith.constant 48 : index
    %swap3A_1049 = tpu.vector_load %arg16[%swap3A_1048] {strides = array<i32>} : memref<128xi32, #tpu.memory_space<vmem>>, vector<16xi32>,
    %swap3A_1050 = vector.shape_cast %swap3A_1049 : vector<16xi32> to vector<16xi32>
    %swap3A_1051 = vector.shape_cast %add3A_1047 : vector<16xi32> to vector<16xi32>
    tpu.vector_store %arg16[%swap3A_1048], %swap3A_1051 {strides = array<i32>} : memref<128xi32, #tpu.memory_space<vmem>>, vector<16xi32>,
    %add3A_1052 = arith.constant 12800 : i32
    %add3A_1053 = arith.addi %add3A_1019, %add3A_1052 : i32
    %add3A_1054 = vector.broadcast %add3A_1053 : i32 to vector<16xi32>
    %add3A_1055 = arith.addi %mul3A_1016, %add3A_1054 : vector<16xi32>
    %swap3A_1056 = arith.constant 64 : index
    %swap3A_1057 = tpu.vector_load %arg16[%swap3A_1056] {strides = array<i32>} : memref<128xi32, #tpu.memory_space<vmem>>, vector<16xi32>,
    %swap3A_1058 = vector.shape_cast %swap3A_1057 : vector<16xi32> to vector<16xi32>
    %swap3A_1059 = vector.shape_cast %add3A_1055 : vector<16xi32> to vector<16xi32>
    tpu.vector_store %arg16[%swap3A_1056], %swap3A_1059 {strides = array<i32>} : memref<128xi32, #tpu.memory_space<vmem>>, vector<16xi32>,
    %add3A_1060 = arith.constant 16000 : i32
    %add3A_1061 = arith.addi %add3A_1019, %add3A_1060 : i32
    %add3A_1062 = vector.broadcast %add3A_1061 : i32 to vector<16xi32>
    %add3A_1063 = arith.addi %mul3A_1016, %add3A_1062 : vector<16xi32>
    %swap3A_1064 = arith.constant 80 : index
    %swap3A_1065 = tpu.vector_load %arg16[%swap3A_1064] {strides = array<i32>} : memref<128xi32, #tpu.memory_space<vmem>>, vector<16xi32>,
    %swap3A_1066 = vector.shape_cast %swap3A_1065 : vector<16xi32> to vector<16xi32>
    %swap3A_1067 = vector.shape_cast %add3A_1063 : vector<16xi32> to vector<16xi32>
    tpu.vector_store %arg16[%swap3A_1064], %swap3A_1067 {strides = array<i32>} : memref<128xi32, #tpu.memory_space<vmem>>, vector<16xi32>,
    %add3A_1068 = arith.constant 19200 : i32
    %add3A_1069 = arith.addi %add3A_1019, %add3A_1068 : i32
    %add3A_1070 = vector.broadcast %add3A_1069 : i32 to vector<16xi32>
    %add3A_1071 = arith.addi %mul3A_1016, %add3A_1070 : vector<16xi32>
    %swap3A_1072 = arith.constant 96 : index
    %swap3A_1073 = tpu.vector_load %arg16[%swap3A_1072] {strides = array<i32>} : memref<128xi32, #tpu.memory_space<vmem>>, vector<16xi32>,
    %swap3A_1074 = vector.shape_cast %swap3A_1073 : vector<16xi32> to vector<16xi32>
    %swap3A_1075 = vector.shape_cast %add3A_1071 : vector<16xi32> to vector<16xi32>
    tpu.vector_store %arg16[%swap3A_1072], %swap3A_1075 {strides = array<i32>} : memref<128xi32, #tpu.memory_space<vmem>>, vector<16xi32>,
    %add3A_1076 = arith.constant 22400 : i32
    %add3A_1077 = arith.addi %add3A_1019, %add3A_1076 : i32
    %add3A_1078 = vector.broadcast %add3A_1077 : i32 to vector<16xi32>
    %add3A_1079 = arith.addi %mul3A_1016, %add3A_1078 : vector<16xi32>
    %swap3A_1080 = arith.constant 112 : index
    %swap3A_1081 = tpu.vector_load %arg16[%swap3A_1080] {strides = array<i32>} : memref<128xi32, #tpu.memory_space<vmem>>, vector<16xi32>,
    %swap3A_1082 = vector.shape_cast %swap3A_1081 : vector<16xi32> to vector<16xi32>
    %swap3A_1083 = vector.shape_cast %add3A_1079 : vector<16xi32> to vector<16xi32>
    tpu.vector_store %arg16[%swap3A_1080], %swap3A_1083 {strides = array<i32>} : memref<128xi32, #tpu.memory_space<vmem>>, vector<16xi32>,
    %dma_wait3A_1084 = arith.constant 0 : i32
    %dma_wait3A_1085 = tpu.memref_slice %arg6[%dma_wait3A_1084] : memref<25600xi32, #tpu.memory_space<vmem>> -> memref<128xi32, #tpu.memory_space<vmem>>
    %dma_wait3A_1086 = arith.constant 0 : i32
    %dma_wait3A_1087 = arith.constant 0 : i32
    %dma_wait3A_1088 = tpu.memref_slice %arg8[%dma_wait3A_1086, %dma_wait3A_1087] : memref<1024x128xf32, #tpu.memory_space<vmem_shared>> -> memref<1024x128xf32, #tpu.memory_space<vmem_shared>>
    tpu.wait_indirect_dma semaphore(%arg21 : memref<!tpu.dma_semaphore, #tpu.memory_space<semaphore_mem>>) src(%dma_wait3A_1088 : memref<1024x128xf32, #tpu.memory_space<vmem_shared>>) dst(%arg11 : memref<128x128xf32, #tpu.memory_space<vmem>>)
    %parallel_loop3A_1089 = arith.constant 0 : i32
    %parallel_loop3A_1090 = arith.constant 128 : i32
    %parallel_loop3A_1091 = arith.constant 1 : i32
    scf.for %parallel_loop3A_1366 = %parallel_loop3A_1089 to %parallel_loop3A_1090 step %parallel_loop3A_1091  : i32 {
      %parallel_loop3A_1367 = arith.index_cast %parallel_loop3A_1366 : i32 to index
      %parallel_loop3A_1368 = arith.constant 0 : index
      %parallel_loop3A_1369 = tpu.vector_load %arg11[%parallel_loop3A_1367, %parallel_loop3A_1368] {strides = array<i32>} : memref<128x128xf32, #tpu.memory_space<vmem>>, vector<1x16xf32>,
      %parallel_loop3A_1370 = vector.shape_cast %parallel_loop3A_1369 : vector<1x16xf32> to vector<16xf32>
      %parallel_loop3A_1371 = vector.shape_cast %get3A_977 : vector<16xf32> to vector<1x16xf32>
      tpu.vector_store %arg11[%parallel_loop3A_1367, %parallel_loop3A_1368], %parallel_loop3A_1371 {add = true, strides = array<i32>} : memref<128x128xf32, #tpu.memory_space<vmem>>, vector<1x16xf32>,
      %parallel_loop3A_1372 = arith.index_cast %parallel_loop3A_1366 : i32 to index
      %parallel_loop3A_1373 = arith.constant 16 : index
      %parallel_loop3A_1374 = tpu.vector_load %arg11[%parallel_loop3A_1372, %parallel_loop3A_1373] {strides = array<i32>} : memref<128x128xf32, #tpu.memory_space<vmem>>, vector<1x16xf32>,
      %parallel_loop3A_1375 = vector.shape_cast %parallel_loop3A_1374 : vector<1x16xf32> to vector<16xf32>
      %parallel_loop3A_1376 = vector.shape_cast %get3A_982 : vector<16xf32> to vector<1x16xf32>
      tpu.vector_store %arg11[%parallel_loop3A_1372, %parallel_loop3A_1373], %parallel_loop3A_1376 {add = true, strides = array<i32>} : memref<128x128xf32, #tpu.memory_space<vmem>>, vector<1x16xf32>,
      %parallel_loop3A_1377 = arith.index_cast %parallel_loop3A_1366 : i32 to index
      %parallel_loop3A_1378 = arith.constant 32 : index
      %parallel_loop3A_1379 = tpu.vector_load %arg11[%parallel_loop3A_1377, %parallel_loop3A_1378] {strides = array<i32>} : memref<128x128xf32, #tpu.memory_space<vmem>>, vector<1x16xf32>,
      %parallel_loop3A_1380 = vector.shape_cast %parallel_loop3A_1379 : vector<1x16xf32> to vector<16xf32>
      %parallel_loop3A_1381 = vector.shape_cast %get3A_987 : vector<16xf32> to vector<1x16xf32>
      tpu.vector_store %arg11[%parallel_loop3A_1377, %parallel_loop3A_1378], %parallel_loop3A_1381 {add = true, strides = array<i32>} : memref<128x128xf32, #tpu.memory_space<vmem>>, vector<1x16xf32>,
      %parallel_loop3A_1382 = arith.index_cast %parallel_loop3A_1366 : i32 to index
      %parallel_loop3A_1383 = arith.constant 48 : index
      %parallel_loop3A_1384 = tpu.vector_load %arg11[%parallel_loop3A_1382, %parallel_loop3A_1383] {strides = array<i32>} : memref<128x128xf32, #tpu.memory_space<vmem>>, vector<1x16xf32>,
      %parallel_loop3A_1385 = vector.shape_cast %parallel_loop3A_1384 : vector<1x16xf32> to vector<16xf32>
      %parallel_loop3A_1386 = vector.shape_cast %get3A_992 : vector<16xf32> to vector<1x16xf32>
      tpu.vector_store %arg11[%parallel_loop3A_1382, %parallel_loop3A_1383], %parallel_loop3A_1386 {add = true, strides = array<i32>} : memref<128x128xf32, #tpu.memory_space<vmem>>, vector<1x16xf32>,
      %parallel_loop3A_1387 = arith.index_cast %parallel_loop3A_1366 : i32 to index
      %parallel_loop3A_1388 = arith.constant 64 : index
      %parallel_loop3A_1389 = tpu.vector_load %arg11[%parallel_loop3A_1387, %parallel_loop3A_1388] {strides = array<i32>} : memref<128x128xf32, #tpu.memory_space<vmem>>, vector<1x16xf32>,
      %parallel_loop3A_1390 = vector.shape_cast %parallel_loop3A_1389 : vector<1x16xf32> to vector<16xf32>
      %parallel_loop3A_1391 = vector.shape_cast %get3A_997 : vector<16xf32> to vector<1x16xf32>
      tpu.vector_store %arg11[%parallel_loop3A_1387, %parallel_loop3A_1388], %parallel_loop3A_1391 {add = true, strides = array<i32>} : memref<128x128xf32, #tpu.memory_space<vmem>>, vector<1x16xf32>,
      %parallel_loop3A_1392 = arith.index_cast %parallel_loop3A_1366 : i32 to index
      %parallel_loop3A_1393 = arith.constant 80 : index
      %parallel_loop3A_1394 = tpu.vector_load %arg11[%parallel_loop3A_1392, %parallel_loop3A_1393] {strides = array<i32>} : memref<128x128xf32, #tpu.memory_space<vmem>>, vector<1x16xf32>,
      %parallel_loop3A_1395 = vector.shape_cast %parallel_loop3A_1394 : vector<1x16xf32> to vector<16xf32>
      %parallel_loop3A_1396 = vector.shape_cast %get3A_1002 : vector<16xf32> to vector<1x16xf32>
      tpu.vector_store %arg11[%parallel_loop3A_1392, %parallel_loop3A_1393], %parallel_loop3A_1396 {add = true, strides = array<i32>} : memref<128x128xf32, #tpu.memory_space<vmem>>, vector<1x16xf32>,
      %parallel_loop3A_1397 = arith.index_cast %parallel_loop3A_1366 : i32 to index
      %parallel_loop3A_1398 = arith.constant 96 : index
      %parallel_loop3A_1399 = tpu.vector_load %arg11[%parallel_loop3A_1397, %parallel_loop3A_1398] {strides = array<i32>} : memref<128x128xf32, #tpu.memory_space<vmem>>, vector<1x16xf32>,
      %parallel_loop3A_1400 = vector.shape_cast %parallel_loop3A_1399 : vector<1x16xf32> to vector<16xf32>
      %parallel_loop3A_1401 = vector.shape_cast %get3A_1007 : vector<16xf32> to vector<1x16xf32>
      tpu.vector_store %arg11[%parallel_loop3A_1397, %parallel_loop3A_1398], %parallel_loop3A_1401 {add = true, strides = array<i32>} : memref<128x128xf32, #tpu.memory_space<vmem>>, vector<1x16xf32>,
      %parallel_loop3A_1402 = arith.index_cast %parallel_loop3A_1366 : i32 to index
      %parallel_loop3A_1403 = arith.constant 112 : index
      %parallel_loop3A_1404 = tpu.vector_load %arg11[%parallel_loop3A_1402, %parallel_loop3A_1403] {strides = array<i32>} : memref<128x128xf32, #tpu.memory_space<vmem>>, vector<1x16xf32>,
      %parallel_loop3A_1405 = vector.shape_cast %parallel_loop3A_1404 : vector<1x16xf32> to vector<16xf32>
      %parallel_loop3A_1406 = vector.shape_cast %get3A_1012 : vector<16xf32> to vector<1x16xf32>
      tpu.vector_store %arg11[%parallel_loop3A_1402, %parallel_loop3A_1403], %parallel_loop3A_1406 {add = true, strides = array<i32>} : memref<128x128xf32, #tpu.memory_space<vmem>>, vector<1x16xf32>,
    } {sc.loop_unroll_factor = 4 : i64, sc.parallel_access}
    %dma_start3A_1092 = arith.constant 0 : i32
    %dma_start3A_1093 = arith.constant 0 : i32
    %dma_start3A_1094 = tpu.memref_slice %arg5[%dma_start3A_1092, %dma_start3A_1093] : memref<819200x128xf32, #tpu.memory_space<hbm>> -> memref<819200x128xf32, #tpu.memory_space<hbm>>
    tpu.enqueue_indirect_dma source(%arg11 : memref<128x128xf32, #tpu.memory_space<vmem>>) target(%dma_start3A_1094 : memref<819200x128xf32, #tpu.memory_space<hbm>>) offsets(%arg16 : memref<128xi32, #tpu.memory_space<vmem>>) semaphore(%arg26 : memref<!tpu.dma_semaphore, #tpu.memory_space<semaphore_mem>>)
    %add3A_1095 = arith.constant 25344 : i32
    %add3A_1096 = arith.addi %mul3A_2, %add3A_1095 : i32
    %shift_right_arithmetic3A_1097 = arith.constant 12 : i32
    %shift_right_arithmetic3A_1098 = arith.shrsi %add3A_1096, %shift_right_arithmetic3A_1097 : i32
    %and3A_1099 = arith.constant 4095 : i32
    %and3A_1100 = arith.andi %add3A_1096, %and3A_1099 : i32
    %sub3A_1101 = arith.subi %shift_right_arithmetic3A_1098, %multiple_of3A : i32
    %get3A_1102 = arith.index_cast %sub3A_1101 : i32 to index
    %get3A_1103 = arith.constant 0 : index
    %get3A_1104 = tpu.vector_load %arg7[%get3A_1102, %get3A_1103] {strides = array<i32>} : memref<16x128xf32, #tpu.memory_space<vmem>>, vector<1x16xf32>,
    %get3A_1105 = vector.shape_cast %get3A_1104 : vector<1x16xf32> to vector<16xf32>
    %sub3A_1106 = arith.subi %shift_right_arithmetic3A_1098, %multiple_of3A : i32
    %get3A_1107 = arith.index_cast %sub3A_1106 : i32 to index
    %get3A_1108 = arith.constant 16 : index
    %get3A_1109 = tpu.vector_load %arg7[%get3A_1107, %get3A_1108] {strides = array<i32>} : memref<16x128xf32, #tpu.memory_space<vmem>>, vector<1x16xf32>,
    %get3A_1110 = vector.shape_cast %get3A_1109 : vector<1x16xf32> to vector<16xf32>
    %sub3A_1111 = arith.subi %shift_right_arithmetic3A_1098, %multiple_of3A : i32
    %get3A_1112 = arith.index_cast %sub3A_1111 : i32 to index
    %get3A_1113 = arith.constant 32 : index
    %get3A_1114 = tpu.vector_load %arg7[%get3A_1112, %get3A_1113] {strides = array<i32>} : memref<16x128xf32, #tpu.memory_space<vmem>>, vector<1x16xf32>,
    %get3A_1115 = vector.shape_cast %get3A_1114 : vector<1x16xf32> to vector<16xf32>
    %sub3A_1116 = arith.subi %shift_right_arithmetic3A_1098, %multiple_of3A : i32
    %get3A_1117 = arith.index_cast %sub3A_1116 : i32 to index
    %get3A_1118 = arith.constant 48 : index
    %get3A_1119 = tpu.vector_load %arg7[%get3A_1117, %get3A_1118] {strides = array<i32>} : memref<16x128xf32, #tpu.memory_space<vmem>>, vector<1x16xf32>,
    %get3A_1120 = vector.shape_cast %get3A_1119 : vector<1x16xf32> to vector<16xf32>
    %sub3A_1121 = arith.subi %shift_right_arithmetic3A_1098, %multiple_of3A : i32
    %get3A_1122 = arith.index_cast %sub3A_1121 : i32 to index
    %get3A_1123 = arith.constant 64 : index
    %get3A_1124 = tpu.vector_load %arg7[%get3A_1122, %get3A_1123] {strides = array<i32>} : memref<16x128xf32, #tpu.memory_space<vmem>>, vector<1x16xf32>,
    %get3A_1125 = vector.shape_cast %get3A_1124 : vector<1x16xf32> to vector<16xf32>
    %sub3A_1126 = arith.subi %shift_right_arithmetic3A_1098, %multiple_of3A : i32
    %get3A_1127 = arith.index_cast %sub3A_1126 : i32 to index
    %get3A_1128 = arith.constant 80 : index
    %get3A_1129 = tpu.vector_load %arg7[%get3A_1127, %get3A_1128] {strides = array<i32>} : memref<16x128xf32, #tpu.memory_space<vmem>>, vector<1x16xf32>,
    %get3A_1130 = vector.shape_cast %get3A_1129 : vector<1x16xf32> to vector<16xf32>
    %sub3A_1131 = arith.subi %shift_right_arithmetic3A_1098, %multiple_of3A : i32
    %get3A_1132 = arith.index_cast %sub3A_1131 : i32 to index
    %get3A_1133 = arith.constant 96 : index
    %get3A_1134 = tpu.vector_load %arg7[%get3A_1132, %get3A_1133] {strides = array<i32>} : memref<16x128xf32, #tpu.memory_space<vmem>>, vector<1x16xf32>,
    %get3A_1135 = vector.shape_cast %get3A_1134 : vector<1x16xf32> to vector<16xf32>
    %sub3A_1136 = arith.subi %shift_right_arithmetic3A_1098, %multiple_of3A : i32
    %get3A_1137 = arith.index_cast %sub3A_1136 : i32 to index
    %get3A_1138 = arith.constant 112 : index
    %get3A_1139 = tpu.vector_load %arg7[%get3A_1137, %get3A_1138] {strides = array<i32>} : memref<16x128xf32, #tpu.memory_space<vmem>>, vector<1x16xf32>,
    %get3A_1140 = vector.shape_cast %get3A_1139 : vector<1x16xf32> to vector<16xf32>
    %iota3A_1141 = tpu.iota {dimensions = array<i32: 0>} : vector<16xi32>
    %mul3A_1142 = arith.constant 200 : i32
    %mul3A_1143 = vector.broadcast %mul3A_1142 : i32 to vector<16xi32>
    %mul3A_1144 = arith.muli %iota3A_1141, %mul3A_1143 : vector<16xi32>
    %mul3A_1145 = arith.constant 200 : i32
    %mul3A_1146 = arith.muli %and3A_1100, %mul3A_1145 : i32
    %add3A_1147 = arith.addi %mul3A_1146, %shift_right_arithmetic3A_1098 : i32
    %add3A_1148 = arith.constant 0 : i32
    %add3A_1149 = arith.addi %add3A_1147, %add3A_1148 : i32
    %add3A_1150 = vector.broadcast %add3A_1149 : i32 to vector<16xi32>
    %add3A_1151 = arith.addi %mul3A_1144, %add3A_1150 : vector<16xi32>
    %swap3A_1152 = arith.constant 0 : index
    %swap3A_1153 = tpu.vector_load %arg17[%swap3A_1152] {strides = array<i32>} : memref<128xi32, #tpu.memory_space<vmem>>, vector<16xi32>,
    %swap3A_1154 = vector.shape_cast %swap3A_1153 : vector<16xi32> to vector<16xi32>
    %swap3A_1155 = vector.shape_cast %add3A_1151 : vector<16xi32> to vector<16xi32>
    tpu.vector_store %arg17[%swap3A_1152], %swap3A_1155 {strides = array<i32>} : memref<128xi32, #tpu.memory_space<vmem>>, vector<16xi32>,
    %add3A_1156 = arith.constant 3200 : i32
    %add3A_1157 = arith.addi %add3A_1147, %add3A_1156 : i32
    %add3A_1158 = vector.broadcast %add3A_1157 : i32 to vector<16xi32>
    %add3A_1159 = arith.addi %mul3A_1144, %add3A_1158 : vector<16xi32>
    %swap3A_1160 = arith.constant 16 : index
    %swap3A_1161 = tpu.vector_load %arg17[%swap3A_1160] {strides = array<i32>} : memref<128xi32, #tpu.memory_space<vmem>>, vector<16xi32>,
    %swap3A_1162 = vector.shape_cast %swap3A_1161 : vector<16xi32> to vector<16xi32>
    %swap3A_1163 = vector.shape_cast %add3A_1159 : vector<16xi32> to vector<16xi32>
    tpu.vector_store %arg17[%swap3A_1160], %swap3A_1163 {strides = array<i32>} : memref<128xi32, #tpu.memory_space<vmem>>, vector<16xi32>,
    %add3A_1164 = arith.constant 6400 : i32
    %add3A_1165 = arith.addi %add3A_1147, %add3A_1164 : i32
    %add3A_1166 = vector.broadcast %add3A_1165 : i32 to vector<16xi32>
    %add3A_1167 = arith.addi %mul3A_1144, %add3A_1166 : vector<16xi32>
    %swap3A_1168 = arith.constant 32 : index
    %swap3A_1169 = tpu.vector_load %arg17[%swap3A_1168] {strides = array<i32>} : memref<128xi32, #tpu.memory_space<vmem>>, vector<16xi32>,
    %swap3A_1170 = vector.shape_cast %swap3A_1169 : vector<16xi32> to vector<16xi32>
    %swap3A_1171 = vector.shape_cast %add3A_1167 : vector<16xi32> to vector<16xi32>
    tpu.vector_store %arg17[%swap3A_1168], %swap3A_1171 {strides = array<i32>} : memref<128xi32, #tpu.memory_space<vmem>>, vector<16xi32>,
    %add3A_1172 = arith.constant 9600 : i32
    %add3A_1173 = arith.addi %add3A_1147, %add3A_1172 : i32
    %add3A_1174 = vector.broadcast %add3A_1173 : i32 to vector<16xi32>
    %add3A_1175 = arith.addi %mul3A_1144, %add3A_1174 : vector<16xi32>
    %swap3A_1176 = arith.constant 48 : index
    %swap3A_1177 = tpu.vector_load %arg17[%swap3A_1176] {strides = array<i32>} : memref<128xi32, #tpu.memory_space<vmem>>, vector<16xi32>,
    %swap3A_1178 = vector.shape_cast %swap3A_1177 : vector<16xi32> to vector<16xi32>
    %swap3A_1179 = vector.shape_cast %add3A_1175 : vector<16xi32> to vector<16xi32>
    tpu.vector_store %arg17[%swap3A_1176], %swap3A_1179 {strides = array<i32>} : memref<128xi32, #tpu.memory_space<vmem>>, vector<16xi32>,
    %add3A_1180 = arith.constant 12800 : i32
    %add3A_1181 = arith.addi %add3A_1147, %add3A_1180 : i32
    %add3A_1182 = vector.broadcast %add3A_1181 : i32 to vector<16xi32>
    %add3A_1183 = arith.addi %mul3A_1144, %add3A_1182 : vector<16xi32>
    %swap3A_1184 = arith.constant 64 : index
    %swap3A_1185 = tpu.vector_load %arg17[%swap3A_1184] {strides = array<i32>} : memref<128xi32, #tpu.memory_space<vmem>>, vector<16xi32>,
    %swap3A_1186 = vector.shape_cast %swap3A_1185 : vector<16xi32> to vector<16xi32>
    %swap3A_1187 = vector.shape_cast %add3A_1183 : vector<16xi32> to vector<16xi32>
    tpu.vector_store %arg17[%swap3A_1184], %swap3A_1187 {strides = array<i32>} : memref<128xi32, #tpu.memory_space<vmem>>, vector<16xi32>,
    %add3A_1188 = arith.constant 16000 : i32
    %add3A_1189 = arith.addi %add3A_1147, %add3A_1188 : i32
    %add3A_1190 = vector.broadcast %add3A_1189 : i32 to vector<16xi32>
    %add3A_1191 = arith.addi %mul3A_1144, %add3A_1190 : vector<16xi32>
    %swap3A_1192 = arith.constant 80 : index
    %swap3A_1193 = tpu.vector_load %arg17[%swap3A_1192] {strides = array<i32>} : memref<128xi32, #tpu.memory_space<vmem>>, vector<16xi32>,
    %swap3A_1194 = vector.shape_cast %swap3A_1193 : vector<16xi32> to vector<16xi32>
    %swap3A_1195 = vector.shape_cast %add3A_1191 : vector<16xi32> to vector<16xi32>
    tpu.vector_store %arg17[%swap3A_1192], %swap3A_1195 {strides = array<i32>} : memref<128xi32, #tpu.memory_space<vmem>>, vector<16xi32>,
    %add3A_1196 = arith.constant 19200 : i32
    %add3A_1197 = arith.addi %add3A_1147, %add3A_1196 : i32
    %add3A_1198 = vector.broadcast %add3A_1197 : i32 to vector<16xi32>
    %add3A_1199 = arith.addi %mul3A_1144, %add3A_1198 : vector<16xi32>
    %swap3A_1200 = arith.constant 96 : index
    %swap3A_1201 = tpu.vector_load %arg17[%swap3A_1200] {strides = array<i32>} : memref<128xi32, #tpu.memory_space<vmem>>, vector<16xi32>,
    %swap3A_1202 = vector.shape_cast %swap3A_1201 : vector<16xi32> to vector<16xi32>
    %swap3A_1203 = vector.shape_cast %add3A_1199 : vector<16xi32> to vector<16xi32>
    tpu.vector_store %arg17[%swap3A_1200], %swap3A_1203 {strides = array<i32>} : memref<128xi32, #tpu.memory_space<vmem>>, vector<16xi32>,
    %add3A_1204 = arith.constant 22400 : i32
    %add3A_1205 = arith.addi %add3A_1147, %add3A_1204 : i32
    %add3A_1206 = vector.broadcast %add3A_1205 : i32 to vector<16xi32>
    %add3A_1207 = arith.addi %mul3A_1144, %add3A_1206 : vector<16xi32>
    %swap3A_1208 = arith.constant 112 : index
    %swap3A_1209 = tpu.vector_load %arg17[%swap3A_1208] {strides = array<i32>} : memref<128xi32, #tpu.memory_space<vmem>>, vector<16xi32>,
    %swap3A_1210 = vector.shape_cast %swap3A_1209 : vector<16xi32> to vector<16xi32>
    %swap3A_1211 = vector.shape_cast %add3A_1207 : vector<16xi32> to vector<16xi32>
    tpu.vector_store %arg17[%swap3A_1208], %swap3A_1211 {strides = array<i32>} : memref<128xi32, #tpu.memory_space<vmem>>, vector<16xi32>,
    %dma_wait3A_1212 = arith.constant 0 : i32
    %dma_wait3A_1213 = tpu.memref_slice %arg6[%dma_wait3A_1212] : memref<25600xi32, #tpu.memory_space<vmem>> -> memref<128xi32, #tpu.memory_space<vmem>>
    %dma_wait3A_1214 = arith.constant 0 : i32
    %dma_wait3A_1215 = arith.constant 0 : i32
    %dma_wait3A_1216 = tpu.memref_slice %arg8[%dma_wait3A_1214, %dma_wait3A_1215] : memref<1024x128xf32, #tpu.memory_space<vmem_shared>> -> memref<1024x128xf32, #tpu.memory_space<vmem_shared>>
    tpu.wait_indirect_dma semaphore(%arg22 : memref<!tpu.dma_semaphore, #tpu.memory_space<semaphore_mem>>) src(%dma_wait3A_1216 : memref<1024x128xf32, #tpu.memory_space<vmem_shared>>) dst(%arg12 : memref<128x128xf32, #tpu.memory_space<vmem>>)
    %parallel_loop3A_1217 = arith.constant 0 : i32
    %parallel_loop3A_1218 = arith.constant 128 : i32
    %parallel_loop3A_1219 = arith.constant 1 : i32
    scf.for %parallel_loop3A_1366 = %parallel_loop3A_1217 to %parallel_loop3A_1218 step %parallel_loop3A_1219  : i32 {
      %parallel_loop3A_1367 = arith.index_cast %parallel_loop3A_1366 : i32 to index
      %parallel_loop3A_1368 = arith.constant 0 : index
      %parallel_loop3A_1369 = tpu.vector_load %arg12[%parallel_loop3A_1367, %parallel_loop3A_1368] {strides = array<i32>} : memref<128x128xf32, #tpu.memory_space<vmem>>, vector<1x16xf32>,
      %parallel_loop3A_1370 = vector.shape_cast %parallel_loop3A_1369 : vector<1x16xf32> to vector<16xf32>
      %parallel_loop3A_1371 = vector.shape_cast %get3A_1105 : vector<16xf32> to vector<1x16xf32>
      tpu.vector_store %arg12[%parallel_loop3A_1367, %parallel_loop3A_1368], %parallel_loop3A_1371 {add = true, strides = array<i32>} : memref<128x128xf32, #tpu.memory_space<vmem>>, vector<1x16xf32>,
      %parallel_loop3A_1372 = arith.index_cast %parallel_loop3A_1366 : i32 to index
      %parallel_loop3A_1373 = arith.constant 16 : index
      %parallel_loop3A_1374 = tpu.vector_load %arg12[%parallel_loop3A_1372, %parallel_loop3A_1373] {strides = array<i32>} : memref<128x128xf32, #tpu.memory_space<vmem>>, vector<1x16xf32>,
      %parallel_loop3A_1375 = vector.shape_cast %parallel_loop3A_1374 : vector<1x16xf32> to vector<16xf32>
      %parallel_loop3A_1376 = vector.shape_cast %get3A_1110 : vector<16xf32> to vector<1x16xf32>
      tpu.vector_store %arg12[%parallel_loop3A_1372, %parallel_loop3A_1373], %parallel_loop3A_1376 {add = true, strides = array<i32>} : memref<128x128xf32, #tpu.memory_space<vmem>>, vector<1x16xf32>,
      %parallel_loop3A_1377 = arith.index_cast %parallel_loop3A_1366 : i32 to index
      %parallel_loop3A_1378 = arith.constant 32 : index
      %parallel_loop3A_1379 = tpu.vector_load %arg12[%parallel_loop3A_1377, %parallel_loop3A_1378] {strides = array<i32>} : memref<128x128xf32, #tpu.memory_space<vmem>>, vector<1x16xf32>,
      %parallel_loop3A_1380 = vector.shape_cast %parallel_loop3A_1379 : vector<1x16xf32> to vector<16xf32>
      %parallel_loop3A_1381 = vector.shape_cast %get3A_1115 : vector<16xf32> to vector<1x16xf32>
      tpu.vector_store %arg12[%parallel_loop3A_1377, %parallel_loop3A_1378], %parallel_loop3A_1381 {add = true, strides = array<i32>} : memref<128x128xf32, #tpu.memory_space<vmem>>, vector<1x16xf32>,
      %parallel_loop3A_1382 = arith.index_cast %parallel_loop3A_1366 : i32 to index
      %parallel_loop3A_1383 = arith.constant 48 : index
      %parallel_loop3A_1384 = tpu.vector_load %arg12[%parallel_loop3A_1382, %parallel_loop3A_1383] {strides = array<i32>} : memref<128x128xf32, #tpu.memory_space<vmem>>, vector<1x16xf32>,
      %parallel_loop3A_1385 = vector.shape_cast %parallel_loop3A_1384 : vector<1x16xf32> to vector<16xf32>
      %parallel_loop3A_1386 = vector.shape_cast %get3A_1120 : vector<16xf32> to vector<1x16xf32>
      tpu.vector_store %arg12[%parallel_loop3A_1382, %parallel_loop3A_1383], %parallel_loop3A_1386 {add = true, strides = array<i32>} : memref<128x128xf32, #tpu.memory_space<vmem>>, vector<1x16xf32>,
      %parallel_loop3A_1387 = arith.index_cast %parallel_loop3A_1366 : i32 to index
      %parallel_loop3A_1388 = arith.constant 64 : index
      %parallel_loop3A_1389 = tpu.vector_load %arg12[%parallel_loop3A_1387, %parallel_loop3A_1388] {strides = array<i32>} : memref<128x128xf32, #tpu.memory_space<vmem>>, vector<1x16xf32>,
      %parallel_loop3A_1390 = vector.shape_cast %parallel_loop3A_1389 : vector<1x16xf32> to vector<16xf32>
      %parallel_loop3A_1391 = vector.shape_cast %get3A_1125 : vector<16xf32> to vector<1x16xf32>
      tpu.vector_store %arg12[%parallel_loop3A_1387, %parallel_loop3A_1388], %parallel_loop3A_1391 {add = true, strides = array<i32>} : memref<128x128xf32, #tpu.memory_space<vmem>>, vector<1x16xf32>,
      %parallel_loop3A_1392 = arith.index_cast %parallel_loop3A_1366 : i32 to index
      %parallel_loop3A_1393 = arith.constant 80 : index
      %parallel_loop3A_1394 = tpu.vector_load %arg12[%parallel_loop3A_1392, %parallel_loop3A_1393] {strides = array<i32>} : memref<128x128xf32, #tpu.memory_space<vmem>>, vector<1x16xf32>,
      %parallel_loop3A_1395 = vector.shape_cast %parallel_loop3A_1394 : vector<1x16xf32> to vector<16xf32>
      %parallel_loop3A_1396 = vector.shape_cast %get3A_1130 : vector<16xf32> to vector<1x16xf32>
      tpu.vector_store %arg12[%parallel_loop3A_1392, %parallel_loop3A_1393], %parallel_loop3A_1396 {add = true, strides = array<i32>} : memref<128x128xf32, #tpu.memory_space<vmem>>, vector<1x16xf32>,
      %parallel_loop3A_1397 = arith.index_cast %parallel_loop3A_1366 : i32 to index
      %parallel_loop3A_1398 = arith.constant 96 : index
      %parallel_loop3A_1399 = tpu.vector_load %arg12[%parallel_loop3A_1397, %parallel_loop3A_1398] {strides = array<i32>} : memref<128x128xf32, #tpu.memory_space<vmem>>, vector<1x16xf32>,
      %parallel_loop3A_1400 = vector.shape_cast %parallel_loop3A_1399 : vector<1x16xf32> to vector<16xf32>
      %parallel_loop3A_1401 = vector.shape_cast %get3A_1135 : vector<16xf32> to vector<1x16xf32>
      tpu.vector_store %arg12[%parallel_loop3A_1397, %parallel_loop3A_1398], %parallel_loop3A_1401 {add = true, strides = array<i32>} : memref<128x128xf32, #tpu.memory_space<vmem>>, vector<1x16xf32>,
      %parallel_loop3A_1402 = arith.index_cast %parallel_loop3A_1366 : i32 to index
      %parallel_loop3A_1403 = arith.constant 112 : index
      %parallel_loop3A_1404 = tpu.vector_load %arg12[%parallel_loop3A_1402, %parallel_loop3A_1403] {strides = array<i32>} : memref<128x128xf32, #tpu.memory_space<vmem>>, vector<1x16xf32>,
      %parallel_loop3A_1405 = vector.shape_cast %parallel_loop3A_1404 : vector<1x16xf32> to vector<16xf32>
      %parallel_loop3A_1406 = vector.shape_cast %get3A_1140 : vector<16xf32> to vector<1x16xf32>
      tpu.vector_store %arg12[%parallel_loop3A_1402, %parallel_loop3A_1403], %parallel_loop3A_1406 {add = true, strides = array<i32>} : memref<128x128xf32, #tpu.memory_space<vmem>>, vector<1x16xf32>,
    } {sc.loop_unroll_factor = 4 : i64, sc.parallel_access}
    %dma_start3A_1220 = arith.constant 0 : i32
    %dma_start3A_1221 = arith.constant 0 : i32
    %dma_start3A_1222 = tpu.memref_slice %arg5[%dma_start3A_1220, %dma_start3A_1221] : memref<819200x128xf32, #tpu.memory_space<hbm>> -> memref<819200x128xf32, #tpu.memory_space<hbm>>
    tpu.enqueue_indirect_dma source(%arg12 : memref<128x128xf32, #tpu.memory_space<vmem>>) target(%dma_start3A_1222 : memref<819200x128xf32, #tpu.memory_space<hbm>>) offsets(%arg17 : memref<128xi32, #tpu.memory_space<vmem>>) semaphore(%arg27 : memref<!tpu.dma_semaphore, #tpu.memory_space<semaphore_mem>>)
    %add3A_1223 = arith.constant 25472 : i32
    %add3A_1224 = arith.addi %mul3A_2, %add3A_1223 : i32
    %shift_right_arithmetic3A_1225 = arith.constant 12 : i32
    %shift_right_arithmetic3A_1226 = arith.shrsi %add3A_1224, %shift_right_arithmetic3A_1225 : i32
    %and3A_1227 = arith.constant 4095 : i32
    %and3A_1228 = arith.andi %add3A_1224, %and3A_1227 : i32
    %sub3A_1229 = arith.subi %shift_right_arithmetic3A_1226, %multiple_of3A : i32
    %get3A_1230 = arith.index_cast %sub3A_1229 : i32 to index
    %get3A_1231 = arith.constant 0 : index
    %get3A_1232 = tpu.vector_load %arg7[%get3A_1230, %get3A_1231] {strides = array<i32>} : memref<16x128xf32, #tpu.memory_space<vmem>>, vector<1x16xf32>,
    %get3A_1233 = vector.shape_cast %get3A_1232 : vector<1x16xf32> to vector<16xf32>
    %sub3A_1234 = arith.subi %shift_right_arithmetic3A_1226, %multiple_of3A : i32
    %get3A_1235 = arith.index_cast %sub3A_1234 : i32 to index
    %get3A_1236 = arith.constant 16 : index
    %get3A_1237 = tpu.vector_load %arg7[%get3A_1235, %get3A_1236] {strides = array<i32>} : memref<16x128xf32, #tpu.memory_space<vmem>>, vector<1x16xf32>,
    %get3A_1238 = vector.shape_cast %get3A_1237 : vector<1x16xf32> to vector<16xf32>
    %sub3A_1239 = arith.subi %shift_right_arithmetic3A_1226, %multiple_of3A : i32
    %get3A_1240 = arith.index_cast %sub3A_1239 : i32 to index
    %get3A_1241 = arith.constant 32 : index
    %get3A_1242 = tpu.vector_load %arg7[%get3A_1240, %get3A_1241] {strides = array<i32>} : memref<16x128xf32, #tpu.memory_space<vmem>>, vector<1x16xf32>,
    %get3A_1243 = vector.shape_cast %get3A_1242 : vector<1x16xf32> to vector<16xf32>
    %sub3A_1244 = arith.subi %shift_right_arithmetic3A_1226, %multiple_of3A : i32
    %get3A_1245 = arith.index_cast %sub3A_1244 : i32 to index
    %get3A_1246 = arith.constant 48 : index
    %get3A_1247 = tpu.vector_load %arg7[%get3A_1245, %get3A_1246] {strides = array<i32>} : memref<16x128xf32, #tpu.memory_space<vmem>>, vector<1x16xf32>,
    %get3A_1248 = vector.shape_cast %get3A_1247 : vector<1x16xf32> to vector<16xf32>
    %sub3A_1249 = arith.subi %shift_right_arithmetic3A_1226, %multiple_of3A : i32
    %get3A_1250 = arith.index_cast %sub3A_1249 : i32 to index
    %get3A_1251 = arith.constant 64 : index
    %get3A_1252 = tpu.vector_load %arg7[%get3A_1250, %get3A_1251] {strides = array<i32>} : memref<16x128xf32, #tpu.memory_space<vmem>>, vector<1x16xf32>,
    %get3A_1253 = vector.shape_cast %get3A_1252 : vector<1x16xf32> to vector<16xf32>
    %sub3A_1254 = arith.subi %shift_right_arithmetic3A_1226, %multiple_of3A : i32
    %get3A_1255 = arith.index_cast %sub3A_1254 : i32 to index
    %get3A_1256 = arith.constant 80 : index
    %get3A_1257 = tpu.vector_load %arg7[%get3A_1255, %get3A_1256] {strides = array<i32>} : memref<16x128xf32, #tpu.memory_space<vmem>>, vector<1x16xf32>,
    %get3A_1258 = vector.shape_cast %get3A_1257 : vector<1x16xf32> to vector<16xf32>
    %sub3A_1259 = arith.subi %shift_right_arithmetic3A_1226, %multiple_of3A : i32
    %get3A_1260 = arith.index_cast %sub3A_1259 : i32 to index
    %get3A_1261 = arith.constant 96 : index
    %get3A_1262 = tpu.vector_load %arg7[%get3A_1260, %get3A_1261] {strides = array<i32>} : memref<16x128xf32, #tpu.memory_space<vmem>>, vector<1x16xf32>,
    %get3A_1263 = vector.shape_cast %get3A_1262 : vector<1x16xf32> to vector<16xf32>
    %sub3A_1264 = arith.subi %shift_right_arithmetic3A_1226, %multiple_of3A : i32
    %get3A_1265 = arith.index_cast %sub3A_1264 : i32 to index
    %get3A_1266 = arith.constant 112 : index
    %get3A_1267 = tpu.vector_load %arg7[%get3A_1265, %get3A_1266] {strides = array<i32>} : memref<16x128xf32, #tpu.memory_space<vmem>>, vector<1x16xf32>,
    %get3A_1268 = vector.shape_cast %get3A_1267 : vector<1x16xf32> to vector<16xf32>
    %iota3A_1269 = tpu.iota {dimensions = array<i32: 0>} : vector<16xi32>
    %mul3A_1270 = arith.constant 200 : i32
    %mul3A_1271 = vector.broadcast %mul3A_1270 : i32 to vector<16xi32>
    %mul3A_1272 = arith.muli %iota3A_1269, %mul3A_1271 : vector<16xi32>
    %mul3A_1273 = arith.constant 200 : i32
    %mul3A_1274 = arith.muli %and3A_1228, %mul3A_1273 : i32
    %add3A_1275 = arith.addi %mul3A_1274, %shift_right_arithmetic3A_1226 : i32
    %add3A_1276 = arith.constant 0 : i32
    %add3A_1277 = arith.addi %add3A_1275, %add3A_1276 : i32
    %add3A_1278 = vector.broadcast %add3A_1277 : i32 to vector<16xi32>
    %add3A_1279 = arith.addi %mul3A_1272, %add3A_1278 : vector<16xi32>
    %swap3A_1280 = arith.constant 0 : index
    %swap3A_1281 = tpu.vector_load %arg18[%swap3A_1280] {strides = array<i32>} : memref<128xi32, #tpu.memory_space<vmem>>, vector<16xi32>,
    %swap3A_1282 = vector.shape_cast %swap3A_1281 : vector<16xi32> to vector<16xi32>
    %swap3A_1283 = vector.shape_cast %add3A_1279 : vector<16xi32> to vector<16xi32>
    tpu.vector_store %arg18[%swap3A_1280], %swap3A_1283 {strides = array<i32>} : memref<128xi32, #tpu.memory_space<vmem>>, vector<16xi32>,
    %add3A_1284 = arith.constant 3200 : i32
    %add3A_1285 = arith.addi %add3A_1275, %add3A_1284 : i32
    %add3A_1286 = vector.broadcast %add3A_1285 : i32 to vector<16xi32>
    %add3A_1287 = arith.addi %mul3A_1272, %add3A_1286 : vector<16xi32>
    %swap3A_1288 = arith.constant 16 : index
    %swap3A_1289 = tpu.vector_load %arg18[%swap3A_1288] {strides = array<i32>} : memref<128xi32, #tpu.memory_space<vmem>>, vector<16xi32>,
    %swap3A_1290 = vector.shape_cast %swap3A_1289 : vector<16xi32> to vector<16xi32>
    %swap3A_1291 = vector.shape_cast %add3A_1287 : vector<16xi32> to vector<16xi32>
    tpu.vector_store %arg18[%swap3A_1288], %swap3A_1291 {strides = array<i32>} : memref<128xi32, #tpu.memory_space<vmem>>, vector<16xi32>,
    %add3A_1292 = arith.constant 6400 : i32
    %add3A_1293 = arith.addi %add3A_1275, %add3A_1292 : i32
    %add3A_1294 = vector.broadcast %add3A_1293 : i32 to vector<16xi32>
    %add3A_1295 = arith.addi %mul3A_1272, %add3A_1294 : vector<16xi32>
    %swap3A_1296 = arith.constant 32 : index
    %swap3A_1297 = tpu.vector_load %arg18[%swap3A_1296] {strides = array<i32>} : memref<128xi32, #tpu.memory_space<vmem>>, vector<16xi32>,
    %swap3A_1298 = vector.shape_cast %swap3A_1297 : vector<16xi32> to vector<16xi32>
    %swap3A_1299 = vector.shape_cast %add3A_1295 : vector<16xi32> to vector<16xi32>
    tpu.vector_store %arg18[%swap3A_1296], %swap3A_1299 {strides = array<i32>} : memref<128xi32, #tpu.memory_space<vmem>>, vector<16xi32>,
    %add3A_1300 = arith.constant 9600 : i32
    %add3A_1301 = arith.addi %add3A_1275, %add3A_1300 : i32
    %add3A_1302 = vector.broadcast %add3A_1301 : i32 to vector<16xi32>
    %add3A_1303 = arith.addi %mul3A_1272, %add3A_1302 : vector<16xi32>
    %swap3A_1304 = arith.constant 48 : index
    %swap3A_1305 = tpu.vector_load %arg18[%swap3A_1304] {strides = array<i32>} : memref<128xi32, #tpu.memory_space<vmem>>, vector<16xi32>,
    %swap3A_1306 = vector.shape_cast %swap3A_1305 : vector<16xi32> to vector<16xi32>
    %swap3A_1307 = vector.shape_cast %add3A_1303 : vector<16xi32> to vector<16xi32>
    tpu.vector_store %arg18[%swap3A_1304], %swap3A_1307 {strides = array<i32>} : memref<128xi32, #tpu.memory_space<vmem>>, vector<16xi32>,
    %add3A_1308 = arith.constant 12800 : i32
    %add3A_1309 = arith.addi %add3A_1275, %add3A_1308 : i32
    %add3A_1310 = vector.broadcast %add3A_1309 : i32 to vector<16xi32>
    %add3A_1311 = arith.addi %mul3A_1272, %add3A_1310 : vector<16xi32>
    %swap3A_1312 = arith.constant 64 : index
    %swap3A_1313 = tpu.vector_load %arg18[%swap3A_1312] {strides = array<i32>} : memref<128xi32, #tpu.memory_space<vmem>>, vector<16xi32>,
    %swap3A_1314 = vector.shape_cast %swap3A_1313 : vector<16xi32> to vector<16xi32>
    %swap3A_1315 = vector.shape_cast %add3A_1311 : vector<16xi32> to vector<16xi32>
    tpu.vector_store %arg18[%swap3A_1312], %swap3A_1315 {strides = array<i32>} : memref<128xi32, #tpu.memory_space<vmem>>, vector<16xi32>,
    %add3A_1316 = arith.constant 16000 : i32
    %add3A_1317 = arith.addi %add3A_1275, %add3A_1316 : i32
    %add3A_1318 = vector.broadcast %add3A_1317 : i32 to vector<16xi32>
    %add3A_1319 = arith.addi %mul3A_1272, %add3A_1318 : vector<16xi32>
    %swap3A_1320 = arith.constant 80 : index
    %swap3A_1321 = tpu.vector_load %arg18[%swap3A_1320] {strides = array<i32>} : memref<128xi32, #tpu.memory_space<vmem>>, vector<16xi32>,
    %swap3A_1322 = vector.shape_cast %swap3A_1321 : vector<16xi32> to vector<16xi32>
    %swap3A_1323 = vector.shape_cast %add3A_1319 : vector<16xi32> to vector<16xi32>
    tpu.vector_store %arg18[%swap3A_1320], %swap3A_1323 {strides = array<i32>} : memref<128xi32, #tpu.memory_space<vmem>>, vector<16xi32>,
    %add3A_1324 = arith.constant 19200 : i32
    %add3A_1325 = arith.addi %add3A_1275, %add3A_1324 : i32
    %add3A_1326 = vector.broadcast %add3A_1325 : i32 to vector<16xi32>
    %add3A_1327 = arith.addi %mul3A_1272, %add3A_1326 : vector<16xi32>
    %swap3A_1328 = arith.constant 96 : index
    %swap3A_1329 = tpu.vector_load %arg18[%swap3A_1328] {strides = array<i32>} : memref<128xi32, #tpu.memory_space<vmem>>, vector<16xi32>,
    %swap3A_1330 = vector.shape_cast %swap3A_1329 : vector<16xi32> to vector<16xi32>
    %swap3A_1331 = vector.shape_cast %add3A_1327 : vector<16xi32> to vector<16xi32>
    tpu.vector_store %arg18[%swap3A_1328], %swap3A_1331 {strides = array<i32>} : memref<128xi32, #tpu.memory_space<vmem>>, vector<16xi32>,
    %add3A_1332 = arith.constant 22400 : i32
    %add3A_1333 = arith.addi %add3A_1275, %add3A_1332 : i32
    %add3A_1334 = vector.broadcast %add3A_1333 : i32 to vector<16xi32>
    %add3A_1335 = arith.addi %mul3A_1272, %add3A_1334 : vector<16xi32>
    %swap3A_1336 = arith.constant 112 : index
    %swap3A_1337 = tpu.vector_load %arg18[%swap3A_1336] {strides = array<i32>} : memref<128xi32, #tpu.memory_space<vmem>>, vector<16xi32>,
    %swap3A_1338 = vector.shape_cast %swap3A_1337 : vector<16xi32> to vector<16xi32>
    %swap3A_1339 = vector.shape_cast %add3A_1335 : vector<16xi32> to vector<16xi32>
    tpu.vector_store %arg18[%swap3A_1336], %swap3A_1339 {strides = array<i32>} : memref<128xi32, #tpu.memory_space<vmem>>, vector<16xi32>,
    %dma_wait3A_1340 = arith.constant 0 : i32
    %dma_wait3A_1341 = tpu.memref_slice %arg6[%dma_wait3A_1340] : memref<25600xi32, #tpu.memory_space<vmem>> -> memref<128xi32, #tpu.memory_space<vmem>>
    %dma_wait3A_1342 = arith.constant 0 : i32
    %dma_wait3A_1343 = arith.constant 0 : i32
    %dma_wait3A_1344 = tpu.memref_slice %arg8[%dma_wait3A_1342, %dma_wait3A_1343] : memref<1024x128xf32, #tpu.memory_space<vmem_shared>> -> memref<1024x128xf32, #tpu.memory_space<vmem_shared>>
    tpu.wait_indirect_dma semaphore(%arg23 : memref<!tpu.dma_semaphore, #tpu.memory_space<semaphore_mem>>) src(%dma_wait3A_1344 : memref<1024x128xf32, #tpu.memory_space<vmem_shared>>) dst(%arg13 : memref<128x128xf32, #tpu.memory_space<vmem>>)
    %parallel_loop3A_1345 = arith.constant 0 : i32
    %parallel_loop3A_1346 = arith.constant 128 : i32
    %parallel_loop3A_1347 = arith.constant 1 : i32
    scf.for %parallel_loop3A_1366 = %parallel_loop3A_1345 to %parallel_loop3A_1346 step %parallel_loop3A_1347  : i32 {
      %parallel_loop3A_1367 = arith.index_cast %parallel_loop3A_1366 : i32 to index
      %parallel_loop3A_1368 = arith.constant 0 : index
      %parallel_loop3A_1369 = tpu.vector_load %arg13[%parallel_loop3A_1367, %parallel_loop3A_1368] {strides = array<i32>} : memref<128x128xf32, #tpu.memory_space<vmem>>, vector<1x16xf32>,
      %parallel_loop3A_1370 = vector.shape_cast %parallel_loop3A_1369 : vector<1x16xf32> to vector<16xf32>
      %parallel_loop3A_1371 = vector.shape_cast %get3A_1233 : vector<16xf32> to vector<1x16xf32>
      tpu.vector_store %arg13[%parallel_loop3A_1367, %parallel_loop3A_1368], %parallel_loop3A_1371 {add = true, strides = array<i32>} : memref<128x128xf32, #tpu.memory_space<vmem>>, vector<1x16xf32>,
      %parallel_loop3A_1372 = arith.index_cast %parallel_loop3A_1366 : i32 to index
      %parallel_loop3A_1373 = arith.constant 16 : index
      %parallel_loop3A_1374 = tpu.vector_load %arg13[%parallel_loop3A_1372, %parallel_loop3A_1373] {strides = array<i32>} : memref<128x128xf32, #tpu.memory_space<vmem>>, vector<1x16xf32>,
      %parallel_loop3A_1375 = vector.shape_cast %parallel_loop3A_1374 : vector<1x16xf32> to vector<16xf32>
      %parallel_loop3A_1376 = vector.shape_cast %get3A_1238 : vector<16xf32> to vector<1x16xf32>
      tpu.vector_store %arg13[%parallel_loop3A_1372, %parallel_loop3A_1373], %parallel_loop3A_1376 {add = true, strides = array<i32>} : memref<128x128xf32, #tpu.memory_space<vmem>>, vector<1x16xf32>,
      %parallel_loop3A_1377 = arith.index_cast %parallel_loop3A_1366 : i32 to index
      %parallel_loop3A_1378 = arith.constant 32 : index
      %parallel_loop3A_1379 = tpu.vector_load %arg13[%parallel_loop3A_1377, %parallel_loop3A_1378] {strides = array<i32>} : memref<128x128xf32, #tpu.memory_space<vmem>>, vector<1x16xf32>,
      %parallel_loop3A_1380 = vector.shape_cast %parallel_loop3A_1379 : vector<1x16xf32> to vector<16xf32>
      %parallel_loop3A_1381 = vector.shape_cast %get3A_1243 : vector<16xf32> to vector<1x16xf32>
      tpu.vector_store %arg13[%parallel_loop3A_1377, %parallel_loop3A_1378], %parallel_loop3A_1381 {add = true, strides = array<i32>} : memref<128x128xf32, #tpu.memory_space<vmem>>, vector<1x16xf32>,
      %parallel_loop3A_1382 = arith.index_cast %parallel_loop3A_1366 : i32 to index
      %parallel_loop3A_1383 = arith.constant 48 : index
      %parallel_loop3A_1384 = tpu.vector_load %arg13[%parallel_loop3A_1382, %parallel_loop3A_1383] {strides = array<i32>} : memref<128x128xf32, #tpu.memory_space<vmem>>, vector<1x16xf32>,
      %parallel_loop3A_1385 = vector.shape_cast %parallel_loop3A_1384 : vector<1x16xf32> to vector<16xf32>
      %parallel_loop3A_1386 = vector.shape_cast %get3A_1248 : vector<16xf32> to vector<1x16xf32>
      tpu.vector_store %arg13[%parallel_loop3A_1382, %parallel_loop3A_1383], %parallel_loop3A_1386 {add = true, strides = array<i32>} : memref<128x128xf32, #tpu.memory_space<vmem>>, vector<1x16xf32>,
      %parallel_loop3A_1387 = arith.index_cast %parallel_loop3A_1366 : i32 to index
      %parallel_loop3A_1388 = arith.constant 64 : index
      %parallel_loop3A_1389 = tpu.vector_load %arg13[%parallel_loop3A_1387, %parallel_loop3A_1388] {strides = array<i32>} : memref<128x128xf32, #tpu.memory_space<vmem>>, vector<1x16xf32>,
      %parallel_loop3A_1390 = vector.shape_cast %parallel_loop3A_1389 : vector<1x16xf32> to vector<16xf32>
      %parallel_loop3A_1391 = vector.shape_cast %get3A_1253 : vector<16xf32> to vector<1x16xf32>
      tpu.vector_store %arg13[%parallel_loop3A_1387, %parallel_loop3A_1388], %parallel_loop3A_1391 {add = true, strides = array<i32>} : memref<128x128xf32, #tpu.memory_space<vmem>>, vector<1x16xf32>,
      %parallel_loop3A_1392 = arith.index_cast %parallel_loop3A_1366 : i32 to index
      %parallel_loop3A_1393 = arith.constant 80 : index
      %parallel_loop3A_1394 = tpu.vector_load %arg13[%parallel_loop3A_1392, %parallel_loop3A_1393] {strides = array<i32>} : memref<128x128xf32, #tpu.memory_space<vmem>>, vector<1x16xf32>,
      %parallel_loop3A_1395 = vector.shape_cast %parallel_loop3A_1394 : vector<1x16xf32> to vector<16xf32>
      %parallel_loop3A_1396 = vector.shape_cast %get3A_1258 : vector<16xf32> to vector<1x16xf32>
      tpu.vector_store %arg13[%parallel_loop3A_1392, %parallel_loop3A_1393], %parallel_loop3A_1396 {add = true, strides = array<i32>} : memref<128x128xf32, #tpu.memory_space<vmem>>, vector<1x16xf32>,
      %parallel_loop3A_1397 = arith.index_cast %parallel_loop3A_1366 : i32 to index
      %parallel_loop3A_1398 = arith.constant 96 : index
      %parallel_loop3A_1399 = tpu.vector_load %arg13[%parallel_loop3A_1397, %parallel_loop3A_1398] {strides = array<i32>} : memref<128x128xf32, #tpu.memory_space<vmem>>, vector<1x16xf32>,
      %parallel_loop3A_1400 = vector.shape_cast %parallel_loop3A_1399 : vector<1x16xf32> to vector<16xf32>
      %parallel_loop3A_1401 = vector.shape_cast %get3A_1263 : vector<16xf32> to vector<1x16xf32>
      tpu.vector_store %arg13[%parallel_loop3A_1397, %parallel_loop3A_1398], %parallel_loop3A_1401 {add = true, strides = array<i32>} : memref<128x128xf32, #tpu.memory_space<vmem>>, vector<1x16xf32>,
      %parallel_loop3A_1402 = arith.index_cast %parallel_loop3A_1366 : i32 to index
      %parallel_loop3A_1403 = arith.constant 112 : index
      %parallel_loop3A_1404 = tpu.vector_load %arg13[%parallel_loop3A_1402, %parallel_loop3A_1403] {strides = array<i32>} : memref<128x128xf32, #tpu.memory_space<vmem>>, vector<1x16xf32>,
      %parallel_loop3A_1405 = vector.shape_cast %parallel_loop3A_1404 : vector<1x16xf32> to vector<16xf32>
      %parallel_loop3A_1406 = vector.shape_cast %get3A_1268 : vector<16xf32> to vector<1x16xf32>
      tpu.vector_store %arg13[%parallel_loop3A_1402, %parallel_loop3A_1403], %parallel_loop3A_1406 {add = true, strides = array<i32>} : memref<128x128xf32, #tpu.memory_space<vmem>>, vector<1x16xf32>,
    } {sc.loop_unroll_factor = 4 : i64, sc.parallel_access}
    %dma_start3A_1348 = arith.constant 0 : i32
    %dma_start3A_1349 = arith.constant 0 : i32
    %dma_start3A_1350 = tpu.memref_slice %arg5[%dma_start3A_1348, %dma_start3A_1349] : memref<819200x128xf32, #tpu.memory_space<hbm>> -> memref<819200x128xf32, #tpu.memory_space<hbm>>
    tpu.enqueue_indirect_dma source(%arg13 : memref<128x128xf32, #tpu.memory_space<vmem>>) target(%dma_start3A_1350 : memref<819200x128xf32, #tpu.memory_space<hbm>>) offsets(%arg18 : memref<128xi32, #tpu.memory_space<vmem>>) semaphore(%arg28 : memref<!tpu.dma_semaphore, #tpu.memory_space<semaphore_mem>>)
    %dma_wait3A_1351 = arith.constant 0 : i32
    %dma_wait3A_1352 = arith.constant 0 : i32
    %dma_wait3A_1353 = tpu.memref_slice %arg5[%dma_wait3A_1351, %dma_wait3A_1352] : memref<819200x128xf32, #tpu.memory_space<hbm>> -> memref<819200x128xf32, #tpu.memory_space<hbm>>
    tpu.wait_indirect_dma semaphore(%arg24 : memref<!tpu.dma_semaphore, #tpu.memory_space<semaphore_mem>>) src(%arg9 : memref<128x128xf32, #tpu.memory_space<vmem>>) dst(%dma_wait3A_1353 : memref<819200x128xf32, #tpu.memory_space<hbm>>)
    %dma_wait3A_1354 = arith.constant 0 : i32
    %dma_wait3A_1355 = arith.constant 0 : i32
    %dma_wait3A_1356 = tpu.memref_slice %arg5[%dma_wait3A_1354, %dma_wait3A_1355] : memref<819200x128xf32, #tpu.memory_space<hbm>> -> memref<819200x128xf32, #tpu.memory_space<hbm>>
    tpu.wait_indirect_dma semaphore(%arg25 : memref<!tpu.dma_semaphore, #tpu.memory_space<semaphore_mem>>) src(%arg10 : memref<128x128xf32, #tpu.memory_space<vmem>>) dst(%dma_wait3A_1356 : memref<819200x128xf32, #tpu.memory_space<hbm>>)
    %dma_wait3A_1357 = arith.constant 0 : i32
    %dma_wait3A_1358 = arith.constant 0 : i32
    %dma_wait3A_1359 = tpu.memref_slice %arg5[%dma_wait3A_1357, %dma_wait3A_1358] : memref<819200x128xf32, #tpu.memory_space<hbm>> -> memref<819200x128xf32, #tpu.memory_space<hbm>>
    tpu.wait_indirect_dma semaphore(%arg26 : memref<!tpu.dma_semaphore, #tpu.memory_space<semaphore_mem>>) src(%arg11 : memref<128x128xf32, #tpu.memory_space<vmem>>) dst(%dma_wait3A_1359 : memref<819200x128xf32, #tpu.memory_space<hbm>>)
    %dma_wait3A_1360 = arith.constant 0 : i32
    %dma_wait3A_1361 = arith.constant 0 : i32
    %dma_wait3A_1362 = tpu.memref_slice %arg5[%dma_wait3A_1360, %dma_wait3A_1361] : memref<819200x128xf32, #tpu.memory_space<hbm>> -> memref<819200x128xf32, #tpu.memory_space<hbm>>
    tpu.wait_indirect_dma semaphore(%arg27 : memref<!tpu.dma_semaphore, #tpu.memory_space<semaphore_mem>>) src(%arg12 : memref<128x128xf32, #tpu.memory_space<vmem>>) dst(%dma_wait3A_1362 : memref<819200x128xf32, #tpu.memory_space<hbm>>)
    %dma_wait3A_1363 = arith.constant 0 : i32
    %dma_wait3A_1364 = arith.constant 0 : i32
    %dma_wait3A_1365 = tpu.memref_slice %arg5[%dma_wait3A_1363, %dma_wait3A_1364] : memref<819200x128xf32, #tpu.memory_space<hbm>> -> memref<819200x128xf32, #tpu.memory_space<hbm>>
    tpu.wait_indirect_dma semaphore(%arg28 : memref<!tpu.dma_semaphore, #tpu.memory_space<semaphore_mem>>) src(%arg13 : memref<128x128xf32, #tpu.memory_space<vmem>>) dst(%dma_wait3A_1365 : memref<819200x128xf32, #tpu.memory_space<hbm>>)
    return
  }
}

</mosaic_0001>

<sc_bundles>
// kernel: kernel.3.cloned.1.call-start
scs
__scs_entry_jumppad:
0x0: {  	(pc) =	sbr.rel $0x88, $3  }
0x1: {  	(tag) =	ssettag $0x0;
	lr =	simm.s32 $0x1  }
0x2: {  	[smem:$0x3F9E] =	sst lr;
	_ =	strace $0xD0000000  }
0x3: {  	_ = 	snop  }
0x4: {  	_ = 	snop  }
0x5: {  	_ = 	snop  }
0x6: {  	_ = 	snop  }
0x7: {  	_ = 	snop  }
__scs_overlays_trampoline_lowered:
0x8: {  	[smem:$0x3FAD] =	sst s0  }
0x9: {  	[smem:$0x3FAE] =	sst s1  }
0xa: {  	[smem:$0x3FAF] =	sst s2  }
0xb: {  	[smem:$0x3FB0] =	sst s3  }
0xc: {  	[smem:$0x3FB1] =	sst s4  }
0xd: {  	[smem:$0x3FB2] =	sst s5  }
0xe: {  	[smem:$0x3FB3] =	sst s6  }
0xf: {  	[smem:$0x3FB4] =	sst s7  }
0x10: {  	[smem:$0x3FB5] =	sst s8  }
0x11: {  	[smem:$0x3FB6] =	sst s9;
	s0 =	simm.s32 @!p0 $0x0  }
0x12: {  	s1 =	sld [smem:$0x3F9C];
	s0 =	simm.s32 @p0 $0x1  }
0x13: {  	[smem:$0x3FB7] =	sst s0;
	s0 =	simm.s32 @!p1 $0x0  }
0x14: {  	s2 =	sld [smem:$0x3F9B];
	s0 =	simm.s32 @p1 $0x1  }
0x15: {  	[smem:$0x3FB8] =	sst s0;
	s0 =	simm.s32 @!p2 $0x0  }
0x16: {  	s3 =	sld [smem:$0x3FDB];
	s0 =	simm.s32 @p2 $0x1  }
0x17: {  	s4 =	simm.s32 $0x1BF5;
	[smem:$0x3FBA] =	sst s0  }
0x18: {  	s0 =	sld [smem:$0x3F9D];
	_ =	swait.ge [sflag:s4], $0x0  }
0x19: {  	s7 =	sld [smem:$0x3F9E]  }
0x1a: {  	s8 =	sadd.s32 $0xFFFFE003, lr  }
0x1b: {  	s9 =	sadd.s32 $0xFFFFFEF7, lr;
	s5 =	simm.s32 $0xFFFFFFFF;
	p2 =	slt.u32 s8, $0xFFFFF086  }
0x1c: {  	p1 =	slt.u32 s9, $0xF7A;
	s5 =	simm.s32 @!p2 $0x0  }
0x1d: {  	s5 =	simm.s32 @p1 $0x1;
	p0 =	seq.s32 s7, s2  }
0x1e: {  	s7 =	smul.u32 @!p0 $0xF7A, s2;
	p2 =	seq.s32 @!p0 s5, $0x0  }
0x1f: {  	s9 =	smul.u32 $0xF7A, s1;
	s8 =	simm.s32 @!p0 $0x1BF5;
	p2 =	por !p2, p0  }
0x20: {  	[sflag:s8] =	ssyncset.s32 @!p0 $0xFFFFF086;
	s6 =	sadd.s32 @!p0 s3, s7;
	s7 =	simm.s32 @!p0 $0x108  }
0x21: {  	s3 =	sadd.s32 s3, s9;
	s6 =	sadd.s32 @!p0 $0x88, s6;
	s7 =	simm.s32 @p2 $0x1082  }
0x22: {  	[simem:s7], [sflag:s8] =	dma.local @!p0 [hbm:s6], $0xF7A  }
0x23: {  	s9 =	sor.u32 $0xD0000000, s2;
	s6 =	simm.s32 $0x108;
	_ =	swait.ge @!p0 [sflag:s8], $0x0  }
0x24: {  	s3 =	sadd.s32 $0x88, s3;
	s6 =	simm.s32 @!p1 $0x1082;
	[sflag:s4] =	ssyncset.s32 $0xFFFFF086  }
0x25: {  	[simem:s6], [sflag:s4] =	dma.local [hbm:s3], $0xF7A  }
0x26: {  	[smem:$0x3F9E] =	sst s1;
	(tag) =	ssettag s2;
	_ =	strace s9  }
0x27: {  	s1 =	sld [smem:$0x3FAE]  }
0x28: {  	s2 =	sld [smem:$0x3FAF]  }
0x29: {  	s4 =	sld [smem:$0x3FB1]  }
0x2a: {  	p0 =	seq.s32 s5, $0x0;
	s5 =	sld [smem:$0x3FB2]  }
0x2b: {  	s6 =	sld [smem:$0x3FB3]  }
0x2c: {  	s7 =	sld [smem:$0x3FB4]  }
0x2d: {  	s3 =	simm.s32 $0x108;
	s8 =	sld [smem:$0x3FB5]  }
0x2e: {  	s3 =	simm.s32 @!p0 $0x1082;
	s9 =	sld [smem:$0x3FB6]  }
0x2f: {  	lr =	sadd.s32 s0, s3;
	s0 =	sld [smem:$0x3FAD]  }
0x30: {  	s3 =	sld [smem:$0x3FB0]  }
0x31: {  	[smem:$0x3FB9] =	sst s10  }
0x32: {  	s10 =	sld [smem:$0x3FB7];
	_ =	sdelay $0x3  }
0x33: {  	p0 =	seq.s32 s10, $0x1;
	s10 =	sld [smem:$0x3FB9];
	_ =	sdelay $0x3  }
0x34: {  	[smem:$0x3FB9] =	sst s10  }
0x35: {  	s10 =	sld [smem:$0x3FB8];
	_ =	sdelay $0x3  }
0x36: {  	p1 =	seq.s32 s10, $0x1;
	s10 =	sld [smem:$0x3FB9];
	_ =	sdelay $0x3  }
0x37: {  	[smem:$0x3FB9] =	sst s10  }
0x38: {  	s10 =	sld [smem:$0x3FBA]  }
0x39: {  	_ = 	snop;
	(pc) =	sbr.ind lr, $3  }
0x3a: {  	_ = 	snop  }
0x3b: {  	_ = 	snop  }
0x3c: {  	p2 =	seq.s32 s10, $0x1;
	s10 =	sld [smem:$0x3FB9]  }
0x3d: {  	_ =	shalt  }
0x3e: {  	_ =	shalt  }
0x3f: {  	_ =	shalt  }
0x40: {  	_ =	shalt  }
0x41: {  	_ =	shalt  }
0x42: {  	_ =	shalt  }
0x43: {  	_ =	shalt  }
0x44: {  	_ =	shalt  }
0x45: {  	_ =	shalt  }
0x46: {  	_ =	shalt  }
0x47: {  	_ =	shalt  }
0x48: {  	_ =	shalt  }
0x49: {  	_ =	shalt  }
0x4a: {  	_ =	shalt  }
0x4b: {  	_ =	shalt  }
0x4c: {  	_ =	shalt  }
0x4d: {  	_ =	shalt  }
0x4e: {  	_ =	shalt  }
0x4f: {  	_ =	shalt  }
0x50: {  	_ =	shalt  }
0x51: {  	_ =	shalt  }
0x52: {  	_ =	shalt  }
0x53: {  	_ =	shalt  }
0x54: {  	_ =	shalt  }
0x55: {  	_ =	shalt  }
0x56: {  	_ =	shalt  }
0x57: {  	_ =	shalt  }
0x58: {  	_ =	shalt  }
0x59: {  	_ =	shalt  }
0x5a: {  	_ =	shalt  }
0x5b: {  	_ =	shalt  }
0x5c: {  	_ =	shalt  }
0x5d: {  	_ =	shalt  }
0x5e: {  	_ =	shalt  }
0x5f: {  	_ =	shalt  }
0x60: {  	_ =	shalt  }
0x61: {  	_ =	shalt  }
0x62: {  	_ =	shalt  }
0x63: {  	_ =	shalt  }
0x64: {  	_ =	shalt  }
0x65: {  	_ =	shalt  }
0x66: {  	_ =	shalt  }
0x67: {  	_ =	shalt  }
0x68: {  	_ =	shalt  }
0x69: {  	_ =	shalt  }
0x6a: {  	_ =	shalt  }
0x6b: {  	_ =	shalt  }
0x6c: {  	_ =	shalt  }
0x6d: {  	_ =	shalt  }
0x6e: {  	_ =	shalt  }
0x6f: {  	_ =	shalt  }
0x70: {  	_ =	shalt  }
0x71: {  	_ =	shalt  }
0x72: {  	_ =	shalt  }
0x73: {  	_ =	shalt  }
0x74: {  	_ =	shalt  }
0x75: {  	_ =	shalt  }
0x76: {  	_ =	shalt  }
0x77: {  	_ =	shalt  }
0x78: {  	_ =	shalt  }
0x79: {  	_ =	shalt  }
0x7a: {  	_ =	shalt  }
0x7b: {  	_ =	shalt  }
0x7c: {  	_ =	shalt  }
0x7d: {  	_ =	shalt  }
0x7e: {  	_ =	shalt  }
0x7f: {  	_ =	shalt  }
0x80: {  	_ =	shalt  }
0x81: {  	_ =	shalt  }
0x82: {  	_ =	shalt  }
0x83: {  	_ =	shalt  }
0x84: {  	_ =	shalt  }
0x85: {  	_ =	shalt  }
0x86: {  	_ =	shalt  }
0x87: {  	_ =	shalt  }
.Lfunc_end0:
.L_simem_size_0:
called_computation_lowered:
.L_overlay_start_0:
0x88: {  	s2 =	sld [smem:$0x3FD9]  }
0x89: {  	s3 =	sld [smem:$0x3FFE];
	_ =	sdelay $0x1  }
0x8a: {  	s1 =	srdreg.scid  }
0x8b: {  	s0 =	sand.u32 $0x1, s1  }
0x8c: {  	s17 =	sshll.u32 s0, $0xA;
	s2 =	sadd.s32 s3, s2  }
0x8d: {  	s2 =	sadd.s32 s2, s17  }
0x8e: {  	[smem:$0x3FC5] =	sst s2  }
0x8f: {  	_ = 	snop  }
0x90: {  	s2 =	sld [smem:$0x3FC7]  }
0x91: {  	s18 =	sld [smem:$0x3FD0];
	(tm) =	ssettm $0x1  }
0x92: {  	s4 =	sld [smem:$0x3FFB];
	_ =	sdelay $0x3  }
0x93: {  	_ =	strace s4  }
0x94: {  	s4 =	sld [smem:$0x3FFC];
	_ =	sdelay $0x3  }
0x95: {  	_ =	strace s4  }
0x96: {  	s4 =	sld [smem:$0x3FFD];
	_ =	sdelay $0x3  }
0x97: {  	_ =	strace s4  }
0x98: {  	_ =	strace $0x8FFFFFFF  }
0x99: {  	s19 =	sld [smem:$0x3FDB];
	_ =	sdelay $0x1  }
0x9a: {  	s5 =	simm.s32 $_scs_section_size  }
0x9b: {  	s6 =	simm.s32 $_size__tile_overlayer_lowered;
	s7 =	simm.s32 $_tile_overlayer_lowered  }
0x9c: {  	s22 =	simm.s32 $0x1BFF;
	s21 =	sshll.u32 s7, $0x1;
	s4 =	sadd.s32 s5, s19  }
0x9d: {  	s8 =	simm.s32 $0x0;
	s20 =	sshll.u32 s6, $0x1;
	s6 =	sadd.s32 s21, s4  }
0x9e: {  	[timem:s8], [sflag:s22] =	dma.local [hbm:s6], s20  }
0x9f: {  	_ =	swait.ge [sflag:s22], s20  }
0xa0: {  	s5 =	ssub.s32 $0x0, s20;
	[sflag:s22] =	ssyncset.done $0x0  }
0xa1: {  	[sflag:s22] =	ssyncadd.s32 s5;
	_ =	sdelay $0x1  }
0xa2: {  	s23 =	simm.s32 $0x1B8B  }
0xa3: {  	_ =	swait.ge [sflag:s23], $0x1  }
0xa4: {  	[sflag:s23] =	ssyncset.done $0x0  }
0xa5: {  	s25 =	simm.s32 $0x1B8E;
	s24 =	sld [smem:$0x3FFE];
	[sflag:s23] =	ssyncadd.s32 $0xFFFFFFFF  }
0xa6: {  	s26 =	simm.s32 $execute0_lowered;
	[smem:$0x3FD2] =	sst s25  }
0xa7: {  	s6 =	sshll.u32 s26, $0x1;
	_ =	strace $0x80000046;
	[dreg:$0x1] =	wrdreg $0xFFFFFFFF  }
0xa8: {  	s28 =	simm.s32 $_size_execute0_lowered;
	s4 =	sadd.s32 s4, s6;
	[dreg:$0x0] =	wrdreg $0x0  }
0xa9: {  	s6 =	sshll.u32 s28, $0x1;
	[dreg:$0x2] =	wrdreg s4  }
0xaa: {  	[dreg:$0x3] =	wrdreg s6  }
0xab: {  	[dreg:$0x4] =	wrdreg $0xC0  }
0xac: {  	_ =	task [dreg:s8], $0x5FFFF  }
0xad: {  	[dreg:$0x1] =	wrdreg $0xFFFFFFFF  }
0xae: {  	[dreg:$0x0] =	wrdreg $0x60  }
0xaf: {  	[dreg:$0x2] =	wrdreg s24  }
0xb0: {  	[dreg:$0x3] =	wrdreg s2  }
0xb1: {  	[dreg:$0x4] =	wrdreg s18  }
0xb2: {  	[dreg:$0x5] =	wrdreg $0x6C000  }
0xb3: {  	[dreg:$0x6] =	wrdreg $0x9  }
0xb4: {  	_ =	task.clear_ibuf [dreg:s8], $0x7FFFF;
	_ =	strace $0x90000046  }
0xb5: {  	s29 =	simm.s32 $0x9;
	_ =	strace $0x80000048  }
0xb6: {  	_ =	swait.ge [sflag:s29], $0x1  }
0xb7: {  	[sflag:s29] =	ssyncadd.s32 $0xFFFFFFFF  }
0xb8: {  	_ =	strace $0x90000048  }
0xb9: {  	_ =	sfence  }
0xba: {  	s30 =	sld [smem:$0x0];
	_ =	sdelay $0x2  }
0xbb: {  	s31 =	sshll.u32 s1, $0xD;
	s1 =	sshrl.u32 s1, $0x2  }
0xbc: {  	s3 =	sand.u32 $0x4000, s31;
	s1 =	sadd.s32 s1, s30  }
0xbd: {  	s0 =	sor.u32 s3, s0;
	s1 =	sshll.u32 s1, $0x11  }
0xbe: {  	s0 =	sor.u32 s1, s0  }
0xbf: {  	s0 =	sadd.s32 $0x8F2B, s0  }
0xc0: {  	[sflag:s0] =	ssyncadd.remote.s32 $0x1  }
0xc1: {  	_ =	sfence.sel $0xFFFF  }
0xc2: {  	[dreg:$0x0] =	wrdreg $0xFFFFFFFF;
	(pc) =	sbr.abs _section_cstart, $3  }
0xc3: {  	[dreg:$0x1] =	wrdreg $0xFFFFFFFF  }
0xc4: {  	_ =	task.clear_ibuf [dreg:s8], $0x2FFFF;
	_ =	strace $0x9FFFFFFF  }
0xc5: {  	(tm) =	ssettm $0x7FFFFFFF  }
tec
execute0_lowered:
.L_overlay_start_1:
0x0: {  	(tag) =	ssettag $0x1  }
0x1: {  	s0 =	rddreg [dreg:$0x0]  }
0x2: {  	s1 =	rddreg [dreg:$0x1]  }
0x3: {  	s2 =	rddreg [dreg:$0x2];
	s4 =	srdreg.scid  }
0x4: {  	s9 =	stileid.u32;
	s3 =	rddreg [dreg:$0x3]  }
0x5: {  	s6 =	simm.s32 $0x0;
	s4 =	sand.u32 $0x1, s4;
	s5 =	sshll.u32 s9, $0x1  }
0x6: {  	[smem:$0x7FF] =	sst s6;
	s5 =	sor.u32 s4, s5  }
0x7: {  	s7 =	sshll.u32 s9, $0xA;
	s4 =	ssub.s32 $0x2, s4;
	s5 =	smul.u32 $0x6400, s5  }
0x8: {  	s22 =	sshll.u32 s9, $0xD;
	s23 =	sshll.u32 s9, $0x6;
	s20 =	sshrl.u32 s4, $0x1  }
0x9: {  	_ =	strace $0x80000047;
	s4 =	ssub.s32 s4, s20;
	s19 =	sshrl.u32 s5, $0x3  }
0xa: {  	[dreg:$0x11] =	wrdreg s4;
	s21 =	sshrl.u32 s5, $0xC;
	s24 =	sshrl.u32 s5, $0x8  }
0xb: {  	s25 =	sand.u32 $0xC00, s5;
	s9 =	sshrl.u32 s5, $0x5;
	s10 =	sadd.s32 $0x6180, s5  }
0xc: {  	s14 =	sadd.s32 $0x6200, s5;
	s8 =	sadd.s32 s19, s0;
	s0 =	sadd.s32 s7, s0  }
0xd: {  	s6 =	sand.u32 $0xF8, s21;
	s7 =	sadd.s32 s22, s3;
	s26 =	sand.u32 $0xF80, s24  }
0xe: {  	s30 =	smul.u32 $0xC8, s25;
	s11 =	sand.u32 $0x380, s9;
	s13 =	sshrl.u32 s10, $0xC  }
0xf: {  	s16 =	sshrl.u32 s14, $0xC;
	[dreg:$0x12] =	wrdreg s7;
	s0 =	sadd.s32 $0x19600, s0  }
0x10: {  	s20 =	sand.u32 $0xE00, s14;
	s8 =	sadd.s32 $0x600, s8;
	[dreg:$0x5] =	wrdreg s0  }
0x11: {  	s15 =	ssub.s32 s13, s6;
	s0 =	sor.u32 $0x1C0B, s23;
	[dreg:$0x7] =	wrdreg s8  }
0x12: {  	s12 =	sor.u32 s21, s30;
	[dreg:$0x6] =	wrdreg s0;
	s0 =	sadd.s32 s1, s26  }
0x13: {  	s7 =	sshll.u32 s15, $0x9;
	s17 =	sadd.s32 $0xC80, s12;
	[dreg:$0x8] =	wrdreg s0  }
0x14: {  	s18 =	ssub.s32 s16, s6;
	s7 =	sshra.s32 s7, $0x2;
	[smem:$0x7E5] =	sst s17  }
0x15: {  	s19 =	sshll.u32 s18, $0x9;
	s30 =	sadd.s32 $0xD480, s12;
	[dreg:$0x9] =	wrdreg s7  }
0x16: {  	s21 =	sadd.s32 $0x6280, s5;
	[smem:$0x7E6] =	sst s30;
	s30 =	sadd.s32 $0xED80, s12  }
0x17: {  	s23 =	sadd.s32 $0x6300, s5;
	[smem:$0x7E7] =	sst s30;
	s30 =	sadd.s32 $0xFA00, s12  }
0x18: {  	s1 =	smul.u32 $0xC8, s20;
	[smem:$0x7E8] =	sst s30;
	s30 =	sadd.s32 $0x10680, s12  }
0x19: {  	s22 =	sand.u32 $0xE80, s21;
	[smem:$0x7E9] =	sst s30;
	s30 =	sadd.s32 $0x11300, s12  }
0x1a: {  	s26 =	sadd.s32 $0x6380, s5;
	[smem:$0x7EA] =	sst s30;
	s30 =	sadd.s32 $0x11F80, s12  }
0x1b: {  	s14 =	sadd.s32 $0x2580, s12;
	[smem:$0x7EB] =	sst s30;
	s30 =	sadd.s32 $0x12C00, s12  }
0x1c: {  	s15 =	sadd.s32 $0x3200, s12;
	[smem:$0x7EC] =	sst s30;
	s30 =	sadd.s32 $0x13880, s12  }
0x1d: {  	s18 =	sadd.s32 $0x5780, s12;
	[smem:$0x7ED] =	sst s30;
	s30 =	sadd.s32 $0x14500, s12  }
0x1e: {  	s20 =	sadd.s32 $0x7080, s12;
	[dreg:$0x1e] =	wrdreg s30;
	s30 =	sadd.s32 $0x15180, s12  }
0x1f: {  	s28 =	sadd.s32 $0xBB80, s12;
	[dreg:$0x1f] =	wrdreg s30;
	s30 =	sadd.s32 $0x15E00, s12  }
0x20: {  	s29 =	sadd.s32 $0xC800, s12;
	[smem:$0x7EE] =	sst s30;
	s30 =	sadd.s32 $0x16A80, s12  }
0x21: {  	s31 =	sadd.s32 $0xE100, s12;
	[dreg:$0x1b] =	wrdreg s30;
	s30 =	sadd.s32 $0x17700, s12  }
0x22: {  	s0 =	sand.u32 $0xD80, s10;
	[dreg:$0x1c] =	wrdreg s30;
	s30 =	sadd.s32 $0x18380, s12  }
0x23: {  	s10 =	smul.u32 $0xC8, s22;
	[dreg:$0x1d] =	wrdreg s30;
	s30 =	sadd.s32 $0x19000, s12  }
0x24: {  	s8 =	sshrl.u32 s26, $0xC;
	[dreg:$0x18] =	wrdreg s30;
	s30 =	sadd.s32 $0x19C80, s12  }
0x25: {  	s9 =	sand.u32 $0xF80, s26;
	[dreg:$0x19] =	wrdreg s30;
	s30 =	sadd.s32 $0x1A900, s12  }
0x26: {  	s17 =	sadd.s32 $0x4B00, s12;
	[dreg:$0x1a] =	wrdreg s30;
	s30 =	sadd.s32 $0x1B580, s12  }
0x27: {  	s22 =	sadd.s32 $0x8980, s12;
	[dreg:$0x15] =	wrdreg s30;
	s30 =	sadd.s32 $0x1C200, s12  }
0x28: {  	s26 =	sadd.s32 $0xAF00, s12;
	[dreg:$0x16] =	wrdreg s30;
	s30 =	sadd.s32 $0x1CE80, s12  }
0x29: {  	s0 =	smul.u32 $0xC8, s0;
	[dreg:$0x17] =	wrdreg s30;
	s30 =	sadd.s32 $0x1DB00, s12  }
0x2a: {  	s4 =	sor.u32 s16, s1;
	[dreg:$0x13] =	wrdreg s30;
	s30 =	sadd.s32 $0x1E780, s12  }
0x2b: {  	v0 =	vlaneseq.u32;
	s9 =	smul.u32 $0xC8, s9;
	s16 =	sadd.s32 $0x3E80, s12;
	[dreg:$0x14] =	wrdreg s30  }
0x2c: {  	v0 =	vmul.u32 $0xC8, v0;
	s7 =	sor.u32 s13, s0;
	s0 =	sshra.s32 s19, $0x2;
	s30 =	sld [smem:$0x7E5]  }
0x2d: {  	s13 =	sand.u32 $0xF00, s23;
	s19 =	sadd.s32 $0x6400, s12;
	[dreg:$0xa] =	wrdreg s0  }
0x2e: {  	v1 =	vadd.s32 s12, v0;
	s0 =	sshrl.u32 s21, $0xC;
	s24 =	smul.u32 $0xC8, s13;
	s13 =	sor.u32 $0x1900, s12  }
0x2f: {  	[tilespmem:$0x1FE60] =	vst v1;
	s25 =	ssub.s32 s0, s6;
	s0 =	sor.u32 s0, s10;
	s10 =	sshrl.u32 s23, $0xC;
	v1 =	vadd.s32 s30, v0  }
0x30: {  	s21 =	sadd.s32 $0x7D00, s12;
	s23 =	sadd.s32 $0x9600, s12;
	s1 =	sor.u32 s10, s24;
	[tilespmem:$0x1FE70] =	vst v1;
	v1 =	vadd.s32 s13, v0  }
0x31: {  	s24 =	sadd.s32 $0xA280, s12;
	s12 =	sor.u32 s8, s9;
	s8 =	ssub.s32 s8, s6;
	[tilespmem:$0x1FE80] =	vst v1;
	v1 =	vadd.s32 s14, v0  }
0x32: {  	s8 =	sshll.u32 s8, $0x9;
	[tilespmem:$0x1FE90] =	vst v1;
	v1 =	vadd.s32 s15, v0  }
0x33: {  	s8 =	sshra.s32 s8, $0x2;
	[tilespmem:$0x1FEA0] =	vst v1;
	v1 =	vadd.s32 s16, v0  }
0x34: {  	[dreg:$0xd] =	wrdreg s8;
	[tilespmem:$0x1FEB0] =	vst v1;
	v1 =	vadd.s32 s17, v0  }
0x35: {  	s10 =	ssub.s32 s10, s6;
	s30 =	sshll.u32 s25, $0x9;
	s25 =	sld [smem:$0x7EC];
	[tilespmem:$0x1FEC0] =	vst v1;
	v1 =	vadd.s32 s18, v0  }
0x36: {  	s10 =	sshll.u32 s10, $0x9;
	s9 =	sshra.s32 s30, $0x2;
	s30 =	rddreg [dreg:$0x1e];
	[tilespmem:$0x1FED0] =	vst v1;
	v1 =	vadd.s32 s19, v0  }
0x37: {  	s13 =	sshra.s32 s10, $0x2;
	[dreg:$0xb] =	wrdreg s9;
	[tilespmem:$0x1FEE0] =	vst v1;
	v1 =	vadd.s32 s20, v0  }
0x38: {  	[dreg:$0xc] =	wrdreg s13;
	[tilespmem:$0x1FEF0] =	vst v1;
	v1 =	vadd.s32 s21, v0  }
0x39: {  	s14 =	rddreg [dreg:$0x11];
	[tilespmem:$0x1FF00] =	vst v1;
	v1 =	vadd.s32 s22, v0  }
0x3a: {  	v27 =	vadd.s32 s30, v0;
	s30 =	sld [smem:$0x7EE];
	[tilespmem:$0x1FF10] =	vst v1;
	v1 =	vadd.s32 s23, v0  }
0x3b: {  	s10 =	sadd.s32 $0x2580, s7;
	s15 =	rddreg [dreg:$0x12];
	[tilespmem:$0x1FF20] =	vst v1;
	v1 =	vadd.s32 s24, v0  }
0x3c: {  	v44 =	vadd.s32 s10, v0;
	s10 =	sadd.s32 $0x1900, s12;
	s16 =	sld [smem:$0x7E6];
	[tilespmem:$0x1FF30] =	vst v1;
	v1 =	vadd.s32 s26, v0  }
0x3d: {  	[smem:$0x7FB] =	sst s10;
	[tilespmem:$0x1FF40] =	vst v1;
	v1 =	vadd.s32 s28, v0  }
0x3e: {  	s17 =	sld [smem:$0x7E7];
	[tilespmem:$0x1FF50] =	vst v1;
	v1 =	vadd.s32 s29, v0  }
0x3f: {  	s18 =	sld [smem:$0x7E8];
	[tilespmem:$0x1FF60] =	vst v1;
	v1 =	vadd.s32 s16, v0  }
0x40: {  	s22 =	sld [smem:$0x7E9];
	[tilespmem:$0x1FF70] =	vst v1;
	v1 =	vadd.s32 s31, v0  }
0x41: {  	s23 =	sld [smem:$0x7EA];
	[tilespmem:$0x1FF80] =	vst v1;
	v1 =	vadd.s32 s17, v0  }
0x42: {  	s8 =	smax.u32 s14, $0x1;
	s24 =	sld [smem:$0x7EB];
	[tilespmem:$0x1FF90] =	vst v1;
	v1 =	vadd.s32 s18, v0  }
0x43: {  	[dreg:$0xe] =	wrdreg s8;
	s8 =	sshrl.u32 s15, $0x3;
	[tilespmem:$0x1FFA0] =	vst v1;
	v1 =	vadd.s32 s22, v0  }
0x44: {  	[dreg:$0xf] =	wrdreg s8;
	[tilespmem:$0x1FFB0] =	vst v1;
	v1 =	vadd.s32 s23, v0  }
0x45: {  	s26 =	sld [smem:$0x7ED];
	[tilespmem:$0x1FFC0] =	vst v1;
	v1 =	vadd.s32 s24, v0  }
0x46: {  	s24 =	sadd.s32 $0x4B00, s1;
	[tilespmem:$0x1FFD0] =	vst v1;
	v1 =	vadd.s32 s25, v0;
	s25 =	rddreg [dreg:$0x1f]  }
0x47: {  	[smem:$0x7F9] =	sst s24  }
0x48: {  	v28 =	vadd.s32 s25, v0;
	s25 =	rddreg [dreg:$0x1b]  }
0x49: {  	v30 =	vadd.s32 s25, v0;
	s25 =	rddreg [dreg:$0x1c]  }
0x4a: {  	s24 =	sadd.s32 $0x2580, s12;
	v31 =	vadd.s32 s25, v0;
	s25 =	rddreg [dreg:$0x1d]  }
0x4b: {  	[smem:$0x7FC] =	sst s24;
	v32 =	vadd.s32 s25, v0;
	s25 =	sadd.s32 $0x2580, s0  }
0x4c: {  	[smem:$0x7EF] =	sst s25;
	s25 =	sadd.s32 $0x3200, s0  }
0x4d: {  	[tilespmem:$0x1FFE0] =	vst v1;
	v1 =	vadd.s32 s26, v0;
	s26 =	sadd.s32 $0x3E80, s4;
	[smem:$0x7F0] =	sst s25  }
0x4e: {  	v54 =	vadd.s32 s26, v0;
	s25 =	sadd.s32 $0x3E80, s0;
	s26 =	sld [smem:$0x7EF]  }
0x4f: {  	[smem:$0x7F1] =	sst s25  }
0x50: {  	v29 =	vadd.s32 s30, v0;
	s30 =	sadd.s32 $0xC80, s0;
	s25 =	rddreg [dreg:$0x18]  }
0x51: {  	s9 =	sadd.s32 $0x1900, s7;
	s13 =	sadd.s32 $0x3200, s7;
	v58 =	vadd.s32 s30, v0;
	s30 =	sld [smem:$0x7F0]  }
0x52: {  	s14 =	sadd.s32 $0x3E80, s7;
	s15 =	sadd.s32 $0x4B00, s7;
	v33 =	vadd.s32 s25, v0;
	s25 =	rddreg [dreg:$0x19]  }
0x53: {  	v41 =	vadd.s32 s7, v0;
	s8 =	sadd.s32 $0xC80, s7;
	s16 =	sadd.s32 $0x5780, s7;
	s7 =	sld [smem:$0x7F1]  }
0x54: {  	v34 =	vadd.s32 s25, v0;
	s25 =	rddreg [dreg:$0x1a]  }
0x55: {  	v35 =	vadd.s32 s25, v0;
	s25 =	sadd.s32 $0x4B00, s0;
	v61 =	vadd.s32 s30, v0;
	s30 =	sld [smem:$0x7F9]  }
0x56: {  	[smem:$0x7F2] =	sst s25;
	s25 =	sadd.s32 $0x5780, s0  }
0x57: {  	[smem:$0x7F3] =	sst s25  }
0x58: {  	v43 =	vadd.s32 s9, v0;
	s25 =	sadd.s32 $0xC80, s1;
	s9 =	sld [smem:$0x7F2]  }
0x59: {  	[smem:$0x7F4] =	sst s25  }
0x5a: {  	s25 =	rddreg [dreg:$0x15]  }
0x5b: {  	s10 =	sld [smem:$0x7F3]  }
0x5c: {  	v36 =	vadd.s32 s25, v0;
	s25 =	rddreg [dreg:$0x16]  }
0x5d: {  	v37 =	vadd.s32 s25, v0;
	s25 =	rddreg [dreg:$0x17]  }
0x5e: {  	v46 =	vadd.s32 s14, v0;
	s14 =	sld [smem:$0x7F4];
	v38 =	vadd.s32 s25, v0;
	s25 =	sadd.s32 $0x1900, s1  }
0x5f: {  	[smem:$0x7F5] =	sst s25;
	s25 =	sadd.s32 $0x2580, s1  }
0x60: {  	s17 =	sadd.s32 $0xC80, s4;
	[smem:$0x7F6] =	sst s25  }
0x61: {  	v50 =	vadd.s32 s17, v0;
	s25 =	sadd.s32 $0x3200, s1;
	s17 =	sld [smem:$0x7F5]  }
0x62: {  	v45 =	vadd.s32 s13, v0;
	s13 =	sadd.s32 $0x3200, s12;
	[smem:$0x7F7] =	sst s25  }
0x63: {  	v14 =	vadd.s32 s13, v0;
	s13 =	simm.s32 $0x9;
	s18 =	sadd.s32 $0x1900, s4;
	s25 =	rddreg [dreg:$0x13]  }
0x64: {  	v47 =	vadd.s32 s15, v0;
	s15 =	sadd.s32 $0x3E80, s12;
	v42 =	vadd.s32 s8, v0;
	s8 =	sadd.s32 $0xC80, s12;
	v51 =	vadd.s32 s18, v0;
	s18 =	sld [smem:$0x7F6]  }
0x65: {  	v15 =	vadd.s32 s15, v0;
	s15 =	simm.s32 $0x0;
	s22 =	sadd.s32 $0x2580, s4;
	v39 =	vadd.s32 s25, v0;
	s25 =	rddreg [dreg:$0x14]  }
0x66: {  	s19 =	sor.u32 $0x280, s5;
	s20 =	sor.u32 $0x300, s5;
	v52 =	vadd.s32 s22, v0;
	s22 =	sld [smem:$0x7F7]  }
0x67: {  	s21 =	sor.u32 $0x380, s5;
	v40 =	vadd.s32 s25, v0;
	s25 =	sadd.s32 $0x3E80, s1;
	v4 =	vadd.s32 s17, v0;
	s17 =	sld [smem:$0x7FB]  }
0x68: {  	s28 =	sadd.s32 $0x4B00, s4;
	[smem:$0x7F8] =	sst s25;
	s25 =	sadd.s32 $0x5780, s1  }
0x69: {  	s29 =	sadd.s32 $0x5780, s4;
	v55 =	vadd.s32 s28, v0;
	s28 =	simm.s32 $0x10C00;
	[smem:$0x7FA] =	sst s25  }
0x6a: {  	v56 =	vadd.s32 s29, v0;
	s29 =	simm.s32 $0x1;
	v60 =	vadd.s32 s26, v0;
	s25 =	sadd.s32 $0x4B00, s12;
	s26 =	sld [smem:$0x7F8]  }
0x6b: {  	v49 =	vadd.s32 s4, v0;
	v57 =	vadd.s32 s0, v0;
	s31 =	sadd.s32 $0x1900, s0;
	v48 =	vadd.s32 s16, v0;
	s16 =	sadd.s32 $0x5780, s12;
	[smem:$0x7FD] =	sst s25  }
0x6c: {  	v2 =	vadd.s32 s1, v0;
	v59 =	vadd.s32 s31, v0;
	s31 =	simm.s32 $0x8C00;
	s23 =	sadd.s32 $0x3200, s4;
	v3 =	vadd.s32 s14, v0;
	s14 =	sld [smem:$0x7FA]  }
0x6d: {  	v10 =	vadd.s32 s12, v0;
	v53 =	vadd.s32 s23, v0;
	s23 =	simm.s32 $0x2;
	s24 =	simm.s32 $0x80;
	v8 =	vadd.s32 s30, v0;
	s30 =	sld [smem:$0x7FD]  }
0x6e: {  	v11 =	vadd.s32 s8, v0;
	v17 =	vadd.s32 s16, v0;
	s4 =	simm.s32 $0x5;
	s0 =	simm.s32 $0x14C00;
	v7 =	vadd.s32 s26, v0;
	s26 =	sld [smem:$0x7FC]  }
0x6f: {  	[tilespmem:$0x1FFF0] =	vst v1;
	v62 =	vadd.s32 s7, v0;
	s7 =	simm.s32 $0x3;
	v63 =	vadd.s32 s9, v0;
	s9 =	simm.s32 $0x6;
	v1 =	vadd.s32 s10, v0;
	s10 =	simm.s32 $0x4  }
0x70: {  	s1 =	simm.s32 $0x18C00;
	v5 =	vadd.s32 s18, v0;
	s18 =	simm.s32 $0x7;
	v6 =	vadd.s32 s22, v0;
	s22 =	simm.s32 $0x1CE00;
	v12 =	vadd.s32 s17, v0  }
0x71: {  	s12 =	simm.s32 $0x8;
	s25 =	simm.s32 $0xCC00;
	v9 =	vadd.s32 s14, v0;
	s14 =	simm.s32 $0xA;
	v16 =	vadd.s32 s30, v0;
	v13 =	vadd.s32 s26, v0  }
.LBB2_1:
0x72: {  	[dreg:$0x10] =	wrdreg s15  }
0x73: {  	s8 =	rddreg [dreg:$0x5]  }
0x74: {  	s30 =	rddreg [dreg:$0x6]  }
0x75: {  	s16 =	rddreg [dreg:$0xf]  }
0x76: {  	[spmem:s16], [sflag:s30] =	dma.local [hbm:s8], $0x400  }
0x77: {  	s8 =	simm.s32 $0xB  }
0x78: {  	_ =	swait.ge [sflag:s8], $0x400  }
0x79: {  	[sflag:s8] =	ssyncset.done $0x0  }
0x7a: {  	s30 =	simm.s32 $0x0;
	s17 =	rddreg [dreg:$0x7];
	[sflag:s8] =	ssyncadd.s32 $0xFFFFFC00  }
0x7b: {  	[tilespmem:s30], [sflag:$0xB] =	stream.linear.gather [hbm4b:s17+s30], $0x6400, $0x38;
	[tilespmem:$0x1CE80] =	vst v63  }
0x7c: {  	_ =	swait.ge [sflag:s8], $0x6400  }
0x7d: {  	[sflag:s8] =	ssyncset.done $0x0  }
0x7e: {  	s17 =	simm.s32 $0x6400;
	s26 =	rddreg [dreg:$0x8];
	[sflag:s8] =	ssyncadd.s32 $0xFFFF9C00  }
0x7f: {  	[tilespmem:s17], [sflag:$0xB] =	stream.linear.gather [hbm4b:s26+s30], $0x800, $0x38;
	[tilespmem:$0x1CE80] =	vst v63  }
0x80: {  	_ =	swait.ge [sflag:s8], $0x800  }
0x81: {  	[sflag:s8] =	ssyncset.done $0x0  }
0x82: {  	[sflag:s8] =	ssyncadd.s32 $0xFFFFF800  }
0x83: {  	[bflag:$0x0] =	sbarrier.arrive $0xFFFF  }
0x84: {  	[tilespmem:s31], [sflag:$0x1] =	stream.indirect.gather [spmem:s3], $0x80, s30, s24, $0xb8;
	[tilespmem:$0x1CE80] =	vst v63  }
0x85: {  	_ = 	snop  }
0x86: {  	[tilespmem:s25], [sflag:$0x2] =	stream.indirect.gather [spmem:s3], $0x80, s24, s24, $0xb8;
	[tilespmem:$0x1CE80] =	vst v63  }
0x87: {  	s30 =	simm.s32 $0x100  }
0x88: {  	v26 =	vld [tilespmem:$0x1FE60];
	[tilespmem:s28], [sflag:$0x3] =	stream.indirect.gather [spmem:s3], $0x80, s30, s24, $0xb8  }
0x89: {  	v19 =	vld [tilespmem:s11+$0x6400]  }
0x8a: {  	v18 =	vld [tilespmem:s11+$0x6410]  }
0x8b: {  	v20 =	vld [tilespmem:s11+$0x6420]  }
0x8c: {  	v21 =	vld [tilespmem:s11+$0x6430]  }
0x8d: {  	v22 =	vld [tilespmem:s11+$0x6440]  }
0x8e: {  	v23 =	vld [tilespmem:s11+$0x6450]  }
0x8f: {  	v24 =	vld [tilespmem:s11+$0x6460]  }
0x90: {  	v25 =	vld [tilespmem:s11+$0x6470]  }
0x91: {  	[tilespmem:$0x1CC00] =	vst v26;
	v26 =	vld [tilespmem:$0x1FE70];
	_ =	sdelay $0x4  }
0x92: {  	[tilespmem:$0x1CC10] =	vst v26;
	v26 =	vld [tilespmem:$0x1FE80];
	_ =	sdelay $0x4  }
0x93: {  	[tilespmem:$0x1CC20] =	vst v26;
	v26 =	vld [tilespmem:$0x1FE90];
	_ =	sdelay $0x4  }
0x94: {  	[tilespmem:$0x1CC30] =	vst v26;
	v26 =	vld [tilespmem:$0x1FEA0];
	_ =	sdelay $0x4  }
0x95: {  	[tilespmem:$0x1CC40] =	vst v26;
	v26 =	vld [tilespmem:$0x1FEB0];
	_ =	sdelay $0x4  }
0x96: {  	[tilespmem:$0x1CC50] =	vst v26;
	v26 =	vld [tilespmem:$0x1FEC0];
	_ =	sdelay $0x4  }
0x97: {  	[tilespmem:$0x1CC60] =	vst v26;
	v26 =	vld [tilespmem:$0x1FED0];
	_ =	sdelay $0x4  }
0x98: {  	[tilespmem:$0x1CC70] =	vst v26  }
0x99: {  	_ =	swait.ge [sflag:s29], $0x4000  }
0x9a: {  	[sflag:s29] =	ssyncset.done $0x0  }
0x9b: {  	[sflag:s29] =	ssyncadd.s32 $0xFFFFC000  }
0x9c: {  	[tilespmem:s31+$0x0] =	vst.add.f32.msk $0xffff, v19  }
0x9d: {  	[tilespmem:s31+$0x1F0] =	vst.add.f32.msk $0xffff, v25  }
0x9e: {  	[tilespmem:s31+$0x1E0] =	vst.add.f32.msk $0xffff, v24  }
0x9f: {  	[tilespmem:s31+$0x1D0] =	vst.add.f32.msk $0xffff, v23  }
0xa0: {  	[tilespmem:s31+$0x1C0] =	vst.add.f32.msk $0xffff, v22  }
0xa1: {  	[tilespmem:s31+$0x1B0] =	vst.add.f32.msk $0xffff, v21  }
0xa2: {  	[tilespmem:s31+$0x1A0] =	vst.add.f32.msk $0xffff, v20  }
0xa3: {  	[tilespmem:s31+$0x190] =	vst.add.f32.msk $0xffff, v18  }
0xa4: {  	[tilespmem:s31+$0x180] =	vst.add.f32.msk $0xffff, v19  }
0xa5: {  	[tilespmem:s31+$0x170] =	vst.add.f32.msk $0xffff, v25  }
0xa6: {  	[tilespmem:s31+$0x160] =	vst.add.f32.msk $0xffff, v24  }
0xa7: {  	[tilespmem:s31+$0x150] =	vst.add.f32.msk $0xffff, v23  }
0xa8: {  	[tilespmem:s31+$0x140] =	vst.add.f32.msk $0xffff, v22  }
0xa9: {  	[tilespmem:s31+$0x130] =	vst.add.f32.msk $0xffff, v21  }
0xaa: {  	[tilespmem:s31+$0x120] =	vst.add.f32.msk $0xffff, v20  }
0xab: {  	[tilespmem:s31+$0x110] =	vst.add.f32.msk $0xffff, v18  }
0xac: {  	[tilespmem:s31+$0x100] =	vst.add.f32.msk $0xffff, v19  }
0xad: {  	[tilespmem:s31+$0xF0] =	vst.add.f32.msk $0xffff, v25  }
0xae: {  	[tilespmem:s31+$0xE0] =	vst.add.f32.msk $0xffff, v24  }
0xaf: {  	[tilespmem:s31+$0xD0] =	vst.add.f32.msk $0xffff, v23  }
0xb0: {  	[tilespmem:s31+$0xC0] =	vst.add.f32.msk $0xffff, v22  }
0xb1: {  	[tilespmem:s31+$0xB0] =	vst.add.f32.msk $0xffff, v21  }
0xb2: {  	[tilespmem:s31+$0xA0] =	vst.add.f32.msk $0xffff, v20  }
0xb3: {  	[tilespmem:s31+$0x90] =	vst.add.f32.msk $0xffff, v18  }
0xb4: {  	[tilespmem:s31+$0x80] =	vst.add.f32.msk $0xffff, v19  }
0xb5: {  	[tilespmem:s31+$0x70] =	vst.add.f32.msk $0xffff, v25  }
0xb6: {  	[tilespmem:s31+$0x60] =	vst.add.f32.msk $0xffff, v24  }
0xb7: {  	[tilespmem:s31+$0x50] =	vst.add.f32.msk $0xffff, v23  }
0xb8: {  	[tilespmem:s31+$0x40] =	vst.add.f32.msk $0xffff, v22  }
0xb9: {  	[tilespmem:s31+$0x30] =	vst.add.f32.msk $0xffff, v21  }
0xba: {  	s15 =	simm.s32 $0x0;
	s16 =	simm.s32 $0x8C00;
	[tilespmem:s31+$0x20] =	vst.add.f32.msk $0xffff, v20  }
.LBB2_2:
0xbb: {  	s15 =	sadd.s32 $0x4, s15;
	[tilespmem:s16+$0x10] =	vst.add.f32.msk $0xffff, v18;
	s16 =	sadd.s32 $0x200, s16  }
0xbc: {  	[tilespmem:s16+$0x0] =	vst.add.f32.msk $0xffff, v19;
	p0 =	slt.u32 s15, $0x7C  }
0xbd: {  	[tilespmem:s16+$0x1F0] =	vst.add.f32.msk $0xffff, v25  }
0xbe: {  	[tilespmem:s16+$0x1E0] =	vst.add.f32.msk $0xffff, v24  }
0xbf: {  	[tilespmem:s16+$0x1D0] =	vst.add.f32.msk $0xffff, v23  }
0xc0: {  	[tilespmem:s16+$0x1C0] =	vst.add.f32.msk $0xffff, v22  }
0xc1: {  	[tilespmem:s16+$0x1B0] =	vst.add.f32.msk $0xffff, v21  }
0xc2: {  	[tilespmem:s16+$0x1A0] =	vst.add.f32.msk $0xffff, v20  }
0xc3: {  	[tilespmem:s16+$0x190] =	vst.add.f32.msk $0xffff, v18  }
0xc4: {  	[tilespmem:s16+$0x180] =	vst.add.f32.msk $0xffff, v19  }
0xc5: {  	[tilespmem:s16+$0x170] =	vst.add.f32.msk $0xffff, v25  }
0xc6: {  	[tilespmem:s16+$0x160] =	vst.add.f32.msk $0xffff, v24  }
0xc7: {  	[tilespmem:s16+$0x150] =	vst.add.f32.msk $0xffff, v23  }
0xc8: {  	[tilespmem:s16+$0x140] =	vst.add.f32.msk $0xffff, v22  }
0xc9: {  	[tilespmem:s16+$0x130] =	vst.add.f32.msk $0xffff, v21  }
0xca: {  	[tilespmem:s16+$0x120] =	vst.add.f32.msk $0xffff, v20  }
0xcb: {  	[tilespmem:s16+$0x110] =	vst.add.f32.msk $0xffff, v18  }
0xcc: {  	[tilespmem:s16+$0x100] =	vst.add.f32.msk $0xffff, v19  }
0xcd: {  	[tilespmem:s16+$0xF0] =	vst.add.f32.msk $0xffff, v25  }
0xce: {  	[tilespmem:s16+$0xE0] =	vst.add.f32.msk $0xffff, v24  }
0xcf: {  	[tilespmem:s16+$0xD0] =	vst.add.f32.msk $0xffff, v23  }
0xd0: {  	[tilespmem:s16+$0xC0] =	vst.add.f32.msk $0xffff, v22  }
0xd1: {  	[tilespmem:s16+$0xB0] =	vst.add.f32.msk $0xffff, v21  }
0xd2: {  	[tilespmem:s16+$0xA0] =	vst.add.f32.msk $0xffff, v20  }
0xd3: {  	[tilespmem:s16+$0x90] =	vst.add.f32.msk $0xffff, v18  }
0xd4: {  	[tilespmem:s16+$0x80] =	vst.add.f32.msk $0xffff, v19  }
0xd5: {  	[tilespmem:s16+$0x70] =	vst.add.f32.msk $0xffff, v25  }
.Ltmp0:
0xd6: {  	[tilespmem:s16+$0x60] =	vst.add.f32.msk $0xffff, v24;
	(pc) =	sbr.rel @p0 .LBB2_2-.Ltmp0, $4  }
0xd7: {  	[tilespmem:s16+$0x50] =	vst.add.f32.msk $0xffff, v23  }
0xd8: {  	[tilespmem:s16+$0x40] =	vst.add.f32.msk $0xffff, v22  }
0xd9: {  	[tilespmem:s16+$0x30] =	vst.add.f32.msk $0xffff, v21  }
0xda: {  	[tilespmem:s16+$0x20] =	vst.add.f32.msk $0xffff, v20  }
0xdb: {  	[tilespmem:s16+$0x10] =	vst.add.f32.msk $0xffff, v18;
	s8 =	simm.s32 $0x1CC00  }
0xdc: {  	[hbm4b:s2+s24] =	stream.indirect.scatter [tilespmem:s31], [sflag:$0x6], $0x80, s8, s24, $0xb8;
	[tilespmem:$0x1CE80] =	vst v63  }
0xdd: {  	s30 =	simm.s32 $0x180  }
0xde: {  	v26 =	vld [tilespmem:$0x1FEE0];
	[tilespmem:s0], [sflag:$0x4] =	stream.indirect.gather [spmem:s3], $0x80, s30, s24, $0xb8  }
0xdf: {  	v19 =	vld [tilespmem:s11+$0x6400]  }
0xe0: {  	v18 =	vld [tilespmem:s11+$0x6410]  }
0xe1: {  	v20 =	vld [tilespmem:s11+$0x6420]  }
0xe2: {  	v21 =	vld [tilespmem:s11+$0x6430]  }
0xe3: {  	v22 =	vld [tilespmem:s11+$0x6440]  }
0xe4: {  	v23 =	vld [tilespmem:s11+$0x6450]  }
0xe5: {  	v24 =	vld [tilespmem:s11+$0x6460]  }
0xe6: {  	v25 =	vld [tilespmem:s11+$0x6470]  }
0xe7: {  	[tilespmem:$0x1CC80] =	vst v26;
	v26 =	vld [tilespmem:$0x1FEF0];
	_ =	sdelay $0x4  }
0xe8: {  	[tilespmem:$0x1CC90] =	vst v26;
	v26 =	vld [tilespmem:$0x1FF00];
	_ =	sdelay $0x4  }
0xe9: {  	[tilespmem:$0x1CCA0] =	vst v26;
	v26 =	vld [tilespmem:$0x1FF10];
	_ =	sdelay $0x4  }
0xea: {  	[tilespmem:$0x1CCB0] =	vst v26;
	v26 =	vld [tilespmem:$0x1FF20];
	_ =	sdelay $0x4  }
0xeb: {  	[tilespmem:$0x1CCC0] =	vst v26;
	v26 =	vld [tilespmem:$0x1FF30];
	_ =	sdelay $0x4  }
0xec: {  	[tilespmem:$0x1CCD0] =	vst v26;
	v26 =	vld [tilespmem:$0x1FF40];
	_ =	sdelay $0x4  }
0xed: {  	[tilespmem:$0x1CCE0] =	vst v26;
	v26 =	vld [tilespmem:$0x1FF50];
	_ =	sdelay $0x4  }
0xee: {  	[tilespmem:$0x1CCF0] =	vst v26  }
0xef: {  	_ =	swait.ge [sflag:s23], $0x4000  }
0xf0: {  	[sflag:s23] =	ssyncset.done $0x0  }
0xf1: {  	s15 =	simm.s32 $0xCC00;
	[sflag:s23] =	ssyncadd.s32 $0xFFFFC000  }
0xf2: {  	[tilespmem:s15+$0x0] =	vst.add.f32.msk $0xffff, v19  }
0xf3: {  	[tilespmem:s15+$0x1F0] =	vst.add.f32.msk $0xffff, v25  }
0xf4: {  	[tilespmem:s15+$0x1E0] =	vst.add.f32.msk $0xffff, v24  }
0xf5: {  	[tilespmem:s15+$0x1D0] =	vst.add.f32.msk $0xffff, v23  }
0xf6: {  	[tilespmem:s15+$0x1C0] =	vst.add.f32.msk $0xffff, v22  }
0xf7: {  	[tilespmem:s15+$0x1B0] =	vst.add.f32.msk $0xffff, v21  }
0xf8: {  	[tilespmem:s15+$0x1A0] =	vst.add.f32.msk $0xffff, v20  }
0xf9: {  	[tilespmem:s15+$0x190] =	vst.add.f32.msk $0xffff, v18  }
0xfa: {  	[tilespmem:s15+$0x180] =	vst.add.f32.msk $0xffff, v19  }
0xfb: {  	[tilespmem:s15+$0x170] =	vst.add.f32.msk $0xffff, v25  }
0xfc: {  	[tilespmem:s15+$0x160] =	vst.add.f32.msk $0xffff, v24  }
0xfd: {  	[tilespmem:s15+$0x150] =	vst.add.f32.msk $0xffff, v23  }
0xfe: {  	[tilespmem:s15+$0x140] =	vst.add.f32.msk $0xffff, v22  }
0xff: {  	[tilespmem:s15+$0x130] =	vst.add.f32.msk $0xffff, v21  }
0x100: {  	[tilespmem:s15+$0x120] =	vst.add.f32.msk $0xffff, v20  }
0x101: {  	[tilespmem:s15+$0x110] =	vst.add.f32.msk $0xffff, v18  }
0x102: {  	[tilespmem:s15+$0x100] =	vst.add.f32.msk $0xffff, v19  }
0x103: {  	[tilespmem:s15+$0xF0] =	vst.add.f32.msk $0xffff, v25  }
0x104: {  	[tilespmem:s15+$0xE0] =	vst.add.f32.msk $0xffff, v24  }
0x105: {  	[tilespmem:s15+$0xD0] =	vst.add.f32.msk $0xffff, v23  }
0x106: {  	[tilespmem:s15+$0xC0] =	vst.add.f32.msk $0xffff, v22  }
0x107: {  	[tilespmem:s15+$0xB0] =	vst.add.f32.msk $0xffff, v21  }
0x108: {  	[tilespmem:s15+$0xA0] =	vst.add.f32.msk $0xffff, v20  }
0x109: {  	[tilespmem:s15+$0x90] =	vst.add.f32.msk $0xffff, v18  }
0x10a: {  	[tilespmem:s15+$0x80] =	vst.add.f32.msk $0xffff, v19  }
0x10b: {  	[tilespmem:s15+$0x70] =	vst.add.f32.msk $0xffff, v25  }
0x10c: {  	[tilespmem:s15+$0x60] =	vst.add.f32.msk $0xffff, v24  }
0x10d: {  	[tilespmem:s15+$0x50] =	vst.add.f32.msk $0xffff, v23  }
0x10e: {  	[tilespmem:s15+$0x40] =	vst.add.f32.msk $0xffff, v22  }
0x10f: {  	[tilespmem:s15+$0x30] =	vst.add.f32.msk $0xffff, v21  }
0x110: {  	s16 =	simm.s32 $0x0;
	[tilespmem:s15+$0x20] =	vst.add.f32.msk $0xffff, v20  }
.LBB2_4:
0x111: {  	s16 =	sadd.s32 $0x4, s16;
	[tilespmem:s15+$0x10] =	vst.add.f32.msk $0xffff, v18;
	s15 =	sadd.s32 $0x200, s15  }
0x112: {  	[tilespmem:s15+$0x0] =	vst.add.f32.msk $0xffff, v19;
	p0 =	slt.u32 s16, $0x7C  }
0x113: {  	[tilespmem:s15+$0x1F0] =	vst.add.f32.msk $0xffff, v25  }
0x114: {  	[tilespmem:s15+$0x1E0] =	vst.add.f32.msk $0xffff, v24  }
0x115: {  	[tilespmem:s15+$0x1D0] =	vst.add.f32.msk $0xffff, v23  }
0x116: {  	[tilespmem:s15+$0x1C0] =	vst.add.f32.msk $0xffff, v22  }
0x117: {  	[tilespmem:s15+$0x1B0] =	vst.add.f32.msk $0xffff, v21  }
0x118: {  	[tilespmem:s15+$0x1A0] =	vst.add.f32.msk $0xffff, v20  }
0x119: {  	[tilespmem:s15+$0x190] =	vst.add.f32.msk $0xffff, v18  }
0x11a: {  	[tilespmem:s15+$0x180] =	vst.add.f32.msk $0xffff, v19  }
0x11b: {  	[tilespmem:s15+$0x170] =	vst.add.f32.msk $0xffff, v25  }
0x11c: {  	[tilespmem:s15+$0x160] =	vst.add.f32.msk $0xffff, v24  }
0x11d: {  	[tilespmem:s15+$0x150] =	vst.add.f32.msk $0xffff, v23  }
0x11e: {  	[tilespmem:s15+$0x140] =	vst.add.f32.msk $0xffff, v22  }
0x11f: {  	[tilespmem:s15+$0x130] =	vst.add.f32.msk $0xffff, v21  }
0x120: {  	[tilespmem:s15+$0x120] =	vst.add.f32.msk $0xffff, v20  }
0x121: {  	[tilespmem:s15+$0x110] =	vst.add.f32.msk $0xffff, v18  }
0x122: {  	[tilespmem:s15+$0x100] =	vst.add.f32.msk $0xffff, v19  }
0x123: {  	[tilespmem:s15+$0xF0] =	vst.add.f32.msk $0xffff, v25  }
0x124: {  	[tilespmem:s15+$0xE0] =	vst.add.f32.msk $0xffff, v24  }
0x125: {  	[tilespmem:s15+$0xD0] =	vst.add.f32.msk $0xffff, v23  }
0x126: {  	[tilespmem:s15+$0xC0] =	vst.add.f32.msk $0xffff, v22  }
0x127: {  	[tilespmem:s15+$0xB0] =	vst.add.f32.msk $0xffff, v21  }
0x128: {  	[tilespmem:s15+$0xA0] =	vst.add.f32.msk $0xffff, v20  }
0x129: {  	[tilespmem:s15+$0x90] =	vst.add.f32.msk $0xffff, v18  }
0x12a: {  	[tilespmem:s15+$0x80] =	vst.add.f32.msk $0xffff, v19  }
0x12b: {  	[tilespmem:s15+$0x70] =	vst.add.f32.msk $0xffff, v25  }
.Ltmp1:
0x12c: {  	[tilespmem:s15+$0x60] =	vst.add.f32.msk $0xffff, v24;
	(pc) =	sbr.rel @p0 .LBB2_4-.Ltmp1, $4  }
0x12d: {  	[tilespmem:s15+$0x50] =	vst.add.f32.msk $0xffff, v23  }
0x12e: {  	[tilespmem:s15+$0x40] =	vst.add.f32.msk $0xffff, v22  }
0x12f: {  	[tilespmem:s15+$0x30] =	vst.add.f32.msk $0xffff, v21  }
0x130: {  	[tilespmem:s15+$0x20] =	vst.add.f32.msk $0xffff, v20  }
0x131: {  	[tilespmem:s15+$0x10] =	vst.add.f32.msk $0xffff, v18;
	s8 =	simm.s32 $0x1CC80  }
0x132: {  	[hbm4b:s2+s24] =	stream.indirect.scatter [tilespmem:s25], [sflag:$0x7], $0x80, s8, s24, $0xb8;
	[tilespmem:$0x1CE80] =	vst v63  }
0x133: {  	s30 =	simm.s32 $0x200  }
0x134: {  	v26 =	vld [tilespmem:$0x1FF60];
	[tilespmem:s1], [sflag:$0x5] =	stream.indirect.gather [spmem:s3], $0x80, s30, s24, $0xb8  }
0x135: {  	v19 =	vld [tilespmem:s11+$0x6400]  }
0x136: {  	v18 =	vld [tilespmem:s11+$0x6410]  }
0x137: {  	v20 =	vld [tilespmem:s11+$0x6420]  }
0x138: {  	v21 =	vld [tilespmem:s11+$0x6430]  }
0x139: {  	v22 =	vld [tilespmem:s11+$0x6440]  }
0x13a: {  	v23 =	vld [tilespmem:s11+$0x6450]  }
0x13b: {  	v24 =	vld [tilespmem:s11+$0x6460]  }
0x13c: {  	v25 =	vld [tilespmem:s11+$0x6470]  }
0x13d: {  	[tilespmem:$0x1CD00] =	vst v26;
	v26 =	vld [tilespmem:$0x1FF70];
	_ =	sdelay $0x4  }
0x13e: {  	[tilespmem:$0x1CD10] =	vst v26;
	v26 =	vld [tilespmem:$0x1FF80];
	_ =	sdelay $0x4  }
0x13f: {  	[tilespmem:$0x1CD20] =	vst v26;
	v26 =	vld [tilespmem:$0x1FF90];
	_ =	sdelay $0x4  }
0x140: {  	[tilespmem:$0x1CD30] =	vst v26;
	v26 =	vld [tilespmem:$0x1FFA0];
	_ =	sdelay $0x4  }
0x141: {  	[tilespmem:$0x1CD40] =	vst v26;
	v26 =	vld [tilespmem:$0x1FFB0];
	_ =	sdelay $0x4  }
0x142: {  	[tilespmem:$0x1CD50] =	vst v26;
	v26 =	vld [tilespmem:$0x1FFC0];
	_ =	sdelay $0x4  }
0x143: {  	[tilespmem:$0x1CD60] =	vst v26;
	v26 =	vld [tilespmem:$0x1FFD0];
	_ =	sdelay $0x4  }
0x144: {  	[tilespmem:$0x1CD70] =	vst v26  }
0x145: {  	_ =	swait.ge [sflag:s7], $0x4000  }
0x146: {  	[sflag:s7] =	ssyncset.done $0x0  }
0x147: {  	s15 =	simm.s32 $0x10C00;
	[sflag:s7] =	ssyncadd.s32 $0xFFFFC000  }
0x148: {  	[tilespmem:s15+$0x0] =	vst.add.f32.msk $0xffff, v19  }
0x149: {  	[tilespmem:s15+$0x1F0] =	vst.add.f32.msk $0xffff, v25  }
0x14a: {  	[tilespmem:s15+$0x1E0] =	vst.add.f32.msk $0xffff, v24  }
0x14b: {  	[tilespmem:s15+$0x1D0] =	vst.add.f32.msk $0xffff, v23  }
0x14c: {  	[tilespmem:s15+$0x1C0] =	vst.add.f32.msk $0xffff, v22  }
0x14d: {  	[tilespmem:s15+$0x1B0] =	vst.add.f32.msk $0xffff, v21  }
0x14e: {  	[tilespmem:s15+$0x1A0] =	vst.add.f32.msk $0xffff, v20  }
0x14f: {  	[tilespmem:s15+$0x190] =	vst.add.f32.msk $0xffff, v18  }
0x150: {  	[tilespmem:s15+$0x180] =	vst.add.f32.msk $0xffff, v19  }
0x151: {  	[tilespmem:s15+$0x170] =	vst.add.f32.msk $0xffff, v25  }
0x152: {  	[tilespmem:s15+$0x160] =	vst.add.f32.msk $0xffff, v24  }
0x153: {  	[tilespmem:s15+$0x150] =	vst.add.f32.msk $0xffff, v23  }
0x154: {  	[tilespmem:s15+$0x140] =	vst.add.f32.msk $0xffff, v22  }
0x155: {  	[tilespmem:s15+$0x130] =	vst.add.f32.msk $0xffff, v21  }
0x156: {  	[tilespmem:s15+$0x120] =	vst.add.f32.msk $0xffff, v20  }
0x157: {  	[tilespmem:s15+$0x110] =	vst.add.f32.msk $0xffff, v18  }
0x158: {  	[tilespmem:s15+$0x100] =	vst.add.f32.msk $0xffff, v19  }
0x159: {  	[tilespmem:s15+$0xF0] =	vst.add.f32.msk $0xffff, v25  }
0x15a: {  	[tilespmem:s15+$0xE0] =	vst.add.f32.msk $0xffff, v24  }
0x15b: {  	[tilespmem:s15+$0xD0] =	vst.add.f32.msk $0xffff, v23  }
0x15c: {  	[tilespmem:s15+$0xC0] =	vst.add.f32.msk $0xffff, v22  }
0x15d: {  	[tilespmem:s15+$0xB0] =	vst.add.f32.msk $0xffff, v21  }
0x15e: {  	[tilespmem:s15+$0xA0] =	vst.add.f32.msk $0xffff, v20  }
0x15f: {  	[tilespmem:s15+$0x90] =	vst.add.f32.msk $0xffff, v18  }
0x160: {  	[tilespmem:s15+$0x80] =	vst.add.f32.msk $0xffff, v19  }
0x161: {  	[tilespmem:s15+$0x70] =	vst.add.f32.msk $0xffff, v25  }
0x162: {  	[tilespmem:s15+$0x60] =	vst.add.f32.msk $0xffff, v24  }
0x163: {  	[tilespmem:s15+$0x50] =	vst.add.f32.msk $0xffff, v23  }
0x164: {  	[tilespmem:s15+$0x40] =	vst.add.f32.msk $0xffff, v22  }
0x165: {  	[tilespmem:s15+$0x30] =	vst.add.f32.msk $0xffff, v21  }
0x166: {  	s16 =	simm.s32 $0x0;
	[tilespmem:s15+$0x20] =	vst.add.f32.msk $0xffff, v20  }
.LBB2_6:
0x167: {  	s16 =	sadd.s32 $0x4, s16;
	[tilespmem:s15+$0x10] =	vst.add.f32.msk $0xffff, v18;
	s15 =	sadd.s32 $0x200, s15  }
0x168: {  	[tilespmem:s15+$0x0] =	vst.add.f32.msk $0xffff, v19;
	p0 =	slt.u32 s16, $0x7C  }
0x169: {  	[tilespmem:s15+$0x1F0] =	vst.add.f32.msk $0xffff, v25  }
0x16a: {  	[tilespmem:s15+$0x1E0] =	vst.add.f32.msk $0xffff, v24  }
0x16b: {  	[tilespmem:s15+$0x1D0] =	vst.add.f32.msk $0xffff, v23  }
0x16c: {  	[tilespmem:s15+$0x1C0] =	vst.add.f32.msk $0xffff, v22  }
0x16d: {  	[tilespmem:s15+$0x1B0] =	vst.add.f32.msk $0xffff, v21  }
0x16e: {  	[tilespmem:s15+$0x1A0] =	vst.add.f32.msk $0xffff, v20  }
0x16f: {  	[tilespmem:s15+$0x190] =	vst.add.f32.msk $0xffff, v18  }
0x170: {  	[tilespmem:s15+$0x180] =	vst.add.f32.msk $0xffff, v19  }
0x171: {  	[tilespmem:s15+$0x170] =	vst.add.f32.msk $0xffff, v25  }
0x172: {  	[tilespmem:s15+$0x160] =	vst.add.f32.msk $0xffff, v24  }
0x173: {  	[tilespmem:s15+$0x150] =	vst.add.f32.msk $0xffff, v23  }
0x174: {  	[tilespmem:s15+$0x140] =	vst.add.f32.msk $0xffff, v22  }
0x175: {  	[tilespmem:s15+$0x130] =	vst.add.f32.msk $0xffff, v21  }
0x176: {  	[tilespmem:s15+$0x120] =	vst.add.f32.msk $0xffff, v20  }
0x177: {  	[tilespmem:s15+$0x110] =	vst.add.f32.msk $0xffff, v18  }
0x178: {  	[tilespmem:s15+$0x100] =	vst.add.f32.msk $0xffff, v19  }
0x179: {  	[tilespmem:s15+$0xF0] =	vst.add.f32.msk $0xffff, v25  }
0x17a: {  	[tilespmem:s15+$0xE0] =	vst.add.f32.msk $0xffff, v24  }
0x17b: {  	[tilespmem:s15+$0xD0] =	vst.add.f32.msk $0xffff, v23  }
0x17c: {  	[tilespmem:s15+$0xC0] =	vst.add.f32.msk $0xffff, v22  }
0x17d: {  	[tilespmem:s15+$0xB0] =	vst.add.f32.msk $0xffff, v21  }
0x17e: {  	[tilespmem:s15+$0xA0] =	vst.add.f32.msk $0xffff, v20  }
0x17f: {  	[tilespmem:s15+$0x90] =	vst.add.f32.msk $0xffff, v18  }
0x180: {  	[tilespmem:s15+$0x80] =	vst.add.f32.msk $0xffff, v19  }
0x181: {  	[tilespmem:s15+$0x70] =	vst.add.f32.msk $0xffff, v25  }
.Ltmp2:
0x182: {  	[tilespmem:s15+$0x60] =	vst.add.f32.msk $0xffff, v24;
	(pc) =	sbr.rel @p0 .LBB2_6-.Ltmp2, $4  }
0x183: {  	[tilespmem:s15+$0x50] =	vst.add.f32.msk $0xffff, v23  }
0x184: {  	[tilespmem:s15+$0x40] =	vst.add.f32.msk $0xffff, v22  }
0x185: {  	[tilespmem:s15+$0x30] =	vst.add.f32.msk $0xffff, v21  }
0x186: {  	[tilespmem:s15+$0x20] =	vst.add.f32.msk $0xffff, v20  }
0x187: {  	[tilespmem:s15+$0x10] =	vst.add.f32.msk $0xffff, v18;
	s8 =	simm.s32 $0x1CD00  }
0x188: {  	[hbm4b:s2+s24] =	stream.indirect.scatter [tilespmem:s28], [sflag:$0x8], $0x80, s8, s24, $0xb8;
	[tilespmem:$0x1CE80] =	vst v63  }
0x189: {  	_ =	swait.ge [sflag:s9], $0x4000  }
0x18a: {  	[sflag:s9] =	ssyncset.done $0x0  }
0x18b: {  	s30 =	simm.s32 $0x280;
	[sflag:s9] =	ssyncadd.s32 $0xFFFFC000  }
0x18c: {  	v26 =	vld [tilespmem:$0x1FFE0];
	[tilespmem:s31], [sflag:$0x1] =	stream.indirect.gather [spmem:s3], $0x80, s30, s24, $0xb8  }
0x18d: {  	v19 =	vld [tilespmem:s11+$0x6400]  }
0x18e: {  	v18 =	vld [tilespmem:s11+$0x6410]  }
0x18f: {  	v20 =	vld [tilespmem:s11+$0x6420]  }
0x190: {  	v21 =	vld [tilespmem:s11+$0x6430]  }
0x191: {  	v22 =	vld [tilespmem:s11+$0x6440]  }
0x192: {  	v23 =	vld [tilespmem:s11+$0x6450]  }
0x193: {  	v24 =	vld [tilespmem:s11+$0x6460]  }
0x194: {  	v25 =	vld [tilespmem:s11+$0x6470];
	[tilespmem:$0x1CDA0] =	vst v27  }
0x195: {  	[tilespmem:$0x1CDB0] =	vst v28  }
0x196: {  	[tilespmem:$0x1CD80] =	vst v26;
	v26 =	vld [tilespmem:$0x1FFF0]  }
0x197: {  	[tilespmem:$0x1CDC0] =	vst v29  }
0x198: {  	[tilespmem:$0x1CDD0] =	vst v30  }
0x199: {  	[tilespmem:$0x1CDE0] =	vst v31  }
0x19a: {  	[tilespmem:$0x1CDF0] =	vst v32  }
0x19b: {  	[tilespmem:$0x1CD90] =	vst v26  }
0x19c: {  	_ =	swait.ge [sflag:s10], $0x4000  }
0x19d: {  	[sflag:s10] =	ssyncset.done $0x0  }
0x19e: {  	s15 =	simm.s32 $0x14C00;
	[sflag:s10] =	ssyncadd.s32 $0xFFFFC000  }
0x19f: {  	[tilespmem:s15+$0x0] =	vst.add.f32.msk $0xffff, v19  }
0x1a0: {  	[tilespmem:s15+$0x1F0] =	vst.add.f32.msk $0xffff, v25  }
0x1a1: {  	[tilespmem:s15+$0x1E0] =	vst.add.f32.msk $0xffff, v24  }
0x1a2: {  	[tilespmem:s15+$0x1D0] =	vst.add.f32.msk $0xffff, v23  }
0x1a3: {  	[tilespmem:s15+$0x1C0] =	vst.add.f32.msk $0xffff, v22  }
0x1a4: {  	[tilespmem:s15+$0x1B0] =	vst.add.f32.msk $0xffff, v21  }
0x1a5: {  	[tilespmem:s15+$0x1A0] =	vst.add.f32.msk $0xffff, v20  }
0x1a6: {  	[tilespmem:s15+$0x190] =	vst.add.f32.msk $0xffff, v18  }
0x1a7: {  	[tilespmem:s15+$0x180] =	vst.add.f32.msk $0xffff, v19  }
0x1a8: {  	[tilespmem:s15+$0x170] =	vst.add.f32.msk $0xffff, v25  }
0x1a9: {  	[tilespmem:s15+$0x160] =	vst.add.f32.msk $0xffff, v24  }
0x1aa: {  	[tilespmem:s15+$0x150] =	vst.add.f32.msk $0xffff, v23  }
0x1ab: {  	[tilespmem:s15+$0x140] =	vst.add.f32.msk $0xffff, v22  }
0x1ac: {  	[tilespmem:s15+$0x130] =	vst.add.f32.msk $0xffff, v21  }
0x1ad: {  	[tilespmem:s15+$0x120] =	vst.add.f32.msk $0xffff, v20  }
0x1ae: {  	[tilespmem:s15+$0x110] =	vst.add.f32.msk $0xffff, v18  }
0x1af: {  	[tilespmem:s15+$0x100] =	vst.add.f32.msk $0xffff, v19  }
0x1b0: {  	[tilespmem:s15+$0xF0] =	vst.add.f32.msk $0xffff, v25  }
0x1b1: {  	[tilespmem:s15+$0xE0] =	vst.add.f32.msk $0xffff, v24  }
0x1b2: {  	[tilespmem:s15+$0xD0] =	vst.add.f32.msk $0xffff, v23  }
0x1b3: {  	[tilespmem:s15+$0xC0] =	vst.add.f32.msk $0xffff, v22  }
0x1b4: {  	[tilespmem:s15+$0xB0] =	vst.add.f32.msk $0xffff, v21  }
0x1b5: {  	[tilespmem:s15+$0xA0] =	vst.add.f32.msk $0xffff, v20  }
0x1b6: {  	[tilespmem:s15+$0x90] =	vst.add.f32.msk $0xffff, v18  }
0x1b7: {  	[tilespmem:s15+$0x80] =	vst.add.f32.msk $0xffff, v19  }
0x1b8: {  	[tilespmem:s15+$0x70] =	vst.add.f32.msk $0xffff, v25  }
0x1b9: {  	[tilespmem:s15+$0x60] =	vst.add.f32.msk $0xffff, v24  }
0x1ba: {  	[tilespmem:s15+$0x50] =	vst.add.f32.msk $0xffff, v23  }
0x1bb: {  	[tilespmem:s15+$0x40] =	vst.add.f32.msk $0xffff, v22  }
0x1bc: {  	[tilespmem:s15+$0x30] =	vst.add.f32.msk $0xffff, v21  }
0x1bd: {  	s16 =	simm.s32 $0x0;
	[tilespmem:s15+$0x20] =	vst.add.f32.msk $0xffff, v20  }
.LBB2_8:
0x1be: {  	s16 =	sadd.s32 $0x4, s16;
	[tilespmem:s15+$0x10] =	vst.add.f32.msk $0xffff, v18;
	s15 =	sadd.s32 $0x200, s15  }
0x1bf: {  	[tilespmem:s15+$0x0] =	vst.add.f32.msk $0xffff, v19;
	p0 =	slt.u32 s16, $0x7C  }
0x1c0: {  	[tilespmem:s15+$0x1F0] =	vst.add.f32.msk $0xffff, v25  }
0x1c1: {  	[tilespmem:s15+$0x1E0] =	vst.add.f32.msk $0xffff, v24  }
0x1c2: {  	[tilespmem:s15+$0x1D0] =	vst.add.f32.msk $0xffff, v23  }
0x1c3: {  	[tilespmem:s15+$0x1C0] =	vst.add.f32.msk $0xffff, v22  }
0x1c4: {  	[tilespmem:s15+$0x1B0] =	vst.add.f32.msk $0xffff, v21  }
0x1c5: {  	[tilespmem:s15+$0x1A0] =	vst.add.f32.msk $0xffff, v20  }
0x1c6: {  	[tilespmem:s15+$0x190] =	vst.add.f32.msk $0xffff, v18  }
0x1c7: {  	[tilespmem:s15+$0x180] =	vst.add.f32.msk $0xffff, v19  }
0x1c8: {  	[tilespmem:s15+$0x170] =	vst.add.f32.msk $0xffff, v25  }
0x1c9: {  	[tilespmem:s15+$0x160] =	vst.add.f32.msk $0xffff, v24  }
0x1ca: {  	[tilespmem:s15+$0x150] =	vst.add.f32.msk $0xffff, v23  }
0x1cb: {  	[tilespmem:s15+$0x140] =	vst.add.f32.msk $0xffff, v22  }
0x1cc: {  	[tilespmem:s15+$0x130] =	vst.add.f32.msk $0xffff, v21  }
0x1cd: {  	[tilespmem:s15+$0x120] =	vst.add.f32.msk $0xffff, v20  }
0x1ce: {  	[tilespmem:s15+$0x110] =	vst.add.f32.msk $0xffff, v18  }
0x1cf: {  	[tilespmem:s15+$0x100] =	vst.add.f32.msk $0xffff, v19  }
0x1d0: {  	[tilespmem:s15+$0xF0] =	vst.add.f32.msk $0xffff, v25  }
0x1d1: {  	[tilespmem:s15+$0xE0] =	vst.add.f32.msk $0xffff, v24  }
0x1d2: {  	[tilespmem:s15+$0xD0] =	vst.add.f32.msk $0xffff, v23  }
0x1d3: {  	[tilespmem:s15+$0xC0] =	vst.add.f32.msk $0xffff, v22  }
0x1d4: {  	[tilespmem:s15+$0xB0] =	vst.add.f32.msk $0xffff, v21  }
0x1d5: {  	[tilespmem:s15+$0xA0] =	vst.add.f32.msk $0xffff, v20  }
0x1d6: {  	[tilespmem:s15+$0x90] =	vst.add.f32.msk $0xffff, v18  }
0x1d7: {  	[tilespmem:s15+$0x80] =	vst.add.f32.msk $0xffff, v19  }
0x1d8: {  	[tilespmem:s15+$0x70] =	vst.add.f32.msk $0xffff, v25  }
.Ltmp3:
0x1d9: {  	[tilespmem:s15+$0x60] =	vst.add.f32.msk $0xffff, v24;
	(pc) =	sbr.rel @p0 .LBB2_8-.Ltmp3, $4  }
0x1da: {  	[tilespmem:s15+$0x50] =	vst.add.f32.msk $0xffff, v23  }
0x1db: {  	[tilespmem:s15+$0x40] =	vst.add.f32.msk $0xffff, v22  }
0x1dc: {  	[tilespmem:s15+$0x30] =	vst.add.f32.msk $0xffff, v21  }
0x1dd: {  	[tilespmem:s15+$0x20] =	vst.add.f32.msk $0xffff, v20  }
0x1de: {  	[tilespmem:s15+$0x10] =	vst.add.f32.msk $0xffff, v18;
	s8 =	simm.s32 $0x1CD80  }
0x1df: {  	[hbm4b:s2+s24] =	stream.indirect.scatter [tilespmem:s0], [sflag:$0x9], $0x80, s8, s24, $0xb8;
	[tilespmem:$0x1CE80] =	vst v63  }
0x1e0: {  	_ =	swait.ge [sflag:s18], $0x4000  }
0x1e1: {  	[sflag:s18] =	ssyncset.done $0x0  }
0x1e2: {  	s30 =	simm.s32 $0x300;
	[sflag:s18] =	ssyncadd.s32 $0xFFFFC000  }
0x1e3: {  	[tilespmem:s25], [sflag:$0x2] =	stream.indirect.gather [spmem:s3], $0x80, s30, s24, $0xb8;
	[tilespmem:$0x1CE80] =	vst v63  }
0x1e4: {  	v19 =	vld [tilespmem:s11+$0x6400]  }
0x1e5: {  	v18 =	vld [tilespmem:s11+$0x6410]  }
0x1e6: {  	v20 =	vld [tilespmem:s11+$0x6420]  }
0x1e7: {  	v21 =	vld [tilespmem:s11+$0x6430]  }
0x1e8: {  	v22 =	vld [tilespmem:s11+$0x6440]  }
0x1e9: {  	v23 =	vld [tilespmem:s11+$0x6450]  }
0x1ea: {  	v24 =	vld [tilespmem:s11+$0x6460]  }
0x1eb: {  	v25 =	vld [tilespmem:s11+$0x6470];
	[tilespmem:$0x1CE00] =	vst v33  }
0x1ec: {  	[tilespmem:$0x1CE10] =	vst v34  }
0x1ed: {  	[tilespmem:$0x1CE20] =	vst v35  }
0x1ee: {  	[tilespmem:$0x1CE30] =	vst v36  }
0x1ef: {  	[tilespmem:$0x1CE40] =	vst v37  }
0x1f0: {  	[tilespmem:$0x1CE50] =	vst v38  }
0x1f1: {  	[tilespmem:$0x1CE60] =	vst v39  }
0x1f2: {  	[tilespmem:$0x1CE70] =	vst v40  }
0x1f3: {  	_ =	swait.ge [sflag:s4], $0x4000  }
0x1f4: {  	[sflag:s4] =	ssyncset.done $0x0  }
0x1f5: {  	s15 =	simm.s32 $0x18C00;
	[sflag:s4] =	ssyncadd.s32 $0xFFFFC000  }
0x1f6: {  	[tilespmem:s15+$0x0] =	vst.add.f32.msk $0xffff, v19  }
0x1f7: {  	[tilespmem:s15+$0x1F0] =	vst.add.f32.msk $0xffff, v25  }
0x1f8: {  	[tilespmem:s15+$0x1E0] =	vst.add.f32.msk $0xffff, v24  }
0x1f9: {  	[tilespmem:s15+$0x1D0] =	vst.add.f32.msk $0xffff, v23  }
0x1fa: {  	[tilespmem:s15+$0x1C0] =	vst.add.f32.msk $0xffff, v22  }
0x1fb: {  	[tilespmem:s15+$0x1B0] =	vst.add.f32.msk $0xffff, v21  }
0x1fc: {  	[tilespmem:s15+$0x1A0] =	vst.add.f32.msk $0xffff, v20  }
0x1fd: {  	[tilespmem:s15+$0x190] =	vst.add.f32.msk $0xffff, v18  }
0x1fe: {  	[tilespmem:s15+$0x180] =	vst.add.f32.msk $0xffff, v19  }
0x1ff: {  	[tilespmem:s15+$0x170] =	vst.add.f32.msk $0xffff, v25  }
0x200: {  	[tilespmem:s15+$0x160] =	vst.add.f32.msk $0xffff, v24  }
0x201: {  	[tilespmem:s15+$0x150] =	vst.add.f32.msk $0xffff, v23  }
0x202: {  	[tilespmem:s15+$0x140] =	vst.add.f32.msk $0xffff, v22  }
0x203: {  	[tilespmem:s15+$0x130] =	vst.add.f32.msk $0xffff, v21  }
0x204: {  	[tilespmem:s15+$0x120] =	vst.add.f32.msk $0xffff, v20  }
0x205: {  	[tilespmem:s15+$0x110] =	vst.add.f32.msk $0xffff, v18  }
0x206: {  	[tilespmem:s15+$0x100] =	vst.add.f32.msk $0xffff, v19  }
0x207: {  	[tilespmem:s15+$0xF0] =	vst.add.f32.msk $0xffff, v25  }
0x208: {  	[tilespmem:s15+$0xE0] =	vst.add.f32.msk $0xffff, v24  }
0x209: {  	[tilespmem:s15+$0xD0] =	vst.add.f32.msk $0xffff, v23  }
0x20a: {  	[tilespmem:s15+$0xC0] =	vst.add.f32.msk $0xffff, v22  }
0x20b: {  	[tilespmem:s15+$0xB0] =	vst.add.f32.msk $0xffff, v21  }
0x20c: {  	[tilespmem:s15+$0xA0] =	vst.add.f32.msk $0xffff, v20  }
0x20d: {  	[tilespmem:s15+$0x90] =	vst.add.f32.msk $0xffff, v18  }
0x20e: {  	[tilespmem:s15+$0x80] =	vst.add.f32.msk $0xffff, v19  }
0x20f: {  	[tilespmem:s15+$0x70] =	vst.add.f32.msk $0xffff, v25  }
0x210: {  	[tilespmem:s15+$0x60] =	vst.add.f32.msk $0xffff, v24  }
0x211: {  	[tilespmem:s15+$0x50] =	vst.add.f32.msk $0xffff, v23  }
0x212: {  	[tilespmem:s15+$0x40] =	vst.add.f32.msk $0xffff, v22  }
0x213: {  	[tilespmem:s15+$0x30] =	vst.add.f32.msk $0xffff, v21  }
0x214: {  	s16 =	simm.s32 $0x0;
	[tilespmem:s15+$0x20] =	vst.add.f32.msk $0xffff, v20  }
.LBB2_10:
0x215: {  	s16 =	sadd.s32 $0x4, s16;
	[tilespmem:s15+$0x10] =	vst.add.f32.msk $0xffff, v18;
	s15 =	sadd.s32 $0x200, s15  }
0x216: {  	[tilespmem:s15+$0x0] =	vst.add.f32.msk $0xffff, v19;
	p0 =	slt.u32 s16, $0x7C  }
0x217: {  	[tilespmem:s15+$0x1F0] =	vst.add.f32.msk $0xffff, v25  }
0x218: {  	[tilespmem:s15+$0x1E0] =	vst.add.f32.msk $0xffff, v24  }
0x219: {  	[tilespmem:s15+$0x1D0] =	vst.add.f32.msk $0xffff, v23  }
0x21a: {  	[tilespmem:s15+$0x1C0] =	vst.add.f32.msk $0xffff, v22  }
0x21b: {  	[tilespmem:s15+$0x1B0] =	vst.add.f32.msk $0xffff, v21  }
0x21c: {  	[tilespmem:s15+$0x1A0] =	vst.add.f32.msk $0xffff, v20  }
0x21d: {  	[tilespmem:s15+$0x190] =	vst.add.f32.msk $0xffff, v18  }
0x21e: {  	[tilespmem:s15+$0x180] =	vst.add.f32.msk $0xffff, v19  }
0x21f: {  	[tilespmem:s15+$0x170] =	vst.add.f32.msk $0xffff, v25  }
0x220: {  	[tilespmem:s15+$0x160] =	vst.add.f32.msk $0xffff, v24  }
0x221: {  	[tilespmem:s15+$0x150] =	vst.add.f32.msk $0xffff, v23  }
0x222: {  	[tilespmem:s15+$0x140] =	vst.add.f32.msk $0xffff, v22  }
0x223: {  	[tilespmem:s15+$0x130] =	vst.add.f32.msk $0xffff, v21  }
0x224: {  	[tilespmem:s15+$0x120] =	vst.add.f32.msk $0xffff, v20  }
0x225: {  	[tilespmem:s15+$0x110] =	vst.add.f32.msk $0xffff, v18  }
0x226: {  	[tilespmem:s15+$0x100] =	vst.add.f32.msk $0xffff, v19  }
0x227: {  	[tilespmem:s15+$0xF0] =	vst.add.f32.msk $0xffff, v25  }
0x228: {  	[tilespmem:s15+$0xE0] =	vst.add.f32.msk $0xffff, v24  }
0x229: {  	[tilespmem:s15+$0xD0] =	vst.add.f32.msk $0xffff, v23  }
0x22a: {  	[tilespmem:s15+$0xC0] =	vst.add.f32.msk $0xffff, v22  }
0x22b: {  	[tilespmem:s15+$0xB0] =	vst.add.f32.msk $0xffff, v21  }
0x22c: {  	[tilespmem:s15+$0xA0] =	vst.add.f32.msk $0xffff, v20  }
0x22d: {  	[tilespmem:s15+$0x90] =	vst.add.f32.msk $0xffff, v18  }
0x22e: {  	[tilespmem:s15+$0x80] =	vst.add.f32.msk $0xffff, v19  }
0x22f: {  	[tilespmem:s15+$0x70] =	vst.add.f32.msk $0xffff, v25  }
.Ltmp4:
0x230: {  	[tilespmem:s15+$0x60] =	vst.add.f32.msk $0xffff, v24;
	(pc) =	sbr.rel @p0 .LBB2_10-.Ltmp4, $4  }
0x231: {  	[tilespmem:s15+$0x50] =	vst.add.f32.msk $0xffff, v23  }
0x232: {  	[tilespmem:s15+$0x40] =	vst.add.f32.msk $0xffff, v22  }
0x233: {  	[tilespmem:s15+$0x30] =	vst.add.f32.msk $0xffff, v21  }
0x234: {  	[tilespmem:s15+$0x20] =	vst.add.f32.msk $0xffff, v20  }
0x235: {  	[tilespmem:s15+$0x10] =	vst.add.f32.msk $0xffff, v18  }
0x236: {  	[hbm4b:s2+s24] =	stream.indirect.scatter [tilespmem:s1], [sflag:$0xA], $0x80, s22, s24, $0xb8;
	[tilespmem:$0x1CE80] =	vst v63  }
0x237: {  	_ =	swait.ge [sflag:s12], $0x4000  }
0x238: {  	[sflag:s12] =	ssyncset.done $0x0  }
0x239: {  	s8 =	simm.s32 $0x380;
	s15 =	simm.s32 $0x0;
	[sflag:s12] =	ssyncadd.s32 $0xFFFFC000  }
0x23a: {  	[tilespmem:s28], [sflag:$0x3] =	stream.indirect.gather [spmem:s3], $0x80, s8, s24, $0xb8;
	[tilespmem:$0x1CE80] =	vst v63  }
.LBB2_12:
0x23b: {  	s26 =	smul.u32 $0x280, s15;
	_ =	sdelay $0x1  }
0x23c: {  	s8 =	sadd.s32 s26, s19  }
0x23d: {  	s16 =	sshrl.u32 s8, $0xC  }
0x23e: {  	s30 =	ssub.s32 s16, s6  }
0x23f: {  	s30 =	sshll.u32 s30, $0x9  }
0x240: {  	s30 =	sshra.s32 s30, $0x2  }
0x241: {  	v19 =	vld [tilespmem:s30+$0x6400]  }
0x242: {  	v18 =	vld [tilespmem:s30+$0x6410]  }
0x243: {  	s8 =	sand.u32 $0xF80, s8;
	v20 =	vld [tilespmem:s30+$0x6420]  }
0x244: {  	s8 =	smul.u32 $0xC8, s8;
	v21 =	vld [tilespmem:s30+$0x6430]  }
0x245: {  	v22 =	vld [tilespmem:s30+$0x6440]  }
0x246: {  	s8 =	sadd.s32 s16, s8;
	v23 =	vld [tilespmem:s30+$0x6450]  }
0x247: {  	v24 =	vld [tilespmem:s30+$0x6460];
	v26 =	vadd.s32 s8, v0;
	s16 =	sadd.s32 $0xC80, s8  }
0x248: {  	v25 =	vld [tilespmem:s30+$0x6470];
	s17 =	sadd.s32 $0x1900, s8;
	[tilespmem:$0x1CC00] =	vst v26;
	v26 =	vadd.s32 s16, v0  }
0x249: {  	[tilespmem:$0x1CC10] =	vst v26;
	v26 =	vadd.s32 s17, v0;
	s17 =	sadd.s32 $0x2580, s8  }
0x24a: {  	[tilespmem:$0x1CC20] =	vst v26;
	v26 =	vadd.s32 s17, v0;
	s17 =	sadd.s32 $0x3200, s8  }
0x24b: {  	[tilespmem:$0x1CC30] =	vst v26;
	v26 =	vadd.s32 s17, v0;
	s17 =	sadd.s32 $0x3E80, s8  }
0x24c: {  	[tilespmem:$0x1CC40] =	vst v26;
	v26 =	vadd.s32 s17, v0;
	s17 =	sadd.s32 $0x4B00, s8  }
0x24d: {  	s8 =	sadd.s32 $0x5780, s8;
	[tilespmem:$0x1CC50] =	vst v26;
	v26 =	vadd.s32 s17, v0  }
0x24e: {  	[tilespmem:$0x1CC60] =	vst v26;
	v26 =	vadd.s32 s8, v0  }
0x24f: {  	[tilespmem:$0x1CC70] =	vst v26  }
0x250: {  	_ =	swait.ge [sflag:s29], $0x4000  }
0x251: {  	[sflag:s29] =	ssyncset.done $0x0  }
0x252: {  	s16 =	simm.s32 $0x8C00;
	[sflag:s29] =	ssyncadd.s32 $0xFFFFC000  }
0x253: {  	[tilespmem:s16+$0x0] =	vst.add.f32.msk $0xffff, v19  }
0x254: {  	[tilespmem:s16+$0x1F0] =	vst.add.f32.msk $0xffff, v25  }
0x255: {  	[tilespmem:s16+$0x1E0] =	vst.add.f32.msk $0xffff, v24  }
0x256: {  	[tilespmem:s16+$0x1D0] =	vst.add.f32.msk $0xffff, v23  }
0x257: {  	[tilespmem:s16+$0x1C0] =	vst.add.f32.msk $0xffff, v22  }
0x258: {  	[tilespmem:s16+$0x1B0] =	vst.add.f32.msk $0xffff, v21  }
0x259: {  	[tilespmem:s16+$0x1A0] =	vst.add.f32.msk $0xffff, v20  }
0x25a: {  	[tilespmem:s16+$0x190] =	vst.add.f32.msk $0xffff, v18  }
0x25b: {  	[tilespmem:s16+$0x180] =	vst.add.f32.msk $0xffff, v19  }
0x25c: {  	[tilespmem:s16+$0x170] =	vst.add.f32.msk $0xffff, v25  }
0x25d: {  	[tilespmem:s16+$0x160] =	vst.add.f32.msk $0xffff, v24  }
0x25e: {  	[tilespmem:s16+$0x150] =	vst.add.f32.msk $0xffff, v23  }
0x25f: {  	[tilespmem:s16+$0x140] =	vst.add.f32.msk $0xffff, v22  }
0x260: {  	[tilespmem:s16+$0x130] =	vst.add.f32.msk $0xffff, v21  }
0x261: {  	[tilespmem:s16+$0x120] =	vst.add.f32.msk $0xffff, v20  }
0x262: {  	[tilespmem:s16+$0x110] =	vst.add.f32.msk $0xffff, v18  }
0x263: {  	[tilespmem:s16+$0x100] =	vst.add.f32.msk $0xffff, v19  }
0x264: {  	[tilespmem:s16+$0xF0] =	vst.add.f32.msk $0xffff, v25  }
0x265: {  	[tilespmem:s16+$0xE0] =	vst.add.f32.msk $0xffff, v24  }
0x266: {  	[tilespmem:s16+$0xD0] =	vst.add.f32.msk $0xffff, v23  }
0x267: {  	[tilespmem:s16+$0xC0] =	vst.add.f32.msk $0xffff, v22  }
0x268: {  	[tilespmem:s16+$0xB0] =	vst.add.f32.msk $0xffff, v21  }
0x269: {  	[tilespmem:s16+$0xA0] =	vst.add.f32.msk $0xffff, v20  }
0x26a: {  	[tilespmem:s16+$0x90] =	vst.add.f32.msk $0xffff, v18  }
0x26b: {  	[tilespmem:s16+$0x80] =	vst.add.f32.msk $0xffff, v19  }
0x26c: {  	[tilespmem:s16+$0x70] =	vst.add.f32.msk $0xffff, v25  }
0x26d: {  	[tilespmem:s16+$0x60] =	vst.add.f32.msk $0xffff, v24  }
0x26e: {  	[tilespmem:s16+$0x50] =	vst.add.f32.msk $0xffff, v23  }
0x26f: {  	[tilespmem:s16+$0x40] =	vst.add.f32.msk $0xffff, v22  }
0x270: {  	[tilespmem:s16+$0x30] =	vst.add.f32.msk $0xffff, v21  }
0x271: {  	s30 =	simm.s32 $0x0;
	[tilespmem:s16+$0x20] =	vst.add.f32.msk $0xffff, v20  }
.LBB2_13:
0x272: {  	s30 =	sadd.s32 $0x4, s30;
	[tilespmem:s16+$0x10] =	vst.add.f32.msk $0xffff, v18;
	s16 =	sadd.s32 $0x200, s16  }
0x273: {  	[tilespmem:s16+$0x0] =	vst.add.f32.msk $0xffff, v19;
	p0 =	slt.u32 s30, $0x7C  }
0x274: {  	[tilespmem:s16+$0x1F0] =	vst.add.f32.msk $0xffff, v25  }
0x275: {  	[tilespmem:s16+$0x1E0] =	vst.add.f32.msk $0xffff, v24  }
0x276: {  	[tilespmem:s16+$0x1D0] =	vst.add.f32.msk $0xffff, v23  }
0x277: {  	[tilespmem:s16+$0x1C0] =	vst.add.f32.msk $0xffff, v22  }
0x278: {  	[tilespmem:s16+$0x1B0] =	vst.add.f32.msk $0xffff, v21  }
0x279: {  	[tilespmem:s16+$0x1A0] =	vst.add.f32.msk $0xffff, v20  }
0x27a: {  	[tilespmem:s16+$0x190] =	vst.add.f32.msk $0xffff, v18  }
0x27b: {  	[tilespmem:s16+$0x180] =	vst.add.f32.msk $0xffff, v19  }
0x27c: {  	[tilespmem:s16+$0x170] =	vst.add.f32.msk $0xffff, v25  }
0x27d: {  	[tilespmem:s16+$0x160] =	vst.add.f32.msk $0xffff, v24  }
0x27e: {  	[tilespmem:s16+$0x150] =	vst.add.f32.msk $0xffff, v23  }
0x27f: {  	[tilespmem:s16+$0x140] =	vst.add.f32.msk $0xffff, v22  }
0x280: {  	[tilespmem:s16+$0x130] =	vst.add.f32.msk $0xffff, v21  }
0x281: {  	[tilespmem:s16+$0x120] =	vst.add.f32.msk $0xffff, v20  }
0x282: {  	[tilespmem:s16+$0x110] =	vst.add.f32.msk $0xffff, v18  }
0x283: {  	[tilespmem:s16+$0x100] =	vst.add.f32.msk $0xffff, v19  }
0x284: {  	[tilespmem:s16+$0xF0] =	vst.add.f32.msk $0xffff, v25  }
0x285: {  	[tilespmem:s16+$0xE0] =	vst.add.f32.msk $0xffff, v24  }
0x286: {  	[tilespmem:s16+$0xD0] =	vst.add.f32.msk $0xffff, v23  }
0x287: {  	[tilespmem:s16+$0xC0] =	vst.add.f32.msk $0xffff, v22  }
0x288: {  	[tilespmem:s16+$0xB0] =	vst.add.f32.msk $0xffff, v21  }
0x289: {  	[tilespmem:s16+$0xA0] =	vst.add.f32.msk $0xffff, v20  }
0x28a: {  	[tilespmem:s16+$0x90] =	vst.add.f32.msk $0xffff, v18  }
0x28b: {  	[tilespmem:s16+$0x80] =	vst.add.f32.msk $0xffff, v19  }
0x28c: {  	[tilespmem:s16+$0x70] =	vst.add.f32.msk $0xffff, v25  }
.Ltmp5:
0x28d: {  	[tilespmem:s16+$0x60] =	vst.add.f32.msk $0xffff, v24;
	(pc) =	sbr.rel @p0 .LBB2_13-.Ltmp5, $4  }
0x28e: {  	[tilespmem:s16+$0x50] =	vst.add.f32.msk $0xffff, v23  }
0x28f: {  	[tilespmem:s16+$0x40] =	vst.add.f32.msk $0xffff, v22  }
0x290: {  	[tilespmem:s16+$0x30] =	vst.add.f32.msk $0xffff, v21  }
0x291: {  	[tilespmem:s16+$0x20] =	vst.add.f32.msk $0xffff, v20  }
0x292: {  	[tilespmem:s16+$0x10] =	vst.add.f32.msk $0xffff, v18;
	s8 =	simm.s32 $0x1CC00  }
0x293: {  	[hbm4b:s2+s24] =	stream.indirect.scatter [tilespmem:s31], [sflag:$0x6], $0x80, s8, s24, $0xb8;
	[tilespmem:$0x1CE80] =	vst v63  }
0x294: {  	s8 =	sadd.s32 s26, s20  }
0x295: {  	_ =	swait.ge [sflag:s13], $0x4000;
	s30 =	sshrl.u32 s8, $0xC  }
0x296: {  	[sflag:s13] =	ssyncset.done $0x0;
	s17 =	ssub.s32 s30, s6  }
0x297: {  	s16 =	sadd.s32 $0x400, s26;
	[sflag:s13] =	ssyncadd.s32 $0xFFFFC000;
	s17 =	sshll.u32 s17, $0x9  }
0x298: {  	[tilespmem:s0], [sflag:$0x4] =	stream.indirect.gather [spmem:s3], $0x80, s16, s24, $0xb8;
	[tilespmem:$0x1CE80] =	vst v63  }
0x299: {  	s17 =	sshra.s32 s17, $0x2  }
0x29a: {  	v19 =	vld [tilespmem:s17+$0x6400]  }
0x29b: {  	v18 =	vld [tilespmem:s17+$0x6410]  }
0x29c: {  	v20 =	vld [tilespmem:s17+$0x6420]  }
0x29d: {  	s8 =	sand.u32 $0xF80, s8;
	v21 =	vld [tilespmem:s17+$0x6430]  }
0x29e: {  	s8 =	smul.u32 $0xC8, s8;
	v22 =	vld [tilespmem:s17+$0x6440]  }
0x29f: {  	v23 =	vld [tilespmem:s17+$0x6450]  }
0x2a0: {  	s8 =	sadd.s32 s30, s8;
	v24 =	vld [tilespmem:s17+$0x6460]  }
0x2a1: {  	v25 =	vld [tilespmem:s17+$0x6470];
	v26 =	vadd.s32 s8, v0;
	s17 =	sadd.s32 $0xC80, s8  }
0x2a2: {  	[tilespmem:$0x1CC80] =	vst v26;
	v26 =	vadd.s32 s17, v0;
	s17 =	sadd.s32 $0x1900, s8  }
0x2a3: {  	[tilespmem:$0x1CC90] =	vst v26;
	v26 =	vadd.s32 s17, v0;
	s17 =	sadd.s32 $0x2580, s8  }
0x2a4: {  	[tilespmem:$0x1CCA0] =	vst v26;
	v26 =	vadd.s32 s17, v0;
	s17 =	sadd.s32 $0x3200, s8  }
0x2a5: {  	[tilespmem:$0x1CCB0] =	vst v26;
	v26 =	vadd.s32 s17, v0;
	s17 =	sadd.s32 $0x3E80, s8  }
0x2a6: {  	[tilespmem:$0x1CCC0] =	vst v26;
	v26 =	vadd.s32 s17, v0;
	s17 =	sadd.s32 $0x4B00, s8  }
0x2a7: {  	s8 =	sadd.s32 $0x5780, s8;
	[tilespmem:$0x1CCD0] =	vst v26;
	v26 =	vadd.s32 s17, v0  }
0x2a8: {  	[tilespmem:$0x1CCE0] =	vst v26;
	v26 =	vadd.s32 s8, v0  }
0x2a9: {  	[tilespmem:$0x1CCF0] =	vst v26  }
0x2aa: {  	_ =	swait.ge [sflag:s23], $0x4000  }
0x2ab: {  	[sflag:s23] =	ssyncset.done $0x0  }
0x2ac: {  	s30 =	simm.s32 $0xCC00;
	[sflag:s23] =	ssyncadd.s32 $0xFFFFC000  }
0x2ad: {  	[tilespmem:s30+$0x0] =	vst.add.f32.msk $0xffff, v19  }
0x2ae: {  	[tilespmem:s30+$0x1F0] =	vst.add.f32.msk $0xffff, v25  }
0x2af: {  	[tilespmem:s30+$0x1E0] =	vst.add.f32.msk $0xffff, v24  }
0x2b0: {  	[tilespmem:s30+$0x1D0] =	vst.add.f32.msk $0xffff, v23  }
0x2b1: {  	[tilespmem:s30+$0x1C0] =	vst.add.f32.msk $0xffff, v22  }
0x2b2: {  	[tilespmem:s30+$0x1B0] =	vst.add.f32.msk $0xffff, v21  }
0x2b3: {  	[tilespmem:s30+$0x1A0] =	vst.add.f32.msk $0xffff, v20  }
0x2b4: {  	[tilespmem:s30+$0x190] =	vst.add.f32.msk $0xffff, v18  }
0x2b5: {  	[tilespmem:s30+$0x180] =	vst.add.f32.msk $0xffff, v19  }
0x2b6: {  	[tilespmem:s30+$0x170] =	vst.add.f32.msk $0xffff, v25  }
0x2b7: {  	[tilespmem:s30+$0x160] =	vst.add.f32.msk $0xffff, v24  }
0x2b8: {  	[tilespmem:s30+$0x150] =	vst.add.f32.msk $0xffff, v23  }
0x2b9: {  	[tilespmem:s30+$0x140] =	vst.add.f32.msk $0xffff, v22  }
0x2ba: {  	[tilespmem:s30+$0x130] =	vst.add.f32.msk $0xffff, v21  }
0x2bb: {  	[tilespmem:s30+$0x120] =	vst.add.f32.msk $0xffff, v20  }
0x2bc: {  	[tilespmem:s30+$0x110] =	vst.add.f32.msk $0xffff, v18  }
0x2bd: {  	[tilespmem:s30+$0x100] =	vst.add.f32.msk $0xffff, v19  }
0x2be: {  	[tilespmem:s30+$0xF0] =	vst.add.f32.msk $0xffff, v25  }
0x2bf: {  	[tilespmem:s30+$0xE0] =	vst.add.f32.msk $0xffff, v24  }
0x2c0: {  	[tilespmem:s30+$0xD0] =	vst.add.f32.msk $0xffff, v23  }
0x2c1: {  	[tilespmem:s30+$0xC0] =	vst.add.f32.msk $0xffff, v22  }
0x2c2: {  	[tilespmem:s30+$0xB0] =	vst.add.f32.msk $0xffff, v21  }
0x2c3: {  	[tilespmem:s30+$0xA0] =	vst.add.f32.msk $0xffff, v20  }
0x2c4: {  	[tilespmem:s30+$0x90] =	vst.add.f32.msk $0xffff, v18  }
0x2c5: {  	[tilespmem:s30+$0x80] =	vst.add.f32.msk $0xffff, v19  }
0x2c6: {  	[tilespmem:s30+$0x70] =	vst.add.f32.msk $0xffff, v25  }
0x2c7: {  	[tilespmem:s30+$0x60] =	vst.add.f32.msk $0xffff, v24  }
0x2c8: {  	[tilespmem:s30+$0x50] =	vst.add.f32.msk $0xffff, v23  }
0x2c9: {  	[tilespmem:s30+$0x40] =	vst.add.f32.msk $0xffff, v22  }
0x2ca: {  	[tilespmem:s30+$0x30] =	vst.add.f32.msk $0xffff, v21  }
0x2cb: {  	s8 =	simm.s32 $0x0;
	[tilespmem:s30+$0x20] =	vst.add.f32.msk $0xffff, v20  }
.LBB2_15:
0x2cc: {  	s8 =	sadd.s32 $0x4, s8;
	[tilespmem:s30+$0x10] =	vst.add.f32.msk $0xffff, v18;
	s30 =	sadd.s32 $0x200, s30  }
0x2cd: {  	[tilespmem:s30+$0x0] =	vst.add.f32.msk $0xffff, v19;
	p0 =	slt.u32 s8, $0x7C  }
0x2ce: {  	[tilespmem:s30+$0x1F0] =	vst.add.f32.msk $0xffff, v25  }
0x2cf: {  	[tilespmem:s30+$0x1E0] =	vst.add.f32.msk $0xffff, v24  }
0x2d0: {  	[tilespmem:s30+$0x1D0] =	vst.add.f32.msk $0xffff, v23  }
0x2d1: {  	[tilespmem:s30+$0x1C0] =	vst.add.f32.msk $0xffff, v22  }
0x2d2: {  	[tilespmem:s30+$0x1B0] =	vst.add.f32.msk $0xffff, v21  }
0x2d3: {  	[tilespmem:s30+$0x1A0] =	vst.add.f32.msk $0xffff, v20  }
0x2d4: {  	[tilespmem:s30+$0x190] =	vst.add.f32.msk $0xffff, v18  }
0x2d5: {  	[tilespmem:s30+$0x180] =	vst.add.f32.msk $0xffff, v19  }
0x2d6: {  	[tilespmem:s30+$0x170] =	vst.add.f32.msk $0xffff, v25  }
0x2d7: {  	[tilespmem:s30+$0x160] =	vst.add.f32.msk $0xffff, v24  }
0x2d8: {  	[tilespmem:s30+$0x150] =	vst.add.f32.msk $0xffff, v23  }
0x2d9: {  	[tilespmem:s30+$0x140] =	vst.add.f32.msk $0xffff, v22  }
0x2da: {  	[tilespmem:s30+$0x130] =	vst.add.f32.msk $0xffff, v21  }
0x2db: {  	[tilespmem:s30+$0x120] =	vst.add.f32.msk $0xffff, v20  }
0x2dc: {  	[tilespmem:s30+$0x110] =	vst.add.f32.msk $0xffff, v18  }
0x2dd: {  	[tilespmem:s30+$0x100] =	vst.add.f32.msk $0xffff, v19  }
0x2de: {  	[tilespmem:s30+$0xF0] =	vst.add.f32.msk $0xffff, v25  }
0x2df: {  	[tilespmem:s30+$0xE0] =	vst.add.f32.msk $0xffff, v24  }
0x2e0: {  	[tilespmem:s30+$0xD0] =	vst.add.f32.msk $0xffff, v23  }
0x2e1: {  	[tilespmem:s30+$0xC0] =	vst.add.f32.msk $0xffff, v22  }
0x2e2: {  	[tilespmem:s30+$0xB0] =	vst.add.f32.msk $0xffff, v21  }
0x2e3: {  	[tilespmem:s30+$0xA0] =	vst.add.f32.msk $0xffff, v20  }
0x2e4: {  	[tilespmem:s30+$0x90] =	vst.add.f32.msk $0xffff, v18  }
0x2e5: {  	[tilespmem:s30+$0x80] =	vst.add.f32.msk $0xffff, v19  }
0x2e6: {  	[tilespmem:s30+$0x70] =	vst.add.f32.msk $0xffff, v25  }
.Ltmp6:
0x2e7: {  	[tilespmem:s30+$0x60] =	vst.add.f32.msk $0xffff, v24;
	(pc) =	sbr.rel @p0 .LBB2_15-.Ltmp6, $4  }
0x2e8: {  	[tilespmem:s30+$0x50] =	vst.add.f32.msk $0xffff, v23  }
0x2e9: {  	[tilespmem:s30+$0x40] =	vst.add.f32.msk $0xffff, v22  }
0x2ea: {  	[tilespmem:s30+$0x30] =	vst.add.f32.msk $0xffff, v21  }
0x2eb: {  	[tilespmem:s30+$0x20] =	vst.add.f32.msk $0xffff, v20  }
0x2ec: {  	[tilespmem:s30+$0x10] =	vst.add.f32.msk $0xffff, v18;
	s8 =	simm.s32 $0x1CC80  }
0x2ed: {  	[hbm4b:s2+s24] =	stream.indirect.scatter [tilespmem:s25], [sflag:$0x7], $0x80, s8, s24, $0xb8;
	[tilespmem:$0x1CE80] =	vst v63  }
0x2ee: {  	s8 =	sadd.s32 s26, s21  }
0x2ef: {  	_ =	swait.ge [sflag:s14], $0x4000;
	s17 =	sshrl.u32 s8, $0xC  }
0x2f0: {  	s30 =	sadd.s32 $0x480, s26;
	[sflag:s14] =	ssyncset.done $0x0;
	s26 =	ssub.s32 s17, s6  }
0x2f1: {  	[sflag:s14] =	ssyncadd.s32 $0xFFFFC000;
	s26 =	sshll.u32 s26, $0x9  }
0x2f2: {  	[tilespmem:s1], [sflag:$0x5] =	stream.indirect.gather [spmem:s3], $0x80, s30, s24, $0xb8;
	[tilespmem:$0x1CE80] =	vst v63  }
0x2f3: {  	s26 =	sshra.s32 s26, $0x2  }
0x2f4: {  	v19 =	vld [tilespmem:s26+$0x6400]  }
0x2f5: {  	v18 =	vld [tilespmem:s26+$0x6410]  }
0x2f6: {  	s8 =	sand.u32 $0xF80, s8;
	v20 =	vld [tilespmem:s26+$0x6420]  }
0x2f7: {  	s8 =	smul.u32 $0xC8, s8;
	v21 =	vld [tilespmem:s26+$0x6430]  }
0x2f8: {  	v22 =	vld [tilespmem:s26+$0x6440]  }
0x2f9: {  	s8 =	sadd.s32 s17, s8;
	v23 =	vld [tilespmem:s26+$0x6450]  }
0x2fa: {  	v24 =	vld [tilespmem:s26+$0x6460];
	v26 =	vadd.s32 s8, v0;
	s17 =	sadd.s32 $0xC80, s8  }
0x2fb: {  	v25 =	vld [tilespmem:s26+$0x6470];
	s26 =	sadd.s32 $0x1900, s8;
	[tilespmem:$0x1CD00] =	vst v26;
	v26 =	vadd.s32 s17, v0  }
0x2fc: {  	[tilespmem:$0x1CD10] =	vst v26;
	v26 =	vadd.s32 s26, v0;
	s26 =	sadd.s32 $0x2580, s8  }
0x2fd: {  	[tilespmem:$0x1CD20] =	vst v26;
	v26 =	vadd.s32 s26, v0;
	s26 =	sadd.s32 $0x3200, s8  }
0x2fe: {  	[tilespmem:$0x1CD30] =	vst v26;
	v26 =	vadd.s32 s26, v0;
	s26 =	sadd.s32 $0x3E80, s8  }
0x2ff: {  	[tilespmem:$0x1CD40] =	vst v26;
	v26 =	vadd.s32 s26, v0;
	s26 =	sadd.s32 $0x4B00, s8  }
0x300: {  	s8 =	sadd.s32 $0x5780, s8;
	[tilespmem:$0x1CD50] =	vst v26;
	v26 =	vadd.s32 s26, v0  }
0x301: {  	[tilespmem:$0x1CD60] =	vst v26;
	v26 =	vadd.s32 s8, v0  }
0x302: {  	[tilespmem:$0x1CD70] =	vst v26  }
0x303: {  	_ =	swait.ge [sflag:s7], $0x4000  }
0x304: {  	[sflag:s7] =	ssyncset.done $0x0  }
0x305: {  	s26 =	simm.s32 $0x10C00;
	[sflag:s7] =	ssyncadd.s32 $0xFFFFC000  }
0x306: {  	[tilespmem:s26+$0x0] =	vst.add.f32.msk $0xffff, v19  }
0x307: {  	[tilespmem:s26+$0x1F0] =	vst.add.f32.msk $0xffff, v25  }
0x308: {  	[tilespmem:s26+$0x1E0] =	vst.add.f32.msk $0xffff, v24  }
0x309: {  	[tilespmem:s26+$0x1D0] =	vst.add.f32.msk $0xffff, v23  }
0x30a: {  	[tilespmem:s26+$0x1C0] =	vst.add.f32.msk $0xffff, v22  }
0x30b: {  	[tilespmem:s26+$0x1B0] =	vst.add.f32.msk $0xffff, v21  }
0x30c: {  	[tilespmem:s26+$0x1A0] =	vst.add.f32.msk $0xffff, v20  }
0x30d: {  	[tilespmem:s26+$0x190] =	vst.add.f32.msk $0xffff, v18  }
0x30e: {  	[tilespmem:s26+$0x180] =	vst.add.f32.msk $0xffff, v19  }
0x30f: {  	[tilespmem:s26+$0x170] =	vst.add.f32.msk $0xffff, v25  }
0x310: {  	[tilespmem:s26+$0x160] =	vst.add.f32.msk $0xffff, v24  }
0x311: {  	[tilespmem:s26+$0x150] =	vst.add.f32.msk $0xffff, v23  }
0x312: {  	[tilespmem:s26+$0x140] =	vst.add.f32.msk $0xffff, v22  }
0x313: {  	[tilespmem:s26+$0x130] =	vst.add.f32.msk $0xffff, v21  }
0x314: {  	[tilespmem:s26+$0x120] =	vst.add.f32.msk $0xffff, v20  }
0x315: {  	[tilespmem:s26+$0x110] =	vst.add.f32.msk $0xffff, v18  }
0x316: {  	[tilespmem:s26+$0x100] =	vst.add.f32.msk $0xffff, v19  }
0x317: {  	[tilespmem:s26+$0xF0] =	vst.add.f32.msk $0xffff, v25  }
0x318: {  	[tilespmem:s26+$0xE0] =	vst.add.f32.msk $0xffff, v24  }
0x319: {  	[tilespmem:s26+$0xD0] =	vst.add.f32.msk $0xffff, v23  }
0x31a: {  	[tilespmem:s26+$0xC0] =	vst.add.f32.msk $0xffff, v22  }
0x31b: {  	[tilespmem:s26+$0xB0] =	vst.add.f32.msk $0xffff, v21  }
0x31c: {  	[tilespmem:s26+$0xA0] =	vst.add.f32.msk $0xffff, v20  }
0x31d: {  	[tilespmem:s26+$0x90] =	vst.add.f32.msk $0xffff, v18  }
0x31e: {  	[tilespmem:s26+$0x80] =	vst.add.f32.msk $0xffff, v19  }
0x31f: {  	[tilespmem:s26+$0x70] =	vst.add.f32.msk $0xffff, v25  }
0x320: {  	[tilespmem:s26+$0x60] =	vst.add.f32.msk $0xffff, v24  }
0x321: {  	[tilespmem:s26+$0x50] =	vst.add.f32.msk $0xffff, v23  }
0x322: {  	[tilespmem:s26+$0x40] =	vst.add.f32.msk $0xffff, v22  }
0x323: {  	[tilespmem:s26+$0x30] =	vst.add.f32.msk $0xffff, v21  }
0x324: {  	s8 =	simm.s32 $0x0;
	[tilespmem:s26+$0x20] =	vst.add.f32.msk $0xffff, v20  }
.LBB2_17:
0x325: {  	s8 =	sadd.s32 $0x4, s8;
	[tilespmem:s26+$0x10] =	vst.add.f32.msk $0xffff, v18;
	s26 =	sadd.s32 $0x200, s26  }
0x326: {  	[tilespmem:s26+$0x0] =	vst.add.f32.msk $0xffff, v19;
	p0 =	slt.u32 s8, $0x7C  }
0x327: {  	[tilespmem:s26+$0x1F0] =	vst.add.f32.msk $0xffff, v25  }
0x328: {  	[tilespmem:s26+$0x1E0] =	vst.add.f32.msk $0xffff, v24  }
0x329: {  	[tilespmem:s26+$0x1D0] =	vst.add.f32.msk $0xffff, v23  }
0x32a: {  	[tilespmem:s26+$0x1C0] =	vst.add.f32.msk $0xffff, v22  }
0x32b: {  	[tilespmem:s26+$0x1B0] =	vst.add.f32.msk $0xffff, v21  }
0x32c: {  	[tilespmem:s26+$0x1A0] =	vst.add.f32.msk $0xffff, v20  }
0x32d: {  	[tilespmem:s26+$0x190] =	vst.add.f32.msk $0xffff, v18  }
0x32e: {  	[tilespmem:s26+$0x180] =	vst.add.f32.msk $0xffff, v19  }
0x32f: {  	[tilespmem:s26+$0x170] =	vst.add.f32.msk $0xffff, v25  }
0x330: {  	[tilespmem:s26+$0x160] =	vst.add.f32.msk $0xffff, v24  }
0x331: {  	[tilespmem:s26+$0x150] =	vst.add.f32.msk $0xffff, v23  }
0x332: {  	[tilespmem:s26+$0x140] =	vst.add.f32.msk $0xffff, v22  }
0x333: {  	[tilespmem:s26+$0x130] =	vst.add.f32.msk $0xffff, v21  }
0x334: {  	[tilespmem:s26+$0x120] =	vst.add.f32.msk $0xffff, v20  }
0x335: {  	[tilespmem:s26+$0x110] =	vst.add.f32.msk $0xffff, v18  }
0x336: {  	[tilespmem:s26+$0x100] =	vst.add.f32.msk $0xffff, v19  }
0x337: {  	[tilespmem:s26+$0xF0] =	vst.add.f32.msk $0xffff, v25  }
0x338: {  	[tilespmem:s26+$0xE0] =	vst.add.f32.msk $0xffff, v24  }
0x339: {  	[tilespmem:s26+$0xD0] =	vst.add.f32.msk $0xffff, v23  }
0x33a: {  	[tilespmem:s26+$0xC0] =	vst.add.f32.msk $0xffff, v22  }
0x33b: {  	[tilespmem:s26+$0xB0] =	vst.add.f32.msk $0xffff, v21  }
0x33c: {  	[tilespmem:s26+$0xA0] =	vst.add.f32.msk $0xffff, v20  }
0x33d: {  	[tilespmem:s26+$0x90] =	vst.add.f32.msk $0xffff, v18  }
0x33e: {  	[tilespmem:s26+$0x80] =	vst.add.f32.msk $0xffff, v19  }
0x33f: {  	[tilespmem:s26+$0x70] =	vst.add.f32.msk $0xffff, v25  }
.Ltmp7:
0x340: {  	[tilespmem:s26+$0x60] =	vst.add.f32.msk $0xffff, v24;
	(pc) =	sbr.rel @p0 .LBB2_17-.Ltmp7, $4  }
0x341: {  	[tilespmem:s26+$0x50] =	vst.add.f32.msk $0xffff, v23  }
0x342: {  	[tilespmem:s26+$0x40] =	vst.add.f32.msk $0xffff, v22  }
0x343: {  	[tilespmem:s26+$0x30] =	vst.add.f32.msk $0xffff, v21  }
0x344: {  	[tilespmem:s26+$0x20] =	vst.add.f32.msk $0xffff, v20  }
0x345: {  	[tilespmem:s26+$0x10] =	vst.add.f32.msk $0xffff, v18;
	s8 =	simm.s32 $0x1CD00;
	s26 =	smul.u32 $0xA00, s15  }
0x346: {  	[hbm4b:s2+s24] =	stream.indirect.scatter [tilespmem:s28], [sflag:$0x8], $0x80, s8, s24, $0xb8;
	[tilespmem:$0x1CE80] =	vst v63  }
0x347: {  	_ =	swait.ge [sflag:s9], $0x4000  }
0x348: {  	s26 =	sshra.s32 s26, $0x2;
	[sflag:s9] =	ssyncset.done $0x0  }
0x349: {  	s8 =	sadd.s32 $0x500, s26;
	[sflag:s9] =	ssyncadd.s32 $0xFFFFC000  }
0x34a: {  	[tilespmem:s31], [sflag:$0x1] =	stream.indirect.gather [spmem:s3], $0x80, s8, s24, $0xb8;
	[tilespmem:$0x1CE80] =	vst v63  }
0x34b: {  	s8 =	sadd.s32 s5, s16  }
0x34c: {  	s16 =	sshrl.u32 s8, $0xC  }
0x34d: {  	s17 =	ssub.s32 s16, s6  }
0x34e: {  	s17 =	sshll.u32 s17, $0x9  }
0x34f: {  	s17 =	sshra.s32 s17, $0x2  }
0x350: {  	v19 =	vld [tilespmem:s17+$0x6400]  }
0x351: {  	v18 =	vld [tilespmem:s17+$0x6410]  }
0x352: {  	s8 =	sand.u32 $0xF80, s8;
	v20 =	vld [tilespmem:s17+$0x6420]  }
0x353: {  	s8 =	smul.u32 $0xC8, s8;
	v21 =	vld [tilespmem:s17+$0x6430]  }
0x354: {  	v22 =	vld [tilespmem:s17+$0x6440]  }
0x355: {  	s8 =	sadd.s32 s16, s8;
	v23 =	vld [tilespmem:s17+$0x6450]  }
0x356: {  	v24 =	vld [tilespmem:s17+$0x6460];
	v26 =	vadd.s32 s8, v0;
	s16 =	sadd.s32 $0xC80, s8  }
0x357: {  	v25 =	vld [tilespmem:s17+$0x6470];
	s17 =	sadd.s32 $0x1900, s8;
	[tilespmem:$0x1CD80] =	vst v26;
	v26 =	vadd.s32 s16, v0  }
0x358: {  	[tilespmem:$0x1CD90] =	vst v26;
	v26 =	vadd.s32 s17, v0;
	s17 =	sadd.s32 $0x2580, s8  }
0x359: {  	[tilespmem:$0x1CDA0] =	vst v26;
	v26 =	vadd.s32 s17, v0;
	s17 =	sadd.s32 $0x3200, s8  }
0x35a: {  	[tilespmem:$0x1CDB0] =	vst v26;
	v26 =	vadd.s32 s17, v0;
	s17 =	sadd.s32 $0x3E80, s8  }
0x35b: {  	[tilespmem:$0x1CDC0] =	vst v26;
	v26 =	vadd.s32 s17, v0;
	s17 =	sadd.s32 $0x4B00, s8  }
0x35c: {  	s8 =	sadd.s32 $0x5780, s8;
	[tilespmem:$0x1CDD0] =	vst v26;
	v26 =	vadd.s32 s17, v0  }
0x35d: {  	[tilespmem:$0x1CDE0] =	vst v26;
	v26 =	vadd.s32 s8, v0  }
0x35e: {  	[tilespmem:$0x1CDF0] =	vst v26  }
0x35f: {  	_ =	swait.ge [sflag:s10], $0x4000  }
0x360: {  	[sflag:s10] =	ssyncset.done $0x0  }
0x361: {  	s16 =	simm.s32 $0x14C00;
	[sflag:s10] =	ssyncadd.s32 $0xFFFFC000  }
0x362: {  	[tilespmem:s16+$0x0] =	vst.add.f32.msk $0xffff, v19  }
0x363: {  	[tilespmem:s16+$0x1F0] =	vst.add.f32.msk $0xffff, v25  }
0x364: {  	[tilespmem:s16+$0x1E0] =	vst.add.f32.msk $0xffff, v24  }
0x365: {  	[tilespmem:s16+$0x1D0] =	vst.add.f32.msk $0xffff, v23  }
0x366: {  	[tilespmem:s16+$0x1C0] =	vst.add.f32.msk $0xffff, v22  }
0x367: {  	[tilespmem:s16+$0x1B0] =	vst.add.f32.msk $0xffff, v21  }
0x368: {  	[tilespmem:s16+$0x1A0] =	vst.add.f32.msk $0xffff, v20  }
0x369: {  	[tilespmem:s16+$0x190] =	vst.add.f32.msk $0xffff, v18  }
0x36a: {  	[tilespmem:s16+$0x180] =	vst.add.f32.msk $0xffff, v19  }
0x36b: {  	[tilespmem:s16+$0x170] =	vst.add.f32.msk $0xffff, v25  }
0x36c: {  	[tilespmem:s16+$0x160] =	vst.add.f32.msk $0xffff, v24  }
0x36d: {  	[tilespmem:s16+$0x150] =	vst.add.f32.msk $0xffff, v23  }
0x36e: {  	[tilespmem:s16+$0x140] =	vst.add.f32.msk $0xffff, v22  }
0x36f: {  	[tilespmem:s16+$0x130] =	vst.add.f32.msk $0xffff, v21  }
0x370: {  	[tilespmem:s16+$0x120] =	vst.add.f32.msk $0xffff, v20  }
0x371: {  	[tilespmem:s16+$0x110] =	vst.add.f32.msk $0xffff, v18  }
0x372: {  	[tilespmem:s16+$0x100] =	vst.add.f32.msk $0xffff, v19  }
0x373: {  	[tilespmem:s16+$0xF0] =	vst.add.f32.msk $0xffff, v25  }
0x374: {  	[tilespmem:s16+$0xE0] =	vst.add.f32.msk $0xffff, v24  }
0x375: {  	[tilespmem:s16+$0xD0] =	vst.add.f32.msk $0xffff, v23  }
0x376: {  	[tilespmem:s16+$0xC0] =	vst.add.f32.msk $0xffff, v22  }
0x377: {  	[tilespmem:s16+$0xB0] =	vst.add.f32.msk $0xffff, v21  }
0x378: {  	[tilespmem:s16+$0xA0] =	vst.add.f32.msk $0xffff, v20  }
0x379: {  	[tilespmem:s16+$0x90] =	vst.add.f32.msk $0xffff, v18  }
0x37a: {  	[tilespmem:s16+$0x80] =	vst.add.f32.msk $0xffff, v19  }
0x37b: {  	[tilespmem:s16+$0x70] =	vst.add.f32.msk $0xffff, v25  }
0x37c: {  	[tilespmem:s16+$0x60] =	vst.add.f32.msk $0xffff, v24  }
0x37d: {  	[tilespmem:s16+$0x50] =	vst.add.f32.msk $0xffff, v23  }
0x37e: {  	[tilespmem:s16+$0x40] =	vst.add.f32.msk $0xffff, v22  }
0x37f: {  	[tilespmem:s16+$0x30] =	vst.add.f32.msk $0xffff, v21  }
0x380: {  	s8 =	simm.s32 $0x0;
	[tilespmem:s16+$0x20] =	vst.add.f32.msk $0xffff, v20  }
.LBB2_19:
0x381: {  	s8 =	sadd.s32 $0x4, s8;
	[tilespmem:s16+$0x10] =	vst.add.f32.msk $0xffff, v18;
	s16 =	sadd.s32 $0x200, s16  }
0x382: {  	[tilespmem:s16+$0x0] =	vst.add.f32.msk $0xffff, v19;
	p0 =	slt.u32 s8, $0x7C  }
0x383: {  	[tilespmem:s16+$0x1F0] =	vst.add.f32.msk $0xffff, v25  }
0x384: {  	[tilespmem:s16+$0x1E0] =	vst.add.f32.msk $0xffff, v24  }
0x385: {  	[tilespmem:s16+$0x1D0] =	vst.add.f32.msk $0xffff, v23  }
0x386: {  	[tilespmem:s16+$0x1C0] =	vst.add.f32.msk $0xffff, v22  }
0x387: {  	[tilespmem:s16+$0x1B0] =	vst.add.f32.msk $0xffff, v21  }
0x388: {  	[tilespmem:s16+$0x1A0] =	vst.add.f32.msk $0xffff, v20  }
0x389: {  	[tilespmem:s16+$0x190] =	vst.add.f32.msk $0xffff, v18  }
0x38a: {  	[tilespmem:s16+$0x180] =	vst.add.f32.msk $0xffff, v19  }
0x38b: {  	[tilespmem:s16+$0x170] =	vst.add.f32.msk $0xffff, v25  }
0x38c: {  	[tilespmem:s16+$0x160] =	vst.add.f32.msk $0xffff, v24  }
0x38d: {  	[tilespmem:s16+$0x150] =	vst.add.f32.msk $0xffff, v23  }
0x38e: {  	[tilespmem:s16+$0x140] =	vst.add.f32.msk $0xffff, v22  }
0x38f: {  	[tilespmem:s16+$0x130] =	vst.add.f32.msk $0xffff, v21  }
0x390: {  	[tilespmem:s16+$0x120] =	vst.add.f32.msk $0xffff, v20  }
0x391: {  	[tilespmem:s16+$0x110] =	vst.add.f32.msk $0xffff, v18  }
0x392: {  	[tilespmem:s16+$0x100] =	vst.add.f32.msk $0xffff, v19  }
0x393: {  	[tilespmem:s16+$0xF0] =	vst.add.f32.msk $0xffff, v25  }
0x394: {  	[tilespmem:s16+$0xE0] =	vst.add.f32.msk $0xffff, v24  }
0x395: {  	[tilespmem:s16+$0xD0] =	vst.add.f32.msk $0xffff, v23  }
0x396: {  	[tilespmem:s16+$0xC0] =	vst.add.f32.msk $0xffff, v22  }
0x397: {  	[tilespmem:s16+$0xB0] =	vst.add.f32.msk $0xffff, v21  }
0x398: {  	[tilespmem:s16+$0xA0] =	vst.add.f32.msk $0xffff, v20  }
0x399: {  	[tilespmem:s16+$0x90] =	vst.add.f32.msk $0xffff, v18  }
0x39a: {  	[tilespmem:s16+$0x80] =	vst.add.f32.msk $0xffff, v19  }
0x39b: {  	[tilespmem:s16+$0x70] =	vst.add.f32.msk $0xffff, v25  }
.Ltmp8:
0x39c: {  	[tilespmem:s16+$0x60] =	vst.add.f32.msk $0xffff, v24;
	(pc) =	sbr.rel @p0 .LBB2_19-.Ltmp8, $4  }
0x39d: {  	[tilespmem:s16+$0x50] =	vst.add.f32.msk $0xffff, v23  }
0x39e: {  	[tilespmem:s16+$0x40] =	vst.add.f32.msk $0xffff, v22  }
0x39f: {  	[tilespmem:s16+$0x30] =	vst.add.f32.msk $0xffff, v21  }
0x3a0: {  	[tilespmem:s16+$0x20] =	vst.add.f32.msk $0xffff, v20  }
0x3a1: {  	[tilespmem:s16+$0x10] =	vst.add.f32.msk $0xffff, v18;
	s8 =	simm.s32 $0x1CD80  }
0x3a2: {  	[hbm4b:s2+s24] =	stream.indirect.scatter [tilespmem:s0], [sflag:$0x9], $0x80, s8, s24, $0xb8;
	[tilespmem:$0x1CE80] =	vst v63  }
0x3a3: {  	_ =	swait.ge [sflag:s18], $0x4000  }
0x3a4: {  	s16 =	sadd.s32 s5, s30;
	[sflag:s18] =	ssyncset.done $0x0  }
0x3a5: {  	s17 =	sadd.s32 $0x580, s26;
	s30 =	sshrl.u32 s16, $0xC;
	[sflag:s18] =	ssyncadd.s32 $0xFFFFC000  }
0x3a6: {  	[tilespmem:s25], [sflag:$0x2] =	stream.indirect.gather [spmem:s3], $0x80, s17, s24, $0xb8;
	[tilespmem:$0x1CE80] =	vst v63  }
0x3a7: {  	s17 =	ssub.s32 s30, s6  }
0x3a8: {  	s17 =	sshll.u32 s17, $0x9  }
0x3a9: {  	s17 =	sshra.s32 s17, $0x2  }
0x3aa: {  	v19 =	vld [tilespmem:s17+$0x6400]  }
0x3ab: {  	v18 =	vld [tilespmem:s17+$0x6410]  }
0x3ac: {  	s8 =	sand.u32 $0xF80, s16;
	v20 =	vld [tilespmem:s17+$0x6420]  }
0x3ad: {  	s8 =	smul.u32 $0xC8, s8;
	v21 =	vld [tilespmem:s17+$0x6430]  }
0x3ae: {  	v22 =	vld [tilespmem:s17+$0x6440]  }
0x3af: {  	s8 =	sadd.s32 s30, s8;
	v23 =	vld [tilespmem:s17+$0x6450]  }
0x3b0: {  	v26 =	vadd.s32 s8, v0;
	s16 =	sadd.s32 $0xC80, s8;
	v24 =	vld [tilespmem:s17+$0x6460]  }
0x3b1: {  	s30 =	sadd.s32 $0x1900, s8;
	v25 =	vld [tilespmem:s17+$0x6470];
	[tilespmem:$0x1CE00] =	vst v26;
	v26 =	vadd.s32 s16, v0  }
0x3b2: {  	s17 =	sadd.s32 $0x2580, s8;
	[tilespmem:$0x1CE10] =	vst v26;
	v26 =	vadd.s32 s30, v0  }
0x3b3: {  	s30 =	sadd.s32 $0x3200, s8;
	[tilespmem:$0x1CE20] =	vst v26;
	v26 =	vadd.s32 s17, v0  }
0x3b4: {  	s17 =	sadd.s32 $0x3E80, s8;
	[tilespmem:$0x1CE30] =	vst v26;
	v26 =	vadd.s32 s30, v0  }
0x3b5: {  	s30 =	sadd.s32 $0x4B00, s8;
	[tilespmem:$0x1CE40] =	vst v26;
	v26 =	vadd.s32 s17, v0  }
0x3b6: {  	s8 =	sadd.s32 $0x5780, s8;
	[tilespmem:$0x1CE50] =	vst v26;
	v26 =	vadd.s32 s30, v0  }
0x3b7: {  	[tilespmem:$0x1CE60] =	vst v26;
	v26 =	vadd.s32 s8, v0  }
0x3b8: {  	[tilespmem:$0x1CE70] =	vst v26  }
0x3b9: {  	_ =	swait.ge [sflag:s4], $0x4000  }
0x3ba: {  	[sflag:s4] =	ssyncset.done $0x0  }
0x3bb: {  	s16 =	simm.s32 $0x18C00;
	[sflag:s4] =	ssyncadd.s32 $0xFFFFC000  }
0x3bc: {  	[tilespmem:s16+$0x0] =	vst.add.f32.msk $0xffff, v19  }
0x3bd: {  	[tilespmem:s16+$0x1F0] =	vst.add.f32.msk $0xffff, v25  }
0x3be: {  	[tilespmem:s16+$0x1E0] =	vst.add.f32.msk $0xffff, v24  }
0x3bf: {  	[tilespmem:s16+$0x1D0] =	vst.add.f32.msk $0xffff, v23  }
0x3c0: {  	[tilespmem:s16+$0x1C0] =	vst.add.f32.msk $0xffff, v22  }
0x3c1: {  	[tilespmem:s16+$0x1B0] =	vst.add.f32.msk $0xffff, v21  }
0x3c2: {  	[tilespmem:s16+$0x1A0] =	vst.add.f32.msk $0xffff, v20  }
0x3c3: {  	[tilespmem:s16+$0x190] =	vst.add.f32.msk $0xffff, v18  }
0x3c4: {  	[tilespmem:s16+$0x180] =	vst.add.f32.msk $0xffff, v19  }
0x3c5: {  	[tilespmem:s16+$0x170] =	vst.add.f32.msk $0xffff, v25  }
0x3c6: {  	[tilespmem:s16+$0x160] =	vst.add.f32.msk $0xffff, v24  }
0x3c7: {  	[tilespmem:s16+$0x150] =	vst.add.f32.msk $0xffff, v23  }
0x3c8: {  	[tilespmem:s16+$0x140] =	vst.add.f32.msk $0xffff, v22  }
0x3c9: {  	[tilespmem:s16+$0x130] =	vst.add.f32.msk $0xffff, v21  }
0x3ca: {  	[tilespmem:s16+$0x120] =	vst.add.f32.msk $0xffff, v20  }
0x3cb: {  	[tilespmem:s16+$0x110] =	vst.add.f32.msk $0xffff, v18  }
0x3cc: {  	[tilespmem:s16+$0x100] =	vst.add.f32.msk $0xffff, v19  }
0x3cd: {  	[tilespmem:s16+$0xF0] =	vst.add.f32.msk $0xffff, v25  }
0x3ce: {  	[tilespmem:s16+$0xE0] =	vst.add.f32.msk $0xffff, v24  }
0x3cf: {  	[tilespmem:s16+$0xD0] =	vst.add.f32.msk $0xffff, v23  }
0x3d0: {  	[tilespmem:s16+$0xC0] =	vst.add.f32.msk $0xffff, v22  }
0x3d1: {  	[tilespmem:s16+$0xB0] =	vst.add.f32.msk $0xffff, v21  }
0x3d2: {  	[tilespmem:s16+$0xA0] =	vst.add.f32.msk $0xffff, v20  }
0x3d3: {  	[tilespmem:s16+$0x90] =	vst.add.f32.msk $0xffff, v18  }
0x3d4: {  	[tilespmem:s16+$0x80] =	vst.add.f32.msk $0xffff, v19  }
0x3d5: {  	[tilespmem:s16+$0x70] =	vst.add.f32.msk $0xffff, v25  }
0x3d6: {  	[tilespmem:s16+$0x60] =	vst.add.f32.msk $0xffff, v24  }
0x3d7: {  	[tilespmem:s16+$0x50] =	vst.add.f32.msk $0xffff, v23  }
0x3d8: {  	[tilespmem:s16+$0x40] =	vst.add.f32.msk $0xffff, v22  }
0x3d9: {  	[tilespmem:s16+$0x30] =	vst.add.f32.msk $0xffff, v21  }
0x3da: {  	s8 =	simm.s32 $0x0;
	[tilespmem:s16+$0x20] =	vst.add.f32.msk $0xffff, v20  }
.LBB2_21:
0x3db: {  	s8 =	sadd.s32 $0x4, s8;
	[tilespmem:s16+$0x10] =	vst.add.f32.msk $0xffff, v18;
	s16 =	sadd.s32 $0x200, s16  }
0x3dc: {  	[tilespmem:s16+$0x0] =	vst.add.f32.msk $0xffff, v19;
	p0 =	slt.u32 s8, $0x7C  }
0x3dd: {  	[tilespmem:s16+$0x1F0] =	vst.add.f32.msk $0xffff, v25  }
0x3de: {  	[tilespmem:s16+$0x1E0] =	vst.add.f32.msk $0xffff, v24  }
0x3df: {  	[tilespmem:s16+$0x1D0] =	vst.add.f32.msk $0xffff, v23  }
0x3e0: {  	[tilespmem:s16+$0x1C0] =	vst.add.f32.msk $0xffff, v22  }
0x3e1: {  	[tilespmem:s16+$0x1B0] =	vst.add.f32.msk $0xffff, v21  }
0x3e2: {  	[tilespmem:s16+$0x1A0] =	vst.add.f32.msk $0xffff, v20  }
0x3e3: {  	[tilespmem:s16+$0x190] =	vst.add.f32.msk $0xffff, v18  }
0x3e4: {  	[tilespmem:s16+$0x180] =	vst.add.f32.msk $0xffff, v19  }
0x3e5: {  	[tilespmem:s16+$0x170] =	vst.add.f32.msk $0xffff, v25  }
0x3e6: {  	[tilespmem:s16+$0x160] =	vst.add.f32.msk $0xffff, v24  }
0x3e7: {  	[tilespmem:s16+$0x150] =	vst.add.f32.msk $0xffff, v23  }
0x3e8: {  	[tilespmem:s16+$0x140] =	vst.add.f32.msk $0xffff, v22  }
0x3e9: {  	[tilespmem:s16+$0x130] =	vst.add.f32.msk $0xffff, v21  }
0x3ea: {  	[tilespmem:s16+$0x120] =	vst.add.f32.msk $0xffff, v20  }
0x3eb: {  	[tilespmem:s16+$0x110] =	vst.add.f32.msk $0xffff, v18  }
0x3ec: {  	[tilespmem:s16+$0x100] =	vst.add.f32.msk $0xffff, v19  }
0x3ed: {  	[tilespmem:s16+$0xF0] =	vst.add.f32.msk $0xffff, v25  }
0x3ee: {  	[tilespmem:s16+$0xE0] =	vst.add.f32.msk $0xffff, v24  }
0x3ef: {  	[tilespmem:s16+$0xD0] =	vst.add.f32.msk $0xffff, v23  }
0x3f0: {  	[tilespmem:s16+$0xC0] =	vst.add.f32.msk $0xffff, v22  }
0x3f1: {  	[tilespmem:s16+$0xB0] =	vst.add.f32.msk $0xffff, v21  }
0x3f2: {  	[tilespmem:s16+$0xA0] =	vst.add.f32.msk $0xffff, v20  }
0x3f3: {  	[tilespmem:s16+$0x90] =	vst.add.f32.msk $0xffff, v18  }
0x3f4: {  	[tilespmem:s16+$0x80] =	vst.add.f32.msk $0xffff, v19  }
0x3f5: {  	[tilespmem:s16+$0x70] =	vst.add.f32.msk $0xffff, v25  }
.Ltmp9:
0x3f6: {  	[tilespmem:s16+$0x60] =	vst.add.f32.msk $0xffff, v24;
	(pc) =	sbr.rel @p0 .LBB2_21-.Ltmp9, $4  }
0x3f7: {  	[tilespmem:s16+$0x50] =	vst.add.f32.msk $0xffff, v23  }
0x3f8: {  	[tilespmem:s16+$0x40] =	vst.add.f32.msk $0xffff, v22  }
0x3f9: {  	[tilespmem:s16+$0x30] =	vst.add.f32.msk $0xffff, v21  }
0x3fa: {  	[tilespmem:s16+$0x20] =	vst.add.f32.msk $0xffff, v20  }
0x3fb: {  	[tilespmem:s16+$0x10] =	vst.add.f32.msk $0xffff, v18;
	s15 =	sadd.s32 $0x1, s15  }
0x3fc: {  	[hbm4b:s2+s24] =	stream.indirect.scatter [tilespmem:s1], [sflag:$0xA], $0x80, s22, s24, $0xb8;
	[tilespmem:$0x1CE80] =	vst v63  }
0x3fd: {  	p0 =	sne.s32 s15, $0x26  }
.Ltmp10:
0x3fe: {  	_ = 	snop;
	(pc) =	sbr.rel @p0 .LBB2_12-.Ltmp10, $4  }
0x3ff: {  	_ =	swait.ge [sflag:s12], $0x4000  }
0x400: {  	[sflag:s12] =	ssyncset.done $0x0  }
0x401: {  	s8 =	sadd.s32 $0x600, s26;
	[sflag:s12] =	ssyncadd.s32 $0xFFFFC000  }
0x402: {  	[tilespmem:s28], [sflag:$0x3] =	stream.indirect.gather [spmem:s3], $0x80, s8, s24, $0xb8;
	[tilespmem:$0x1CE80] =	vst v63  }
0x403: {  	s8 =	rddreg [dreg:$0x9]  }
0x404: {  	v19 =	vld [tilespmem:s8+$0x6400]  }
0x405: {  	v18 =	vld [tilespmem:s8+$0x6410]  }
0x406: {  	v20 =	vld [tilespmem:s8+$0x6420]  }
0x407: {  	v21 =	vld [tilespmem:s8+$0x6430]  }
0x408: {  	v22 =	vld [tilespmem:s8+$0x6440]  }
0x409: {  	v23 =	vld [tilespmem:s8+$0x6450]  }
0x40a: {  	v24 =	vld [tilespmem:s8+$0x6460]  }
0x40b: {  	v25 =	vld [tilespmem:s8+$0x6470];
	[tilespmem:$0x1CC00] =	vst v41  }
0x40c: {  	[tilespmem:$0x1CC10] =	vst v42  }
0x40d: {  	[tilespmem:$0x1CC20] =	vst v43  }
0x40e: {  	[tilespmem:$0x1CC30] =	vst v44  }
0x40f: {  	[tilespmem:$0x1CC40] =	vst v45  }
0x410: {  	[tilespmem:$0x1CC50] =	vst v46  }
0x411: {  	[tilespmem:$0x1CC60] =	vst v47  }
0x412: {  	[tilespmem:$0x1CC70] =	vst v48  }
0x413: {  	_ =	swait.ge [sflag:s29], $0x4000  }
0x414: {  	[sflag:s29] =	ssyncset.done $0x0  }
0x415: {  	s15 =	simm.s32 $0x8C00;
	[sflag:s29] =	ssyncadd.s32 $0xFFFFC000  }
0x416: {  	[tilespmem:s15+$0x0] =	vst.add.f32.msk $0xffff, v19  }
0x417: {  	[tilespmem:s15+$0x1F0] =	vst.add.f32.msk $0xffff, v25  }
0x418: {  	[tilespmem:s15+$0x1E0] =	vst.add.f32.msk $0xffff, v24  }
0x419: {  	[tilespmem:s15+$0x1D0] =	vst.add.f32.msk $0xffff, v23  }
0x41a: {  	[tilespmem:s15+$0x1C0] =	vst.add.f32.msk $0xffff, v22  }
0x41b: {  	[tilespmem:s15+$0x1B0] =	vst.add.f32.msk $0xffff, v21  }
0x41c: {  	[tilespmem:s15+$0x1A0] =	vst.add.f32.msk $0xffff, v20  }
0x41d: {  	[tilespmem:s15+$0x190] =	vst.add.f32.msk $0xffff, v18  }
0x41e: {  	[tilespmem:s15+$0x180] =	vst.add.f32.msk $0xffff, v19  }
0x41f: {  	[tilespmem:s15+$0x170] =	vst.add.f32.msk $0xffff, v25  }
0x420: {  	[tilespmem:s15+$0x160] =	vst.add.f32.msk $0xffff, v24  }
0x421: {  	[tilespmem:s15+$0x150] =	vst.add.f32.msk $0xffff, v23  }
0x422: {  	[tilespmem:s15+$0x140] =	vst.add.f32.msk $0xffff, v22  }
0x423: {  	[tilespmem:s15+$0x130] =	vst.add.f32.msk $0xffff, v21  }
0x424: {  	[tilespmem:s15+$0x120] =	vst.add.f32.msk $0xffff, v20  }
0x425: {  	[tilespmem:s15+$0x110] =	vst.add.f32.msk $0xffff, v18  }
0x426: {  	[tilespmem:s15+$0x100] =	vst.add.f32.msk $0xffff, v19  }
0x427: {  	[tilespmem:s15+$0xF0] =	vst.add.f32.msk $0xffff, v25  }
0x428: {  	[tilespmem:s15+$0xE0] =	vst.add.f32.msk $0xffff, v24  }
0x429: {  	[tilespmem:s15+$0xD0] =	vst.add.f32.msk $0xffff, v23  }
0x42a: {  	[tilespmem:s15+$0xC0] =	vst.add.f32.msk $0xffff, v22  }
0x42b: {  	[tilespmem:s15+$0xB0] =	vst.add.f32.msk $0xffff, v21  }
0x42c: {  	[tilespmem:s15+$0xA0] =	vst.add.f32.msk $0xffff, v20  }
0x42d: {  	[tilespmem:s15+$0x90] =	vst.add.f32.msk $0xffff, v18  }
0x42e: {  	[tilespmem:s15+$0x80] =	vst.add.f32.msk $0xffff, v19  }
0x42f: {  	[tilespmem:s15+$0x70] =	vst.add.f32.msk $0xffff, v25  }
0x430: {  	[tilespmem:s15+$0x60] =	vst.add.f32.msk $0xffff, v24  }
0x431: {  	[tilespmem:s15+$0x50] =	vst.add.f32.msk $0xffff, v23  }
0x432: {  	[tilespmem:s15+$0x40] =	vst.add.f32.msk $0xffff, v22  }
0x433: {  	[tilespmem:s15+$0x30] =	vst.add.f32.msk $0xffff, v21  }
0x434: {  	s8 =	simm.s32 $0x0;
	[tilespmem:s15+$0x20] =	vst.add.f32.msk $0xffff, v20  }
.LBB2_24:
0x435: {  	s8 =	sadd.s32 $0x4, s8;
	[tilespmem:s15+$0x10] =	vst.add.f32.msk $0xffff, v18;
	s15 =	sadd.s32 $0x200, s15  }
0x436: {  	[tilespmem:s15+$0x0] =	vst.add.f32.msk $0xffff, v19;
	p0 =	slt.u32 s8, $0x7C  }
0x437: {  	[tilespmem:s15+$0x1F0] =	vst.add.f32.msk $0xffff, v25  }
0x438: {  	[tilespmem:s15+$0x1E0] =	vst.add.f32.msk $0xffff, v24  }
0x439: {  	[tilespmem:s15+$0x1D0] =	vst.add.f32.msk $0xffff, v23  }
0x43a: {  	[tilespmem:s15+$0x1C0] =	vst.add.f32.msk $0xffff, v22  }
0x43b: {  	[tilespmem:s15+$0x1B0] =	vst.add.f32.msk $0xffff, v21  }
0x43c: {  	[tilespmem:s15+$0x1A0] =	vst.add.f32.msk $0xffff, v20  }
0x43d: {  	[tilespmem:s15+$0x190] =	vst.add.f32.msk $0xffff, v18  }
0x43e: {  	[tilespmem:s15+$0x180] =	vst.add.f32.msk $0xffff, v19  }
0x43f: {  	[tilespmem:s15+$0x170] =	vst.add.f32.msk $0xffff, v25  }
0x440: {  	[tilespmem:s15+$0x160] =	vst.add.f32.msk $0xffff, v24  }
0x441: {  	[tilespmem:s15+$0x150] =	vst.add.f32.msk $0xffff, v23  }
0x442: {  	[tilespmem:s15+$0x140] =	vst.add.f32.msk $0xffff, v22  }
0x443: {  	[tilespmem:s15+$0x130] =	vst.add.f32.msk $0xffff, v21  }
0x444: {  	[tilespmem:s15+$0x120] =	vst.add.f32.msk $0xffff, v20  }
0x445: {  	[tilespmem:s15+$0x110] =	vst.add.f32.msk $0xffff, v18  }
0x446: {  	[tilespmem:s15+$0x100] =	vst.add.f32.msk $0xffff, v19  }
0x447: {  	[tilespmem:s15+$0xF0] =	vst.add.f32.msk $0xffff, v25  }
0x448: {  	[tilespmem:s15+$0xE0] =	vst.add.f32.msk $0xffff, v24  }
0x449: {  	[tilespmem:s15+$0xD0] =	vst.add.f32.msk $0xffff, v23  }
0x44a: {  	[tilespmem:s15+$0xC0] =	vst.add.f32.msk $0xffff, v22  }
0x44b: {  	[tilespmem:s15+$0xB0] =	vst.add.f32.msk $0xffff, v21  }
0x44c: {  	[tilespmem:s15+$0xA0] =	vst.add.f32.msk $0xffff, v20  }
0x44d: {  	[tilespmem:s15+$0x90] =	vst.add.f32.msk $0xffff, v18  }
0x44e: {  	[tilespmem:s15+$0x80] =	vst.add.f32.msk $0xffff, v19  }
0x44f: {  	[tilespmem:s15+$0x70] =	vst.add.f32.msk $0xffff, v25  }
.Ltmp11:
0x450: {  	[tilespmem:s15+$0x60] =	vst.add.f32.msk $0xffff, v24;
	(pc) =	sbr.rel @p0 .LBB2_24-.Ltmp11, $4  }
0x451: {  	[tilespmem:s15+$0x50] =	vst.add.f32.msk $0xffff, v23  }
0x452: {  	[tilespmem:s15+$0x40] =	vst.add.f32.msk $0xffff, v22  }
0x453: {  	[tilespmem:s15+$0x30] =	vst.add.f32.msk $0xffff, v21  }
0x454: {  	[tilespmem:s15+$0x20] =	vst.add.f32.msk $0xffff, v20  }
0x455: {  	[tilespmem:s15+$0x10] =	vst.add.f32.msk $0xffff, v18;
	s8 =	simm.s32 $0x1CC00  }
0x456: {  	[hbm4b:s2+s24] =	stream.indirect.scatter [tilespmem:s31], [sflag:$0x6], $0x80, s8, s24, $0xb8;
	[tilespmem:$0x1CE80] =	vst v63  }
0x457: {  	_ =	swait.ge [sflag:s13], $0x4000  }
0x458: {  	[sflag:s13] =	ssyncset.done $0x0  }
0x459: {  	s26 =	simm.s32 $0x6300;
	s30 =	rddreg [dreg:$0xa];
	[sflag:s13] =	ssyncadd.s32 $0xFFFFC000  }
0x45a: {  	[tilespmem:s0], [sflag:$0x4] =	stream.indirect.gather [spmem:s3], $0x80, s26, s24, $0xb8;
	[tilespmem:$0x1CE80] =	vst v63  }
0x45b: {  	v19 =	vld [tilespmem:s30+$0x6400]  }
0x45c: {  	v18 =	vld [tilespmem:s30+$0x6410]  }
0x45d: {  	v20 =	vld [tilespmem:s30+$0x6420]  }
0x45e: {  	v21 =	vld [tilespmem:s30+$0x6430]  }
0x45f: {  	v22 =	vld [tilespmem:s30+$0x6440]  }
0x460: {  	v23 =	vld [tilespmem:s30+$0x6450]  }
0x461: {  	v24 =	vld [tilespmem:s30+$0x6460]  }
0x462: {  	v25 =	vld [tilespmem:s30+$0x6470];
	[tilespmem:$0x1CC80] =	vst v49  }
0x463: {  	[tilespmem:$0x1CC90] =	vst v50  }
0x464: {  	[tilespmem:$0x1CCA0] =	vst v51  }
0x465: {  	[tilespmem:$0x1CCB0] =	vst v52  }
0x466: {  	[tilespmem:$0x1CCC0] =	vst v53  }
0x467: {  	[tilespmem:$0x1CCD0] =	vst v54  }
0x468: {  	[tilespmem:$0x1CCE0] =	vst v55  }
0x469: {  	[tilespmem:$0x1CCF0] =	vst v56  }
0x46a: {  	_ =	swait.ge [sflag:s23], $0x4000  }
0x46b: {  	[sflag:s23] =	ssyncset.done $0x0  }
0x46c: {  	s15 =	simm.s32 $0xCC00;
	[sflag:s23] =	ssyncadd.s32 $0xFFFFC000  }
0x46d: {  	[tilespmem:s15+$0x0] =	vst.add.f32.msk $0xffff, v19  }
0x46e: {  	[tilespmem:s15+$0x1F0] =	vst.add.f32.msk $0xffff, v25  }
0x46f: {  	[tilespmem:s15+$0x1E0] =	vst.add.f32.msk $0xffff, v24  }
0x470: {  	[tilespmem:s15+$0x1D0] =	vst.add.f32.msk $0xffff, v23  }
0x471: {  	[tilespmem:s15+$0x1C0] =	vst.add.f32.msk $0xffff, v22  }
0x472: {  	[tilespmem:s15+$0x1B0] =	vst.add.f32.msk $0xffff, v21  }
0x473: {  	[tilespmem:s15+$0x1A0] =	vst.add.f32.msk $0xffff, v20  }
0x474: {  	[tilespmem:s15+$0x190] =	vst.add.f32.msk $0xffff, v18  }
0x475: {  	[tilespmem:s15+$0x180] =	vst.add.f32.msk $0xffff, v19  }
0x476: {  	[tilespmem:s15+$0x170] =	vst.add.f32.msk $0xffff, v25  }
0x477: {  	[tilespmem:s15+$0x160] =	vst.add.f32.msk $0xffff, v24  }
0x478: {  	[tilespmem:s15+$0x150] =	vst.add.f32.msk $0xffff, v23  }
0x479: {  	[tilespmem:s15+$0x140] =	vst.add.f32.msk $0xffff, v22  }
0x47a: {  	[tilespmem:s15+$0x130] =	vst.add.f32.msk $0xffff, v21  }
0x47b: {  	[tilespmem:s15+$0x120] =	vst.add.f32.msk $0xffff, v20  }
0x47c: {  	[tilespmem:s15+$0x110] =	vst.add.f32.msk $0xffff, v18  }
0x47d: {  	[tilespmem:s15+$0x100] =	vst.add.f32.msk $0xffff, v19  }
0x47e: {  	[tilespmem:s15+$0xF0] =	vst.add.f32.msk $0xffff, v25  }
0x47f: {  	[tilespmem:s15+$0xE0] =	vst.add.f32.msk $0xffff, v24  }
0x480: {  	[tilespmem:s15+$0xD0] =	vst.add.f32.msk $0xffff, v23  }
0x481: {  	[tilespmem:s15+$0xC0] =	vst.add.f32.msk $0xffff, v22  }
0x482: {  	[tilespmem:s15+$0xB0] =	vst.add.f32.msk $0xffff, v21  }
0x483: {  	[tilespmem:s15+$0xA0] =	vst.add.f32.msk $0xffff, v20  }
0x484: {  	[tilespmem:s15+$0x90] =	vst.add.f32.msk $0xffff, v18  }
0x485: {  	[tilespmem:s15+$0x80] =	vst.add.f32.msk $0xffff, v19  }
0x486: {  	[tilespmem:s15+$0x70] =	vst.add.f32.msk $0xffff, v25  }
0x487: {  	[tilespmem:s15+$0x60] =	vst.add.f32.msk $0xffff, v24  }
0x488: {  	[tilespmem:s15+$0x50] =	vst.add.f32.msk $0xffff, v23  }
0x489: {  	[tilespmem:s15+$0x40] =	vst.add.f32.msk $0xffff, v22  }
0x48a: {  	[tilespmem:s15+$0x30] =	vst.add.f32.msk $0xffff, v21  }
0x48b: {  	s8 =	simm.s32 $0x0;
	[tilespmem:s15+$0x20] =	vst.add.f32.msk $0xffff, v20  }
.LBB2_26:
0x48c: {  	s8 =	sadd.s32 $0x4, s8;
	[tilespmem:s15+$0x10] =	vst.add.f32.msk $0xffff, v18;
	s15 =	sadd.s32 $0x200, s15  }
0x48d: {  	[tilespmem:s15+$0x0] =	vst.add.f32.msk $0xffff, v19;
	p0 =	slt.u32 s8, $0x7C  }
0x48e: {  	[tilespmem:s15+$0x1F0] =	vst.add.f32.msk $0xffff, v25  }
0x48f: {  	[tilespmem:s15+$0x1E0] =	vst.add.f32.msk $0xffff, v24  }
0x490: {  	[tilespmem:s15+$0x1D0] =	vst.add.f32.msk $0xffff, v23  }
0x491: {  	[tilespmem:s15+$0x1C0] =	vst.add.f32.msk $0xffff, v22  }
0x492: {  	[tilespmem:s15+$0x1B0] =	vst.add.f32.msk $0xffff, v21  }
0x493: {  	[tilespmem:s15+$0x1A0] =	vst.add.f32.msk $0xffff, v20  }
0x494: {  	[tilespmem:s15+$0x190] =	vst.add.f32.msk $0xffff, v18  }
0x495: {  	[tilespmem:s15+$0x180] =	vst.add.f32.msk $0xffff, v19  }
0x496: {  	[tilespmem:s15+$0x170] =	vst.add.f32.msk $0xffff, v25  }
0x497: {  	[tilespmem:s15+$0x160] =	vst.add.f32.msk $0xffff, v24  }
0x498: {  	[tilespmem:s15+$0x150] =	vst.add.f32.msk $0xffff, v23  }
0x499: {  	[tilespmem:s15+$0x140] =	vst.add.f32.msk $0xffff, v22  }
0x49a: {  	[tilespmem:s15+$0x130] =	vst.add.f32.msk $0xffff, v21  }
0x49b: {  	[tilespmem:s15+$0x120] =	vst.add.f32.msk $0xffff, v20  }
0x49c: {  	[tilespmem:s15+$0x110] =	vst.add.f32.msk $0xffff, v18  }
0x49d: {  	[tilespmem:s15+$0x100] =	vst.add.f32.msk $0xffff, v19  }
0x49e: {  	[tilespmem:s15+$0xF0] =	vst.add.f32.msk $0xffff, v25  }
0x49f: {  	[tilespmem:s15+$0xE0] =	vst.add.f32.msk $0xffff, v24  }
0x4a0: {  	[tilespmem:s15+$0xD0] =	vst.add.f32.msk $0xffff, v23  }
0x4a1: {  	[tilespmem:s15+$0xC0] =	vst.add.f32.msk $0xffff, v22  }
0x4a2: {  	[tilespmem:s15+$0xB0] =	vst.add.f32.msk $0xffff, v21  }
0x4a3: {  	[tilespmem:s15+$0xA0] =	vst.add.f32.msk $0xffff, v20  }
0x4a4: {  	[tilespmem:s15+$0x90] =	vst.add.f32.msk $0xffff, v18  }
0x4a5: {  	[tilespmem:s15+$0x80] =	vst.add.f32.msk $0xffff, v19  }
0x4a6: {  	[tilespmem:s15+$0x70] =	vst.add.f32.msk $0xffff, v25  }
.Ltmp12:
0x4a7: {  	[tilespmem:s15+$0x60] =	vst.add.f32.msk $0xffff, v24;
	(pc) =	sbr.rel @p0 .LBB2_26-.Ltmp12, $4  }
0x4a8: {  	[tilespmem:s15+$0x50] =	vst.add.f32.msk $0xffff, v23  }
0x4a9: {  	[tilespmem:s15+$0x40] =	vst.add.f32.msk $0xffff, v22  }
0x4aa: {  	[tilespmem:s15+$0x30] =	vst.add.f32.msk $0xffff, v21  }
0x4ab: {  	[tilespmem:s15+$0x20] =	vst.add.f32.msk $0xffff, v20  }
0x4ac: {  	[tilespmem:s15+$0x10] =	vst.add.f32.msk $0xffff, v18;
	s8 =	simm.s32 $0x1CC80  }
0x4ad: {  	[hbm4b:s2+s24] =	stream.indirect.scatter [tilespmem:s25], [sflag:$0x7], $0x80, s8, s24, $0xb8;
	[tilespmem:$0x1CE80] =	vst v63  }
0x4ae: {  	_ =	swait.ge [sflag:s14], $0x4000  }
0x4af: {  	[sflag:s14] =	ssyncset.done $0x0  }
0x4b0: {  	s26 =	simm.s32 $0x6380;
	s30 =	rddreg [dreg:$0xb];
	[sflag:s14] =	ssyncadd.s32 $0xFFFFC000  }
0x4b1: {  	[tilespmem:s1], [sflag:$0x5] =	stream.indirect.gather [spmem:s3], $0x80, s26, s24, $0xb8;
	[tilespmem:$0x1CE80] =	vst v63  }
0x4b2: {  	v19 =	vld [tilespmem:s30+$0x6400]  }
0x4b3: {  	v18 =	vld [tilespmem:s30+$0x6410]  }
0x4b4: {  	v20 =	vld [tilespmem:s30+$0x6420]  }
0x4b5: {  	v21 =	vld [tilespmem:s30+$0x6430]  }
0x4b6: {  	v22 =	vld [tilespmem:s30+$0x6440]  }
0x4b7: {  	v23 =	vld [tilespmem:s30+$0x6450]  }
0x4b8: {  	v24 =	vld [tilespmem:s30+$0x6460]  }
0x4b9: {  	v25 =	vld [tilespmem:s30+$0x6470];
	[tilespmem:$0x1CD00] =	vst v57  }
0x4ba: {  	[tilespmem:$0x1CD10] =	vst v58  }
0x4bb: {  	[tilespmem:$0x1CD20] =	vst v59  }
0x4bc: {  	[tilespmem:$0x1CD30] =	vst v60  }
0x4bd: {  	[tilespmem:$0x1CD40] =	vst v61  }
0x4be: {  	[tilespmem:$0x1CD50] =	vst v62  }
0x4bf: {  	[tilespmem:$0x1CD60] =	vst v63  }
0x4c0: {  	[tilespmem:$0x1CD70] =	vst v1  }
0x4c1: {  	_ =	swait.ge [sflag:s7], $0x4000  }
0x4c2: {  	[sflag:s7] =	ssyncset.done $0x0  }
0x4c3: {  	s15 =	simm.s32 $0x10C00;
	[sflag:s7] =	ssyncadd.s32 $0xFFFFC000  }
0x4c4: {  	[tilespmem:s15+$0x0] =	vst.add.f32.msk $0xffff, v19  }
0x4c5: {  	[tilespmem:s15+$0x1F0] =	vst.add.f32.msk $0xffff, v25  }
0x4c6: {  	[tilespmem:s15+$0x1E0] =	vst.add.f32.msk $0xffff, v24  }
0x4c7: {  	[tilespmem:s15+$0x1D0] =	vst.add.f32.msk $0xffff, v23  }
0x4c8: {  	[tilespmem:s15+$0x1C0] =	vst.add.f32.msk $0xffff, v22  }
0x4c9: {  	[tilespmem:s15+$0x1B0] =	vst.add.f32.msk $0xffff, v21  }
0x4ca: {  	[tilespmem:s15+$0x1A0] =	vst.add.f32.msk $0xffff, v20  }
0x4cb: {  	[tilespmem:s15+$0x190] =	vst.add.f32.msk $0xffff, v18  }
0x4cc: {  	[tilespmem:s15+$0x180] =	vst.add.f32.msk $0xffff, v19  }
0x4cd: {  	[tilespmem:s15+$0x170] =	vst.add.f32.msk $0xffff, v25  }
0x4ce: {  	[tilespmem:s15+$0x160] =	vst.add.f32.msk $0xffff, v24  }
0x4cf: {  	[tilespmem:s15+$0x150] =	vst.add.f32.msk $0xffff, v23  }
0x4d0: {  	[tilespmem:s15+$0x140] =	vst.add.f32.msk $0xffff, v22  }
0x4d1: {  	[tilespmem:s15+$0x130] =	vst.add.f32.msk $0xffff, v21  }
0x4d2: {  	[tilespmem:s15+$0x120] =	vst.add.f32.msk $0xffff, v20  }
0x4d3: {  	[tilespmem:s15+$0x110] =	vst.add.f32.msk $0xffff, v18  }
0x4d4: {  	[tilespmem:s15+$0x100] =	vst.add.f32.msk $0xffff, v19  }
0x4d5: {  	[tilespmem:s15+$0xF0] =	vst.add.f32.msk $0xffff, v25  }
0x4d6: {  	[tilespmem:s15+$0xE0] =	vst.add.f32.msk $0xffff, v24  }
0x4d7: {  	[tilespmem:s15+$0xD0] =	vst.add.f32.msk $0xffff, v23  }
0x4d8: {  	[tilespmem:s15+$0xC0] =	vst.add.f32.msk $0xffff, v22  }
0x4d9: {  	[tilespmem:s15+$0xB0] =	vst.add.f32.msk $0xffff, v21  }
0x4da: {  	[tilespmem:s15+$0xA0] =	vst.add.f32.msk $0xffff, v20  }
0x4db: {  	[tilespmem:s15+$0x90] =	vst.add.f32.msk $0xffff, v18  }
0x4dc: {  	[tilespmem:s15+$0x80] =	vst.add.f32.msk $0xffff, v19  }
0x4dd: {  	[tilespmem:s15+$0x70] =	vst.add.f32.msk $0xffff, v25  }
0x4de: {  	[tilespmem:s15+$0x60] =	vst.add.f32.msk $0xffff, v24  }
0x4df: {  	[tilespmem:s15+$0x50] =	vst.add.f32.msk $0xffff, v23  }
0x4e0: {  	[tilespmem:s15+$0x40] =	vst.add.f32.msk $0xffff, v22  }
0x4e1: {  	[tilespmem:s15+$0x30] =	vst.add.f32.msk $0xffff, v21  }
0x4e2: {  	s8 =	simm.s32 $0x0;
	[tilespmem:s15+$0x20] =	vst.add.f32.msk $0xffff, v20  }
.LBB2_28:
0x4e3: {  	s8 =	sadd.s32 $0x4, s8;
	[tilespmem:s15+$0x10] =	vst.add.f32.msk $0xffff, v18;
	s15 =	sadd.s32 $0x200, s15  }
0x4e4: {  	[tilespmem:s15+$0x0] =	vst.add.f32.msk $0xffff, v19;
	p0 =	slt.u32 s8, $0x7C  }
0x4e5: {  	[tilespmem:s15+$0x1F0] =	vst.add.f32.msk $0xffff, v25  }
0x4e6: {  	[tilespmem:s15+$0x1E0] =	vst.add.f32.msk $0xffff, v24  }
0x4e7: {  	[tilespmem:s15+$0x1D0] =	vst.add.f32.msk $0xffff, v23  }
0x4e8: {  	[tilespmem:s15+$0x1C0] =	vst.add.f32.msk $0xffff, v22  }
0x4e9: {  	[tilespmem:s15+$0x1B0] =	vst.add.f32.msk $0xffff, v21  }
0x4ea: {  	[tilespmem:s15+$0x1A0] =	vst.add.f32.msk $0xffff, v20  }
0x4eb: {  	[tilespmem:s15+$0x190] =	vst.add.f32.msk $0xffff, v18  }
0x4ec: {  	[tilespmem:s15+$0x180] =	vst.add.f32.msk $0xffff, v19  }
0x4ed: {  	[tilespmem:s15+$0x170] =	vst.add.f32.msk $0xffff, v25  }
0x4ee: {  	[tilespmem:s15+$0x160] =	vst.add.f32.msk $0xffff, v24  }
0x4ef: {  	[tilespmem:s15+$0x150] =	vst.add.f32.msk $0xffff, v23  }
0x4f0: {  	[tilespmem:s15+$0x140] =	vst.add.f32.msk $0xffff, v22  }
0x4f1: {  	[tilespmem:s15+$0x130] =	vst.add.f32.msk $0xffff, v21  }
0x4f2: {  	[tilespmem:s15+$0x120] =	vst.add.f32.msk $0xffff, v20  }
0x4f3: {  	[tilespmem:s15+$0x110] =	vst.add.f32.msk $0xffff, v18  }
0x4f4: {  	[tilespmem:s15+$0x100] =	vst.add.f32.msk $0xffff, v19  }
0x4f5: {  	[tilespmem:s15+$0xF0] =	vst.add.f32.msk $0xffff, v25  }
0x4f6: {  	[tilespmem:s15+$0xE0] =	vst.add.f32.msk $0xffff, v24  }
0x4f7: {  	[tilespmem:s15+$0xD0] =	vst.add.f32.msk $0xffff, v23  }
0x4f8: {  	[tilespmem:s15+$0xC0] =	vst.add.f32.msk $0xffff, v22  }
0x4f9: {  	[tilespmem:s15+$0xB0] =	vst.add.f32.msk $0xffff, v21  }
0x4fa: {  	[tilespmem:s15+$0xA0] =	vst.add.f32.msk $0xffff, v20  }
0x4fb: {  	[tilespmem:s15+$0x90] =	vst.add.f32.msk $0xffff, v18  }
0x4fc: {  	[tilespmem:s15+$0x80] =	vst.add.f32.msk $0xffff, v19  }
0x4fd: {  	[tilespmem:s15+$0x70] =	vst.add.f32.msk $0xffff, v25  }
.Ltmp13:
0x4fe: {  	[tilespmem:s15+$0x60] =	vst.add.f32.msk $0xffff, v24;
	(pc) =	sbr.rel @p0 .LBB2_28-.Ltmp13, $4  }
0x4ff: {  	[tilespmem:s15+$0x50] =	vst.add.f32.msk $0xffff, v23  }
0x500: {  	[tilespmem:s15+$0x40] =	vst.add.f32.msk $0xffff, v22  }
0x501: {  	[tilespmem:s15+$0x30] =	vst.add.f32.msk $0xffff, v21  }
0x502: {  	[tilespmem:s15+$0x20] =	vst.add.f32.msk $0xffff, v20  }
0x503: {  	[tilespmem:s15+$0x10] =	vst.add.f32.msk $0xffff, v18;
	s8 =	simm.s32 $0x1CD00  }
0x504: {  	[hbm4b:s2+s24] =	stream.indirect.scatter [tilespmem:s28], [sflag:$0x8], $0x80, s8, s24, $0xb8;
	[tilespmem:$0x1CE80] =	vst v63  }
0x505: {  	s30 =	rddreg [dreg:$0xc]  }
0x506: {  	v19 =	vld [tilespmem:s30+$0x6400]  }
0x507: {  	v18 =	vld [tilespmem:s30+$0x6410]  }
0x508: {  	v20 =	vld [tilespmem:s30+$0x6420]  }
0x509: {  	v21 =	vld [tilespmem:s30+$0x6430]  }
0x50a: {  	v22 =	vld [tilespmem:s30+$0x6440]  }
0x50b: {  	v23 =	vld [tilespmem:s30+$0x6450]  }
0x50c: {  	v24 =	vld [tilespmem:s30+$0x6460]  }
0x50d: {  	v25 =	vld [tilespmem:s30+$0x6470];
	[tilespmem:$0x1CD80] =	vst v2  }
0x50e: {  	[tilespmem:$0x1CD90] =	vst v3  }
0x50f: {  	[tilespmem:$0x1CDA0] =	vst v4  }
0x510: {  	[tilespmem:$0x1CDB0] =	vst v5  }
0x511: {  	[tilespmem:$0x1CDC0] =	vst v6  }
0x512: {  	[tilespmem:$0x1CDD0] =	vst v7  }
0x513: {  	[tilespmem:$0x1CDE0] =	vst v8  }
0x514: {  	[tilespmem:$0x1CDF0] =	vst v9  }
0x515: {  	_ =	swait.ge [sflag:s10], $0x4000  }
0x516: {  	[sflag:s10] =	ssyncset.done $0x0  }
0x517: {  	s15 =	simm.s32 $0x14C00;
	[sflag:s10] =	ssyncadd.s32 $0xFFFFC000  }
0x518: {  	[tilespmem:s15+$0x0] =	vst.add.f32.msk $0xffff, v19  }
0x519: {  	[tilespmem:s15+$0x1F0] =	vst.add.f32.msk $0xffff, v25  }
0x51a: {  	[tilespmem:s15+$0x1E0] =	vst.add.f32.msk $0xffff, v24  }
0x51b: {  	[tilespmem:s15+$0x1D0] =	vst.add.f32.msk $0xffff, v23  }
0x51c: {  	[tilespmem:s15+$0x1C0] =	vst.add.f32.msk $0xffff, v22  }
0x51d: {  	[tilespmem:s15+$0x1B0] =	vst.add.f32.msk $0xffff, v21  }
0x51e: {  	[tilespmem:s15+$0x1A0] =	vst.add.f32.msk $0xffff, v20  }
0x51f: {  	[tilespmem:s15+$0x190] =	vst.add.f32.msk $0xffff, v18  }
0x520: {  	[tilespmem:s15+$0x180] =	vst.add.f32.msk $0xffff, v19  }
0x521: {  	[tilespmem:s15+$0x170] =	vst.add.f32.msk $0xffff, v25  }
0x522: {  	[tilespmem:s15+$0x160] =	vst.add.f32.msk $0xffff, v24  }
0x523: {  	[tilespmem:s15+$0x150] =	vst.add.f32.msk $0xffff, v23  }
0x524: {  	[tilespmem:s15+$0x140] =	vst.add.f32.msk $0xffff, v22  }
0x525: {  	[tilespmem:s15+$0x130] =	vst.add.f32.msk $0xffff, v21  }
0x526: {  	[tilespmem:s15+$0x120] =	vst.add.f32.msk $0xffff, v20  }
0x527: {  	[tilespmem:s15+$0x110] =	vst.add.f32.msk $0xffff, v18  }
0x528: {  	[tilespmem:s15+$0x100] =	vst.add.f32.msk $0xffff, v19  }
0x529: {  	[tilespmem:s15+$0xF0] =	vst.add.f32.msk $0xffff, v25  }
0x52a: {  	[tilespmem:s15+$0xE0] =	vst.add.f32.msk $0xffff, v24  }
0x52b: {  	[tilespmem:s15+$0xD0] =	vst.add.f32.msk $0xffff, v23  }
0x52c: {  	[tilespmem:s15+$0xC0] =	vst.add.f32.msk $0xffff, v22  }
0x52d: {  	[tilespmem:s15+$0xB0] =	vst.add.f32.msk $0xffff, v21  }
0x52e: {  	[tilespmem:s15+$0xA0] =	vst.add.f32.msk $0xffff, v20  }
0x52f: {  	[tilespmem:s15+$0x90] =	vst.add.f32.msk $0xffff, v18  }
0x530: {  	[tilespmem:s15+$0x80] =	vst.add.f32.msk $0xffff, v19  }
0x531: {  	[tilespmem:s15+$0x70] =	vst.add.f32.msk $0xffff, v25  }
0x532: {  	[tilespmem:s15+$0x60] =	vst.add.f32.msk $0xffff, v24  }
0x533: {  	[tilespmem:s15+$0x50] =	vst.add.f32.msk $0xffff, v23  }
0x534: {  	[tilespmem:s15+$0x40] =	vst.add.f32.msk $0xffff, v22  }
0x535: {  	[tilespmem:s15+$0x30] =	vst.add.f32.msk $0xffff, v21  }
0x536: {  	s8 =	simm.s32 $0x0;
	[tilespmem:s15+$0x20] =	vst.add.f32.msk $0xffff, v20  }
.LBB2_30:
0x537: {  	s8 =	sadd.s32 $0x4, s8;
	[tilespmem:s15+$0x10] =	vst.add.f32.msk $0xffff, v18;
	s15 =	sadd.s32 $0x200, s15  }
0x538: {  	[tilespmem:s15+$0x0] =	vst.add.f32.msk $0xffff, v19;
	p0 =	slt.u32 s8, $0x7C  }
0x539: {  	[tilespmem:s15+$0x1F0] =	vst.add.f32.msk $0xffff, v25  }
0x53a: {  	[tilespmem:s15+$0x1E0] =	vst.add.f32.msk $0xffff, v24  }
0x53b: {  	[tilespmem:s15+$0x1D0] =	vst.add.f32.msk $0xffff, v23  }
0x53c: {  	[tilespmem:s15+$0x1C0] =	vst.add.f32.msk $0xffff, v22  }
0x53d: {  	[tilespmem:s15+$0x1B0] =	vst.add.f32.msk $0xffff, v21  }
0x53e: {  	[tilespmem:s15+$0x1A0] =	vst.add.f32.msk $0xffff, v20  }
0x53f: {  	[tilespmem:s15+$0x190] =	vst.add.f32.msk $0xffff, v18  }
0x540: {  	[tilespmem:s15+$0x180] =	vst.add.f32.msk $0xffff, v19  }
0x541: {  	[tilespmem:s15+$0x170] =	vst.add.f32.msk $0xffff, v25  }
0x542: {  	[tilespmem:s15+$0x160] =	vst.add.f32.msk $0xffff, v24  }
0x543: {  	[tilespmem:s15+$0x150] =	vst.add.f32.msk $0xffff, v23  }
0x544: {  	[tilespmem:s15+$0x140] =	vst.add.f32.msk $0xffff, v22  }
0x545: {  	[tilespmem:s15+$0x130] =	vst.add.f32.msk $0xffff, v21  }
0x546: {  	[tilespmem:s15+$0x120] =	vst.add.f32.msk $0xffff, v20  }
0x547: {  	[tilespmem:s15+$0x110] =	vst.add.f32.msk $0xffff, v18  }
0x548: {  	[tilespmem:s15+$0x100] =	vst.add.f32.msk $0xffff, v19  }
0x549: {  	[tilespmem:s15+$0xF0] =	vst.add.f32.msk $0xffff, v25  }
0x54a: {  	[tilespmem:s15+$0xE0] =	vst.add.f32.msk $0xffff, v24  }
0x54b: {  	[tilespmem:s15+$0xD0] =	vst.add.f32.msk $0xffff, v23  }
0x54c: {  	[tilespmem:s15+$0xC0] =	vst.add.f32.msk $0xffff, v22  }
0x54d: {  	[tilespmem:s15+$0xB0] =	vst.add.f32.msk $0xffff, v21  }
0x54e: {  	[tilespmem:s15+$0xA0] =	vst.add.f32.msk $0xffff, v20  }
0x54f: {  	[tilespmem:s15+$0x90] =	vst.add.f32.msk $0xffff, v18  }
0x550: {  	[tilespmem:s15+$0x80] =	vst.add.f32.msk $0xffff, v19  }
0x551: {  	[tilespmem:s15+$0x70] =	vst.add.f32.msk $0xffff, v25  }
.Ltmp14:
0x552: {  	[tilespmem:s15+$0x60] =	vst.add.f32.msk $0xffff, v24;
	(pc) =	sbr.rel @p0 .LBB2_30-.Ltmp14, $4  }
0x553: {  	[tilespmem:s15+$0x50] =	vst.add.f32.msk $0xffff, v23  }
0x554: {  	[tilespmem:s15+$0x40] =	vst.add.f32.msk $0xffff, v22  }
0x555: {  	[tilespmem:s15+$0x30] =	vst.add.f32.msk $0xffff, v21  }
0x556: {  	[tilespmem:s15+$0x20] =	vst.add.f32.msk $0xffff, v20  }
0x557: {  	[tilespmem:s15+$0x10] =	vst.add.f32.msk $0xffff, v18;
	s8 =	simm.s32 $0x1CD80  }
0x558: {  	[hbm4b:s2+s24] =	stream.indirect.scatter [tilespmem:s0], [sflag:$0x9], $0x80, s8, s24, $0xb8;
	[tilespmem:$0x1CE80] =	vst v63  }
0x559: {  	s30 =	rddreg [dreg:$0xd]  }
0x55a: {  	v19 =	vld [tilespmem:s30+$0x6400]  }
0x55b: {  	v18 =	vld [tilespmem:s30+$0x6410]  }
0x55c: {  	v20 =	vld [tilespmem:s30+$0x6420]  }
0x55d: {  	v21 =	vld [tilespmem:s30+$0x6430]  }
0x55e: {  	v22 =	vld [tilespmem:s30+$0x6440]  }
0x55f: {  	v23 =	vld [tilespmem:s30+$0x6450]  }
0x560: {  	v24 =	vld [tilespmem:s30+$0x6460]  }
0x561: {  	v25 =	vld [tilespmem:s30+$0x6470];
	[tilespmem:$0x1CE00] =	vst v10  }
0x562: {  	[tilespmem:$0x1CE10] =	vst v11  }
0x563: {  	[tilespmem:$0x1CE20] =	vst v12  }
0x564: {  	[tilespmem:$0x1CE30] =	vst v13  }
0x565: {  	[tilespmem:$0x1CE40] =	vst v14  }
0x566: {  	[tilespmem:$0x1CE50] =	vst v15  }
0x567: {  	[tilespmem:$0x1CE60] =	vst v16  }
0x568: {  	[tilespmem:$0x1CE70] =	vst v17  }
0x569: {  	_ =	swait.ge [sflag:s4], $0x4000  }
0x56a: {  	[sflag:s4] =	ssyncset.done $0x0  }
0x56b: {  	s15 =	simm.s32 $0x18C00;
	[sflag:s4] =	ssyncadd.s32 $0xFFFFC000  }
0x56c: {  	[tilespmem:s15+$0x0] =	vst.add.f32.msk $0xffff, v19  }
0x56d: {  	[tilespmem:s15+$0x1F0] =	vst.add.f32.msk $0xffff, v25  }
0x56e: {  	[tilespmem:s15+$0x1E0] =	vst.add.f32.msk $0xffff, v24  }
0x56f: {  	[tilespmem:s15+$0x1D0] =	vst.add.f32.msk $0xffff, v23  }
0x570: {  	[tilespmem:s15+$0x1C0] =	vst.add.f32.msk $0xffff, v22  }
0x571: {  	[tilespmem:s15+$0x1B0] =	vst.add.f32.msk $0xffff, v21  }
0x572: {  	[tilespmem:s15+$0x1A0] =	vst.add.f32.msk $0xffff, v20  }
0x573: {  	[tilespmem:s15+$0x190] =	vst.add.f32.msk $0xffff, v18  }
0x574: {  	[tilespmem:s15+$0x180] =	vst.add.f32.msk $0xffff, v19  }
0x575: {  	[tilespmem:s15+$0x170] =	vst.add.f32.msk $0xffff, v25  }
0x576: {  	[tilespmem:s15+$0x160] =	vst.add.f32.msk $0xffff, v24  }
0x577: {  	[tilespmem:s15+$0x150] =	vst.add.f32.msk $0xffff, v23  }
0x578: {  	[tilespmem:s15+$0x140] =	vst.add.f32.msk $0xffff, v22  }
0x579: {  	[tilespmem:s15+$0x130] =	vst.add.f32.msk $0xffff, v21  }
0x57a: {  	[tilespmem:s15+$0x120] =	vst.add.f32.msk $0xffff, v20  }
0x57b: {  	[tilespmem:s15+$0x110] =	vst.add.f32.msk $0xffff, v18  }
0x57c: {  	[tilespmem:s15+$0x100] =	vst.add.f32.msk $0xffff, v19  }
0x57d: {  	[tilespmem:s15+$0xF0] =	vst.add.f32.msk $0xffff, v25  }
0x57e: {  	[tilespmem:s15+$0xE0] =	vst.add.f32.msk $0xffff, v24  }
0x57f: {  	[tilespmem:s15+$0xD0] =	vst.add.f32.msk $0xffff, v23  }
0x580: {  	[tilespmem:s15+$0xC0] =	vst.add.f32.msk $0xffff, v22  }
0x581: {  	[tilespmem:s15+$0xB0] =	vst.add.f32.msk $0xffff, v21  }
0x582: {  	[tilespmem:s15+$0xA0] =	vst.add.f32.msk $0xffff, v20  }
0x583: {  	[tilespmem:s15+$0x90] =	vst.add.f32.msk $0xffff, v18  }
0x584: {  	[tilespmem:s15+$0x80] =	vst.add.f32.msk $0xffff, v19  }
0x585: {  	[tilespmem:s15+$0x70] =	vst.add.f32.msk $0xffff, v25  }
0x586: {  	[tilespmem:s15+$0x60] =	vst.add.f32.msk $0xffff, v24  }
0x587: {  	[tilespmem:s15+$0x50] =	vst.add.f32.msk $0xffff, v23  }
0x588: {  	[tilespmem:s15+$0x40] =	vst.add.f32.msk $0xffff, v22  }
0x589: {  	[tilespmem:s15+$0x30] =	vst.add.f32.msk $0xffff, v21  }
0x58a: {  	s8 =	simm.s32 $0x0;
	[tilespmem:s15+$0x20] =	vst.add.f32.msk $0xffff, v20  }
.LBB2_32:
0x58b: {  	s8 =	sadd.s32 $0x4, s8;
	[tilespmem:s15+$0x10] =	vst.add.f32.msk $0xffff, v18;
	s15 =	sadd.s32 $0x200, s15  }
0x58c: {  	[tilespmem:s15+$0x0] =	vst.add.f32.msk $0xffff, v19;
	p0 =	slt.u32 s8, $0x7C  }
0x58d: {  	[tilespmem:s15+$0x1F0] =	vst.add.f32.msk $0xffff, v25  }
0x58e: {  	[tilespmem:s15+$0x1E0] =	vst.add.f32.msk $0xffff, v24  }
0x58f: {  	[tilespmem:s15+$0x1D0] =	vst.add.f32.msk $0xffff, v23  }
0x590: {  	[tilespmem:s15+$0x1C0] =	vst.add.f32.msk $0xffff, v22  }
0x591: {  	[tilespmem:s15+$0x1B0] =	vst.add.f32.msk $0xffff, v21  }
0x592: {  	[tilespmem:s15+$0x1A0] =	vst.add.f32.msk $0xffff, v20  }
0x593: {  	[tilespmem:s15+$0x190] =	vst.add.f32.msk $0xffff, v18  }
0x594: {  	[tilespmem:s15+$0x180] =	vst.add.f32.msk $0xffff, v19  }
0x595: {  	[tilespmem:s15+$0x170] =	vst.add.f32.msk $0xffff, v25  }
0x596: {  	[tilespmem:s15+$0x160] =	vst.add.f32.msk $0xffff, v24  }
0x597: {  	[tilespmem:s15+$0x150] =	vst.add.f32.msk $0xffff, v23  }
0x598: {  	[tilespmem:s15+$0x140] =	vst.add.f32.msk $0xffff, v22  }
0x599: {  	[tilespmem:s15+$0x130] =	vst.add.f32.msk $0xffff, v21  }
0x59a: {  	[tilespmem:s15+$0x120] =	vst.add.f32.msk $0xffff, v20  }
0x59b: {  	[tilespmem:s15+$0x110] =	vst.add.f32.msk $0xffff, v18  }
0x59c: {  	[tilespmem:s15+$0x100] =	vst.add.f32.msk $0xffff, v19  }
0x59d: {  	[tilespmem:s15+$0xF0] =	vst.add.f32.msk $0xffff, v25  }
0x59e: {  	[tilespmem:s15+$0xE0] =	vst.add.f32.msk $0xffff, v24  }
0x59f: {  	[tilespmem:s15+$0xD0] =	vst.add.f32.msk $0xffff, v23  }
0x5a0: {  	[tilespmem:s15+$0xC0] =	vst.add.f32.msk $0xffff, v22  }
0x5a1: {  	[tilespmem:s15+$0xB0] =	vst.add.f32.msk $0xffff, v21  }
0x5a2: {  	[tilespmem:s15+$0xA0] =	vst.add.f32.msk $0xffff, v20  }
0x5a3: {  	[tilespmem:s15+$0x90] =	vst.add.f32.msk $0xffff, v18  }
0x5a4: {  	[tilespmem:s15+$0x80] =	vst.add.f32.msk $0xffff, v19  }
0x5a5: {  	[tilespmem:s15+$0x70] =	vst.add.f32.msk $0xffff, v25  }
.Ltmp15:
0x5a6: {  	[tilespmem:s15+$0x60] =	vst.add.f32.msk $0xffff, v24;
	(pc) =	sbr.rel @p0 .LBB2_32-.Ltmp15, $4  }
0x5a7: {  	[tilespmem:s15+$0x50] =	vst.add.f32.msk $0xffff, v23  }
0x5a8: {  	[tilespmem:s15+$0x40] =	vst.add.f32.msk $0xffff, v22  }
0x5a9: {  	[tilespmem:s15+$0x30] =	vst.add.f32.msk $0xffff, v21  }
0x5aa: {  	[tilespmem:s15+$0x20] =	vst.add.f32.msk $0xffff, v20  }
0x5ab: {  	[tilespmem:s15+$0x10] =	vst.add.f32.msk $0xffff, v18  }
0x5ac: {  	[hbm4b:s2+s24] =	stream.indirect.scatter [tilespmem:s1], [sflag:$0xA], $0x80, s22, s24, $0xb8;
	[tilespmem:$0x1CE80] =	vst v63  }
0x5ad: {  	_ =	swait.ge [sflag:s9], $0x4000  }
0x5ae: {  	[sflag:s9] =	ssyncset.done $0x0  }
0x5af: {  	[sflag:s9] =	ssyncadd.s32 $0xFFFFC000  }
0x5b0: {  	_ =	swait.ge [sflag:s18], $0x4000  }
0x5b1: {  	[sflag:s18] =	ssyncset.done $0x0  }
0x5b2: {  	[sflag:s18] =	ssyncadd.s32 $0xFFFFC000  }
0x5b3: {  	_ =	swait.ge [sflag:s12], $0x4000  }
0x5b4: {  	[sflag:s12] =	ssyncset.done $0x0  }
0x5b5: {  	[sflag:s12] =	ssyncadd.s32 $0xFFFFC000  }
0x5b6: {  	_ =	swait.ge [sflag:s13], $0x4000  }
0x5b7: {  	[sflag:s13] =	ssyncset.done $0x0  }
0x5b8: {  	[sflag:s13] =	ssyncadd.s32 $0xFFFFC000  }
0x5b9: {  	_ =	swait.ge [sflag:s14], $0x4000  }
0x5ba: {  	s30 =	rddreg [dreg:$0x10]  }
0x5bb: {  	s8 =	rddreg [dreg:$0xe];
	s15 =	sadd.s32 $0x1, s30  }
0x5bc: {  	p0 =	sne.s32 s15, s8  }
.Ltmp16:
0x5bd: {  	_ = 	snop;
	(pc) =	sbr.rel @p0 .LBB2_1-.Ltmp16, $3  }
0x5be: {  	_ =	sdelay $0x1  }
0x5bf: {  	[sflag:s14] =	ssyncset.done $0x0  }
0x5c0: {  	[sflag:s14] =	ssyncadd.s32 $0xFFFFC000  }
0x5c1: {  	_ =	sfence.sel $0x180000  }
0x5c2: {  	[bflag:$0x0] =	sbarrier.arrive $0xFFFF  }
0x5c3: {  	_ =	strace $0x90000047  }
0x5c4: {  	s0 =	stileid.u32;
	[bflag:$0x2] =	sbarrier.arrive $0xFFFF  }
0x5c5: {  	p0 =	sne.s32 s0, $0x0;
	s0 =	rddreg [dreg:$0x4]  }
0x5c6: {  	s0 =	sadd.s32 @!p0 $0x100000, s0  }
0x5c7: {  	[sflag:s0] =	ssyncadd.tile.s32 @!p0 $0x1;
	_ =	shalt  }
.Lfunc_end2:
_tile_overlayer_lowered:
.L_overlay_start_2:
0x5c8: {  	(tag) =	ssettag $0x2  }
0x5c9: {  	s0 =	rddreg [dreg:$0x0];
	s2 =	stileid.u32  }
0x5ca: {  	s1 =	rddreg [dreg:$0x1];
	p0 =	sne.s32 s2, $0x0  }
0x5cb: {  	s3 =	rddreg [dreg:$0x2];
	[bflag:$0x3] =	sbarrier.arrive $0xFFFF;
	s2 =	simm.s32 @!p0 $0x1C0B  }
0x5cc: {  	[timem:s3], [sflag:s2] =	dma.local @!p0 [hbm:s0], s1  }
0x5cd: {  	s0 =	simm.s32 @!p0 $0xB  }
0x5ce: {  	_ =	swait.ge @!p0 [sflag:s0], s1  }
0x5cf: {  	s1 =	ssub.s32 @!p0 $0x0, s1;
	[sflag:s0] =	ssyncset.done @!p0 $0x0  }
0x5d0: {  	[sflag:s0] =	ssyncadd.s32 @!p0 s1  }
0x5d1: {  	[bflag:$0x3] =	sbarrier.arrive $0xFFFF  }
0x5d2: {  	_ =	shalt  }

</sc_bundles>
